<compile_context>
chip_gen: v7x
topology: tpu7x:2x2x1
jax: 0.10.2.dev20260603
libtpu: 0.0.44.dev20260713+nightly
codegen_flags: <defaults>
</compile_context>

<pallas_src>
import functools
import math

import jax
import jax.numpy as jnp
import numpy as np
from jax import lax
from jax.experimental import pallas as pl
from jax.experimental.pallas import tpu as pltpu
from jax.experimental.pallas import tpu_sc as plsc

_N_NODES = 10000
_E = 160000
_NF = 128
_NRBF = 20
_RCUT = 5.0

_B = 640
_NT = 16
_CHUNK = 80
_PER_TILE = _E // _NT
_NCHUNK = _PER_TILE // _CHUNK
_ROWS_T = 624
_TAIL = _N_NODES - _NT * _ROWS_T
_ZROWS = 208


_E3_NP = np.zeros((8, 3 * _NF), np.float32)
for _g in range(3):
    _E3_NP[_g, _g * _NF:(_g + 1) * _NF] = 1.0


def _dot(a, b):
    return jnp.dot(a, b, preferred_element_type=jnp.float32)


def _tc_body(sj, vjT, rpadT, W1, b1, W2, b2, Wrpa, E3,
             out0, out1, out2, out3):
    rT = rpadT[...]
    sqT = jnp.sum(rT * rT, axis=0, keepdims=True)
    rnT = jnp.sqrt(sqT)
    invT = 1.0 / (rnT + 1e-8)
    fcutT = jnp.where(rnT > _RCUT, 0.0,
                      0.5 * (jnp.cos((math.pi / _RCUT) * rnT) + 1.0))
    kcol = (lax.broadcasted_iota(jnp.int32, (32, 1), 0) + 1
            ).astype(jnp.float32)
    args = kcol * ((math.pi / _RCUT) * rnT)
    rbfT = jnp.sin(args) * (invT * fcutT)
    rowid = lax.broadcasted_iota(jnp.int32, (32, _B), 0)
    rbfT = jnp.where(rowid == _NRBF, fcutT, rbfT)
    rbf = rbfT.T
    ws = _dot(rbf, Wrpa[...])
    rhat = (rT * invT).T
    h = _dot(sj[...], W1[...]) + b1[...]
    h = h * jax.nn.sigmoid(h)
    phi = _dot(h, W2[...]) + b2[...]
    phiw = phi * ws
    s1 = phiw[:, :_NF]
    s2 = phiw[:, _NF:2 * _NF]
    s3 = phiw[:, 2 * _NF:]
    rhe = _dot(rhat, E3[...])
    vt = vjT[...]
    out0[...] = vt[0] * s1 + rhe[:, :_NF] * s3
    out1[...] = vt[1] * s1 + rhe[:, _NF:2 * _NF] * s3
    out2[...] = vt[2] * s1 + rhe[:, 2 * _NF:] * s3
    out3[...] = s2


def _make_tc_call(block_off, nblocks):
    edge_spec = pl.BlockSpec((_B, _NF), lambda i: (i + block_off, 0))
    out_spec = pl.BlockSpec((_B, _NF), lambda i: (i, 0))
    return pl.pallas_call(
        _tc_body,
        grid=(nblocks,),
        in_specs=[
            edge_spec,
            pl.BlockSpec((3, _B, _NF),
                         lambda i: (0, i + block_off, 0)),
            pl.BlockSpec((8, _B), lambda i: (0, i + block_off)),
            pl.BlockSpec((_NF, _NF), lambda i: (0, 0)),
            pl.BlockSpec((1, _NF), lambda i: (0, 0)),
            pl.BlockSpec((_NF, 3 * _NF), lambda i: (0, 0)),
            pl.BlockSpec((1, 3 * _NF), lambda i: (0, 0)),
            pl.BlockSpec((32, 3 * _NF), lambda i: (0, 0)),
            pl.BlockSpec((8, 3 * _NF), lambda i: (0, 0)),
        ],
        out_specs=[out_spec, out_spec, out_spec, out_spec],
        out_shape=[jax.ShapeDtypeStruct((nblocks * _B, _NF), jnp.float32)] * 4,
    )


_NB_HALF = _E // _B // 2
_E_HALF = _E // 2
_tc_call_a = _make_tc_call(0, _NB_HALF)
_tc_call_b = _make_tc_call(_NB_HALF, _NB_HALF)


_DEPTH = 4


def _sc_body_impl(crefs, dsts, inits, outs,
                  buf0, buf1, buf2, buf3, idx0, idx1, idx2, idx3,
                  zbuf, acc, sem, sem2,
                  edge_off, n_edges, chunk):
    c = lax.axis_index("c")
    s = lax.axis_index("s")
    bufs = [buf0, buf1, buf2, buf3]
    idxs = [idx0, idx1, idx2, idx3]
    per_tile = n_edges // _NT
    nchunk = per_tile // chunk

    if inits is None:
        def zrow(i, carry):
            def zcol(j, carry2):
                zbuf[i, pl.ds(j * 16, 16)] = jnp.zeros((16,), jnp.float32)
                return carry2
            return lax.fori_loop(0, 8, zcol, carry)
        lax.fori_loop(0, _ZROWS, zrow, 0)

    row0 = pl.multiple_of(s * _ROWS_T, 8)
    cbase = pl.multiple_of(s * per_tile, 8)
    dbase = pl.multiple_of(edge_off + s * per_tile, 8)
    tail0 = _NT * _ROWS_T

    for gi in range(4):
        @pl.when(c == gi // 2)
        def _round(gi=gi):
            cref = crefs[gi]
            outg = outs[gi]

            for i in range(_ROWS_T // _ZROWS):
                rr = pl.multiple_of(row0 + i * _ZROWS, 8)
                if inits is None:
                    pltpu.sync_copy(zbuf, acc.at[pl.ds(rr, _ZROWS)])
                else:
                    pltpu.sync_copy(inits[gi].at[pl.ds(rr, _ZROWS)],
                                    acc.at[pl.ds(rr, _ZROWS)])

            @pl.when(s == _NT - 1)
            def _seed_tail():
                if inits is None:
                    pltpu.sync_copy(zbuf.at[pl.ds(0, _TAIL)],
                                    acc.at[pl.ds(tail0, _TAIL)])
                else:
                    pltpu.sync_copy(inits[gi].at[pl.ds(tail0, _TAIL)],
                                    acc.at[pl.ds(tail0, _TAIL)])
            plsc.subcore_barrier()

            def _start(j, slot):
                d0 = pl.multiple_of(dbase + j * chunk, 8)
                e0 = pl.multiple_of(cbase + j * chunk, 8)
                pltpu.async_copy(dsts.at[pl.ds(d0, chunk)], idxs[slot], sem)
                pltpu.async_copy(cref.at[pl.ds(e0, chunk)], bufs[slot], sem)

            def _drain(j, slot):
                d0 = pl.multiple_of(dbase + j * chunk, 8)
                e0 = pl.multiple_of(cbase + j * chunk, 8)
                pltpu.make_async_copy(dsts.at[pl.ds(d0, chunk)],
                                      idxs[slot], sem).wait()
                pltpu.make_async_copy(cref.at[pl.ds(e0, chunk)],
                                      bufs[slot], sem).wait()

            def _wait_scatter(slot):
                pltpu.make_async_copy(bufs[slot], acc.at[idxs[slot]],
                                      sem2).wait()

            for p in range(_DEPTH - 1):
                if p < nchunk:
                    _start(p, p)

            def outer(j2, carry):
                for b in range(_DEPTH):
                    j = j2 + b

                    @pl.when(j < nchunk)
                    def _step(j=j, b=b):
                        _drain(j, b)

                        @pl.when(j > 0)
                        def _wprev():
                            _wait_scatter((b - 1) % _DEPTH)

                        @pl.when(j + _DEPTH - 1 < nchunk)
                        def _prefetch():
                            _start(j + _DEPTH - 1, (b - 1) % _DEPTH)
                        pltpu.async_copy(bufs[b], acc.at[idxs[b]], sem2,
                                         add=True)
                return carry
            nouter = (nchunk + _DEPTH - 1) // _DEPTH
            lax.fori_loop(0, nouter, lambda t, cr: outer(t * _DEPTH, cr), 0)
            _wait_scatter((nchunk - 1) % _DEPTH)
            plsc.subcore_barrier()

            for i in range(_ROWS_T // _ZROWS):
                rr = pl.multiple_of(row0 + i * _ZROWS, 8)
                pltpu.sync_copy(acc.at[pl.ds(rr, _ZROWS)],
                                outg.at[pl.ds(rr, _ZROWS)])

            @pl.when(s == _NT - 1)
            def _write_tail():
                pltpu.sync_copy(acc.at[pl.ds(tail0, _TAIL)],
                                outg.at[pl.ds(tail0, _TAIL)])


@functools.cache
def _sc_call(edge_off, n_edges, chunk, with_init):
    if with_init:
        def body(c0, c1, c2, c3, dsts, i0, i1, i2, i3,
                 o0, o1, o2, o3, *scratch):
            _sc_body_impl([c0, c1, c2, c3], dsts, [i0, i1, i2, i3],
                          [o0, o1, o2, o3], *scratch,
                          edge_off=edge_off, n_edges=n_edges, chunk=chunk)
    else:
        def body(c0, c1, c2, c3, dsts,
                 o0, o1, o2, o3, *scratch):
            _sc_body_impl([c0, c1, c2, c3], dsts, None,
                          [o0, o1, o2, o3], *scratch,
                          edge_off=edge_off, n_edges=n_edges, chunk=chunk)
    return pl.kernel(
        body,
        out_type=[jax.ShapeDtypeStruct((_N_NODES, _NF), jnp.float32)] * 4,
        mesh=plsc.VectorSubcoreMesh(core_axis_name="c", subcore_axis_name="s"),
        scratch_types=[
            pltpu.VMEM((chunk, _NF), jnp.float32),
            pltpu.VMEM((chunk, _NF), jnp.float32),
            pltpu.VMEM((chunk, _NF), jnp.float32),
            pltpu.VMEM((chunk, _NF), jnp.float32),
            pltpu.VMEM((chunk,), jnp.int32),
            pltpu.VMEM((chunk,), jnp.int32),
            pltpu.VMEM((chunk,), jnp.int32),
            pltpu.VMEM((chunk,), jnp.int32),
            pltpu.VMEM((_ZROWS, _NF), jnp.float32),
            pltpu.VMEM_SHARED((_N_NODES, _NF), jnp.float32),
            pltpu.SemaphoreType.DMA,
            pltpu.SemaphoreType.DMA,
        ],
        compiler_params=pltpu.CompilerParams(use_tc_tiling_on_sc=True),
    )


def kernel(vj, sj, rij_vec, eij, W1, b1, W2, b2, Wr, br):
    vjT = jnp.transpose(vj, (2, 0, 1))
    rpadT = jnp.pad(rij_vec.T, ((0, 5), (0, 0)))
    Wrpa = jnp.concatenate(
        [Wr, br.reshape(1, 3 * _NF),
         jnp.zeros((32 - _NRBF - 1, 3 * _NF), jnp.float32)], axis=0)
    dense_args = (W1, b1.reshape(1, _NF), W2, b2.reshape(1, 3 * _NF), Wrpa,
                  jnp.asarray(_E3_NP))
    dst = eij[1]
    ca = _tc_call_a(sj, vjT, rpadT, *dense_args)
    cb = _tc_call_b(sj, vjT, rpadT, *dense_args)
    pa = _sc_call(0, _E_HALF, 40, False)(*ca, dst)
    o0, o1, o2, o3 = _sc_call(_E_HALF, _E_HALF, 40, True)(*cb, dst, *pa)
    d_vim = jnp.stack([o0, o1, o2], axis=-1)
    d_sim = o3
    return (d_vim, d_sim)

# --- scband reference (transcript-rebuilt; emitter-appended) ---
"""Pipeline reference for scband-message-50070728737146 (READ-ONLY COPY).

The authoritative reference and input builder live on the scoring server;
editing this copy changes nothing except your own understanding.
"""

import jax, jax.numpy as jnp
import numpy as np

N_NODES = 10000
E = 160000
NF = 128
NRBF = 20
RCUT = 5.0

def setup_inputs(seed: int = 0):
    key = jax.random.key(seed)
    ks = jax.random.split(key, 12)
    vj = jax.random.normal(ks[0], (E, NF, 3), dtype=jnp.float32)
    sj = jax.random.normal(ks[1], (E, NF), dtype=jnp.float32)
    rij_vec = jax.random.normal(ks[2], (E, 3), dtype=jnp.float32)
    eij = jax.random.randint(ks[3], (2, E), 0, N_NODES, dtype=jnp.int32)
    # learned params (torch Linear equivalents, stored as [in, out])
    W1 = jax.random.normal(ks[4], (NF, NF), dtype=jnp.float32) / np.sqrt(NF)
    b1 = jnp.zeros((NF,), dtype=jnp.float32)
    W2 = jax.random.normal(ks[5], (NF, 3 * NF), dtype=jnp.float32) / np.sqrt(NF)
    b2 = jnp.zeros((3 * NF,), dtype=jnp.float32)
    Wr = jax.random.normal(ks[6], (NRBF, 3 * NF), dtype=jnp.float32) / np.sqrt(NRBF)
    br = jnp.zeros((3 * NF,), dtype=jnp.float32)
    return {"vj": vj, "sj": sj, "rij_vec": rij_vec, "eij": eij,
            "W1": W1, "b1": b1, "W2": W2, "b2": b2, "Wr": Wr, "br": br}

def reference(vj, sj, rij_vec, eij, W1, b1, W2, b2, Wr, br):
    rij_norm = jnp.linalg.norm(rij_vec, axis=-1)
    rij_hat = rij_vec / (rij_norm[:, None] + 1e-08)
    # fRBF
    Trbf = jnp.arange(1, NRBF + 1, dtype=jnp.float32)
    rn = rij_norm[:, None]
    RBF = jnp.sin(Trbf * jnp.pi * rn / RCUT) / (rn + 1e-08)
    T_RBF = RBF @ Wr + br
    # fCut
    f_cut = 0.5 * (jnp.cos(jnp.pi * rij_norm / RCUT) + 1.0)
    f_cut = jnp.where(rij_norm > RCUT, 0.0, f_cut)
    Ws = T_RBF * f_cut[:, None]
    # Ls MLP: Linear -> SiLU -> Linear
    h = sj @ W1 + b1
    h = jax.nn.silu(h)
    phi = h @ W2 + b2
    phiW = phi * Ws
    SPLIT1 = phiW[:, 0:128]
    SPLIT2 = phiW[:, 128:256]
    SPLIT3 = phiW[:, 256:]
    phiWvv = vj * SPLIT1[:, :, None]
    phiWvs = SPLIT3[:, :, None] * rij_hat[:, None, :]
    dst = eij[1]
    d_vim = jax.ops.segment_sum(phiWvv + phiWvs, dst, num_segments=N_NODES)
    d_sim = jax.ops.segment_sum(SPLIT2, dst, num_segments=N_NODES)
    return (d_vim, d_sim)

if __name__ == "__main__":
    import jax
    _d = setup_inputs()
    print(jax.jit(kernel)(*tuple(_d.values())))

</pallas_src>

<mosaic_0001>
#map = affine_map<(d0, d1) -> (0, 0)>
#map1 = affine_map<(d0, d1) -> (0)>
module attributes {stable_mosaic.version = 14 : i64} {
  func.func @body(%arg0: i32, %arg1: i32, %arg2: memref<80000x128xf32, #tpu.memory_space<hbm>>, %arg3: memref<80000x128xf32, #tpu.memory_space<hbm>>, %arg4: memref<80000x128xf32, #tpu.memory_space<hbm>>, %arg5: memref<80000x128xf32, #tpu.memory_space<hbm>>, %arg6: memref<160000xi32, #tpu.memory_space<hbm>>, %arg7: memref<10000x128xf32, #tpu.memory_space<hbm>>, %arg8: memref<10000x128xf32, #tpu.memory_space<hbm>>, %arg9: memref<10000x128xf32, #tpu.memory_space<hbm>>, %arg10: memref<10000x128xf32, #tpu.memory_space<hbm>>, %arg11: memref<40x128xf32, #tpu.memory_space<vmem>>, %arg12: memref<40x128xf32, #tpu.memory_space<vmem>>, %arg13: memref<40x128xf32, #tpu.memory_space<vmem>>, %arg14: memref<40x128xf32, #tpu.memory_space<vmem>>, %arg15: memref<40xi32, #tpu.memory_space<vmem>>, %arg16: memref<40xi32, #tpu.memory_space<vmem>>, %arg17: memref<40xi32, #tpu.memory_space<vmem>>, %arg18: memref<40xi32, #tpu.memory_space<vmem>>, %arg19: memref<208x128xf32, #tpu.memory_space<vmem>>, %arg20: memref<10000x128xf32, #tpu.memory_space<vmem_shared>>, %arg21: memref<!tpu.dma_semaphore, #tpu.memory_space<semaphore_mem>>, %arg22: memref<!tpu.dma_semaphore, #tpu.memory_space<semaphore_mem>>) attributes {dimension_semantics = [#tpu.dimension_semantics<core_parallel>, #tpu.dimension_semantics<subcore_parallel>], iteration_bounds = array<i64: 2, 16>, scalar_prefetch = 0 : i64, scratch_operands = 12 : i64, tpu.core_type = #tpu.core_type<sc_vector_subcore>, window_params = [{transform_indices = #map}, {transform_indices = #map}, {transform_indices = #map}, {transform_indices = #map}, {transform_indices = #map1}, {transform_indices = #map}, {transform_indices = #map}, {transform_indices = #map}, {transform_indices = #map}]} {
    %scan3A = arith.constant 0 : i32
    %scan3A_0 = arith.constant 0 : i32
    %scan3A_1 = arith.constant 208 : i32
    %scan3A_2 = arith.addi %scan3A_0, %scan3A_1 : i32
    %scan3A_3 = arith.constant 1 : i32
    scf.for %scan3A_30 = %scan3A_0 to %scan3A_2 step %scan3A_3  : i32 {
      %scan3A_31 = arith.constant 0 : i32
      %scan3A_32 = arith.constant 8 : i32
      %scan3A_33 = arith.addi %scan3A_31, %scan3A_32 : i32
      %scan3A_34 = arith.constant 1 : i32
      scf.for %scan3A_36 = %scan3A_31 to %scan3A_33 step %scan3A_34  : i32 {
        %broadcast_in_dim3A = arith.constant 0.000000e+00 : f32
        %broadcast_in_dim3A_37 = vector.broadcast %broadcast_in_dim3A : f32 to vector<16xf32>
        %mul3A_38 = arith.constant 16 : i32
        %mul3A_39 = arith.muli %scan3A_36, %mul3A_38 : i32
        %swap3A = arith.index_cast %scan3A_30 : i32 to index
        %swap3A_40 = arith.index_cast %mul3A_39 : i32 to index
        %swap3A_41 = tpu.vector_load %arg19[%swap3A, %swap3A_40] {strides = array<i32>} : memref<208x128xf32, #tpu.memory_space<vmem>>, vector<1x16xf32>,
        %swap3A_42 = vector.shape_cast %swap3A_41 : vector<1x16xf32> to vector<16xf32>
        %swap3A_43 = vector.shape_cast %broadcast_in_dim3A_37 : vector<16xf32> to vector<1x16xf32>
        tpu.vector_store %arg19[%swap3A, %swap3A_40], %swap3A_43 {strides = array<i32>} : memref<208x128xf32, #tpu.memory_space<vmem>>, vector<1x16xf32>,
      }
      %scan3A_35 = arith.constant 8 : i32
    }
    %scan3A_4 = arith.constant 208 : i32
    %mul3A = arith.constant 624 : i32
    %mul3A_5 = arith.muli %arg1, %mul3A : i32
    %multiple_of3A = tpu.assume_multiple %mul3A_5, 8 : i32
    %mul3A_6 = arith.constant 5000 : i32
    %mul3A_7 = arith.muli %arg1, %mul3A_6 : i32
    %multiple_of3A_8 = tpu.assume_multiple %mul3A_7, 8 : i32
    %mul3A_9 = arith.constant 5000 : i32
    %mul3A_10 = arith.muli %arg1, %mul3A_9 : i32
    %add3A = arith.constant 0 : i32
    %add3A_11 = arith.addi %add3A, %mul3A_10 : i32
    %multiple_of3A_12 = tpu.assume_multiple %add3A_11, 8 : i32
    %eq3A = arith.constant 0 : i32
    %eq3A_13 = arith.cmpi eq, %arg0, %eq3A : i32
    %convert_element_type3A = arith.extui %eq3A_13 : i1 to i32
    %cond3A = arith.constant 0 : i32
    %cond3A_14 = arith.cmpi ne, %convert_element_type3A, %cond3A : i32
    scf.if %cond3A_14 {
      %add3A_30 = arith.constant 0 : i32
      %add3A_31 = arith.addi %multiple_of3A, %add3A_30 : i32
      %multiple_of3A_32 = tpu.assume_multiple %add3A_31, 8 : i32
      "tpu.region"() ({
        %run_scoped3A = tpu.sem_alloc : memref<!tpu.dma_semaphore, #tpu.memory_space<semaphore_mem>>
        %dma_start3A_102 = arith.constant 0 : i32
        %dma_start3A_103 = tpu.memref_slice %arg20[%multiple_of3A_32, %dma_start3A_102] : memref<10000x128xf32, #tpu.memory_space<vmem_shared>> -> memref<208x128xf32, #tpu.memory_space<vmem_shared>>
        %dma_start3A_104 = arith.constant 0 : i32
        %dma_start3A_105 = tpu.memref_slice %arg20[%multiple_of3A_32, %dma_start3A_104] : memref<10000x128xf32, #tpu.memory_space<vmem_shared>> -> memref<208x128xf32, #tpu.memory_space<vmem_shared>>
        tpu.enqueue_dma source(%arg19 : memref<208x128xf32, #tpu.memory_space<vmem>>) target(%dma_start3A_105 : memref<208x128xf32, #tpu.memory_space<vmem_shared>>) target_semaphore(%run_scoped3A : memref<!tpu.dma_semaphore, #tpu.memory_space<semaphore_mem>>)
        %dma_wait3A_106 = arith.constant 0 : i32
        %dma_wait3A_107 = tpu.memref_slice %arg20[%multiple_of3A_32, %dma_wait3A_106] : memref<10000x128xf32, #tpu.memory_space<vmem_shared>> -> memref<208x128xf32, #tpu.memory_space<vmem_shared>>
        %dma_wait3A_108 = arith.constant 0 : i32
        %dma_wait3A_109 = tpu.memref_slice %arg20[%multiple_of3A_32, %dma_wait3A_108] : memref<10000x128xf32, #tpu.memory_space<vmem_shared>> -> memref<208x128xf32, #tpu.memory_space<vmem_shared>>
        tpu.wait_dma2 semaphore(%run_scoped3A : memref<!tpu.dma_semaphore, #tpu.memory_space<semaphore_mem>>) src(%arg19 : memref<208x128xf32, #tpu.memory_space<vmem>>) dst(%dma_wait3A_109 : memref<208x128xf32, #tpu.memory_space<vmem_shared>>)
        tpu.yield
      }) : () -> ()
      %add3A_33 = arith.constant 208 : i32
      %add3A_34 = arith.addi %multiple_of3A, %add3A_33 : i32
      %multiple_of3A_35 = tpu.assume_multiple %add3A_34, 8 : i32
      "tpu.region"() ({
        %run_scoped3A = tpu.sem_alloc : memref<!tpu.dma_semaphore, #tpu.memory_space<semaphore_mem>>
        %dma_start3A_102 = arith.constant 0 : i32
        %dma_start3A_103 = tpu.memref_slice %arg20[%multiple_of3A_35, %dma_start3A_102] : memref<10000x128xf32, #tpu.memory_space<vmem_shared>> -> memref<208x128xf32, #tpu.memory_space<vmem_shared>>
        %dma_start3A_104 = arith.constant 0 : i32
        %dma_start3A_105 = tpu.memref_slice %arg20[%multiple_of3A_35, %dma_start3A_104] : memref<10000x128xf32, #tpu.memory_space<vmem_shared>> -> memref<208x128xf32, #tpu.memory_space<vmem_shared>>
        tpu.enqueue_dma source(%arg19 : memref<208x128xf32, #tpu.memory_space<vmem>>) target(%dma_start3A_105 : memref<208x128xf32, #tpu.memory_space<vmem_shared>>) target_semaphore(%run_scoped3A : memref<!tpu.dma_semaphore, #tpu.memory_space<semaphore_mem>>)
        %dma_wait3A_106 = arith.constant 0 : i32
        %dma_wait3A_107 = tpu.memref_slice %arg20[%multiple_of3A_35, %dma_wait3A_106] : memref<10000x128xf32, #tpu.memory_space<vmem_shared>> -> memref<208x128xf32, #tpu.memory_space<vmem_shared>>
        %dma_wait3A_108 = arith.constant 0 : i32
        %dma_wait3A_109 = tpu.memref_slice %arg20[%multiple_of3A_35, %dma_wait3A_108] : memref<10000x128xf32, #tpu.memory_space<vmem_shared>> -> memref<208x128xf32, #tpu.memory_space<vmem_shared>>
        tpu.wait_dma2 semaphore(%run_scoped3A : memref<!tpu.dma_semaphore, #tpu.memory_space<semaphore_mem>>) src(%arg19 : memref<208x128xf32, #tpu.memory_space<vmem>>) dst(%dma_wait3A_109 : memref<208x128xf32, #tpu.memory_space<vmem_shared>>)
        tpu.yield
      }) : () -> ()
      %add3A_36 = arith.constant 416 : i32
      %add3A_37 = arith.addi %multiple_of3A, %add3A_36 : i32
      %multiple_of3A_38 = tpu.assume_multiple %add3A_37, 8 : i32
      "tpu.region"() ({
        %run_scoped3A = tpu.sem_alloc : memref<!tpu.dma_semaphore, #tpu.memory_space<semaphore_mem>>
        %dma_start3A_102 = arith.constant 0 : i32
        %dma_start3A_103 = tpu.memref_slice %arg20[%multiple_of3A_38, %dma_start3A_102] : memref<10000x128xf32, #tpu.memory_space<vmem_shared>> -> memref<208x128xf32, #tpu.memory_space<vmem_shared>>
        %dma_start3A_104 = arith.constant 0 : i32
        %dma_start3A_105 = tpu.memref_slice %arg20[%multiple_of3A_38, %dma_start3A_104] : memref<10000x128xf32, #tpu.memory_space<vmem_shared>> -> memref<208x128xf32, #tpu.memory_space<vmem_shared>>
        tpu.enqueue_dma source(%arg19 : memref<208x128xf32, #tpu.memory_space<vmem>>) target(%dma_start3A_105 : memref<208x128xf32, #tpu.memory_space<vmem_shared>>) target_semaphore(%run_scoped3A : memref<!tpu.dma_semaphore, #tpu.memory_space<semaphore_mem>>)
        %dma_wait3A_106 = arith.constant 0 : i32
        %dma_wait3A_107 = tpu.memref_slice %arg20[%multiple_of3A_38, %dma_wait3A_106] : memref<10000x128xf32, #tpu.memory_space<vmem_shared>> -> memref<208x128xf32, #tpu.memory_space<vmem_shared>>
        %dma_wait3A_108 = arith.constant 0 : i32
        %dma_wait3A_109 = tpu.memref_slice %arg20[%multiple_of3A_38, %dma_wait3A_108] : memref<10000x128xf32, #tpu.memory_space<vmem_shared>> -> memref<208x128xf32, #tpu.memory_space<vmem_shared>>
        tpu.wait_dma2 semaphore(%run_scoped3A : memref<!tpu.dma_semaphore, #tpu.memory_space<semaphore_mem>>) src(%arg19 : memref<208x128xf32, #tpu.memory_space<vmem>>) dst(%dma_wait3A_109 : memref<208x128xf32, #tpu.memory_space<vmem_shared>>)
        tpu.yield
      }) : () -> ()
      %eq3A_39 = arith.constant 15 : i32
      %eq3A_40 = arith.cmpi eq, %arg1, %eq3A_39 : i32
      %convert_element_type3A_41 = arith.extui %eq3A_40 : i1 to i32
      %cond3A_42 = arith.constant 0 : i32
      %cond3A_43 = arith.cmpi ne, %convert_element_type3A_41, %cond3A_42 : i32
      scf.if %cond3A_43 {
        "tpu.region"() ({
          %run_scoped3A = tpu.sem_alloc : memref<!tpu.dma_semaphore, #tpu.memory_space<semaphore_mem>>
          %dma_start3A_102 = arith.constant 0 : i32
          %dma_start3A_103 = arith.constant 0 : i32
          %dma_start3A_104 = tpu.memref_slice %arg19[%dma_start3A_102, %dma_start3A_103] : memref<208x128xf32, #tpu.memory_space<vmem>> -> memref<16x128xf32, #tpu.memory_space<vmem>>
          %dma_start3A_105 = arith.constant 9984 : i32
          %dma_start3A_106 = arith.constant 0 : i32
          %dma_start3A_107 = tpu.memref_slice %arg20[%dma_start3A_105, %dma_start3A_106] : memref<10000x128xf32, #tpu.memory_space<vmem_shared>> -> memref<16x128xf32, #tpu.memory_space<vmem_shared>>
          %dma_start3A_108 = arith.constant 9984 : i32
          %dma_start3A_109 = arith.constant 0 : i32
          %dma_start3A_110 = tpu.memref_slice %arg20[%dma_start3A_108, %dma_start3A_109] : memref<10000x128xf32, #tpu.memory_space<vmem_shared>> -> memref<16x128xf32, #tpu.memory_space<vmem_shared>>
          %dma_start3A_111 = arith.constant 0 : i32
          %dma_start3A_112 = arith.constant 0 : i32
          %dma_start3A_113 = tpu.memref_slice %arg19[%dma_start3A_111, %dma_start3A_112] : memref<208x128xf32, #tpu.memory_space<vmem>> -> memref<16x128xf32, #tpu.memory_space<vmem>>
          tpu.enqueue_dma source(%dma_start3A_113 : memref<16x128xf32, #tpu.memory_space<vmem>>) target(%dma_start3A_110 : memref<16x128xf32, #tpu.memory_space<vmem_shared>>) target_semaphore(%run_scoped3A : memref<!tpu.dma_semaphore, #tpu.memory_space<semaphore_mem>>)
          %dma_wait3A_114 = arith.constant 0 : i32
          %dma_wait3A_115 = arith.constant 0 : i32
          %dma_wait3A_116 = tpu.memref_slice %arg19[%dma_wait3A_114, %dma_wait3A_115] : memref<208x128xf32, #tpu.memory_space<vmem>> -> memref<16x128xf32, #tpu.memory_space<vmem>>
          %dma_wait3A_117 = arith.constant 9984 : i32
          %dma_wait3A_118 = arith.constant 0 : i32
          %dma_wait3A_119 = tpu.memref_slice %arg20[%dma_wait3A_117, %dma_wait3A_118] : memref<10000x128xf32, #tpu.memory_space<vmem_shared>> -> memref<16x128xf32, #tpu.memory_space<vmem_shared>>
          %dma_wait3A_120 = arith.constant 9984 : i32
          %dma_wait3A_121 = arith.constant 0 : i32
          %dma_wait3A_122 = tpu.memref_slice %arg20[%dma_wait3A_120, %dma_wait3A_121] : memref<10000x128xf32, #tpu.memory_space<vmem_shared>> -> memref<16x128xf32, #tpu.memory_space<vmem_shared>>
          %dma_wait3A_123 = arith.constant 0 : i32
          %dma_wait3A_124 = arith.constant 0 : i32
          %dma_wait3A_125 = tpu.memref_slice %arg19[%dma_wait3A_123, %dma_wait3A_124] : memref<208x128xf32, #tpu.memory_space<vmem>> -> memref<16x128xf32, #tpu.memory_space<vmem>>
          tpu.wait_dma2 semaphore(%run_scoped3A : memref<!tpu.dma_semaphore, #tpu.memory_space<semaphore_mem>>) src(%dma_wait3A_125 : memref<16x128xf32, #tpu.memory_space<vmem>>) dst(%dma_wait3A_122 : memref<16x128xf32, #tpu.memory_space<vmem_shared>>)
          tpu.yield
        }) : () -> ()
      } else {
      }
      %barrier3A = arith.constant 0 : index
      tpu.barrier barrier_id(%barrier3A)
      %add3A_44 = arith.constant 0 : i32
      %add3A_45 = arith.addi %multiple_of3A_12, %add3A_44 : i32
      %multiple_of3A_46 = tpu.assume_multiple %add3A_45, 8 : i32
      %add3A_47 = arith.constant 0 : i32
      %add3A_48 = arith.addi %multiple_of3A_8, %add3A_47 : i32
      %multiple_of3A_49 = tpu.assume_multiple %add3A_48, 8 : i32
      %dma_start3A = tpu.memref_slice %arg6[%multiple_of3A_46] : memref<160000xi32, #tpu.memory_space<hbm>> -> memref<40xi32, #tpu.memory_space<hbm>>
      %dma_start3A_50 = tpu.memref_slice %arg6[%multiple_of3A_46] : memref<160000xi32, #tpu.memory_space<hbm>> -> memref<40xi32, #tpu.memory_space<hbm>>
      tpu.enqueue_dma source(%dma_start3A_50 : memref<40xi32, #tpu.memory_space<hbm>>) target(%arg15 : memref<40xi32, #tpu.memory_space<vmem>>) target_semaphore(%arg21 : memref<!tpu.dma_semaphore, #tpu.memory_space<semaphore_mem>>)
      %dma_start3A_51 = arith.constant 0 : i32
      %dma_start3A_52 = tpu.memref_slice %arg2[%multiple_of3A_49, %dma_start3A_51] : memref<80000x128xf32, #tpu.memory_space<hbm>> -> memref<40x128xf32, #tpu.memory_space<hbm>>
      %dma_start3A_53 = arith.constant 0 : i32
      %dma_start3A_54 = tpu.memref_slice %arg2[%multiple_of3A_49, %dma_start3A_53] : memref<80000x128xf32, #tpu.memory_space<hbm>> -> memref<40x128xf32, #tpu.memory_space<hbm>>
      tpu.enqueue_dma source(%dma_start3A_54 : memref<40x128xf32, #tpu.memory_space<hbm>>) target(%arg11 : memref<40x128xf32, #tpu.memory_space<vmem>>) target_semaphore(%arg21 : memref<!tpu.dma_semaphore, #tpu.memory_space<semaphore_mem>>)
      %add3A_55 = arith.constant 40 : i32
      %add3A_56 = arith.addi %multiple_of3A_12, %add3A_55 : i32
      %multiple_of3A_57 = tpu.assume_multiple %add3A_56, 8 : i32
      %add3A_58 = arith.constant 40 : i32
      %add3A_59 = arith.addi %multiple_of3A_8, %add3A_58 : i32
      %multiple_of3A_60 = tpu.assume_multiple %add3A_59, 8 : i32
      %dma_start3A_61 = tpu.memref_slice %arg6[%multiple_of3A_57] : memref<160000xi32, #tpu.memory_space<hbm>> -> memref<40xi32, #tpu.memory_space<hbm>>
      %dma_start3A_62 = tpu.memref_slice %arg6[%multiple_of3A_57] : memref<160000xi32, #tpu.memory_space<hbm>> -> memref<40xi32, #tpu.memory_space<hbm>>
      tpu.enqueue_dma source(%dma_start3A_62 : memref<40xi32, #tpu.memory_space<hbm>>) target(%arg16 : memref<40xi32, #tpu.memory_space<vmem>>) target_semaphore(%arg21 : memref<!tpu.dma_semaphore, #tpu.memory_space<semaphore_mem>>)
      %dma_start3A_63 = arith.constant 0 : i32
      %dma_start3A_64 = tpu.memref_slice %arg2[%multiple_of3A_60, %dma_start3A_63] : memref<80000x128xf32, #tpu.memory_space<hbm>> -> memref<40x128xf32, #tpu.memory_space<hbm>>
      %dma_start3A_65 = arith.constant 0 : i32
      %dma_start3A_66 = tpu.memref_slice %arg2[%multiple_of3A_60, %dma_start3A_65] : memref<80000x128xf32, #tpu.memory_space<hbm>> -> memref<40x128xf32, #tpu.memory_space<hbm>>
      tpu.enqueue_dma source(%dma_start3A_66 : memref<40x128xf32, #tpu.memory_space<hbm>>) target(%arg12 : memref<40x128xf32, #tpu.memory_space<vmem>>) target_semaphore(%arg21 : memref<!tpu.dma_semaphore, #tpu.memory_space<semaphore_mem>>)
      %add3A_67 = arith.constant 80 : i32
      %add3A_68 = arith.addi %multiple_of3A_12, %add3A_67 : i32
      %multiple_of3A_69 = tpu.assume_multiple %add3A_68, 8 : i32
      %add3A_70 = arith.constant 80 : i32
      %add3A_71 = arith.addi %multiple_of3A_8, %add3A_70 : i32
      %multiple_of3A_72 = tpu.assume_multiple %add3A_71, 8 : i32
      %dma_start3A_73 = tpu.memref_slice %arg6[%multiple_of3A_69] : memref<160000xi32, #tpu.memory_space<hbm>> -> memref<40xi32, #tpu.memory_space<hbm>>
      %dma_start3A_74 = tpu.memref_slice %arg6[%multiple_of3A_69] : memref<160000xi32, #tpu.memory_space<hbm>> -> memref<40xi32, #tpu.memory_space<hbm>>
      tpu.enqueue_dma source(%dma_start3A_74 : memref<40xi32, #tpu.memory_space<hbm>>) target(%arg17 : memref<40xi32, #tpu.memory_space<vmem>>) target_semaphore(%arg21 : memref<!tpu.dma_semaphore, #tpu.memory_space<semaphore_mem>>)
      %dma_start3A_75 = arith.constant 0 : i32
      %dma_start3A_76 = tpu.memref_slice %arg2[%multiple_of3A_72, %dma_start3A_75] : memref<80000x128xf32, #tpu.memory_space<hbm>> -> memref<40x128xf32, #tpu.memory_space<hbm>>
      %dma_start3A_77 = arith.constant 0 : i32
      %dma_start3A_78 = tpu.memref_slice %arg2[%multiple_of3A_72, %dma_start3A_77] : memref<80000x128xf32, #tpu.memory_space<hbm>> -> memref<40x128xf32, #tpu.memory_space<hbm>>
      tpu.enqueue_dma source(%dma_start3A_78 : memref<40x128xf32, #tpu.memory_space<hbm>>) target(%arg13 : memref<40x128xf32, #tpu.memory_space<vmem>>) target_semaphore(%arg21 : memref<!tpu.dma_semaphore, #tpu.memory_space<semaphore_mem>>)
      %scan3A_79 = arith.constant 0 : i32
      %scan3A_80 = arith.constant 0 : i32
      %scan3A_81 = arith.constant 32 : i32
      %scan3A_82 = arith.addi %scan3A_80, %scan3A_81 : i32
      %scan3A_83 = arith.constant 1 : i32
      scf.for %scan3A_102 = %scan3A_80 to %scan3A_82 step %scan3A_83  : i32 {
        %mul3A_103 = arith.constant 4 : i32
        %mul3A_104 = arith.muli %scan3A_102, %mul3A_103 : i32
        %add3A_105 = arith.constant 0 : i32
        %add3A_106 = arith.addi %mul3A_104, %add3A_105 : i32
        %lt3A = arith.constant 125 : i32
        %lt3A_107 = arith.cmpi slt, %add3A_106, %lt3A : i32
        %convert_element_type3A_108 = arith.extui %lt3A_107 : i1 to i32
        %cond3A_109 = arith.constant 0 : i32
        %cond3A_110 = arith.cmpi ne, %convert_element_type3A_108, %cond3A_109 : i32
        scf.if %cond3A_110 {
          %mul3A_132 = arith.constant 40 : i32
          %mul3A_133 = arith.muli %add3A_106, %mul3A_132 : i32
          %add3A_134 = arith.addi %multiple_of3A_12, %mul3A_133 : i32
          %multiple_of3A_135 = tpu.assume_multiple %add3A_134, 8 : i32
          %mul3A_136 = arith.constant 40 : i32
          %mul3A_137 = arith.muli %add3A_106, %mul3A_136 : i32
          %add3A_138 = arith.addi %multiple_of3A_8, %mul3A_137 : i32
          %multiple_of3A_139 = tpu.assume_multiple %add3A_138, 8 : i32
          %dma_wait3A_140 = tpu.memref_slice %arg6[%multiple_of3A_135] : memref<160000xi32, #tpu.memory_space<hbm>> -> memref<40xi32, #tpu.memory_space<hbm>>
          %dma_wait3A_141 = tpu.memref_slice %arg6[%multiple_of3A_135] : memref<160000xi32, #tpu.memory_space<hbm>> -> memref<40xi32, #tpu.memory_space<hbm>>
          tpu.wait_dma2 semaphore(%arg21 : memref<!tpu.dma_semaphore, #tpu.memory_space<semaphore_mem>>) src(%dma_wait3A_141 : memref<40xi32, #tpu.memory_space<hbm>>) dst(%arg15 : memref<40xi32, #tpu.memory_space<vmem>>)
          %dma_wait3A_142 = arith.constant 0 : i32
          %dma_wait3A_143 = tpu.memref_slice %arg2[%multiple_of3A_139, %dma_wait3A_142] : memref<80000x128xf32, #tpu.memory_space<hbm>> -> memref<40x128xf32, #tpu.memory_space<hbm>>
          %dma_wait3A_144 = arith.constant 0 : i32
          %dma_wait3A_145 = tpu.memref_slice %arg2[%multiple_of3A_139, %dma_wait3A_144] : memref<80000x128xf32, #tpu.memory_space<hbm>> -> memref<40x128xf32, #tpu.memory_space<hbm>>
          tpu.wait_dma2 semaphore(%arg21 : memref<!tpu.dma_semaphore, #tpu.memory_space<semaphore_mem>>) src(%dma_wait3A_145 : memref<40x128xf32, #tpu.memory_space<hbm>>) dst(%arg11 : memref<40x128xf32, #tpu.memory_space<vmem>>)
          %gt3A = arith.constant 0 : i32
          %gt3A_146 = arith.cmpi sgt, %add3A_106, %gt3A : i32
          %convert_element_type3A_147 = arith.extui %gt3A_146 : i1 to i32
          %cond3A_148 = arith.constant 0 : i32
          %cond3A_149 = arith.cmpi ne, %convert_element_type3A_147, %cond3A_148 : i32
          scf.if %cond3A_149 {
            %dma_wait3A_161 = arith.constant 0 : i32
            %dma_wait3A_162 = arith.constant 0 : i32
            %dma_wait3A_163 = tpu.memref_slice %arg20[%dma_wait3A_161, %dma_wait3A_162] : memref<10000x128xf32, #tpu.memory_space<vmem_shared>> -> memref<10000x128xf32, #tpu.memory_space<vmem_shared>>
            tpu.wait_indirect_dma semaphore(%arg22 : memref<!tpu.dma_semaphore, #tpu.memory_space<semaphore_mem>>) src(%arg14 : memref<40x128xf32, #tpu.memory_space<vmem>>) dst(%dma_wait3A_163 : memref<10000x128xf32, #tpu.memory_space<vmem_shared>>)
          } else {
          }
          %add3A_150 = arith.constant 4 : i32
          %add3A_151 = arith.addi %add3A_106, %add3A_150 : i32
          %sub3A = arith.constant 1 : i32
          %sub3A_152 = arith.subi %add3A_151, %sub3A : i32
          %lt3A_153 = arith.constant 125 : i32
          %lt3A_154 = arith.cmpi slt, %sub3A_152, %lt3A_153 : i32
          %convert_element_type3A_155 = arith.extui %lt3A_154 : i1 to i32
          %cond3A_156 = arith.constant 0 : i32
          %cond3A_157 = arith.cmpi ne, %convert_element_type3A_155, %cond3A_156 : i32
          scf.if %cond3A_157 {
            %add3A_161 = arith.constant 4 : i32
            %add3A_162 = arith.addi %add3A_106, %add3A_161 : i32
            %sub3A_163 = arith.constant 1 : i32
            %sub3A_164 = arith.subi %add3A_162, %sub3A_163 : i32
            %mul3A_165 = arith.constant 40 : i32
            %mul3A_166 = arith.muli %sub3A_164, %mul3A_165 : i32
            %add3A_167 = arith.addi %multiple_of3A_12, %mul3A_166 : i32
            %multiple_of3A_168 = tpu.assume_multiple %add3A_167, 8 : i32
            %mul3A_169 = arith.constant 40 : i32
            %mul3A_170 = arith.muli %sub3A_164, %mul3A_169 : i32
            %add3A_171 = arith.addi %multiple_of3A_8, %mul3A_170 : i32
            %multiple_of3A_172 = tpu.assume_multiple %add3A_171, 8 : i32
            %dma_start3A_173 = tpu.memref_slice %arg6[%multiple_of3A_168] : memref<160000xi32, #tpu.memory_space<hbm>> -> memref<40xi32, #tpu.memory_space<hbm>>
            %dma_start3A_174 = tpu.memref_slice %arg6[%multiple_of3A_168] : memref<160000xi32, #tpu.memory_space<hbm>> -> memref<40xi32, #tpu.memory_space<hbm>>
            tpu.enqueue_dma source(%dma_start3A_174 : memref<40xi32, #tpu.memory_space<hbm>>) target(%arg18 : memref<40xi32, #tpu.memory_space<vmem>>) target_semaphore(%arg21 : memref<!tpu.dma_semaphore, #tpu.memory_space<semaphore_mem>>)
            %dma_start3A_175 = arith.constant 0 : i32
            %dma_start3A_176 = tpu.memref_slice %arg2[%multiple_of3A_172, %dma_start3A_175] : memref<80000x128xf32, #tpu.memory_space<hbm>> -> memref<40x128xf32, #tpu.memory_space<hbm>>
            %dma_start3A_177 = arith.constant 0 : i32
            %dma_start3A_178 = tpu.memref_slice %arg2[%multiple_of3A_172, %dma_start3A_177] : memref<80000x128xf32, #tpu.memory_space<hbm>> -> memref<40x128xf32, #tpu.memory_space<hbm>>
            tpu.enqueue_dma source(%dma_start3A_178 : memref<40x128xf32, #tpu.memory_space<hbm>>) target(%arg14 : memref<40x128xf32, #tpu.memory_space<vmem>>) target_semaphore(%arg21 : memref<!tpu.dma_semaphore, #tpu.memory_space<semaphore_mem>>)
          } else {
          }
          %dma_start3A_158 = arith.constant 0 : i32
          %dma_start3A_159 = arith.constant 0 : i32
          %dma_start3A_160 = tpu.memref_slice %arg20[%dma_start3A_158, %dma_start3A_159] : memref<10000x128xf32, #tpu.memory_space<vmem_shared>> -> memref<10000x128xf32, #tpu.memory_space<vmem_shared>>
          tpu.enqueue_indirect_dma source(%arg11 : memref<40x128xf32, #tpu.memory_space<vmem>>) target(%dma_start3A_160 : memref<10000x128xf32, #tpu.memory_space<vmem_shared>>) offsets(%arg15 : memref<40xi32, #tpu.memory_space<vmem>>) semaphore(%arg22 : memref<!tpu.dma_semaphore, #tpu.memory_space<semaphore_mem>>) {add = true}
        } else {
        }
        %add3A_111 = arith.constant 1 : i32
        %add3A_112 = arith.addi %mul3A_104, %add3A_111 : i32
        %lt3A_113 = arith.constant 125 : i32
        %lt3A_114 = arith.cmpi slt, %add3A_112, %lt3A_113 : i32
        %convert_element_type3A_115 = arith.extui %lt3A_114 : i1 to i32
        %cond3A_116 = arith.constant 0 : i32
        %cond3A_117 = arith.cmpi ne, %convert_element_type3A_115, %cond3A_116 : i32
        scf.if %cond3A_117 {
          %mul3A_132 = arith.constant 40 : i32
          %mul3A_133 = arith.muli %add3A_112, %mul3A_132 : i32
          %add3A_134 = arith.addi %multiple_of3A_12, %mul3A_133 : i32
          %multiple_of3A_135 = tpu.assume_multiple %add3A_134, 8 : i32
          %mul3A_136 = arith.constant 40 : i32
          %mul3A_137 = arith.muli %add3A_112, %mul3A_136 : i32
          %add3A_138 = arith.addi %multiple_of3A_8, %mul3A_137 : i32
          %multiple_of3A_139 = tpu.assume_multiple %add3A_138, 8 : i32
          %dma_wait3A_140 = tpu.memref_slice %arg6[%multiple_of3A_135] : memref<160000xi32, #tpu.memory_space<hbm>> -> memref<40xi32, #tpu.memory_space<hbm>>
          %dma_wait3A_141 = tpu.memref_slice %arg6[%multiple_of3A_135] : memref<160000xi32, #tpu.memory_space<hbm>> -> memref<40xi32, #tpu.memory_space<hbm>>
          tpu.wait_dma2 semaphore(%arg21 : memref<!tpu.dma_semaphore, #tpu.memory_space<semaphore_mem>>) src(%dma_wait3A_141 : memref<40xi32, #tpu.memory_space<hbm>>) dst(%arg16 : memref<40xi32, #tpu.memory_space<vmem>>)
          %dma_wait3A_142 = arith.constant 0 : i32
          %dma_wait3A_143 = tpu.memref_slice %arg2[%multiple_of3A_139, %dma_wait3A_142] : memref<80000x128xf32, #tpu.memory_space<hbm>> -> memref<40x128xf32, #tpu.memory_space<hbm>>
          %dma_wait3A_144 = arith.constant 0 : i32
          %dma_wait3A_145 = tpu.memref_slice %arg2[%multiple_of3A_139, %dma_wait3A_144] : memref<80000x128xf32, #tpu.memory_space<hbm>> -> memref<40x128xf32, #tpu.memory_space<hbm>>
          tpu.wait_dma2 semaphore(%arg21 : memref<!tpu.dma_semaphore, #tpu.memory_space<semaphore_mem>>) src(%dma_wait3A_145 : memref<40x128xf32, #tpu.memory_space<hbm>>) dst(%arg12 : memref<40x128xf32, #tpu.memory_space<vmem>>)
          %gt3A = arith.constant 0 : i32
          %gt3A_146 = arith.cmpi sgt, %add3A_112, %gt3A : i32
          %convert_element_type3A_147 = arith.extui %gt3A_146 : i1 to i32
          %cond3A_148 = arith.constant 0 : i32
          %cond3A_149 = arith.cmpi ne, %convert_element_type3A_147, %cond3A_148 : i32
          scf.if %cond3A_149 {
            %dma_wait3A_161 = arith.constant 0 : i32
            %dma_wait3A_162 = arith.constant 0 : i32
            %dma_wait3A_163 = tpu.memref_slice %arg20[%dma_wait3A_161, %dma_wait3A_162] : memref<10000x128xf32, #tpu.memory_space<vmem_shared>> -> memref<10000x128xf32, #tpu.memory_space<vmem_shared>>
            tpu.wait_indirect_dma semaphore(%arg22 : memref<!tpu.dma_semaphore, #tpu.memory_space<semaphore_mem>>) src(%arg11 : memref<40x128xf32, #tpu.memory_space<vmem>>) dst(%dma_wait3A_163 : memref<10000x128xf32, #tpu.memory_space<vmem_shared>>)
          } else {
          }
          %add3A_150 = arith.constant 4 : i32
          %add3A_151 = arith.addi %add3A_112, %add3A_150 : i32
          %sub3A = arith.constant 1 : i32
          %sub3A_152 = arith.subi %add3A_151, %sub3A : i32
          %lt3A_153 = arith.constant 125 : i32
          %lt3A_154 = arith.cmpi slt, %sub3A_152, %lt3A_153 : i32
          %convert_element_type3A_155 = arith.extui %lt3A_154 : i1 to i32
          %cond3A_156 = arith.constant 0 : i32
          %cond3A_157 = arith.cmpi ne, %convert_element_type3A_155, %cond3A_156 : i32
          scf.if %cond3A_157 {
            %add3A_161 = arith.constant 4 : i32
            %add3A_162 = arith.addi %add3A_112, %add3A_161 : i32
            %sub3A_163 = arith.constant 1 : i32
            %sub3A_164 = arith.subi %add3A_162, %sub3A_163 : i32
            %mul3A_165 = arith.constant 40 : i32
            %mul3A_166 = arith.muli %sub3A_164, %mul3A_165 : i32
            %add3A_167 = arith.addi %multiple_of3A_12, %mul3A_166 : i32
            %multiple_of3A_168 = tpu.assume_multiple %add3A_167, 8 : i32
            %mul3A_169 = arith.constant 40 : i32
            %mul3A_170 = arith.muli %sub3A_164, %mul3A_169 : i32
            %add3A_171 = arith.addi %multiple_of3A_8, %mul3A_170 : i32
            %multiple_of3A_172 = tpu.assume_multiple %add3A_171, 8 : i32
            %dma_start3A_173 = tpu.memref_slice %arg6[%multiple_of3A_168] : memref<160000xi32, #tpu.memory_space<hbm>> -> memref<40xi32, #tpu.memory_space<hbm>>
            %dma_start3A_174 = tpu.memref_slice %arg6[%multiple_of3A_168] : memref<160000xi32, #tpu.memory_space<hbm>> -> memref<40xi32, #tpu.memory_space<hbm>>
            tpu.enqueue_dma source(%dma_start3A_174 : memref<40xi32, #tpu.memory_space<hbm>>) target(%arg15 : memref<40xi32, #tpu.memory_space<vmem>>) target_semaphore(%arg21 : memref<!tpu.dma_semaphore, #tpu.memory_space<semaphore_mem>>)
            %dma_start3A_175 = arith.constant 0 : i32
            %dma_start3A_176 = tpu.memref_slice %arg2[%multiple_of3A_172, %dma_start3A_175] : memref<80000x128xf32, #tpu.memory_space<hbm>> -> memref<40x128xf32, #tpu.memory_space<hbm>>
            %dma_start3A_177 = arith.constant 0 : i32
            %dma_start3A_178 = tpu.memref_slice %arg2[%multiple_of3A_172, %dma_start3A_177] : memref<80000x128xf32, #tpu.memory_space<hbm>> -> memref<40x128xf32, #tpu.memory_space<hbm>>
            tpu.enqueue_dma source(%dma_start3A_178 : memref<40x128xf32, #tpu.memory_space<hbm>>) target(%arg11 : memref<40x128xf32, #tpu.memory_space<vmem>>) target_semaphore(%arg21 : memref<!tpu.dma_semaphore, #tpu.memory_space<semaphore_mem>>)
          } else {
          }
          %dma_start3A_158 = arith.constant 0 : i32
          %dma_start3A_159 = arith.constant 0 : i32
          %dma_start3A_160 = tpu.memref_slice %arg20[%dma_start3A_158, %dma_start3A_159] : memref<10000x128xf32, #tpu.memory_space<vmem_shared>> -> memref<10000x128xf32, #tpu.memory_space<vmem_shared>>
          tpu.enqueue_indirect_dma source(%arg12 : memref<40x128xf32, #tpu.memory_space<vmem>>) target(%dma_start3A_160 : memref<10000x128xf32, #tpu.memory_space<vmem_shared>>) offsets(%arg16 : memref<40xi32, #tpu.memory_space<vmem>>) semaphore(%arg22 : memref<!tpu.dma_semaphore, #tpu.memory_space<semaphore_mem>>) {add = true}
        } else {
        }
        %add3A_118 = arith.constant 2 : i32
        %add3A_119 = arith.addi %mul3A_104, %add3A_118 : i32
        %lt3A_120 = arith.constant 125 : i32
        %lt3A_121 = arith.cmpi slt, %add3A_119, %lt3A_120 : i32
        %convert_element_type3A_122 = arith.extui %lt3A_121 : i1 to i32
        %cond3A_123 = arith.constant 0 : i32
        %cond3A_124 = arith.cmpi ne, %convert_element_type3A_122, %cond3A_123 : i32
        scf.if %cond3A_124 {
          %mul3A_132 = arith.constant 40 : i32
          %mul3A_133 = arith.muli %add3A_119, %mul3A_132 : i32
          %add3A_134 = arith.addi %multiple_of3A_12, %mul3A_133 : i32
          %multiple_of3A_135 = tpu.assume_multiple %add3A_134, 8 : i32
          %mul3A_136 = arith.constant 40 : i32
          %mul3A_137 = arith.muli %add3A_119, %mul3A_136 : i32
          %add3A_138 = arith.addi %multiple_of3A_8, %mul3A_137 : i32
          %multiple_of3A_139 = tpu.assume_multiple %add3A_138, 8 : i32
          %dma_wait3A_140 = tpu.memref_slice %arg6[%multiple_of3A_135] : memref<160000xi32, #tpu.memory_space<hbm>> -> memref<40xi32, #tpu.memory_space<hbm>>
          %dma_wait3A_141 = tpu.memref_slice %arg6[%multiple_of3A_135] : memref<160000xi32, #tpu.memory_space<hbm>> -> memref<40xi32, #tpu.memory_space<hbm>>
          tpu.wait_dma2 semaphore(%arg21 : memref<!tpu.dma_semaphore, #tpu.memory_space<semaphore_mem>>) src(%dma_wait3A_141 : memref<40xi32, #tpu.memory_space<hbm>>) dst(%arg17 : memref<40xi32, #tpu.memory_space<vmem>>)
          %dma_wait3A_142 = arith.constant 0 : i32
          %dma_wait3A_143 = tpu.memref_slice %arg2[%multiple_of3A_139, %dma_wait3A_142] : memref<80000x128xf32, #tpu.memory_space<hbm>> -> memref<40x128xf32, #tpu.memory_space<hbm>>
          %dma_wait3A_144 = arith.constant 0 : i32
          %dma_wait3A_145 = tpu.memref_slice %arg2[%multiple_of3A_139, %dma_wait3A_144] : memref<80000x128xf32, #tpu.memory_space<hbm>> -> memref<40x128xf32, #tpu.memory_space<hbm>>
          tpu.wait_dma2 semaphore(%arg21 : memref<!tpu.dma_semaphore, #tpu.memory_space<semaphore_mem>>) src(%dma_wait3A_145 : memref<40x128xf32, #tpu.memory_space<hbm>>) dst(%arg13 : memref<40x128xf32, #tpu.memory_space<vmem>>)
          %gt3A = arith.constant 0 : i32
          %gt3A_146 = arith.cmpi sgt, %add3A_119, %gt3A : i32
          %convert_element_type3A_147 = arith.extui %gt3A_146 : i1 to i32
          %cond3A_148 = arith.constant 0 : i32
          %cond3A_149 = arith.cmpi ne, %convert_element_type3A_147, %cond3A_148 : i32
          scf.if %cond3A_149 {
            %dma_wait3A_161 = arith.constant 0 : i32
            %dma_wait3A_162 = arith.constant 0 : i32
            %dma_wait3A_163 = tpu.memref_slice %arg20[%dma_wait3A_161, %dma_wait3A_162] : memref<10000x128xf32, #tpu.memory_space<vmem_shared>> -> memref<10000x128xf32, #tpu.memory_space<vmem_shared>>
            tpu.wait_indirect_dma semaphore(%arg22 : memref<!tpu.dma_semaphore, #tpu.memory_space<semaphore_mem>>) src(%arg12 : memref<40x128xf32, #tpu.memory_space<vmem>>) dst(%dma_wait3A_163 : memref<10000x128xf32, #tpu.memory_space<vmem_shared>>)
          } else {
          }
          %add3A_150 = arith.constant 4 : i32
          %add3A_151 = arith.addi %add3A_119, %add3A_150 : i32
          %sub3A = arith.constant 1 : i32
          %sub3A_152 = arith.subi %add3A_151, %sub3A : i32
          %lt3A_153 = arith.constant 125 : i32
          %lt3A_154 = arith.cmpi slt, %sub3A_152, %lt3A_153 : i32
          %convert_element_type3A_155 = arith.extui %lt3A_154 : i1 to i32
          %cond3A_156 = arith.constant 0 : i32
          %cond3A_157 = arith.cmpi ne, %convert_element_type3A_155, %cond3A_156 : i32
          scf.if %cond3A_157 {
            %add3A_161 = arith.constant 4 : i32
            %add3A_162 = arith.addi %add3A_119, %add3A_161 : i32
            %sub3A_163 = arith.constant 1 : i32
            %sub3A_164 = arith.subi %add3A_162, %sub3A_163 : i32
            %mul3A_165 = arith.constant 40 : i32
            %mul3A_166 = arith.muli %sub3A_164, %mul3A_165 : i32
            %add3A_167 = arith.addi %multiple_of3A_12, %mul3A_166 : i32
            %multiple_of3A_168 = tpu.assume_multiple %add3A_167, 8 : i32
            %mul3A_169 = arith.constant 40 : i32
            %mul3A_170 = arith.muli %sub3A_164, %mul3A_169 : i32
            %add3A_171 = arith.addi %multiple_of3A_8, %mul3A_170 : i32
            %multiple_of3A_172 = tpu.assume_multiple %add3A_171, 8 : i32
            %dma_start3A_173 = tpu.memref_slice %arg6[%multiple_of3A_168] : memref<160000xi32, #tpu.memory_space<hbm>> -> memref<40xi32, #tpu.memory_space<hbm>>
            %dma_start3A_174 = tpu.memref_slice %arg6[%multiple_of3A_168] : memref<160000xi32, #tpu.memory_space<hbm>> -> memref<40xi32, #tpu.memory_space<hbm>>
            tpu.enqueue_dma source(%dma_start3A_174 : memref<40xi32, #tpu.memory_space<hbm>>) target(%arg16 : memref<40xi32, #tpu.memory_space<vmem>>) target_semaphore(%arg21 : memref<!tpu.dma_semaphore, #tpu.memory_space<semaphore_mem>>)
            %dma_start3A_175 = arith.constant 0 : i32
            %dma_start3A_176 = tpu.memref_slice %arg2[%multiple_of3A_172, %dma_start3A_175] : memref<80000x128xf32, #tpu.memory_space<hbm>> -> memref<40x128xf32, #tpu.memory_space<hbm>>
            %dma_start3A_177 = arith.constant 0 : i32
            %dma_start3A_178 = tpu.memref_slice %arg2[%multiple_of3A_172, %dma_start3A_177] : memref<80000x128xf32, #tpu.memory_space<hbm>> -> memref<40x128xf32, #tpu.memory_space<hbm>>
            tpu.enqueue_dma source(%dma_start3A_178 : memref<40x128xf32, #tpu.memory_space<hbm>>) target(%arg12 : memref<40x128xf32, #tpu.memory_space<vmem>>) target_semaphore(%arg21 : memref<!tpu.dma_semaphore, #tpu.memory_space<semaphore_mem>>)
          } else {
          }
          %dma_start3A_158 = arith.constant 0 : i32
          %dma_start3A_159 = arith.constant 0 : i32
          %dma_start3A_160 = tpu.memref_slice %arg20[%dma_start3A_158, %dma_start3A_159] : memref<10000x128xf32, #tpu.memory_space<vmem_shared>> -> memref<10000x128xf32, #tpu.memory_space<vmem_shared>>
          tpu.enqueue_indirect_dma source(%arg13 : memref<40x128xf32, #tpu.memory_space<vmem>>) target(%dma_start3A_160 : memref<10000x128xf32, #tpu.memory_space<vmem_shared>>) offsets(%arg17 : memref<40xi32, #tpu.memory_space<vmem>>) semaphore(%arg22 : memref<!tpu.dma_semaphore, #tpu.memory_space<semaphore_mem>>) {add = true}
        } else {
        }
        %add3A_125 = arith.constant 3 : i32
        %add3A_126 = arith.addi %mul3A_104, %add3A_125 : i32
        %lt3A_127 = arith.constant 125 : i32
        %lt3A_128 = arith.cmpi slt, %add3A_126, %lt3A_127 : i32
        %convert_element_type3A_129 = arith.extui %lt3A_128 : i1 to i32
        %cond3A_130 = arith.constant 0 : i32
        %cond3A_131 = arith.cmpi ne, %convert_element_type3A_129, %cond3A_130 : i32
        scf.if %cond3A_131 {
          %mul3A_132 = arith.constant 40 : i32
          %mul3A_133 = arith.muli %add3A_126, %mul3A_132 : i32
          %add3A_134 = arith.addi %multiple_of3A_12, %mul3A_133 : i32
          %multiple_of3A_135 = tpu.assume_multiple %add3A_134, 8 : i32
          %mul3A_136 = arith.constant 40 : i32
          %mul3A_137 = arith.muli %add3A_126, %mul3A_136 : i32
          %add3A_138 = arith.addi %multiple_of3A_8, %mul3A_137 : i32
          %multiple_of3A_139 = tpu.assume_multiple %add3A_138, 8 : i32
          %dma_wait3A_140 = tpu.memref_slice %arg6[%multiple_of3A_135] : memref<160000xi32, #tpu.memory_space<hbm>> -> memref<40xi32, #tpu.memory_space<hbm>>
          %dma_wait3A_141 = tpu.memref_slice %arg6[%multiple_of3A_135] : memref<160000xi32, #tpu.memory_space<hbm>> -> memref<40xi32, #tpu.memory_space<hbm>>
          tpu.wait_dma2 semaphore(%arg21 : memref<!tpu.dma_semaphore, #tpu.memory_space<semaphore_mem>>) src(%dma_wait3A_141 : memref<40xi32, #tpu.memory_space<hbm>>) dst(%arg18 : memref<40xi32, #tpu.memory_space<vmem>>)
          %dma_wait3A_142 = arith.constant 0 : i32
          %dma_wait3A_143 = tpu.memref_slice %arg2[%multiple_of3A_139, %dma_wait3A_142] : memref<80000x128xf32, #tpu.memory_space<hbm>> -> memref<40x128xf32, #tpu.memory_space<hbm>>
          %dma_wait3A_144 = arith.constant 0 : i32
          %dma_wait3A_145 = tpu.memref_slice %arg2[%multiple_of3A_139, %dma_wait3A_144] : memref<80000x128xf32, #tpu.memory_space<hbm>> -> memref<40x128xf32, #tpu.memory_space<hbm>>
          tpu.wait_dma2 semaphore(%arg21 : memref<!tpu.dma_semaphore, #tpu.memory_space<semaphore_mem>>) src(%dma_wait3A_145 : memref<40x128xf32, #tpu.memory_space<hbm>>) dst(%arg14 : memref<40x128xf32, #tpu.memory_space<vmem>>)
          %gt3A = arith.constant 0 : i32
          %gt3A_146 = arith.cmpi sgt, %add3A_126, %gt3A : i32
          %convert_element_type3A_147 = arith.extui %gt3A_146 : i1 to i32
          %cond3A_148 = arith.constant 0 : i32
          %cond3A_149 = arith.cmpi ne, %convert_element_type3A_147, %cond3A_148 : i32
          scf.if %cond3A_149 {
            %dma_wait3A_161 = arith.constant 0 : i32
            %dma_wait3A_162 = arith.constant 0 : i32
            %dma_wait3A_163 = tpu.memref_slice %arg20[%dma_wait3A_161, %dma_wait3A_162] : memref<10000x128xf32, #tpu.memory_space<vmem_shared>> -> memref<10000x128xf32, #tpu.memory_space<vmem_shared>>
            tpu.wait_indirect_dma semaphore(%arg22 : memref<!tpu.dma_semaphore, #tpu.memory_space<semaphore_mem>>) src(%arg13 : memref<40x128xf32, #tpu.memory_space<vmem>>) dst(%dma_wait3A_163 : memref<10000x128xf32, #tpu.memory_space<vmem_shared>>)
          } else {
          }
          %add3A_150 = arith.constant 4 : i32
          %add3A_151 = arith.addi %add3A_126, %add3A_150 : i32
          %sub3A = arith.constant 1 : i32
          %sub3A_152 = arith.subi %add3A_151, %sub3A : i32
          %lt3A_153 = arith.constant 125 : i32
          %lt3A_154 = arith.cmpi slt, %sub3A_152, %lt3A_153 : i32
          %convert_element_type3A_155 = arith.extui %lt3A_154 : i1 to i32
          %cond3A_156 = arith.constant 0 : i32
          %cond3A_157 = arith.cmpi ne, %convert_element_type3A_155, %cond3A_156 : i32
          scf.if %cond3A_157 {
            %add3A_161 = arith.constant 4 : i32
            %add3A_162 = arith.addi %add3A_126, %add3A_161 : i32
            %sub3A_163 = arith.constant 1 : i32
            %sub3A_164 = arith.subi %add3A_162, %sub3A_163 : i32
            %mul3A_165 = arith.constant 40 : i32
            %mul3A_166 = arith.muli %sub3A_164, %mul3A_165 : i32
            %add3A_167 = arith.addi %multiple_of3A_12, %mul3A_166 : i32
            %multiple_of3A_168 = tpu.assume_multiple %add3A_167, 8 : i32
            %mul3A_169 = arith.constant 40 : i32
            %mul3A_170 = arith.muli %sub3A_164, %mul3A_169 : i32
            %add3A_171 = arith.addi %multiple_of3A_8, %mul3A_170 : i32
            %multiple_of3A_172 = tpu.assume_multiple %add3A_171, 8 : i32
            %dma_start3A_173 = tpu.memref_slice %arg6[%multiple_of3A_168] : memref<160000xi32, #tpu.memory_space<hbm>> -> memref<40xi32, #tpu.memory_space<hbm>>
            %dma_start3A_174 = tpu.memref_slice %arg6[%multiple_of3A_168] : memref<160000xi32, #tpu.memory_space<hbm>> -> memref<40xi32, #tpu.memory_space<hbm>>
            tpu.enqueue_dma source(%dma_start3A_174 : memref<40xi32, #tpu.memory_space<hbm>>) target(%arg17 : memref<40xi32, #tpu.memory_space<vmem>>) target_semaphore(%arg21 : memref<!tpu.dma_semaphore, #tpu.memory_space<semaphore_mem>>)
            %dma_start3A_175 = arith.constant 0 : i32
            %dma_start3A_176 = tpu.memref_slice %arg2[%multiple_of3A_172, %dma_start3A_175] : memref<80000x128xf32, #tpu.memory_space<hbm>> -> memref<40x128xf32, #tpu.memory_space<hbm>>
            %dma_start3A_177 = arith.constant 0 : i32
            %dma_start3A_178 = tpu.memref_slice %arg2[%multiple_of3A_172, %dma_start3A_177] : memref<80000x128xf32, #tpu.memory_space<hbm>> -> memref<40x128xf32, #tpu.memory_space<hbm>>
            tpu.enqueue_dma source(%dma_start3A_178 : memref<40x128xf32, #tpu.memory_space<hbm>>) target(%arg13 : memref<40x128xf32, #tpu.memory_space<vmem>>) target_semaphore(%arg21 : memref<!tpu.dma_semaphore, #tpu.memory_space<semaphore_mem>>)
          } else {
          }
          %dma_start3A_158 = arith.constant 0 : i32
          %dma_start3A_159 = arith.constant 0 : i32
          %dma_start3A_160 = tpu.memref_slice %arg20[%dma_start3A_158, %dma_start3A_159] : memref<10000x128xf32, #tpu.memory_space<vmem_shared>> -> memref<10000x128xf32, #tpu.memory_space<vmem_shared>>
          tpu.enqueue_indirect_dma source(%arg14 : memref<40x128xf32, #tpu.memory_space<vmem>>) target(%dma_start3A_160 : memref<10000x128xf32, #tpu.memory_space<vmem_shared>>) offsets(%arg18 : memref<40xi32, #tpu.memory_space<vmem>>) semaphore(%arg22 : memref<!tpu.dma_semaphore, #tpu.memory_space<semaphore_mem>>) {add = true}
        } else {
        }
      }
      %scan3A_84 = arith.constant 32 : i32
      %dma_wait3A = arith.constant 0 : i32
      %dma_wait3A_85 = arith.constant 0 : i32
      %dma_wait3A_86 = tpu.memref_slice %arg20[%dma_wait3A, %dma_wait3A_85] : memref<10000x128xf32, #tpu.memory_space<vmem_shared>> -> memref<10000x128xf32, #tpu.memory_space<vmem_shared>>
      tpu.wait_indirect_dma semaphore(%arg22 : memref<!tpu.dma_semaphore, #tpu.memory_space<semaphore_mem>>) src(%arg11 : memref<40x128xf32, #tpu.memory_space<vmem>>) dst(%dma_wait3A_86 : memref<10000x128xf32, #tpu.memory_space<vmem_shared>>)
      %barrier3A_87 = arith.constant 0 : index
      tpu.barrier barrier_id(%barrier3A_87)
      %add3A_88 = arith.constant 0 : i32
      %add3A_89 = arith.addi %multiple_of3A, %add3A_88 : i32
      %multiple_of3A_90 = tpu.assume_multiple %add3A_89, 8 : i32
      "tpu.region"() ({
        %run_scoped3A = tpu.sem_alloc : memref<!tpu.dma_semaphore, #tpu.memory_space<semaphore_mem>>
        %dma_start3A_102 = arith.constant 0 : i32
        %dma_start3A_103 = tpu.memref_slice %arg7[%multiple_of3A_90, %dma_start3A_102] : memref<10000x128xf32, #tpu.memory_space<hbm>> -> memref<208x128xf32, #tpu.memory_space<hbm>>
        %dma_start3A_104 = arith.constant 0 : i32
        %dma_start3A_105 = tpu.memref_slice %arg20[%multiple_of3A_90, %dma_start3A_104] : memref<10000x128xf32, #tpu.memory_space<vmem_shared>> -> memref<208x128xf32, #tpu.memory_space<vmem_shared>>
        tpu.enqueue_dma source(%dma_start3A_105 : memref<208x128xf32, #tpu.memory_space<vmem_shared>>) target(%dma_start3A_103 : memref<208x128xf32, #tpu.memory_space<hbm>>) target_semaphore(%run_scoped3A : memref<!tpu.dma_semaphore, #tpu.memory_space<semaphore_mem>>)
        %dma_wait3A_106 = arith.constant 0 : i32
        %dma_wait3A_107 = tpu.memref_slice %arg7[%multiple_of3A_90, %dma_wait3A_106] : memref<10000x128xf32, #tpu.memory_space<hbm>> -> memref<208x128xf32, #tpu.memory_space<hbm>>
        %dma_wait3A_108 = arith.constant 0 : i32
        %dma_wait3A_109 = tpu.memref_slice %arg20[%multiple_of3A_90, %dma_wait3A_108] : memref<10000x128xf32, #tpu.memory_space<vmem_shared>> -> memref<208x128xf32, #tpu.memory_space<vmem_shared>>
        tpu.wait_dma2 semaphore(%run_scoped3A : memref<!tpu.dma_semaphore, #tpu.memory_space<semaphore_mem>>) src(%dma_wait3A_109 : memref<208x128xf32, #tpu.memory_space<vmem_shared>>) dst(%dma_wait3A_107 : memref<208x128xf32, #tpu.memory_space<hbm>>)
        tpu.yield
      }) : () -> ()
      %add3A_91 = arith.constant 208 : i32
      %add3A_92 = arith.addi %multiple_of3A, %add3A_91 : i32
      %multiple_of3A_93 = tpu.assume_multiple %add3A_92, 8 : i32
      "tpu.region"() ({
        %run_scoped3A = tpu.sem_alloc : memref<!tpu.dma_semaphore, #tpu.memory_space<semaphore_mem>>
        %dma_start3A_102 = arith.constant 0 : i32
        %dma_start3A_103 = tpu.memref_slice %arg7[%multiple_of3A_93, %dma_start3A_102] : memref<10000x128xf32, #tpu.memory_space<hbm>> -> memref<208x128xf32, #tpu.memory_space<hbm>>
        %dma_start3A_104 = arith.constant 0 : i32
        %dma_start3A_105 = tpu.memref_slice %arg20[%multiple_of3A_93, %dma_start3A_104] : memref<10000x128xf32, #tpu.memory_space<vmem_shared>> -> memref<208x128xf32, #tpu.memory_space<vmem_shared>>
        tpu.enqueue_dma source(%dma_start3A_105 : memref<208x128xf32, #tpu.memory_space<vmem_shared>>) target(%dma_start3A_103 : memref<208x128xf32, #tpu.memory_space<hbm>>) target_semaphore(%run_scoped3A : memref<!tpu.dma_semaphore, #tpu.memory_space<semaphore_mem>>)
        %dma_wait3A_106 = arith.constant 0 : i32
        %dma_wait3A_107 = tpu.memref_slice %arg7[%multiple_of3A_93, %dma_wait3A_106] : memref<10000x128xf32, #tpu.memory_space<hbm>> -> memref<208x128xf32, #tpu.memory_space<hbm>>
        %dma_wait3A_108 = arith.constant 0 : i32
        %dma_wait3A_109 = tpu.memref_slice %arg20[%multiple_of3A_93, %dma_wait3A_108] : memref<10000x128xf32, #tpu.memory_space<vmem_shared>> -> memref<208x128xf32, #tpu.memory_space<vmem_shared>>
        tpu.wait_dma2 semaphore(%run_scoped3A : memref<!tpu.dma_semaphore, #tpu.memory_space<semaphore_mem>>) src(%dma_wait3A_109 : memref<208x128xf32, #tpu.memory_space<vmem_shared>>) dst(%dma_wait3A_107 : memref<208x128xf32, #tpu.memory_space<hbm>>)
        tpu.yield
      }) : () -> ()
      %add3A_94 = arith.constant 416 : i32
      %add3A_95 = arith.addi %multiple_of3A, %add3A_94 : i32
      %multiple_of3A_96 = tpu.assume_multiple %add3A_95, 8 : i32
      "tpu.region"() ({
        %run_scoped3A = tpu.sem_alloc : memref<!tpu.dma_semaphore, #tpu.memory_space<semaphore_mem>>
        %dma_start3A_102 = arith.constant 0 : i32
        %dma_start3A_103 = tpu.memref_slice %arg7[%multiple_of3A_96, %dma_start3A_102] : memref<10000x128xf32, #tpu.memory_space<hbm>> -> memref<208x128xf32, #tpu.memory_space<hbm>>
        %dma_start3A_104 = arith.constant 0 : i32
        %dma_start3A_105 = tpu.memref_slice %arg20[%multiple_of3A_96, %dma_start3A_104] : memref<10000x128xf32, #tpu.memory_space<vmem_shared>> -> memref<208x128xf32, #tpu.memory_space<vmem_shared>>
        tpu.enqueue_dma source(%dma_start3A_105 : memref<208x128xf32, #tpu.memory_space<vmem_shared>>) target(%dma_start3A_103 : memref<208x128xf32, #tpu.memory_space<hbm>>) target_semaphore(%run_scoped3A : memref<!tpu.dma_semaphore, #tpu.memory_space<semaphore_mem>>)
        %dma_wait3A_106 = arith.constant 0 : i32
        %dma_wait3A_107 = tpu.memref_slice %arg7[%multiple_of3A_96, %dma_wait3A_106] : memref<10000x128xf32, #tpu.memory_space<hbm>> -> memref<208x128xf32, #tpu.memory_space<hbm>>
        %dma_wait3A_108 = arith.constant 0 : i32
        %dma_wait3A_109 = tpu.memref_slice %arg20[%multiple_of3A_96, %dma_wait3A_108] : memref<10000x128xf32, #tpu.memory_space<vmem_shared>> -> memref<208x128xf32, #tpu.memory_space<vmem_shared>>
        tpu.wait_dma2 semaphore(%run_scoped3A : memref<!tpu.dma_semaphore, #tpu.memory_space<semaphore_mem>>) src(%dma_wait3A_109 : memref<208x128xf32, #tpu.memory_space<vmem_shared>>) dst(%dma_wait3A_107 : memref<208x128xf32, #tpu.memory_space<hbm>>)
        tpu.yield
      }) : () -> ()
      %eq3A_97 = arith.constant 15 : i32
      %eq3A_98 = arith.cmpi eq, %arg1, %eq3A_97 : i32
      %convert_element_type3A_99 = arith.extui %eq3A_98 : i1 to i32
      %cond3A_100 = arith.constant 0 : i32
      %cond3A_101 = arith.cmpi ne, %convert_element_type3A_99, %cond3A_100 : i32
      scf.if %cond3A_101 {
        "tpu.region"() ({
          %run_scoped3A = tpu.sem_alloc : memref<!tpu.dma_semaphore, #tpu.memory_space<semaphore_mem>>
          %dma_start3A_102 = arith.constant 9984 : i32
          %dma_start3A_103 = arith.constant 0 : i32
          %dma_start3A_104 = tpu.memref_slice %arg7[%dma_start3A_102, %dma_start3A_103] : memref<10000x128xf32, #tpu.memory_space<hbm>> -> memref<16x128xf32, #tpu.memory_space<hbm>>
          %dma_start3A_105 = arith.constant 9984 : i32
          %dma_start3A_106 = arith.constant 0 : i32
          %dma_start3A_107 = tpu.memref_slice %arg20[%dma_start3A_105, %dma_start3A_106] : memref<10000x128xf32, #tpu.memory_space<vmem_shared>> -> memref<16x128xf32, #tpu.memory_space<vmem_shared>>
          tpu.enqueue_dma source(%dma_start3A_107 : memref<16x128xf32, #tpu.memory_space<vmem_shared>>) target(%dma_start3A_104 : memref<16x128xf32, #tpu.memory_space<hbm>>) target_semaphore(%run_scoped3A : memref<!tpu.dma_semaphore, #tpu.memory_space<semaphore_mem>>)
          %dma_wait3A_108 = arith.constant 9984 : i32
          %dma_wait3A_109 = arith.constant 0 : i32
          %dma_wait3A_110 = tpu.memref_slice %arg7[%dma_wait3A_108, %dma_wait3A_109] : memref<10000x128xf32, #tpu.memory_space<hbm>> -> memref<16x128xf32, #tpu.memory_space<hbm>>
          %dma_wait3A_111 = arith.constant 9984 : i32
          %dma_wait3A_112 = arith.constant 0 : i32
          %dma_wait3A_113 = tpu.memref_slice %arg20[%dma_wait3A_111, %dma_wait3A_112] : memref<10000x128xf32, #tpu.memory_space<vmem_shared>> -> memref<16x128xf32, #tpu.memory_space<vmem_shared>>
          tpu.wait_dma2 semaphore(%run_scoped3A : memref<!tpu.dma_semaphore, #tpu.memory_space<semaphore_mem>>) src(%dma_wait3A_113 : memref<16x128xf32, #tpu.memory_space<vmem_shared>>) dst(%dma_wait3A_110 : memref<16x128xf32, #tpu.memory_space<hbm>>)
          tpu.yield
        }) : () -> ()
      } else {
      }
    } else {
    }
    %eq3A_15 = arith.constant 0 : i32
    %eq3A_16 = arith.cmpi eq, %arg0, %eq3A_15 : i32
    %convert_element_type3A_17 = arith.extui %eq3A_16 : i1 to i32
    %cond3A_18 = arith.constant 0 : i32
    %cond3A_19 = arith.cmpi ne, %convert_element_type3A_17, %cond3A_18 : i32
    scf.if %cond3A_19 {
      %add3A_30 = arith.constant 0 : i32
      %add3A_31 = arith.addi %multiple_of3A, %add3A_30 : i32
      %multiple_of3A_32 = tpu.assume_multiple %add3A_31, 8 : i32
      "tpu.region"() ({
        %run_scoped3A = tpu.sem_alloc : memref<!tpu.dma_semaphore, #tpu.memory_space<semaphore_mem>>
        %dma_start3A_102 = arith.constant 0 : i32
        %dma_start3A_103 = tpu.memref_slice %arg20[%multiple_of3A_32, %dma_start3A_102] : memref<10000x128xf32, #tpu.memory_space<vmem_shared>> -> memref<208x128xf32, #tpu.memory_space<vmem_shared>>
        %dma_start3A_104 = arith.constant 0 : i32
        %dma_start3A_105 = tpu.memref_slice %arg20[%multiple_of3A_32, %dma_start3A_104] : memref<10000x128xf32, #tpu.memory_space<vmem_shared>> -> memref<208x128xf32, #tpu.memory_space<vmem_shared>>
        tpu.enqueue_dma source(%arg19 : memref<208x128xf32, #tpu.memory_space<vmem>>) target(%dma_start3A_105 : memref<208x128xf32, #tpu.memory_space<vmem_shared>>) target_semaphore(%run_scoped3A : memref<!tpu.dma_semaphore, #tpu.memory_space<semaphore_mem>>)
        %dma_wait3A_106 = arith.constant 0 : i32
        %dma_wait3A_107 = tpu.memref_slice %arg20[%multiple_of3A_32, %dma_wait3A_106] : memref<10000x128xf32, #tpu.memory_space<vmem_shared>> -> memref<208x128xf32, #tpu.memory_space<vmem_shared>>
        %dma_wait3A_108 = arith.constant 0 : i32
        %dma_wait3A_109 = tpu.memref_slice %arg20[%multiple_of3A_32, %dma_wait3A_108] : memref<10000x128xf32, #tpu.memory_space<vmem_shared>> -> memref<208x128xf32, #tpu.memory_space<vmem_shared>>
        tpu.wait_dma2 semaphore(%run_scoped3A : memref<!tpu.dma_semaphore, #tpu.memory_space<semaphore_mem>>) src(%arg19 : memref<208x128xf32, #tpu.memory_space<vmem>>) dst(%dma_wait3A_109 : memref<208x128xf32, #tpu.memory_space<vmem_shared>>)
        tpu.yield
      }) : () -> ()
      %add3A_33 = arith.constant 208 : i32
      %add3A_34 = arith.addi %multiple_of3A, %add3A_33 : i32
      %multiple_of3A_35 = tpu.assume_multiple %add3A_34, 8 : i32
      "tpu.region"() ({
        %run_scoped3A = tpu.sem_alloc : memref<!tpu.dma_semaphore, #tpu.memory_space<semaphore_mem>>
        %dma_start3A_102 = arith.constant 0 : i32
        %dma_start3A_103 = tpu.memref_slice %arg20[%multiple_of3A_35, %dma_start3A_102] : memref<10000x128xf32, #tpu.memory_space<vmem_shared>> -> memref<208x128xf32, #tpu.memory_space<vmem_shared>>
        %dma_start3A_104 = arith.constant 0 : i32
        %dma_start3A_105 = tpu.memref_slice %arg20[%multiple_of3A_35, %dma_start3A_104] : memref<10000x128xf32, #tpu.memory_space<vmem_shared>> -> memref<208x128xf32, #tpu.memory_space<vmem_shared>>
        tpu.enqueue_dma source(%arg19 : memref<208x128xf32, #tpu.memory_space<vmem>>) target(%dma_start3A_105 : memref<208x128xf32, #tpu.memory_space<vmem_shared>>) target_semaphore(%run_scoped3A : memref<!tpu.dma_semaphore, #tpu.memory_space<semaphore_mem>>)
        %dma_wait3A_106 = arith.constant 0 : i32
        %dma_wait3A_107 = tpu.memref_slice %arg20[%multiple_of3A_35, %dma_wait3A_106] : memref<10000x128xf32, #tpu.memory_space<vmem_shared>> -> memref<208x128xf32, #tpu.memory_space<vmem_shared>>
        %dma_wait3A_108 = arith.constant 0 : i32
        %dma_wait3A_109 = tpu.memref_slice %arg20[%multiple_of3A_35, %dma_wait3A_108] : memref<10000x128xf32, #tpu.memory_space<vmem_shared>> -> memref<208x128xf32, #tpu.memory_space<vmem_shared>>
        tpu.wait_dma2 semaphore(%run_scoped3A : memref<!tpu.dma_semaphore, #tpu.memory_space<semaphore_mem>>) src(%arg19 : memref<208x128xf32, #tpu.memory_space<vmem>>) dst(%dma_wait3A_109 : memref<208x128xf32, #tpu.memory_space<vmem_shared>>)
        tpu.yield
      }) : () -> ()
      %add3A_36 = arith.constant 416 : i32
      %add3A_37 = arith.addi %multiple_of3A, %add3A_36 : i32
      %multiple_of3A_38 = tpu.assume_multiple %add3A_37, 8 : i32
      "tpu.region"() ({
        %run_scoped3A = tpu.sem_alloc : memref<!tpu.dma_semaphore, #tpu.memory_space<semaphore_mem>>
        %dma_start3A_102 = arith.constant 0 : i32
        %dma_start3A_103 = tpu.memref_slice %arg20[%multiple_of3A_38, %dma_start3A_102] : memref<10000x128xf32, #tpu.memory_space<vmem_shared>> -> memref<208x128xf32, #tpu.memory_space<vmem_shared>>
        %dma_start3A_104 = arith.constant 0 : i32
        %dma_start3A_105 = tpu.memref_slice %arg20[%multiple_of3A_38, %dma_start3A_104] : memref<10000x128xf32, #tpu.memory_space<vmem_shared>> -> memref<208x128xf32, #tpu.memory_space<vmem_shared>>
        tpu.enqueue_dma source(%arg19 : memref<208x128xf32, #tpu.memory_space<vmem>>) target(%dma_start3A_105 : memref<208x128xf32, #tpu.memory_space<vmem_shared>>) target_semaphore(%run_scoped3A : memref<!tpu.dma_semaphore, #tpu.memory_space<semaphore_mem>>)
        %dma_wait3A_106 = arith.constant 0 : i32
        %dma_wait3A_107 = tpu.memref_slice %arg20[%multiple_of3A_38, %dma_wait3A_106] : memref<10000x128xf32, #tpu.memory_space<vmem_shared>> -> memref<208x128xf32, #tpu.memory_space<vmem_shared>>
        %dma_wait3A_108 = arith.constant 0 : i32
        %dma_wait3A_109 = tpu.memref_slice %arg20[%multiple_of3A_38, %dma_wait3A_108] : memref<10000x128xf32, #tpu.memory_space<vmem_shared>> -> memref<208x128xf32, #tpu.memory_space<vmem_shared>>
        tpu.wait_dma2 semaphore(%run_scoped3A : memref<!tpu.dma_semaphore, #tpu.memory_space<semaphore_mem>>) src(%arg19 : memref<208x128xf32, #tpu.memory_space<vmem>>) dst(%dma_wait3A_109 : memref<208x128xf32, #tpu.memory_space<vmem_shared>>)
        tpu.yield
      }) : () -> ()
      %eq3A_39 = arith.constant 15 : i32
      %eq3A_40 = arith.cmpi eq, %arg1, %eq3A_39 : i32
      %convert_element_type3A_41 = arith.extui %eq3A_40 : i1 to i32
      %cond3A_42 = arith.constant 0 : i32
      %cond3A_43 = arith.cmpi ne, %convert_element_type3A_41, %cond3A_42 : i32
      scf.if %cond3A_43 {
        "tpu.region"() ({
          %run_scoped3A = tpu.sem_alloc : memref<!tpu.dma_semaphore, #tpu.memory_space<semaphore_mem>>
          %dma_start3A_102 = arith.constant 0 : i32
          %dma_start3A_103 = arith.constant 0 : i32
          %dma_start3A_104 = tpu.memref_slice %arg19[%dma_start3A_102, %dma_start3A_103] : memref<208x128xf32, #tpu.memory_space<vmem>> -> memref<16x128xf32, #tpu.memory_space<vmem>>
          %dma_start3A_105 = arith.constant 9984 : i32
          %dma_start3A_106 = arith.constant 0 : i32
          %dma_start3A_107 = tpu.memref_slice %arg20[%dma_start3A_105, %dma_start3A_106] : memref<10000x128xf32, #tpu.memory_space<vmem_shared>> -> memref<16x128xf32, #tpu.memory_space<vmem_shared>>
          %dma_start3A_108 = arith.constant 9984 : i32
          %dma_start3A_109 = arith.constant 0 : i32
          %dma_start3A_110 = tpu.memref_slice %arg20[%dma_start3A_108, %dma_start3A_109] : memref<10000x128xf32, #tpu.memory_space<vmem_shared>> -> memref<16x128xf32, #tpu.memory_space<vmem_shared>>
          %dma_start3A_111 = arith.constant 0 : i32
          %dma_start3A_112 = arith.constant 0 : i32
          %dma_start3A_113 = tpu.memref_slice %arg19[%dma_start3A_111, %dma_start3A_112] : memref<208x128xf32, #tpu.memory_space<vmem>> -> memref<16x128xf32, #tpu.memory_space<vmem>>
          tpu.enqueue_dma source(%dma_start3A_113 : memref<16x128xf32, #tpu.memory_space<vmem>>) target(%dma_start3A_110 : memref<16x128xf32, #tpu.memory_space<vmem_shared>>) target_semaphore(%run_scoped3A : memref<!tpu.dma_semaphore, #tpu.memory_space<semaphore_mem>>)
          %dma_wait3A_114 = arith.constant 0 : i32
          %dma_wait3A_115 = arith.constant 0 : i32
          %dma_wait3A_116 = tpu.memref_slice %arg19[%dma_wait3A_114, %dma_wait3A_115] : memref<208x128xf32, #tpu.memory_space<vmem>> -> memref<16x128xf32, #tpu.memory_space<vmem>>
          %dma_wait3A_117 = arith.constant 9984 : i32
          %dma_wait3A_118 = arith.constant 0 : i32
          %dma_wait3A_119 = tpu.memref_slice %arg20[%dma_wait3A_117, %dma_wait3A_118] : memref<10000x128xf32, #tpu.memory_space<vmem_shared>> -> memref<16x128xf32, #tpu.memory_space<vmem_shared>>
          %dma_wait3A_120 = arith.constant 9984 : i32
          %dma_wait3A_121 = arith.constant 0 : i32
          %dma_wait3A_122 = tpu.memref_slice %arg20[%dma_wait3A_120, %dma_wait3A_121] : memref<10000x128xf32, #tpu.memory_space<vmem_shared>> -> memref<16x128xf32, #tpu.memory_space<vmem_shared>>
          %dma_wait3A_123 = arith.constant 0 : i32
          %dma_wait3A_124 = arith.constant 0 : i32
          %dma_wait3A_125 = tpu.memref_slice %arg19[%dma_wait3A_123, %dma_wait3A_124] : memref<208x128xf32, #tpu.memory_space<vmem>> -> memref<16x128xf32, #tpu.memory_space<vmem>>
          tpu.wait_dma2 semaphore(%run_scoped3A : memref<!tpu.dma_semaphore, #tpu.memory_space<semaphore_mem>>) src(%dma_wait3A_125 : memref<16x128xf32, #tpu.memory_space<vmem>>) dst(%dma_wait3A_122 : memref<16x128xf32, #tpu.memory_space<vmem_shared>>)
          tpu.yield
        }) : () -> ()
      } else {
      }
      %barrier3A = arith.constant 0 : index
      tpu.barrier barrier_id(%barrier3A)
      %add3A_44 = arith.constant 0 : i32
      %add3A_45 = arith.addi %multiple_of3A_12, %add3A_44 : i32
      %multiple_of3A_46 = tpu.assume_multiple %add3A_45, 8 : i32
      %add3A_47 = arith.constant 0 : i32
      %add3A_48 = arith.addi %multiple_of3A_8, %add3A_47 : i32
      %multiple_of3A_49 = tpu.assume_multiple %add3A_48, 8 : i32
      %dma_start3A = tpu.memref_slice %arg6[%multiple_of3A_46] : memref<160000xi32, #tpu.memory_space<hbm>> -> memref<40xi32, #tpu.memory_space<hbm>>
      %dma_start3A_50 = tpu.memref_slice %arg6[%multiple_of3A_46] : memref<160000xi32, #tpu.memory_space<hbm>> -> memref<40xi32, #tpu.memory_space<hbm>>
      tpu.enqueue_dma source(%dma_start3A_50 : memref<40xi32, #tpu.memory_space<hbm>>) target(%arg15 : memref<40xi32, #tpu.memory_space<vmem>>) target_semaphore(%arg21 : memref<!tpu.dma_semaphore, #tpu.memory_space<semaphore_mem>>)
      %dma_start3A_51 = arith.constant 0 : i32
      %dma_start3A_52 = tpu.memref_slice %arg3[%multiple_of3A_49, %dma_start3A_51] : memref<80000x128xf32, #tpu.memory_space<hbm>> -> memref<40x128xf32, #tpu.memory_space<hbm>>
      %dma_start3A_53 = arith.constant 0 : i32
      %dma_start3A_54 = tpu.memref_slice %arg3[%multiple_of3A_49, %dma_start3A_53] : memref<80000x128xf32, #tpu.memory_space<hbm>> -> memref<40x128xf32, #tpu.memory_space<hbm>>
      tpu.enqueue_dma source(%dma_start3A_54 : memref<40x128xf32, #tpu.memory_space<hbm>>) target(%arg11 : memref<40x128xf32, #tpu.memory_space<vmem>>) target_semaphore(%arg21 : memref<!tpu.dma_semaphore, #tpu.memory_space<semaphore_mem>>)
      %add3A_55 = arith.constant 40 : i32
      %add3A_56 = arith.addi %multiple_of3A_12, %add3A_55 : i32
      %multiple_of3A_57 = tpu.assume_multiple %add3A_56, 8 : i32
      %add3A_58 = arith.constant 40 : i32
      %add3A_59 = arith.addi %multiple_of3A_8, %add3A_58 : i32
      %multiple_of3A_60 = tpu.assume_multiple %add3A_59, 8 : i32
      %dma_start3A_61 = tpu.memref_slice %arg6[%multiple_of3A_57] : memref<160000xi32, #tpu.memory_space<hbm>> -> memref<40xi32, #tpu.memory_space<hbm>>
      %dma_start3A_62 = tpu.memref_slice %arg6[%multiple_of3A_57] : memref<160000xi32, #tpu.memory_space<hbm>> -> memref<40xi32, #tpu.memory_space<hbm>>
      tpu.enqueue_dma source(%dma_start3A_62 : memref<40xi32, #tpu.memory_space<hbm>>) target(%arg16 : memref<40xi32, #tpu.memory_space<vmem>>) target_semaphore(%arg21 : memref<!tpu.dma_semaphore, #tpu.memory_space<semaphore_mem>>)
      %dma_start3A_63 = arith.constant 0 : i32
      %dma_start3A_64 = tpu.memref_slice %arg3[%multiple_of3A_60, %dma_start3A_63] : memref<80000x128xf32, #tpu.memory_space<hbm>> -> memref<40x128xf32, #tpu.memory_space<hbm>>
      %dma_start3A_65 = arith.constant 0 : i32
      %dma_start3A_66 = tpu.memref_slice %arg3[%multiple_of3A_60, %dma_start3A_65] : memref<80000x128xf32, #tpu.memory_space<hbm>> -> memref<40x128xf32, #tpu.memory_space<hbm>>
      tpu.enqueue_dma source(%dma_start3A_66 : memref<40x128xf32, #tpu.memory_space<hbm>>) target(%arg12 : memref<40x128xf32, #tpu.memory_space<vmem>>) target_semaphore(%arg21 : memref<!tpu.dma_semaphore, #tpu.memory_space<semaphore_mem>>)
      %add3A_67 = arith.constant 80 : i32
      %add3A_68 = arith.addi %multiple_of3A_12, %add3A_67 : i32
      %multiple_of3A_69 = tpu.assume_multiple %add3A_68, 8 : i32
      %add3A_70 = arith.constant 80 : i32
      %add3A_71 = arith.addi %multiple_of3A_8, %add3A_70 : i32
      %multiple_of3A_72 = tpu.assume_multiple %add3A_71, 8 : i32
      %dma_start3A_73 = tpu.memref_slice %arg6[%multiple_of3A_69] : memref<160000xi32, #tpu.memory_space<hbm>> -> memref<40xi32, #tpu.memory_space<hbm>>
      %dma_start3A_74 = tpu.memref_slice %arg6[%multiple_of3A_69] : memref<160000xi32, #tpu.memory_space<hbm>> -> memref<40xi32, #tpu.memory_space<hbm>>
      tpu.enqueue_dma source(%dma_start3A_74 : memref<40xi32, #tpu.memory_space<hbm>>) target(%arg17 : memref<40xi32, #tpu.memory_space<vmem>>) target_semaphore(%arg21 : memref<!tpu.dma_semaphore, #tpu.memory_space<semaphore_mem>>)
      %dma_start3A_75 = arith.constant 0 : i32
      %dma_start3A_76 = tpu.memref_slice %arg3[%multiple_of3A_72, %dma_start3A_75] : memref<80000x128xf32, #tpu.memory_space<hbm>> -> memref<40x128xf32, #tpu.memory_space<hbm>>
      %dma_start3A_77 = arith.constant 0 : i32
      %dma_start3A_78 = tpu.memref_slice %arg3[%multiple_of3A_72, %dma_start3A_77] : memref<80000x128xf32, #tpu.memory_space<hbm>> -> memref<40x128xf32, #tpu.memory_space<hbm>>
      tpu.enqueue_dma source(%dma_start3A_78 : memref<40x128xf32, #tpu.memory_space<hbm>>) target(%arg13 : memref<40x128xf32, #tpu.memory_space<vmem>>) target_semaphore(%arg21 : memref<!tpu.dma_semaphore, #tpu.memory_space<semaphore_mem>>)
      %scan3A_79 = arith.constant 0 : i32
      %scan3A_80 = arith.constant 0 : i32
      %scan3A_81 = arith.constant 32 : i32
      %scan3A_82 = arith.addi %scan3A_80, %scan3A_81 : i32
      %scan3A_83 = arith.constant 1 : i32
      scf.for %scan3A_102 = %scan3A_80 to %scan3A_82 step %scan3A_83  : i32 {
        %mul3A_103 = arith.constant 4 : i32
        %mul3A_104 = arith.muli %scan3A_102, %mul3A_103 : i32
        %add3A_105 = arith.constant 0 : i32
        %add3A_106 = arith.addi %mul3A_104, %add3A_105 : i32
        %lt3A = arith.constant 125 : i32
        %lt3A_107 = arith.cmpi slt, %add3A_106, %lt3A : i32
        %convert_element_type3A_108 = arith.extui %lt3A_107 : i1 to i32
        %cond3A_109 = arith.constant 0 : i32
        %cond3A_110 = arith.cmpi ne, %convert_element_type3A_108, %cond3A_109 : i32
        scf.if %cond3A_110 {
          %mul3A_132 = arith.constant 40 : i32
          %mul3A_133 = arith.muli %add3A_106, %mul3A_132 : i32
          %add3A_134 = arith.addi %multiple_of3A_12, %mul3A_133 : i32
          %multiple_of3A_135 = tpu.assume_multiple %add3A_134, 8 : i32
          %mul3A_136 = arith.constant 40 : i32
          %mul3A_137 = arith.muli %add3A_106, %mul3A_136 : i32
          %add3A_138 = arith.addi %multiple_of3A_8, %mul3A_137 : i32
          %multiple_of3A_139 = tpu.assume_multiple %add3A_138, 8 : i32
          %dma_wait3A_140 = tpu.memref_slice %arg6[%multiple_of3A_135] : memref<160000xi32, #tpu.memory_space<hbm>> -> memref<40xi32, #tpu.memory_space<hbm>>
          %dma_wait3A_141 = tpu.memref_slice %arg6[%multiple_of3A_135] : memref<160000xi32, #tpu.memory_space<hbm>> -> memref<40xi32, #tpu.memory_space<hbm>>
          tpu.wait_dma2 semaphore(%arg21 : memref<!tpu.dma_semaphore, #tpu.memory_space<semaphore_mem>>) src(%dma_wait3A_141 : memref<40xi32, #tpu.memory_space<hbm>>) dst(%arg15 : memref<40xi32, #tpu.memory_space<vmem>>)
          %dma_wait3A_142 = arith.constant 0 : i32
          %dma_wait3A_143 = tpu.memref_slice %arg3[%multiple_of3A_139, %dma_wait3A_142] : memref<80000x128xf32, #tpu.memory_space<hbm>> -> memref<40x128xf32, #tpu.memory_space<hbm>>
          %dma_wait3A_144 = arith.constant 0 : i32
          %dma_wait3A_145 = tpu.memref_slice %arg3[%multiple_of3A_139, %dma_wait3A_144] : memref<80000x128xf32, #tpu.memory_space<hbm>> -> memref<40x128xf32, #tpu.memory_space<hbm>>
          tpu.wait_dma2 semaphore(%arg21 : memref<!tpu.dma_semaphore, #tpu.memory_space<semaphore_mem>>) src(%dma_wait3A_145 : memref<40x128xf32, #tpu.memory_space<hbm>>) dst(%arg11 : memref<40x128xf32, #tpu.memory_space<vmem>>)
          %gt3A = arith.constant 0 : i32
          %gt3A_146 = arith.cmpi sgt, %add3A_106, %gt3A : i32
          %convert_element_type3A_147 = arith.extui %gt3A_146 : i1 to i32
          %cond3A_148 = arith.constant 0 : i32
          %cond3A_149 = arith.cmpi ne, %convert_element_type3A_147, %cond3A_148 : i32
          scf.if %cond3A_149 {
            %dma_wait3A_161 = arith.constant 0 : i32
            %dma_wait3A_162 = arith.constant 0 : i32
            %dma_wait3A_163 = tpu.memref_slice %arg20[%dma_wait3A_161, %dma_wait3A_162] : memref<10000x128xf32, #tpu.memory_space<vmem_shared>> -> memref<10000x128xf32, #tpu.memory_space<vmem_shared>>
            tpu.wait_indirect_dma semaphore(%arg22 : memref<!tpu.dma_semaphore, #tpu.memory_space<semaphore_mem>>) src(%arg14 : memref<40x128xf32, #tpu.memory_space<vmem>>) dst(%dma_wait3A_163 : memref<10000x128xf32, #tpu.memory_space<vmem_shared>>)
          } else {
          }
          %add3A_150 = arith.constant 4 : i32
          %add3A_151 = arith.addi %add3A_106, %add3A_150 : i32
          %sub3A = arith.constant 1 : i32
          %sub3A_152 = arith.subi %add3A_151, %sub3A : i32
          %lt3A_153 = arith.constant 125 : i32
          %lt3A_154 = arith.cmpi slt, %sub3A_152, %lt3A_153 : i32
          %convert_element_type3A_155 = arith.extui %lt3A_154 : i1 to i32
          %cond3A_156 = arith.constant 0 : i32
          %cond3A_157 = arith.cmpi ne, %convert_element_type3A_155, %cond3A_156 : i32
          scf.if %cond3A_157 {
            %add3A_161 = arith.constant 4 : i32
            %add3A_162 = arith.addi %add3A_106, %add3A_161 : i32
            %sub3A_163 = arith.constant 1 : i32
            %sub3A_164 = arith.subi %add3A_162, %sub3A_163 : i32
            %mul3A_165 = arith.constant 40 : i32
            %mul3A_166 = arith.muli %sub3A_164, %mul3A_165 : i32
            %add3A_167 = arith.addi %multiple_of3A_12, %mul3A_166 : i32
            %multiple_of3A_168 = tpu.assume_multiple %add3A_167, 8 : i32
            %mul3A_169 = arith.constant 40 : i32
            %mul3A_170 = arith.muli %sub3A_164, %mul3A_169 : i32
            %add3A_171 = arith.addi %multiple_of3A_8, %mul3A_170 : i32
            %multiple_of3A_172 = tpu.assume_multiple %add3A_171, 8 : i32
            %dma_start3A_173 = tpu.memref_slice %arg6[%multiple_of3A_168] : memref<160000xi32, #tpu.memory_space<hbm>> -> memref<40xi32, #tpu.memory_space<hbm>>
            %dma_start3A_174 = tpu.memref_slice %arg6[%multiple_of3A_168] : memref<160000xi32, #tpu.memory_space<hbm>> -> memref<40xi32, #tpu.memory_space<hbm>>
            tpu.enqueue_dma source(%dma_start3A_174 : memref<40xi32, #tpu.memory_space<hbm>>) target(%arg18 : memref<40xi32, #tpu.memory_space<vmem>>) target_semaphore(%arg21 : memref<!tpu.dma_semaphore, #tpu.memory_space<semaphore_mem>>)
            %dma_start3A_175 = arith.constant 0 : i32
            %dma_start3A_176 = tpu.memref_slice %arg3[%multiple_of3A_172, %dma_start3A_175] : memref<80000x128xf32, #tpu.memory_space<hbm>> -> memref<40x128xf32, #tpu.memory_space<hbm>>
            %dma_start3A_177 = arith.constant 0 : i32
            %dma_start3A_178 = tpu.memref_slice %arg3[%multiple_of3A_172, %dma_start3A_177] : memref<80000x128xf32, #tpu.memory_space<hbm>> -> memref<40x128xf32, #tpu.memory_space<hbm>>
            tpu.enqueue_dma source(%dma_start3A_178 : memref<40x128xf32, #tpu.memory_space<hbm>>) target(%arg14 : memref<40x128xf32, #tpu.memory_space<vmem>>) target_semaphore(%arg21 : memref<!tpu.dma_semaphore, #tpu.memory_space<semaphore_mem>>)
          } else {
          }
          %dma_start3A_158 = arith.constant 0 : i32
          %dma_start3A_159 = arith.constant 0 : i32
          %dma_start3A_160 = tpu.memref_slice %arg20[%dma_start3A_158, %dma_start3A_159] : memref<10000x128xf32, #tpu.memory_space<vmem_shared>> -> memref<10000x128xf32, #tpu.memory_space<vmem_shared>>
          tpu.enqueue_indirect_dma source(%arg11 : memref<40x128xf32, #tpu.memory_space<vmem>>) target(%dma_start3A_160 : memref<10000x128xf32, #tpu.memory_space<vmem_shared>>) offsets(%arg15 : memref<40xi32, #tpu.memory_space<vmem>>) semaphore(%arg22 : memref<!tpu.dma_semaphore, #tpu.memory_space<semaphore_mem>>) {add = true}
        } else {
        }
        %add3A_111 = arith.constant 1 : i32
        %add3A_112 = arith.addi %mul3A_104, %add3A_111 : i32
        %lt3A_113 = arith.constant 125 : i32
        %lt3A_114 = arith.cmpi slt, %add3A_112, %lt3A_113 : i32
        %convert_element_type3A_115 = arith.extui %lt3A_114 : i1 to i32
        %cond3A_116 = arith.constant 0 : i32
        %cond3A_117 = arith.cmpi ne, %convert_element_type3A_115, %cond3A_116 : i32
        scf.if %cond3A_117 {
          %mul3A_132 = arith.constant 40 : i32
          %mul3A_133 = arith.muli %add3A_112, %mul3A_132 : i32
          %add3A_134 = arith.addi %multiple_of3A_12, %mul3A_133 : i32
          %multiple_of3A_135 = tpu.assume_multiple %add3A_134, 8 : i32
          %mul3A_136 = arith.constant 40 : i32
          %mul3A_137 = arith.muli %add3A_112, %mul3A_136 : i32
          %add3A_138 = arith.addi %multiple_of3A_8, %mul3A_137 : i32
          %multiple_of3A_139 = tpu.assume_multiple %add3A_138, 8 : i32
          %dma_wait3A_140 = tpu.memref_slice %arg6[%multiple_of3A_135] : memref<160000xi32, #tpu.memory_space<hbm>> -> memref<40xi32, #tpu.memory_space<hbm>>
          %dma_wait3A_141 = tpu.memref_slice %arg6[%multiple_of3A_135] : memref<160000xi32, #tpu.memory_space<hbm>> -> memref<40xi32, #tpu.memory_space<hbm>>
          tpu.wait_dma2 semaphore(%arg21 : memref<!tpu.dma_semaphore, #tpu.memory_space<semaphore_mem>>) src(%dma_wait3A_141 : memref<40xi32, #tpu.memory_space<hbm>>) dst(%arg16 : memref<40xi32, #tpu.memory_space<vmem>>)
          %dma_wait3A_142 = arith.constant 0 : i32
          %dma_wait3A_143 = tpu.memref_slice %arg3[%multiple_of3A_139, %dma_wait3A_142] : memref<80000x128xf32, #tpu.memory_space<hbm>> -> memref<40x128xf32, #tpu.memory_space<hbm>>
          %dma_wait3A_144 = arith.constant 0 : i32
          %dma_wait3A_145 = tpu.memref_slice %arg3[%multiple_of3A_139, %dma_wait3A_144] : memref<80000x128xf32, #tpu.memory_space<hbm>> -> memref<40x128xf32, #tpu.memory_space<hbm>>
          tpu.wait_dma2 semaphore(%arg21 : memref<!tpu.dma_semaphore, #tpu.memory_space<semaphore_mem>>) src(%dma_wait3A_145 : memref<40x128xf32, #tpu.memory_space<hbm>>) dst(%arg12 : memref<40x128xf32, #tpu.memory_space<vmem>>)
          %gt3A = arith.constant 0 : i32
          %gt3A_146 = arith.cmpi sgt, %add3A_112, %gt3A : i32
          %convert_element_type3A_147 = arith.extui %gt3A_146 : i1 to i32
          %cond3A_148 = arith.constant 0 : i32
          %cond3A_149 = arith.cmpi ne, %convert_element_type3A_147, %cond3A_148 : i32
          scf.if %cond3A_149 {
            %dma_wait3A_161 = arith.constant 0 : i32
            %dma_wait3A_162 = arith.constant 0 : i32
            %dma_wait3A_163 = tpu.memref_slice %arg20[%dma_wait3A_161, %dma_wait3A_162] : memref<10000x128xf32, #tpu.memory_space<vmem_shared>> -> memref<10000x128xf32, #tpu.memory_space<vmem_shared>>
            tpu.wait_indirect_dma semaphore(%arg22 : memref<!tpu.dma_semaphore, #tpu.memory_space<semaphore_mem>>) src(%arg11 : memref<40x128xf32, #tpu.memory_space<vmem>>) dst(%dma_wait3A_163 : memref<10000x128xf32, #tpu.memory_space<vmem_shared>>)
          } else {
          }
          %add3A_150 = arith.constant 4 : i32
          %add3A_151 = arith.addi %add3A_112, %add3A_150 : i32
          %sub3A = arith.constant 1 : i32
          %sub3A_152 = arith.subi %add3A_151, %sub3A : i32
          %lt3A_153 = arith.constant 125 : i32
          %lt3A_154 = arith.cmpi slt, %sub3A_152, %lt3A_153 : i32
          %convert_element_type3A_155 = arith.extui %lt3A_154 : i1 to i32
          %cond3A_156 = arith.constant 0 : i32
          %cond3A_157 = arith.cmpi ne, %convert_element_type3A_155, %cond3A_156 : i32
          scf.if %cond3A_157 {
            %add3A_161 = arith.constant 4 : i32
            %add3A_162 = arith.addi %add3A_112, %add3A_161 : i32
            %sub3A_163 = arith.constant 1 : i32
            %sub3A_164 = arith.subi %add3A_162, %sub3A_163 : i32
            %mul3A_165 = arith.constant 40 : i32
            %mul3A_166 = arith.muli %sub3A_164, %mul3A_165 : i32
            %add3A_167 = arith.addi %multiple_of3A_12, %mul3A_166 : i32
            %multiple_of3A_168 = tpu.assume_multiple %add3A_167, 8 : i32
            %mul3A_169 = arith.constant 40 : i32
            %mul3A_170 = arith.muli %sub3A_164, %mul3A_169 : i32
            %add3A_171 = arith.addi %multiple_of3A_8, %mul3A_170 : i32
            %multiple_of3A_172 = tpu.assume_multiple %add3A_171, 8 : i32
            %dma_start3A_173 = tpu.memref_slice %arg6[%multiple_of3A_168] : memref<160000xi32, #tpu.memory_space<hbm>> -> memref<40xi32, #tpu.memory_space<hbm>>
            %dma_start3A_174 = tpu.memref_slice %arg6[%multiple_of3A_168] : memref<160000xi32, #tpu.memory_space<hbm>> -> memref<40xi32, #tpu.memory_space<hbm>>
            tpu.enqueue_dma source(%dma_start3A_174 : memref<40xi32, #tpu.memory_space<hbm>>) target(%arg15 : memref<40xi32, #tpu.memory_space<vmem>>) target_semaphore(%arg21 : memref<!tpu.dma_semaphore, #tpu.memory_space<semaphore_mem>>)
            %dma_start3A_175 = arith.constant 0 : i32
            %dma_start3A_176 = tpu.memref_slice %arg3[%multiple_of3A_172, %dma_start3A_175] : memref<80000x128xf32, #tpu.memory_space<hbm>> -> memref<40x128xf32, #tpu.memory_space<hbm>>
            %dma_start3A_177 = arith.constant 0 : i32
            %dma_start3A_178 = tpu.memref_slice %arg3[%multiple_of3A_172, %dma_start3A_177] : memref<80000x128xf32, #tpu.memory_space<hbm>> -> memref<40x128xf32, #tpu.memory_space<hbm>>
            tpu.enqueue_dma source(%dma_start3A_178 : memref<40x128xf32, #tpu.memory_space<hbm>>) target(%arg11 : memref<40x128xf32, #tpu.memory_space<vmem>>) target_semaphore(%arg21 : memref<!tpu.dma_semaphore, #tpu.memory_space<semaphore_mem>>)
          } else {
          }
          %dma_start3A_158 = arith.constant 0 : i32
          %dma_start3A_159 = arith.constant 0 : i32
          %dma_start3A_160 = tpu.memref_slice %arg20[%dma_start3A_158, %dma_start3A_159] : memref<10000x128xf32, #tpu.memory_space<vmem_shared>> -> memref<10000x128xf32, #tpu.memory_space<vmem_shared>>
          tpu.enqueue_indirect_dma source(%arg12 : memref<40x128xf32, #tpu.memory_space<vmem>>) target(%dma_start3A_160 : memref<10000x128xf32, #tpu.memory_space<vmem_shared>>) offsets(%arg16 : memref<40xi32, #tpu.memory_space<vmem>>) semaphore(%arg22 : memref<!tpu.dma_semaphore, #tpu.memory_space<semaphore_mem>>) {add = true}
        } else {
        }
        %add3A_118 = arith.constant 2 : i32
        %add3A_119 = arith.addi %mul3A_104, %add3A_118 : i32
        %lt3A_120 = arith.constant 125 : i32
        %lt3A_121 = arith.cmpi slt, %add3A_119, %lt3A_120 : i32
        %convert_element_type3A_122 = arith.extui %lt3A_121 : i1 to i32
        %cond3A_123 = arith.constant 0 : i32
        %cond3A_124 = arith.cmpi ne, %convert_element_type3A_122, %cond3A_123 : i32
        scf.if %cond3A_124 {
          %mul3A_132 = arith.constant 40 : i32
          %mul3A_133 = arith.muli %add3A_119, %mul3A_132 : i32
          %add3A_134 = arith.addi %multiple_of3A_12, %mul3A_133 : i32
          %multiple_of3A_135 = tpu.assume_multiple %add3A_134, 8 : i32
          %mul3A_136 = arith.constant 40 : i32
          %mul3A_137 = arith.muli %add3A_119, %mul3A_136 : i32
          %add3A_138 = arith.addi %multiple_of3A_8, %mul3A_137 : i32
          %multiple_of3A_139 = tpu.assume_multiple %add3A_138, 8 : i32
          %dma_wait3A_140 = tpu.memref_slice %arg6[%multiple_of3A_135] : memref<160000xi32, #tpu.memory_space<hbm>> -> memref<40xi32, #tpu.memory_space<hbm>>
          %dma_wait3A_141 = tpu.memref_slice %arg6[%multiple_of3A_135] : memref<160000xi32, #tpu.memory_space<hbm>> -> memref<40xi32, #tpu.memory_space<hbm>>
          tpu.wait_dma2 semaphore(%arg21 : memref<!tpu.dma_semaphore, #tpu.memory_space<semaphore_mem>>) src(%dma_wait3A_141 : memref<40xi32, #tpu.memory_space<hbm>>) dst(%arg17 : memref<40xi32, #tpu.memory_space<vmem>>)
          %dma_wait3A_142 = arith.constant 0 : i32
          %dma_wait3A_143 = tpu.memref_slice %arg3[%multiple_of3A_139, %dma_wait3A_142] : memref<80000x128xf32, #tpu.memory_space<hbm>> -> memref<40x128xf32, #tpu.memory_space<hbm>>
          %dma_wait3A_144 = arith.constant 0 : i32
          %dma_wait3A_145 = tpu.memref_slice %arg3[%multiple_of3A_139, %dma_wait3A_144] : memref<80000x128xf32, #tpu.memory_space<hbm>> -> memref<40x128xf32, #tpu.memory_space<hbm>>
          tpu.wait_dma2 semaphore(%arg21 : memref<!tpu.dma_semaphore, #tpu.memory_space<semaphore_mem>>) src(%dma_wait3A_145 : memref<40x128xf32, #tpu.memory_space<hbm>>) dst(%arg13 : memref<40x128xf32, #tpu.memory_space<vmem>>)
          %gt3A = arith.constant 0 : i32
          %gt3A_146 = arith.cmpi sgt, %add3A_119, %gt3A : i32
          %convert_element_type3A_147 = arith.extui %gt3A_146 : i1 to i32
          %cond3A_148 = arith.constant 0 : i32
          %cond3A_149 = arith.cmpi ne, %convert_element_type3A_147, %cond3A_148 : i32
          scf.if %cond3A_149 {
            %dma_wait3A_161 = arith.constant 0 : i32
            %dma_wait3A_162 = arith.constant 0 : i32
            %dma_wait3A_163 = tpu.memref_slice %arg20[%dma_wait3A_161, %dma_wait3A_162] : memref<10000x128xf32, #tpu.memory_space<vmem_shared>> -> memref<10000x128xf32, #tpu.memory_space<vmem_shared>>
            tpu.wait_indirect_dma semaphore(%arg22 : memref<!tpu.dma_semaphore, #tpu.memory_space<semaphore_mem>>) src(%arg12 : memref<40x128xf32, #tpu.memory_space<vmem>>) dst(%dma_wait3A_163 : memref<10000x128xf32, #tpu.memory_space<vmem_shared>>)
          } else {
          }
          %add3A_150 = arith.constant 4 : i32
          %add3A_151 = arith.addi %add3A_119, %add3A_150 : i32
          %sub3A = arith.constant 1 : i32
          %sub3A_152 = arith.subi %add3A_151, %sub3A : i32
          %lt3A_153 = arith.constant 125 : i32
          %lt3A_154 = arith.cmpi slt, %sub3A_152, %lt3A_153 : i32
          %convert_element_type3A_155 = arith.extui %lt3A_154 : i1 to i32
          %cond3A_156 = arith.constant 0 : i32
          %cond3A_157 = arith.cmpi ne, %convert_element_type3A_155, %cond3A_156 : i32
          scf.if %cond3A_157 {
            %add3A_161 = arith.constant 4 : i32
            %add3A_162 = arith.addi %add3A_119, %add3A_161 : i32
            %sub3A_163 = arith.constant 1 : i32
            %sub3A_164 = arith.subi %add3A_162, %sub3A_163 : i32
            %mul3A_165 = arith.constant 40 : i32
            %mul3A_166 = arith.muli %sub3A_164, %mul3A_165 : i32
            %add3A_167 = arith.addi %multiple_of3A_12, %mul3A_166 : i32
            %multiple_of3A_168 = tpu.assume_multiple %add3A_167, 8 : i32
            %mul3A_169 = arith.constant 40 : i32
            %mul3A_170 = arith.muli %sub3A_164, %mul3A_169 : i32
            %add3A_171 = arith.addi %multiple_of3A_8, %mul3A_170 : i32
            %multiple_of3A_172 = tpu.assume_multiple %add3A_171, 8 : i32
            %dma_start3A_173 = tpu.memref_slice %arg6[%multiple_of3A_168] : memref<160000xi32, #tpu.memory_space<hbm>> -> memref<40xi32, #tpu.memory_space<hbm>>
            %dma_start3A_174 = tpu.memref_slice %arg6[%multiple_of3A_168] : memref<160000xi32, #tpu.memory_space<hbm>> -> memref<40xi32, #tpu.memory_space<hbm>>
            tpu.enqueue_dma source(%dma_start3A_174 : memref<40xi32, #tpu.memory_space<hbm>>) target(%arg16 : memref<40xi32, #tpu.memory_space<vmem>>) target_semaphore(%arg21 : memref<!tpu.dma_semaphore, #tpu.memory_space<semaphore_mem>>)
            %dma_start3A_175 = arith.constant 0 : i32
            %dma_start3A_176 = tpu.memref_slice %arg3[%multiple_of3A_172, %dma_start3A_175] : memref<80000x128xf32, #tpu.memory_space<hbm>> -> memref<40x128xf32, #tpu.memory_space<hbm>>
            %dma_start3A_177 = arith.constant 0 : i32
            %dma_start3A_178 = tpu.memref_slice %arg3[%multiple_of3A_172, %dma_start3A_177] : memref<80000x128xf32, #tpu.memory_space<hbm>> -> memref<40x128xf32, #tpu.memory_space<hbm>>
            tpu.enqueue_dma source(%dma_start3A_178 : memref<40x128xf32, #tpu.memory_space<hbm>>) target(%arg12 : memref<40x128xf32, #tpu.memory_space<vmem>>) target_semaphore(%arg21 : memref<!tpu.dma_semaphore, #tpu.memory_space<semaphore_mem>>)
          } else {
          }
          %dma_start3A_158 = arith.constant 0 : i32
          %dma_start3A_159 = arith.constant 0 : i32
          %dma_start3A_160 = tpu.memref_slice %arg20[%dma_start3A_158, %dma_start3A_159] : memref<10000x128xf32, #tpu.memory_space<vmem_shared>> -> memref<10000x128xf32, #tpu.memory_space<vmem_shared>>
          tpu.enqueue_indirect_dma source(%arg13 : memref<40x128xf32, #tpu.memory_space<vmem>>) target(%dma_start3A_160 : memref<10000x128xf32, #tpu.memory_space<vmem_shared>>) offsets(%arg17 : memref<40xi32, #tpu.memory_space<vmem>>) semaphore(%arg22 : memref<!tpu.dma_semaphore, #tpu.memory_space<semaphore_mem>>) {add = true}
        } else {
        }
        %add3A_125 = arith.constant 3 : i32
        %add3A_126 = arith.addi %mul3A_104, %add3A_125 : i32
        %lt3A_127 = arith.constant 125 : i32
        %lt3A_128 = arith.cmpi slt, %add3A_126, %lt3A_127 : i32
        %convert_element_type3A_129 = arith.extui %lt3A_128 : i1 to i32
        %cond3A_130 = arith.constant 0 : i32
        %cond3A_131 = arith.cmpi ne, %convert_element_type3A_129, %cond3A_130 : i32
        scf.if %cond3A_131 {
          %mul3A_132 = arith.constant 40 : i32
          %mul3A_133 = arith.muli %add3A_126, %mul3A_132 : i32
          %add3A_134 = arith.addi %multiple_of3A_12, %mul3A_133 : i32
          %multiple_of3A_135 = tpu.assume_multiple %add3A_134, 8 : i32
          %mul3A_136 = arith.constant 40 : i32
          %mul3A_137 = arith.muli %add3A_126, %mul3A_136 : i32
          %add3A_138 = arith.addi %multiple_of3A_8, %mul3A_137 : i32
          %multiple_of3A_139 = tpu.assume_multiple %add3A_138, 8 : i32
          %dma_wait3A_140 = tpu.memref_slice %arg6[%multiple_of3A_135] : memref<160000xi32, #tpu.memory_space<hbm>> -> memref<40xi32, #tpu.memory_space<hbm>>
          %dma_wait3A_141 = tpu.memref_slice %arg6[%multiple_of3A_135] : memref<160000xi32, #tpu.memory_space<hbm>> -> memref<40xi32, #tpu.memory_space<hbm>>
          tpu.wait_dma2 semaphore(%arg21 : memref<!tpu.dma_semaphore, #tpu.memory_space<semaphore_mem>>) src(%dma_wait3A_141 : memref<40xi32, #tpu.memory_space<hbm>>) dst(%arg18 : memref<40xi32, #tpu.memory_space<vmem>>)
          %dma_wait3A_142 = arith.constant 0 : i32
          %dma_wait3A_143 = tpu.memref_slice %arg3[%multiple_of3A_139, %dma_wait3A_142] : memref<80000x128xf32, #tpu.memory_space<hbm>> -> memref<40x128xf32, #tpu.memory_space<hbm>>
          %dma_wait3A_144 = arith.constant 0 : i32
          %dma_wait3A_145 = tpu.memref_slice %arg3[%multiple_of3A_139, %dma_wait3A_144] : memref<80000x128xf32, #tpu.memory_space<hbm>> -> memref<40x128xf32, #tpu.memory_space<hbm>>
          tpu.wait_dma2 semaphore(%arg21 : memref<!tpu.dma_semaphore, #tpu.memory_space<semaphore_mem>>) src(%dma_wait3A_145 : memref<40x128xf32, #tpu.memory_space<hbm>>) dst(%arg14 : memref<40x128xf32, #tpu.memory_space<vmem>>)
          %gt3A = arith.constant 0 : i32
          %gt3A_146 = arith.cmpi sgt, %add3A_126, %gt3A : i32
          %convert_element_type3A_147 = arith.extui %gt3A_146 : i1 to i32
          %cond3A_148 = arith.constant 0 : i32
          %cond3A_149 = arith.cmpi ne, %convert_element_type3A_147, %cond3A_148 : i32
          scf.if %cond3A_149 {
            %dma_wait3A_161 = arith.constant 0 : i32
            %dma_wait3A_162 = arith.constant 0 : i32
            %dma_wait3A_163 = tpu.memref_slice %arg20[%dma_wait3A_161, %dma_wait3A_162] : memref<10000x128xf32, #tpu.memory_space<vmem_shared>> -> memref<10000x128xf32, #tpu.memory_space<vmem_shared>>
            tpu.wait_indirect_dma semaphore(%arg22 : memref<!tpu.dma_semaphore, #tpu.memory_space<semaphore_mem>>) src(%arg13 : memref<40x128xf32, #tpu.memory_space<vmem>>) dst(%dma_wait3A_163 : memref<10000x128xf32, #tpu.memory_space<vmem_shared>>)
          } else {
          }
          %add3A_150 = arith.constant 4 : i32
          %add3A_151 = arith.addi %add3A_126, %add3A_150 : i32
          %sub3A = arith.constant 1 : i32
          %sub3A_152 = arith.subi %add3A_151, %sub3A : i32
          %lt3A_153 = arith.constant 125 : i32
          %lt3A_154 = arith.cmpi slt, %sub3A_152, %lt3A_153 : i32
          %convert_element_type3A_155 = arith.extui %lt3A_154 : i1 to i32
          %cond3A_156 = arith.constant 0 : i32
          %cond3A_157 = arith.cmpi ne, %convert_element_type3A_155, %cond3A_156 : i32
          scf.if %cond3A_157 {
            %add3A_161 = arith.constant 4 : i32
            %add3A_162 = arith.addi %add3A_126, %add3A_161 : i32
            %sub3A_163 = arith.constant 1 : i32
            %sub3A_164 = arith.subi %add3A_162, %sub3A_163 : i32
            %mul3A_165 = arith.constant 40 : i32
            %mul3A_166 = arith.muli %sub3A_164, %mul3A_165 : i32
            %add3A_167 = arith.addi %multiple_of3A_12, %mul3A_166 : i32
            %multiple_of3A_168 = tpu.assume_multiple %add3A_167, 8 : i32
            %mul3A_169 = arith.constant 40 : i32
            %mul3A_170 = arith.muli %sub3A_164, %mul3A_169 : i32
            %add3A_171 = arith.addi %multiple_of3A_8, %mul3A_170 : i32
            %multiple_of3A_172 = tpu.assume_multiple %add3A_171, 8 : i32
            %dma_start3A_173 = tpu.memref_slice %arg6[%multiple_of3A_168] : memref<160000xi32, #tpu.memory_space<hbm>> -> memref<40xi32, #tpu.memory_space<hbm>>
            %dma_start3A_174 = tpu.memref_slice %arg6[%multiple_of3A_168] : memref<160000xi32, #tpu.memory_space<hbm>> -> memref<40xi32, #tpu.memory_space<hbm>>
            tpu.enqueue_dma source(%dma_start3A_174 : memref<40xi32, #tpu.memory_space<hbm>>) target(%arg17 : memref<40xi32, #tpu.memory_space<vmem>>) target_semaphore(%arg21 : memref<!tpu.dma_semaphore, #tpu.memory_space<semaphore_mem>>)
            %dma_start3A_175 = arith.constant 0 : i32
            %dma_start3A_176 = tpu.memref_slice %arg3[%multiple_of3A_172, %dma_start3A_175] : memref<80000x128xf32, #tpu.memory_space<hbm>> -> memref<40x128xf32, #tpu.memory_space<hbm>>
            %dma_start3A_177 = arith.constant 0 : i32
            %dma_start3A_178 = tpu.memref_slice %arg3[%multiple_of3A_172, %dma_start3A_177] : memref<80000x128xf32, #tpu.memory_space<hbm>> -> memref<40x128xf32, #tpu.memory_space<hbm>>
            tpu.enqueue_dma source(%dma_start3A_178 : memref<40x128xf32, #tpu.memory_space<hbm>>) target(%arg13 : memref<40x128xf32, #tpu.memory_space<vmem>>) target_semaphore(%arg21 : memref<!tpu.dma_semaphore, #tpu.memory_space<semaphore_mem>>)
          } else {
          }
          %dma_start3A_158 = arith.constant 0 : i32
          %dma_start3A_159 = arith.constant 0 : i32
          %dma_start3A_160 = tpu.memref_slice %arg20[%dma_start3A_158, %dma_start3A_159] : memref<10000x128xf32, #tpu.memory_space<vmem_shared>> -> memref<10000x128xf32, #tpu.memory_space<vmem_shared>>
          tpu.enqueue_indirect_dma source(%arg14 : memref<40x128xf32, #tpu.memory_space<vmem>>) target(%dma_start3A_160 : memref<10000x128xf32, #tpu.memory_space<vmem_shared>>) offsets(%arg18 : memref<40xi32, #tpu.memory_space<vmem>>) semaphore(%arg22 : memref<!tpu.dma_semaphore, #tpu.memory_space<semaphore_mem>>) {add = true}
        } else {
        }
      }
      %scan3A_84 = arith.constant 32 : i32
      %dma_wait3A = arith.constant 0 : i32
      %dma_wait3A_85 = arith.constant 0 : i32
      %dma_wait3A_86 = tpu.memref_slice %arg20[%dma_wait3A, %dma_wait3A_85] : memref<10000x128xf32, #tpu.memory_space<vmem_shared>> -> memref<10000x128xf32, #tpu.memory_space<vmem_shared>>
      tpu.wait_indirect_dma semaphore(%arg22 : memref<!tpu.dma_semaphore, #tpu.memory_space<semaphore_mem>>) src(%arg11 : memref<40x128xf32, #tpu.memory_space<vmem>>) dst(%dma_wait3A_86 : memref<10000x128xf32, #tpu.memory_space<vmem_shared>>)
      %barrier3A_87 = arith.constant 0 : index
      tpu.barrier barrier_id(%barrier3A_87)
      %add3A_88 = arith.constant 0 : i32
      %add3A_89 = arith.addi %multiple_of3A, %add3A_88 : i32
      %multiple_of3A_90 = tpu.assume_multiple %add3A_89, 8 : i32
      "tpu.region"() ({
        %run_scoped3A = tpu.sem_alloc : memref<!tpu.dma_semaphore, #tpu.memory_space<semaphore_mem>>
        %dma_start3A_102 = arith.constant 0 : i32
        %dma_start3A_103 = tpu.memref_slice %arg8[%multiple_of3A_90, %dma_start3A_102] : memref<10000x128xf32, #tpu.memory_space<hbm>> -> memref<208x128xf32, #tpu.memory_space<hbm>>
        %dma_start3A_104 = arith.constant 0 : i32
        %dma_start3A_105 = tpu.memref_slice %arg20[%multiple_of3A_90, %dma_start3A_104] : memref<10000x128xf32, #tpu.memory_space<vmem_shared>> -> memref<208x128xf32, #tpu.memory_space<vmem_shared>>
        tpu.enqueue_dma source(%dma_start3A_105 : memref<208x128xf32, #tpu.memory_space<vmem_shared>>) target(%dma_start3A_103 : memref<208x128xf32, #tpu.memory_space<hbm>>) target_semaphore(%run_scoped3A : memref<!tpu.dma_semaphore, #tpu.memory_space<semaphore_mem>>)
        %dma_wait3A_106 = arith.constant 0 : i32
        %dma_wait3A_107 = tpu.memref_slice %arg8[%multiple_of3A_90, %dma_wait3A_106] : memref<10000x128xf32, #tpu.memory_space<hbm>> -> memref<208x128xf32, #tpu.memory_space<hbm>>
        %dma_wait3A_108 = arith.constant 0 : i32
        %dma_wait3A_109 = tpu.memref_slice %arg20[%multiple_of3A_90, %dma_wait3A_108] : memref<10000x128xf32, #tpu.memory_space<vmem_shared>> -> memref<208x128xf32, #tpu.memory_space<vmem_shared>>
        tpu.wait_dma2 semaphore(%run_scoped3A : memref<!tpu.dma_semaphore, #tpu.memory_space<semaphore_mem>>) src(%dma_wait3A_109 : memref<208x128xf32, #tpu.memory_space<vmem_shared>>) dst(%dma_wait3A_107 : memref<208x128xf32, #tpu.memory_space<hbm>>)
        tpu.yield
      }) : () -> ()
      %add3A_91 = arith.constant 208 : i32
      %add3A_92 = arith.addi %multiple_of3A, %add3A_91 : i32
      %multiple_of3A_93 = tpu.assume_multiple %add3A_92, 8 : i32
      "tpu.region"() ({
        %run_scoped3A = tpu.sem_alloc : memref<!tpu.dma_semaphore, #tpu.memory_space<semaphore_mem>>
        %dma_start3A_102 = arith.constant 0 : i32
        %dma_start3A_103 = tpu.memref_slice %arg8[%multiple_of3A_93, %dma_start3A_102] : memref<10000x128xf32, #tpu.memory_space<hbm>> -> memref<208x128xf32, #tpu.memory_space<hbm>>
        %dma_start3A_104 = arith.constant 0 : i32
        %dma_start3A_105 = tpu.memref_slice %arg20[%multiple_of3A_93, %dma_start3A_104] : memref<10000x128xf32, #tpu.memory_space<vmem_shared>> -> memref<208x128xf32, #tpu.memory_space<vmem_shared>>
        tpu.enqueue_dma source(%dma_start3A_105 : memref<208x128xf32, #tpu.memory_space<vmem_shared>>) target(%dma_start3A_103 : memref<208x128xf32, #tpu.memory_space<hbm>>) target_semaphore(%run_scoped3A : memref<!tpu.dma_semaphore, #tpu.memory_space<semaphore_mem>>)
        %dma_wait3A_106 = arith.constant 0 : i32
        %dma_wait3A_107 = tpu.memref_slice %arg8[%multiple_of3A_93, %dma_wait3A_106] : memref<10000x128xf32, #tpu.memory_space<hbm>> -> memref<208x128xf32, #tpu.memory_space<hbm>>
        %dma_wait3A_108 = arith.constant 0 : i32
        %dma_wait3A_109 = tpu.memref_slice %arg20[%multiple_of3A_93, %dma_wait3A_108] : memref<10000x128xf32, #tpu.memory_space<vmem_shared>> -> memref<208x128xf32, #tpu.memory_space<vmem_shared>>
        tpu.wait_dma2 semaphore(%run_scoped3A : memref<!tpu.dma_semaphore, #tpu.memory_space<semaphore_mem>>) src(%dma_wait3A_109 : memref<208x128xf32, #tpu.memory_space<vmem_shared>>) dst(%dma_wait3A_107 : memref<208x128xf32, #tpu.memory_space<hbm>>)
        tpu.yield
      }) : () -> ()
      %add3A_94 = arith.constant 416 : i32
      %add3A_95 = arith.addi %multiple_of3A, %add3A_94 : i32
      %multiple_of3A_96 = tpu.assume_multiple %add3A_95, 8 : i32
      "tpu.region"() ({
        %run_scoped3A = tpu.sem_alloc : memref<!tpu.dma_semaphore, #tpu.memory_space<semaphore_mem>>
        %dma_start3A_102 = arith.constant 0 : i32
        %dma_start3A_103 = tpu.memref_slice %arg8[%multiple_of3A_96, %dma_start3A_102] : memref<10000x128xf32, #tpu.memory_space<hbm>> -> memref<208x128xf32, #tpu.memory_space<hbm>>
        %dma_start3A_104 = arith.constant 0 : i32
        %dma_start3A_105 = tpu.memref_slice %arg20[%multiple_of3A_96, %dma_start3A_104] : memref<10000x128xf32, #tpu.memory_space<vmem_shared>> -> memref<208x128xf32, #tpu.memory_space<vmem_shared>>
        tpu.enqueue_dma source(%dma_start3A_105 : memref<208x128xf32, #tpu.memory_space<vmem_shared>>) target(%dma_start3A_103 : memref<208x128xf32, #tpu.memory_space<hbm>>) target_semaphore(%run_scoped3A : memref<!tpu.dma_semaphore, #tpu.memory_space<semaphore_mem>>)
        %dma_wait3A_106 = arith.constant 0 : i32
        %dma_wait3A_107 = tpu.memref_slice %arg8[%multiple_of3A_96, %dma_wait3A_106] : memref<10000x128xf32, #tpu.memory_space<hbm>> -> memref<208x128xf32, #tpu.memory_space<hbm>>
        %dma_wait3A_108 = arith.constant 0 : i32
        %dma_wait3A_109 = tpu.memref_slice %arg20[%multiple_of3A_96, %dma_wait3A_108] : memref<10000x128xf32, #tpu.memory_space<vmem_shared>> -> memref<208x128xf32, #tpu.memory_space<vmem_shared>>
        tpu.wait_dma2 semaphore(%run_scoped3A : memref<!tpu.dma_semaphore, #tpu.memory_space<semaphore_mem>>) src(%dma_wait3A_109 : memref<208x128xf32, #tpu.memory_space<vmem_shared>>) dst(%dma_wait3A_107 : memref<208x128xf32, #tpu.memory_space<hbm>>)
        tpu.yield
      }) : () -> ()
      %eq3A_97 = arith.constant 15 : i32
      %eq3A_98 = arith.cmpi eq, %arg1, %eq3A_97 : i32
      %convert_element_type3A_99 = arith.extui %eq3A_98 : i1 to i32
      %cond3A_100 = arith.constant 0 : i32
      %cond3A_101 = arith.cmpi ne, %convert_element_type3A_99, %cond3A_100 : i32
      scf.if %cond3A_101 {
        "tpu.region"() ({
          %run_scoped3A = tpu.sem_alloc : memref<!tpu.dma_semaphore, #tpu.memory_space<semaphore_mem>>
          %dma_start3A_102 = arith.constant 9984 : i32
          %dma_start3A_103 = arith.constant 0 : i32
          %dma_start3A_104 = tpu.memref_slice %arg8[%dma_start3A_102, %dma_start3A_103] : memref<10000x128xf32, #tpu.memory_space<hbm>> -> memref<16x128xf32, #tpu.memory_space<hbm>>
          %dma_start3A_105 = arith.constant 9984 : i32
          %dma_start3A_106 = arith.constant 0 : i32
          %dma_start3A_107 = tpu.memref_slice %arg20[%dma_start3A_105, %dma_start3A_106] : memref<10000x128xf32, #tpu.memory_space<vmem_shared>> -> memref<16x128xf32, #tpu.memory_space<vmem_shared>>
          tpu.enqueue_dma source(%dma_start3A_107 : memref<16x128xf32, #tpu.memory_space<vmem_shared>>) target(%dma_start3A_104 : memref<16x128xf32, #tpu.memory_space<hbm>>) target_semaphore(%run_scoped3A : memref<!tpu.dma_semaphore, #tpu.memory_space<semaphore_mem>>)
          %dma_wait3A_108 = arith.constant 9984 : i32
          %dma_wait3A_109 = arith.constant 0 : i32
          %dma_wait3A_110 = tpu.memref_slice %arg8[%dma_wait3A_108, %dma_wait3A_109] : memref<10000x128xf32, #tpu.memory_space<hbm>> -> memref<16x128xf32, #tpu.memory_space<hbm>>
          %dma_wait3A_111 = arith.constant 9984 : i32
          %dma_wait3A_112 = arith.constant 0 : i32
          %dma_wait3A_113 = tpu.memref_slice %arg20[%dma_wait3A_111, %dma_wait3A_112] : memref<10000x128xf32, #tpu.memory_space<vmem_shared>> -> memref<16x128xf32, #tpu.memory_space<vmem_shared>>
          tpu.wait_dma2 semaphore(%run_scoped3A : memref<!tpu.dma_semaphore, #tpu.memory_space<semaphore_mem>>) src(%dma_wait3A_113 : memref<16x128xf32, #tpu.memory_space<vmem_shared>>) dst(%dma_wait3A_110 : memref<16x128xf32, #tpu.memory_space<hbm>>)
          tpu.yield
        }) : () -> ()
      } else {
      }
    } else {
    }
    %eq3A_20 = arith.constant 1 : i32
    %eq3A_21 = arith.cmpi eq, %arg0, %eq3A_20 : i32
    %convert_element_type3A_22 = arith.extui %eq3A_21 : i1 to i32
    %cond3A_23 = arith.constant 0 : i32
    %cond3A_24 = arith.cmpi ne, %convert_element_type3A_22, %cond3A_23 : i32
    scf.if %cond3A_24 {
      %add3A_30 = arith.constant 0 : i32
      %add3A_31 = arith.addi %multiple_of3A, %add3A_30 : i32
      %multiple_of3A_32 = tpu.assume_multiple %add3A_31, 8 : i32
      "tpu.region"() ({
        %run_scoped3A = tpu.sem_alloc : memref<!tpu.dma_semaphore, #tpu.memory_space<semaphore_mem>>
        %dma_start3A_102 = arith.constant 0 : i32
        %dma_start3A_103 = tpu.memref_slice %arg20[%multiple_of3A_32, %dma_start3A_102] : memref<10000x128xf32, #tpu.memory_space<vmem_shared>> -> memref<208x128xf32, #tpu.memory_space<vmem_shared>>
        %dma_start3A_104 = arith.constant 0 : i32
        %dma_start3A_105 = tpu.memref_slice %arg20[%multiple_of3A_32, %dma_start3A_104] : memref<10000x128xf32, #tpu.memory_space<vmem_shared>> -> memref<208x128xf32, #tpu.memory_space<vmem_shared>>
        tpu.enqueue_dma source(%arg19 : memref<208x128xf32, #tpu.memory_space<vmem>>) target(%dma_start3A_105 : memref<208x128xf32, #tpu.memory_space<vmem_shared>>) target_semaphore(%run_scoped3A : memref<!tpu.dma_semaphore, #tpu.memory_space<semaphore_mem>>)
        %dma_wait3A_106 = arith.constant 0 : i32
        %dma_wait3A_107 = tpu.memref_slice %arg20[%multiple_of3A_32, %dma_wait3A_106] : memref<10000x128xf32, #tpu.memory_space<vmem_shared>> -> memref<208x128xf32, #tpu.memory_space<vmem_shared>>
        %dma_wait3A_108 = arith.constant 0 : i32
        %dma_wait3A_109 = tpu.memref_slice %arg20[%multiple_of3A_32, %dma_wait3A_108] : memref<10000x128xf32, #tpu.memory_space<vmem_shared>> -> memref<208x128xf32, #tpu.memory_space<vmem_shared>>
        tpu.wait_dma2 semaphore(%run_scoped3A : memref<!tpu.dma_semaphore, #tpu.memory_space<semaphore_mem>>) src(%arg19 : memref<208x128xf32, #tpu.memory_space<vmem>>) dst(%dma_wait3A_109 : memref<208x128xf32, #tpu.memory_space<vmem_shared>>)
        tpu.yield
      }) : () -> ()
      %add3A_33 = arith.constant 208 : i32
      %add3A_34 = arith.addi %multiple_of3A, %add3A_33 : i32
      %multiple_of3A_35 = tpu.assume_multiple %add3A_34, 8 : i32
      "tpu.region"() ({
        %run_scoped3A = tpu.sem_alloc : memref<!tpu.dma_semaphore, #tpu.memory_space<semaphore_mem>>
        %dma_start3A_102 = arith.constant 0 : i32
        %dma_start3A_103 = tpu.memref_slice %arg20[%multiple_of3A_35, %dma_start3A_102] : memref<10000x128xf32, #tpu.memory_space<vmem_shared>> -> memref<208x128xf32, #tpu.memory_space<vmem_shared>>
        %dma_start3A_104 = arith.constant 0 : i32
        %dma_start3A_105 = tpu.memref_slice %arg20[%multiple_of3A_35, %dma_start3A_104] : memref<10000x128xf32, #tpu.memory_space<vmem_shared>> -> memref<208x128xf32, #tpu.memory_space<vmem_shared>>
        tpu.enqueue_dma source(%arg19 : memref<208x128xf32, #tpu.memory_space<vmem>>) target(%dma_start3A_105 : memref<208x128xf32, #tpu.memory_space<vmem_shared>>) target_semaphore(%run_scoped3A : memref<!tpu.dma_semaphore, #tpu.memory_space<semaphore_mem>>)
        %dma_wait3A_106 = arith.constant 0 : i32
        %dma_wait3A_107 = tpu.memref_slice %arg20[%multiple_of3A_35, %dma_wait3A_106] : memref<10000x128xf32, #tpu.memory_space<vmem_shared>> -> memref<208x128xf32, #tpu.memory_space<vmem_shared>>
        %dma_wait3A_108 = arith.constant 0 : i32
        %dma_wait3A_109 = tpu.memref_slice %arg20[%multiple_of3A_35, %dma_wait3A_108] : memref<10000x128xf32, #tpu.memory_space<vmem_shared>> -> memref<208x128xf32, #tpu.memory_space<vmem_shared>>
        tpu.wait_dma2 semaphore(%run_scoped3A : memref<!tpu.dma_semaphore, #tpu.memory_space<semaphore_mem>>) src(%arg19 : memref<208x128xf32, #tpu.memory_space<vmem>>) dst(%dma_wait3A_109 : memref<208x128xf32, #tpu.memory_space<vmem_shared>>)
        tpu.yield
      }) : () -> ()
      %add3A_36 = arith.constant 416 : i32
      %add3A_37 = arith.addi %multiple_of3A, %add3A_36 : i32
      %multiple_of3A_38 = tpu.assume_multiple %add3A_37, 8 : i32
      "tpu.region"() ({
        %run_scoped3A = tpu.sem_alloc : memref<!tpu.dma_semaphore, #tpu.memory_space<semaphore_mem>>
        %dma_start3A_102 = arith.constant 0 : i32
        %dma_start3A_103 = tpu.memref_slice %arg20[%multiple_of3A_38, %dma_start3A_102] : memref<10000x128xf32, #tpu.memory_space<vmem_shared>> -> memref<208x128xf32, #tpu.memory_space<vmem_shared>>
        %dma_start3A_104 = arith.constant 0 : i32
        %dma_start3A_105 = tpu.memref_slice %arg20[%multiple_of3A_38, %dma_start3A_104] : memref<10000x128xf32, #tpu.memory_space<vmem_shared>> -> memref<208x128xf32, #tpu.memory_space<vmem_shared>>
        tpu.enqueue_dma source(%arg19 : memref<208x128xf32, #tpu.memory_space<vmem>>) target(%dma_start3A_105 : memref<208x128xf32, #tpu.memory_space<vmem_shared>>) target_semaphore(%run_scoped3A : memref<!tpu.dma_semaphore, #tpu.memory_space<semaphore_mem>>)
        %dma_wait3A_106 = arith.constant 0 : i32
        %dma_wait3A_107 = tpu.memref_slice %arg20[%multiple_of3A_38, %dma_wait3A_106] : memref<10000x128xf32, #tpu.memory_space<vmem_shared>> -> memref<208x128xf32, #tpu.memory_space<vmem_shared>>
        %dma_wait3A_108 = arith.constant 0 : i32
        %dma_wait3A_109 = tpu.memref_slice %arg20[%multiple_of3A_38, %dma_wait3A_108] : memref<10000x128xf32, #tpu.memory_space<vmem_shared>> -> memref<208x128xf32, #tpu.memory_space<vmem_shared>>
        tpu.wait_dma2 semaphore(%run_scoped3A : memref<!tpu.dma_semaphore, #tpu.memory_space<semaphore_mem>>) src(%arg19 : memref<208x128xf32, #tpu.memory_space<vmem>>) dst(%dma_wait3A_109 : memref<208x128xf32, #tpu.memory_space<vmem_shared>>)
        tpu.yield
      }) : () -> ()
      %eq3A_39 = arith.constant 15 : i32
      %eq3A_40 = arith.cmpi eq, %arg1, %eq3A_39 : i32
      %convert_element_type3A_41 = arith.extui %eq3A_40 : i1 to i32
      %cond3A_42 = arith.constant 0 : i32
      %cond3A_43 = arith.cmpi ne, %convert_element_type3A_41, %cond3A_42 : i32
      scf.if %cond3A_43 {
        "tpu.region"() ({
          %run_scoped3A = tpu.sem_alloc : memref<!tpu.dma_semaphore, #tpu.memory_space<semaphore_mem>>
          %dma_start3A_102 = arith.constant 0 : i32
          %dma_start3A_103 = arith.constant 0 : i32
          %dma_start3A_104 = tpu.memref_slice %arg19[%dma_start3A_102, %dma_start3A_103] : memref<208x128xf32, #tpu.memory_space<vmem>> -> memref<16x128xf32, #tpu.memory_space<vmem>>
          %dma_start3A_105 = arith.constant 9984 : i32
          %dma_start3A_106 = arith.constant 0 : i32
          %dma_start3A_107 = tpu.memref_slice %arg20[%dma_start3A_105, %dma_start3A_106] : memref<10000x128xf32, #tpu.memory_space<vmem_shared>> -> memref<16x128xf32, #tpu.memory_space<vmem_shared>>
          %dma_start3A_108 = arith.constant 9984 : i32
          %dma_start3A_109 = arith.constant 0 : i32
          %dma_start3A_110 = tpu.memref_slice %arg20[%dma_start3A_108, %dma_start3A_109] : memref<10000x128xf32, #tpu.memory_space<vmem_shared>> -> memref<16x128xf32, #tpu.memory_space<vmem_shared>>
          %dma_start3A_111 = arith.constant 0 : i32
          %dma_start3A_112 = arith.constant 0 : i32
          %dma_start3A_113 = tpu.memref_slice %arg19[%dma_start3A_111, %dma_start3A_112] : memref<208x128xf32, #tpu.memory_space<vmem>> -> memref<16x128xf32, #tpu.memory_space<vmem>>
          tpu.enqueue_dma source(%dma_start3A_113 : memref<16x128xf32, #tpu.memory_space<vmem>>) target(%dma_start3A_110 : memref<16x128xf32, #tpu.memory_space<vmem_shared>>) target_semaphore(%run_scoped3A : memref<!tpu.dma_semaphore, #tpu.memory_space<semaphore_mem>>)
          %dma_wait3A_114 = arith.constant 0 : i32
          %dma_wait3A_115 = arith.constant 0 : i32
          %dma_wait3A_116 = tpu.memref_slice %arg19[%dma_wait3A_114, %dma_wait3A_115] : memref<208x128xf32, #tpu.memory_space<vmem>> -> memref<16x128xf32, #tpu.memory_space<vmem>>
          %dma_wait3A_117 = arith.constant 9984 : i32
          %dma_wait3A_118 = arith.constant 0 : i32
          %dma_wait3A_119 = tpu.memref_slice %arg20[%dma_wait3A_117, %dma_wait3A_118] : memref<10000x128xf32, #tpu.memory_space<vmem_shared>> -> memref<16x128xf32, #tpu.memory_space<vmem_shared>>
          %dma_wait3A_120 = arith.constant 9984 : i32
          %dma_wait3A_121 = arith.constant 0 : i32
          %dma_wait3A_122 = tpu.memref_slice %arg20[%dma_wait3A_120, %dma_wait3A_121] : memref<10000x128xf32, #tpu.memory_space<vmem_shared>> -> memref<16x128xf32, #tpu.memory_space<vmem_shared>>
          %dma_wait3A_123 = arith.constant 0 : i32
          %dma_wait3A_124 = arith.constant 0 : i32
          %dma_wait3A_125 = tpu.memref_slice %arg19[%dma_wait3A_123, %dma_wait3A_124] : memref<208x128xf32, #tpu.memory_space<vmem>> -> memref<16x128xf32, #tpu.memory_space<vmem>>
          tpu.wait_dma2 semaphore(%run_scoped3A : memref<!tpu.dma_semaphore, #tpu.memory_space<semaphore_mem>>) src(%dma_wait3A_125 : memref<16x128xf32, #tpu.memory_space<vmem>>) dst(%dma_wait3A_122 : memref<16x128xf32, #tpu.memory_space<vmem_shared>>)
          tpu.yield
        }) : () -> ()
      } else {
      }
      %barrier3A = arith.constant 0 : index
      tpu.barrier barrier_id(%barrier3A)
      %add3A_44 = arith.constant 0 : i32
      %add3A_45 = arith.addi %multiple_of3A_12, %add3A_44 : i32
      %multiple_of3A_46 = tpu.assume_multiple %add3A_45, 8 : i32
      %add3A_47 = arith.constant 0 : i32
      %add3A_48 = arith.addi %multiple_of3A_8, %add3A_47 : i32
      %multiple_of3A_49 = tpu.assume_multiple %add3A_48, 8 : i32
      %dma_start3A = tpu.memref_slice %arg6[%multiple_of3A_46] : memref<160000xi32, #tpu.memory_space<hbm>> -> memref<40xi32, #tpu.memory_space<hbm>>
      %dma_start3A_50 = tpu.memref_slice %arg6[%multiple_of3A_46] : memref<160000xi32, #tpu.memory_space<hbm>> -> memref<40xi32, #tpu.memory_space<hbm>>
      tpu.enqueue_dma source(%dma_start3A_50 : memref<40xi32, #tpu.memory_space<hbm>>) target(%arg15 : memref<40xi32, #tpu.memory_space<vmem>>) target_semaphore(%arg21 : memref<!tpu.dma_semaphore, #tpu.memory_space<semaphore_mem>>)
      %dma_start3A_51 = arith.constant 0 : i32
      %dma_start3A_52 = tpu.memref_slice %arg4[%multiple_of3A_49, %dma_start3A_51] : memref<80000x128xf32, #tpu.memory_space<hbm>> -> memref<40x128xf32, #tpu.memory_space<hbm>>
      %dma_start3A_53 = arith.constant 0 : i32
      %dma_start3A_54 = tpu.memref_slice %arg4[%multiple_of3A_49, %dma_start3A_53] : memref<80000x128xf32, #tpu.memory_space<hbm>> -> memref<40x128xf32, #tpu.memory_space<hbm>>
      tpu.enqueue_dma source(%dma_start3A_54 : memref<40x128xf32, #tpu.memory_space<hbm>>) target(%arg11 : memref<40x128xf32, #tpu.memory_space<vmem>>) target_semaphore(%arg21 : memref<!tpu.dma_semaphore, #tpu.memory_space<semaphore_mem>>)
      %add3A_55 = arith.constant 40 : i32
      %add3A_56 = arith.addi %multiple_of3A_12, %add3A_55 : i32
      %multiple_of3A_57 = tpu.assume_multiple %add3A_56, 8 : i32
      %add3A_58 = arith.constant 40 : i32
      %add3A_59 = arith.addi %multiple_of3A_8, %add3A_58 : i32
      %multiple_of3A_60 = tpu.assume_multiple %add3A_59, 8 : i32
      %dma_start3A_61 = tpu.memref_slice %arg6[%multiple_of3A_57] : memref<160000xi32, #tpu.memory_space<hbm>> -> memref<40xi32, #tpu.memory_space<hbm>>
      %dma_start3A_62 = tpu.memref_slice %arg6[%multiple_of3A_57] : memref<160000xi32, #tpu.memory_space<hbm>> -> memref<40xi32, #tpu.memory_space<hbm>>
      tpu.enqueue_dma source(%dma_start3A_62 : memref<40xi32, #tpu.memory_space<hbm>>) target(%arg16 : memref<40xi32, #tpu.memory_space<vmem>>) target_semaphore(%arg21 : memref<!tpu.dma_semaphore, #tpu.memory_space<semaphore_mem>>)
      %dma_start3A_63 = arith.constant 0 : i32
      %dma_start3A_64 = tpu.memref_slice %arg4[%multiple_of3A_60, %dma_start3A_63] : memref<80000x128xf32, #tpu.memory_space<hbm>> -> memref<40x128xf32, #tpu.memory_space<hbm>>
      %dma_start3A_65 = arith.constant 0 : i32
      %dma_start3A_66 = tpu.memref_slice %arg4[%multiple_of3A_60, %dma_start3A_65] : memref<80000x128xf32, #tpu.memory_space<hbm>> -> memref<40x128xf32, #tpu.memory_space<hbm>>
      tpu.enqueue_dma source(%dma_start3A_66 : memref<40x128xf32, #tpu.memory_space<hbm>>) target(%arg12 : memref<40x128xf32, #tpu.memory_space<vmem>>) target_semaphore(%arg21 : memref<!tpu.dma_semaphore, #tpu.memory_space<semaphore_mem>>)
      %add3A_67 = arith.constant 80 : i32
      %add3A_68 = arith.addi %multiple_of3A_12, %add3A_67 : i32
      %multiple_of3A_69 = tpu.assume_multiple %add3A_68, 8 : i32
      %add3A_70 = arith.constant 80 : i32
      %add3A_71 = arith.addi %multiple_of3A_8, %add3A_70 : i32
      %multiple_of3A_72 = tpu.assume_multiple %add3A_71, 8 : i32
      %dma_start3A_73 = tpu.memref_slice %arg6[%multiple_of3A_69] : memref<160000xi32, #tpu.memory_space<hbm>> -> memref<40xi32, #tpu.memory_space<hbm>>
      %dma_start3A_74 = tpu.memref_slice %arg6[%multiple_of3A_69] : memref<160000xi32, #tpu.memory_space<hbm>> -> memref<40xi32, #tpu.memory_space<hbm>>
      tpu.enqueue_dma source(%dma_start3A_74 : memref<40xi32, #tpu.memory_space<hbm>>) target(%arg17 : memref<40xi32, #tpu.memory_space<vmem>>) target_semaphore(%arg21 : memref<!tpu.dma_semaphore, #tpu.memory_space<semaphore_mem>>)
      %dma_start3A_75 = arith.constant 0 : i32
      %dma_start3A_76 = tpu.memref_slice %arg4[%multiple_of3A_72, %dma_start3A_75] : memref<80000x128xf32, #tpu.memory_space<hbm>> -> memref<40x128xf32, #tpu.memory_space<hbm>>
      %dma_start3A_77 = arith.constant 0 : i32
      %dma_start3A_78 = tpu.memref_slice %arg4[%multiple_of3A_72, %dma_start3A_77] : memref<80000x128xf32, #tpu.memory_space<hbm>> -> memref<40x128xf32, #tpu.memory_space<hbm>>
      tpu.enqueue_dma source(%dma_start3A_78 : memref<40x128xf32, #tpu.memory_space<hbm>>) target(%arg13 : memref<40x128xf32, #tpu.memory_space<vmem>>) target_semaphore(%arg21 : memref<!tpu.dma_semaphore, #tpu.memory_space<semaphore_mem>>)
      %scan3A_79 = arith.constant 0 : i32
      %scan3A_80 = arith.constant 0 : i32
      %scan3A_81 = arith.constant 32 : i32
      %scan3A_82 = arith.addi %scan3A_80, %scan3A_81 : i32
      %scan3A_83 = arith.constant 1 : i32
      scf.for %scan3A_102 = %scan3A_80 to %scan3A_82 step %scan3A_83  : i32 {
        %mul3A_103 = arith.constant 4 : i32
        %mul3A_104 = arith.muli %scan3A_102, %mul3A_103 : i32
        %add3A_105 = arith.constant 0 : i32
        %add3A_106 = arith.addi %mul3A_104, %add3A_105 : i32
        %lt3A = arith.constant 125 : i32
        %lt3A_107 = arith.cmpi slt, %add3A_106, %lt3A : i32
        %convert_element_type3A_108 = arith.extui %lt3A_107 : i1 to i32
        %cond3A_109 = arith.constant 0 : i32
        %cond3A_110 = arith.cmpi ne, %convert_element_type3A_108, %cond3A_109 : i32
        scf.if %cond3A_110 {
          %mul3A_132 = arith.constant 40 : i32
          %mul3A_133 = arith.muli %add3A_106, %mul3A_132 : i32
          %add3A_134 = arith.addi %multiple_of3A_12, %mul3A_133 : i32
          %multiple_of3A_135 = tpu.assume_multiple %add3A_134, 8 : i32
          %mul3A_136 = arith.constant 40 : i32
          %mul3A_137 = arith.muli %add3A_106, %mul3A_136 : i32
          %add3A_138 = arith.addi %multiple_of3A_8, %mul3A_137 : i32
          %multiple_of3A_139 = tpu.assume_multiple %add3A_138, 8 : i32
          %dma_wait3A_140 = tpu.memref_slice %arg6[%multiple_of3A_135] : memref<160000xi32, #tpu.memory_space<hbm>> -> memref<40xi32, #tpu.memory_space<hbm>>
          %dma_wait3A_141 = tpu.memref_slice %arg6[%multiple_of3A_135] : memref<160000xi32, #tpu.memory_space<hbm>> -> memref<40xi32, #tpu.memory_space<hbm>>
          tpu.wait_dma2 semaphore(%arg21 : memref<!tpu.dma_semaphore, #tpu.memory_space<semaphore_mem>>) src(%dma_wait3A_141 : memref<40xi32, #tpu.memory_space<hbm>>) dst(%arg15 : memref<40xi32, #tpu.memory_space<vmem>>)
          %dma_wait3A_142 = arith.constant 0 : i32
          %dma_wait3A_143 = tpu.memref_slice %arg4[%multiple_of3A_139, %dma_wait3A_142] : memref<80000x128xf32, #tpu.memory_space<hbm>> -> memref<40x128xf32, #tpu.memory_space<hbm>>
          %dma_wait3A_144 = arith.constant 0 : i32
          %dma_wait3A_145 = tpu.memref_slice %arg4[%multiple_of3A_139, %dma_wait3A_144] : memref<80000x128xf32, #tpu.memory_space<hbm>> -> memref<40x128xf32, #tpu.memory_space<hbm>>
          tpu.wait_dma2 semaphore(%arg21 : memref<!tpu.dma_semaphore, #tpu.memory_space<semaphore_mem>>) src(%dma_wait3A_145 : memref<40x128xf32, #tpu.memory_space<hbm>>) dst(%arg11 : memref<40x128xf32, #tpu.memory_space<vmem>>)
          %gt3A = arith.constant 0 : i32
          %gt3A_146 = arith.cmpi sgt, %add3A_106, %gt3A : i32
          %convert_element_type3A_147 = arith.extui %gt3A_146 : i1 to i32
          %cond3A_148 = arith.constant 0 : i32
          %cond3A_149 = arith.cmpi ne, %convert_element_type3A_147, %cond3A_148 : i32
          scf.if %cond3A_149 {
            %dma_wait3A_161 = arith.constant 0 : i32
            %dma_wait3A_162 = arith.constant 0 : i32
            %dma_wait3A_163 = tpu.memref_slice %arg20[%dma_wait3A_161, %dma_wait3A_162] : memref<10000x128xf32, #tpu.memory_space<vmem_shared>> -> memref<10000x128xf32, #tpu.memory_space<vmem_shared>>
            tpu.wait_indirect_dma semaphore(%arg22 : memref<!tpu.dma_semaphore, #tpu.memory_space<semaphore_mem>>) src(%arg14 : memref<40x128xf32, #tpu.memory_space<vmem>>) dst(%dma_wait3A_163 : memref<10000x128xf32, #tpu.memory_space<vmem_shared>>)
          } else {
          }
          %add3A_150 = arith.constant 4 : i32
          %add3A_151 = arith.addi %add3A_106, %add3A_150 : i32
          %sub3A = arith.constant 1 : i32
          %sub3A_152 = arith.subi %add3A_151, %sub3A : i32
          %lt3A_153 = arith.constant 125 : i32
          %lt3A_154 = arith.cmpi slt, %sub3A_152, %lt3A_153 : i32
          %convert_element_type3A_155 = arith.extui %lt3A_154 : i1 to i32
          %cond3A_156 = arith.constant 0 : i32
          %cond3A_157 = arith.cmpi ne, %convert_element_type3A_155, %cond3A_156 : i32
          scf.if %cond3A_157 {
            %add3A_161 = arith.constant 4 : i32
            %add3A_162 = arith.addi %add3A_106, %add3A_161 : i32
            %sub3A_163 = arith.constant 1 : i32
            %sub3A_164 = arith.subi %add3A_162, %sub3A_163 : i32
            %mul3A_165 = arith.constant 40 : i32
            %mul3A_166 = arith.muli %sub3A_164, %mul3A_165 : i32
            %add3A_167 = arith.addi %multiple_of3A_12, %mul3A_166 : i32
            %multiple_of3A_168 = tpu.assume_multiple %add3A_167, 8 : i32
            %mul3A_169 = arith.constant 40 : i32
            %mul3A_170 = arith.muli %sub3A_164, %mul3A_169 : i32
            %add3A_171 = arith.addi %multiple_of3A_8, %mul3A_170 : i32
            %multiple_of3A_172 = tpu.assume_multiple %add3A_171, 8 : i32
            %dma_start3A_173 = tpu.memref_slice %arg6[%multiple_of3A_168] : memref<160000xi32, #tpu.memory_space<hbm>> -> memref<40xi32, #tpu.memory_space<hbm>>
            %dma_start3A_174 = tpu.memref_slice %arg6[%multiple_of3A_168] : memref<160000xi32, #tpu.memory_space<hbm>> -> memref<40xi32, #tpu.memory_space<hbm>>
            tpu.enqueue_dma source(%dma_start3A_174 : memref<40xi32, #tpu.memory_space<hbm>>) target(%arg18 : memref<40xi32, #tpu.memory_space<vmem>>) target_semaphore(%arg21 : memref<!tpu.dma_semaphore, #tpu.memory_space<semaphore_mem>>)
            %dma_start3A_175 = arith.constant 0 : i32
            %dma_start3A_176 = tpu.memref_slice %arg4[%multiple_of3A_172, %dma_start3A_175] : memref<80000x128xf32, #tpu.memory_space<hbm>> -> memref<40x128xf32, #tpu.memory_space<hbm>>
            %dma_start3A_177 = arith.constant 0 : i32
            %dma_start3A_178 = tpu.memref_slice %arg4[%multiple_of3A_172, %dma_start3A_177] : memref<80000x128xf32, #tpu.memory_space<hbm>> -> memref<40x128xf32, #tpu.memory_space<hbm>>
            tpu.enqueue_dma source(%dma_start3A_178 : memref<40x128xf32, #tpu.memory_space<hbm>>) target(%arg14 : memref<40x128xf32, #tpu.memory_space<vmem>>) target_semaphore(%arg21 : memref<!tpu.dma_semaphore, #tpu.memory_space<semaphore_mem>>)
          } else {
          }
          %dma_start3A_158 = arith.constant 0 : i32
          %dma_start3A_159 = arith.constant 0 : i32
          %dma_start3A_160 = tpu.memref_slice %arg20[%dma_start3A_158, %dma_start3A_159] : memref<10000x128xf32, #tpu.memory_space<vmem_shared>> -> memref<10000x128xf32, #tpu.memory_space<vmem_shared>>
          tpu.enqueue_indirect_dma source(%arg11 : memref<40x128xf32, #tpu.memory_space<vmem>>) target(%dma_start3A_160 : memref<10000x128xf32, #tpu.memory_space<vmem_shared>>) offsets(%arg15 : memref<40xi32, #tpu.memory_space<vmem>>) semaphore(%arg22 : memref<!tpu.dma_semaphore, #tpu.memory_space<semaphore_mem>>) {add = true}
        } else {
        }
        %add3A_111 = arith.constant 1 : i32
        %add3A_112 = arith.addi %mul3A_104, %add3A_111 : i32
        %lt3A_113 = arith.constant 125 : i32
        %lt3A_114 = arith.cmpi slt, %add3A_112, %lt3A_113 : i32
        %convert_element_type3A_115 = arith.extui %lt3A_114 : i1 to i32
        %cond3A_116 = arith.constant 0 : i32
        %cond3A_117 = arith.cmpi ne, %convert_element_type3A_115, %cond3A_116 : i32
        scf.if %cond3A_117 {
          %mul3A_132 = arith.constant 40 : i32
          %mul3A_133 = arith.muli %add3A_112, %mul3A_132 : i32
          %add3A_134 = arith.addi %multiple_of3A_12, %mul3A_133 : i32
          %multiple_of3A_135 = tpu.assume_multiple %add3A_134, 8 : i32
          %mul3A_136 = arith.constant 40 : i32
          %mul3A_137 = arith.muli %add3A_112, %mul3A_136 : i32
          %add3A_138 = arith.addi %multiple_of3A_8, %mul3A_137 : i32
          %multiple_of3A_139 = tpu.assume_multiple %add3A_138, 8 : i32
          %dma_wait3A_140 = tpu.memref_slice %arg6[%multiple_of3A_135] : memref<160000xi32, #tpu.memory_space<hbm>> -> memref<40xi32, #tpu.memory_space<hbm>>
          %dma_wait3A_141 = tpu.memref_slice %arg6[%multiple_of3A_135] : memref<160000xi32, #tpu.memory_space<hbm>> -> memref<40xi32, #tpu.memory_space<hbm>>
          tpu.wait_dma2 semaphore(%arg21 : memref<!tpu.dma_semaphore, #tpu.memory_space<semaphore_mem>>) src(%dma_wait3A_141 : memref<40xi32, #tpu.memory_space<hbm>>) dst(%arg16 : memref<40xi32, #tpu.memory_space<vmem>>)
          %dma_wait3A_142 = arith.constant 0 : i32
          %dma_wait3A_143 = tpu.memref_slice %arg4[%multiple_of3A_139, %dma_wait3A_142] : memref<80000x128xf32, #tpu.memory_space<hbm>> -> memref<40x128xf32, #tpu.memory_space<hbm>>
          %dma_wait3A_144 = arith.constant 0 : i32
          %dma_wait3A_145 = tpu.memref_slice %arg4[%multiple_of3A_139, %dma_wait3A_144] : memref<80000x128xf32, #tpu.memory_space<hbm>> -> memref<40x128xf32, #tpu.memory_space<hbm>>
          tpu.wait_dma2 semaphore(%arg21 : memref<!tpu.dma_semaphore, #tpu.memory_space<semaphore_mem>>) src(%dma_wait3A_145 : memref<40x128xf32, #tpu.memory_space<hbm>>) dst(%arg12 : memref<40x128xf32, #tpu.memory_space<vmem>>)
          %gt3A = arith.constant 0 : i32
          %gt3A_146 = arith.cmpi sgt, %add3A_112, %gt3A : i32
          %convert_element_type3A_147 = arith.extui %gt3A_146 : i1 to i32
          %cond3A_148 = arith.constant 0 : i32
          %cond3A_149 = arith.cmpi ne, %convert_element_type3A_147, %cond3A_148 : i32
          scf.if %cond3A_149 {
            %dma_wait3A_161 = arith.constant 0 : i32
            %dma_wait3A_162 = arith.constant 0 : i32
            %dma_wait3A_163 = tpu.memref_slice %arg20[%dma_wait3A_161, %dma_wait3A_162] : memref<10000x128xf32, #tpu.memory_space<vmem_shared>> -> memref<10000x128xf32, #tpu.memory_space<vmem_shared>>
            tpu.wait_indirect_dma semaphore(%arg22 : memref<!tpu.dma_semaphore, #tpu.memory_space<semaphore_mem>>) src(%arg11 : memref<40x128xf32, #tpu.memory_space<vmem>>) dst(%dma_wait3A_163 : memref<10000x128xf32, #tpu.memory_space<vmem_shared>>)
          } else {
          }
          %add3A_150 = arith.constant 4 : i32
          %add3A_151 = arith.addi %add3A_112, %add3A_150 : i32
          %sub3A = arith.constant 1 : i32
          %sub3A_152 = arith.subi %add3A_151, %sub3A : i32
          %lt3A_153 = arith.constant 125 : i32
          %lt3A_154 = arith.cmpi slt, %sub3A_152, %lt3A_153 : i32
          %convert_element_type3A_155 = arith.extui %lt3A_154 : i1 to i32
          %cond3A_156 = arith.constant 0 : i32
          %cond3A_157 = arith.cmpi ne, %convert_element_type3A_155, %cond3A_156 : i32
          scf.if %cond3A_157 {
            %add3A_161 = arith.constant 4 : i32
            %add3A_162 = arith.addi %add3A_112, %add3A_161 : i32
            %sub3A_163 = arith.constant 1 : i32
            %sub3A_164 = arith.subi %add3A_162, %sub3A_163 : i32
            %mul3A_165 = arith.constant 40 : i32
            %mul3A_166 = arith.muli %sub3A_164, %mul3A_165 : i32
            %add3A_167 = arith.addi %multiple_of3A_12, %mul3A_166 : i32
            %multiple_of3A_168 = tpu.assume_multiple %add3A_167, 8 : i32
            %mul3A_169 = arith.constant 40 : i32
            %mul3A_170 = arith.muli %sub3A_164, %mul3A_169 : i32
            %add3A_171 = arith.addi %multiple_of3A_8, %mul3A_170 : i32
            %multiple_of3A_172 = tpu.assume_multiple %add3A_171, 8 : i32
            %dma_start3A_173 = tpu.memref_slice %arg6[%multiple_of3A_168] : memref<160000xi32, #tpu.memory_space<hbm>> -> memref<40xi32, #tpu.memory_space<hbm>>
            %dma_start3A_174 = tpu.memref_slice %arg6[%multiple_of3A_168] : memref<160000xi32, #tpu.memory_space<hbm>> -> memref<40xi32, #tpu.memory_space<hbm>>
            tpu.enqueue_dma source(%dma_start3A_174 : memref<40xi32, #tpu.memory_space<hbm>>) target(%arg15 : memref<40xi32, #tpu.memory_space<vmem>>) target_semaphore(%arg21 : memref<!tpu.dma_semaphore, #tpu.memory_space<semaphore_mem>>)
            %dma_start3A_175 = arith.constant 0 : i32
            %dma_start3A_176 = tpu.memref_slice %arg4[%multiple_of3A_172, %dma_start3A_175] : memref<80000x128xf32, #tpu.memory_space<hbm>> -> memref<40x128xf32, #tpu.memory_space<hbm>>
            %dma_start3A_177 = arith.constant 0 : i32
            %dma_start3A_178 = tpu.memref_slice %arg4[%multiple_of3A_172, %dma_start3A_177] : memref<80000x128xf32, #tpu.memory_space<hbm>> -> memref<40x128xf32, #tpu.memory_space<hbm>>
            tpu.enqueue_dma source(%dma_start3A_178 : memref<40x128xf32, #tpu.memory_space<hbm>>) target(%arg11 : memref<40x128xf32, #tpu.memory_space<vmem>>) target_semaphore(%arg21 : memref<!tpu.dma_semaphore, #tpu.memory_space<semaphore_mem>>)
          } else {
          }
          %dma_start3A_158 = arith.constant 0 : i32
          %dma_start3A_159 = arith.constant 0 : i32
          %dma_start3A_160 = tpu.memref_slice %arg20[%dma_start3A_158, %dma_start3A_159] : memref<10000x128xf32, #tpu.memory_space<vmem_shared>> -> memref<10000x128xf32, #tpu.memory_space<vmem_shared>>
          tpu.enqueue_indirect_dma source(%arg12 : memref<40x128xf32, #tpu.memory_space<vmem>>) target(%dma_start3A_160 : memref<10000x128xf32, #tpu.memory_space<vmem_shared>>) offsets(%arg16 : memref<40xi32, #tpu.memory_space<vmem>>) semaphore(%arg22 : memref<!tpu.dma_semaphore, #tpu.memory_space<semaphore_mem>>) {add = true}
        } else {
        }
        %add3A_118 = arith.constant 2 : i32
        %add3A_119 = arith.addi %mul3A_104, %add3A_118 : i32
        %lt3A_120 = arith.constant 125 : i32
        %lt3A_121 = arith.cmpi slt, %add3A_119, %lt3A_120 : i32
        %convert_element_type3A_122 = arith.extui %lt3A_121 : i1 to i32
        %cond3A_123 = arith.constant 0 : i32
        %cond3A_124 = arith.cmpi ne, %convert_element_type3A_122, %cond3A_123 : i32
        scf.if %cond3A_124 {
          %mul3A_132 = arith.constant 40 : i32
          %mul3A_133 = arith.muli %add3A_119, %mul3A_132 : i32
          %add3A_134 = arith.addi %multiple_of3A_12, %mul3A_133 : i32
          %multiple_of3A_135 = tpu.assume_multiple %add3A_134, 8 : i32
          %mul3A_136 = arith.constant 40 : i32
          %mul3A_137 = arith.muli %add3A_119, %mul3A_136 : i32
          %add3A_138 = arith.addi %multiple_of3A_8, %mul3A_137 : i32
          %multiple_of3A_139 = tpu.assume_multiple %add3A_138, 8 : i32
          %dma_wait3A_140 = tpu.memref_slice %arg6[%multiple_of3A_135] : memref<160000xi32, #tpu.memory_space<hbm>> -> memref<40xi32, #tpu.memory_space<hbm>>
          %dma_wait3A_141 = tpu.memref_slice %arg6[%multiple_of3A_135] : memref<160000xi32, #tpu.memory_space<hbm>> -> memref<40xi32, #tpu.memory_space<hbm>>
          tpu.wait_dma2 semaphore(%arg21 : memref<!tpu.dma_semaphore, #tpu.memory_space<semaphore_mem>>) src(%dma_wait3A_141 : memref<40xi32, #tpu.memory_space<hbm>>) dst(%arg17 : memref<40xi32, #tpu.memory_space<vmem>>)
          %dma_wait3A_142 = arith.constant 0 : i32
          %dma_wait3A_143 = tpu.memref_slice %arg4[%multiple_of3A_139, %dma_wait3A_142] : memref<80000x128xf32, #tpu.memory_space<hbm>> -> memref<40x128xf32, #tpu.memory_space<hbm>>
          %dma_wait3A_144 = arith.constant 0 : i32
          %dma_wait3A_145 = tpu.memref_slice %arg4[%multiple_of3A_139, %dma_wait3A_144] : memref<80000x128xf32, #tpu.memory_space<hbm>> -> memref<40x128xf32, #tpu.memory_space<hbm>>
          tpu.wait_dma2 semaphore(%arg21 : memref<!tpu.dma_semaphore, #tpu.memory_space<semaphore_mem>>) src(%dma_wait3A_145 : memref<40x128xf32, #tpu.memory_space<hbm>>) dst(%arg13 : memref<40x128xf32, #tpu.memory_space<vmem>>)
          %gt3A = arith.constant 0 : i32
          %gt3A_146 = arith.cmpi sgt, %add3A_119, %gt3A : i32
          %convert_element_type3A_147 = arith.extui %gt3A_146 : i1 to i32
          %cond3A_148 = arith.constant 0 : i32
          %cond3A_149 = arith.cmpi ne, %convert_element_type3A_147, %cond3A_148 : i32
          scf.if %cond3A_149 {
            %dma_wait3A_161 = arith.constant 0 : i32
            %dma_wait3A_162 = arith.constant 0 : i32
            %dma_wait3A_163 = tpu.memref_slice %arg20[%dma_wait3A_161, %dma_wait3A_162] : memref<10000x128xf32, #tpu.memory_space<vmem_shared>> -> memref<10000x128xf32, #tpu.memory_space<vmem_shared>>
            tpu.wait_indirect_dma semaphore(%arg22 : memref<!tpu.dma_semaphore, #tpu.memory_space<semaphore_mem>>) src(%arg12 : memref<40x128xf32, #tpu.memory_space<vmem>>) dst(%dma_wait3A_163 : memref<10000x128xf32, #tpu.memory_space<vmem_shared>>)
          } else {
          }
          %add3A_150 = arith.constant 4 : i32
          %add3A_151 = arith.addi %add3A_119, %add3A_150 : i32
          %sub3A = arith.constant 1 : i32
          %sub3A_152 = arith.subi %add3A_151, %sub3A : i32
          %lt3A_153 = arith.constant 125 : i32
          %lt3A_154 = arith.cmpi slt, %sub3A_152, %lt3A_153 : i32
          %convert_element_type3A_155 = arith.extui %lt3A_154 : i1 to i32
          %cond3A_156 = arith.constant 0 : i32
          %cond3A_157 = arith.cmpi ne, %convert_element_type3A_155, %cond3A_156 : i32
          scf.if %cond3A_157 {
            %add3A_161 = arith.constant 4 : i32
            %add3A_162 = arith.addi %add3A_119, %add3A_161 : i32
            %sub3A_163 = arith.constant 1 : i32
            %sub3A_164 = arith.subi %add3A_162, %sub3A_163 : i32
            %mul3A_165 = arith.constant 40 : i32
            %mul3A_166 = arith.muli %sub3A_164, %mul3A_165 : i32
            %add3A_167 = arith.addi %multiple_of3A_12, %mul3A_166 : i32
            %multiple_of3A_168 = tpu.assume_multiple %add3A_167, 8 : i32
            %mul3A_169 = arith.constant 40 : i32
            %mul3A_170 = arith.muli %sub3A_164, %mul3A_169 : i32
            %add3A_171 = arith.addi %multiple_of3A_8, %mul3A_170 : i32
            %multiple_of3A_172 = tpu.assume_multiple %add3A_171, 8 : i32
            %dma_start3A_173 = tpu.memref_slice %arg6[%multiple_of3A_168] : memref<160000xi32, #tpu.memory_space<hbm>> -> memref<40xi32, #tpu.memory_space<hbm>>
            %dma_start3A_174 = tpu.memref_slice %arg6[%multiple_of3A_168] : memref<160000xi32, #tpu.memory_space<hbm>> -> memref<40xi32, #tpu.memory_space<hbm>>
            tpu.enqueue_dma source(%dma_start3A_174 : memref<40xi32, #tpu.memory_space<hbm>>) target(%arg16 : memref<40xi32, #tpu.memory_space<vmem>>) target_semaphore(%arg21 : memref<!tpu.dma_semaphore, #tpu.memory_space<semaphore_mem>>)
            %dma_start3A_175 = arith.constant 0 : i32
            %dma_start3A_176 = tpu.memref_slice %arg4[%multiple_of3A_172, %dma_start3A_175] : memref<80000x128xf32, #tpu.memory_space<hbm>> -> memref<40x128xf32, #tpu.memory_space<hbm>>
            %dma_start3A_177 = arith.constant 0 : i32
            %dma_start3A_178 = tpu.memref_slice %arg4[%multiple_of3A_172, %dma_start3A_177] : memref<80000x128xf32, #tpu.memory_space<hbm>> -> memref<40x128xf32, #tpu.memory_space<hbm>>
            tpu.enqueue_dma source(%dma_start3A_178 : memref<40x128xf32, #tpu.memory_space<hbm>>) target(%arg12 : memref<40x128xf32, #tpu.memory_space<vmem>>) target_semaphore(%arg21 : memref<!tpu.dma_semaphore, #tpu.memory_space<semaphore_mem>>)
          } else {
          }
          %dma_start3A_158 = arith.constant 0 : i32
          %dma_start3A_159 = arith.constant 0 : i32
          %dma_start3A_160 = tpu.memref_slice %arg20[%dma_start3A_158, %dma_start3A_159] : memref<10000x128xf32, #tpu.memory_space<vmem_shared>> -> memref<10000x128xf32, #tpu.memory_space<vmem_shared>>
          tpu.enqueue_indirect_dma source(%arg13 : memref<40x128xf32, #tpu.memory_space<vmem>>) target(%dma_start3A_160 : memref<10000x128xf32, #tpu.memory_space<vmem_shared>>) offsets(%arg17 : memref<40xi32, #tpu.memory_space<vmem>>) semaphore(%arg22 : memref<!tpu.dma_semaphore, #tpu.memory_space<semaphore_mem>>) {add = true}
        } else {
        }
        %add3A_125 = arith.constant 3 : i32
        %add3A_126 = arith.addi %mul3A_104, %add3A_125 : i32
        %lt3A_127 = arith.constant 125 : i32
        %lt3A_128 = arith.cmpi slt, %add3A_126, %lt3A_127 : i32
        %convert_element_type3A_129 = arith.extui %lt3A_128 : i1 to i32
        %cond3A_130 = arith.constant 0 : i32
        %cond3A_131 = arith.cmpi ne, %convert_element_type3A_129, %cond3A_130 : i32
        scf.if %cond3A_131 {
          %mul3A_132 = arith.constant 40 : i32
          %mul3A_133 = arith.muli %add3A_126, %mul3A_132 : i32
          %add3A_134 = arith.addi %multiple_of3A_12, %mul3A_133 : i32
          %multiple_of3A_135 = tpu.assume_multiple %add3A_134, 8 : i32
          %mul3A_136 = arith.constant 40 : i32
          %mul3A_137 = arith.muli %add3A_126, %mul3A_136 : i32
          %add3A_138 = arith.addi %multiple_of3A_8, %mul3A_137 : i32
          %multiple_of3A_139 = tpu.assume_multiple %add3A_138, 8 : i32
          %dma_wait3A_140 = tpu.memref_slice %arg6[%multiple_of3A_135] : memref<160000xi32, #tpu.memory_space<hbm>> -> memref<40xi32, #tpu.memory_space<hbm>>
          %dma_wait3A_141 = tpu.memref_slice %arg6[%multiple_of3A_135] : memref<160000xi32, #tpu.memory_space<hbm>> -> memref<40xi32, #tpu.memory_space<hbm>>
          tpu.wait_dma2 semaphore(%arg21 : memref<!tpu.dma_semaphore, #tpu.memory_space<semaphore_mem>>) src(%dma_wait3A_141 : memref<40xi32, #tpu.memory_space<hbm>>) dst(%arg18 : memref<40xi32, #tpu.memory_space<vmem>>)
          %dma_wait3A_142 = arith.constant 0 : i32
          %dma_wait3A_143 = tpu.memref_slice %arg4[%multiple_of3A_139, %dma_wait3A_142] : memref<80000x128xf32, #tpu.memory_space<hbm>> -> memref<40x128xf32, #tpu.memory_space<hbm>>
          %dma_wait3A_144 = arith.constant 0 : i32
          %dma_wait3A_145 = tpu.memref_slice %arg4[%multiple_of3A_139, %dma_wait3A_144] : memref<80000x128xf32, #tpu.memory_space<hbm>> -> memref<40x128xf32, #tpu.memory_space<hbm>>
          tpu.wait_dma2 semaphore(%arg21 : memref<!tpu.dma_semaphore, #tpu.memory_space<semaphore_mem>>) src(%dma_wait3A_145 : memref<40x128xf32, #tpu.memory_space<hbm>>) dst(%arg14 : memref<40x128xf32, #tpu.memory_space<vmem>>)
          %gt3A = arith.constant 0 : i32
          %gt3A_146 = arith.cmpi sgt, %add3A_126, %gt3A : i32
          %convert_element_type3A_147 = arith.extui %gt3A_146 : i1 to i32
          %cond3A_148 = arith.constant 0 : i32
          %cond3A_149 = arith.cmpi ne, %convert_element_type3A_147, %cond3A_148 : i32
          scf.if %cond3A_149 {
            %dma_wait3A_161 = arith.constant 0 : i32
            %dma_wait3A_162 = arith.constant 0 : i32
            %dma_wait3A_163 = tpu.memref_slice %arg20[%dma_wait3A_161, %dma_wait3A_162] : memref<10000x128xf32, #tpu.memory_space<vmem_shared>> -> memref<10000x128xf32, #tpu.memory_space<vmem_shared>>
            tpu.wait_indirect_dma semaphore(%arg22 : memref<!tpu.dma_semaphore, #tpu.memory_space<semaphore_mem>>) src(%arg13 : memref<40x128xf32, #tpu.memory_space<vmem>>) dst(%dma_wait3A_163 : memref<10000x128xf32, #tpu.memory_space<vmem_shared>>)
          } else {
          }
          %add3A_150 = arith.constant 4 : i32
          %add3A_151 = arith.addi %add3A_126, %add3A_150 : i32
          %sub3A = arith.constant 1 : i32
          %sub3A_152 = arith.subi %add3A_151, %sub3A : i32
          %lt3A_153 = arith.constant 125 : i32
          %lt3A_154 = arith.cmpi slt, %sub3A_152, %lt3A_153 : i32
          %convert_element_type3A_155 = arith.extui %lt3A_154 : i1 to i32
          %cond3A_156 = arith.constant 0 : i32
          %cond3A_157 = arith.cmpi ne, %convert_element_type3A_155, %cond3A_156 : i32
          scf.if %cond3A_157 {
            %add3A_161 = arith.constant 4 : i32
            %add3A_162 = arith.addi %add3A_126, %add3A_161 : i32
            %sub3A_163 = arith.constant 1 : i32
            %sub3A_164 = arith.subi %add3A_162, %sub3A_163 : i32
            %mul3A_165 = arith.constant 40 : i32
            %mul3A_166 = arith.muli %sub3A_164, %mul3A_165 : i32
            %add3A_167 = arith.addi %multiple_of3A_12, %mul3A_166 : i32
            %multiple_of3A_168 = tpu.assume_multiple %add3A_167, 8 : i32
            %mul3A_169 = arith.constant 40 : i32
            %mul3A_170 = arith.muli %sub3A_164, %mul3A_169 : i32
            %add3A_171 = arith.addi %multiple_of3A_8, %mul3A_170 : i32
            %multiple_of3A_172 = tpu.assume_multiple %add3A_171, 8 : i32
            %dma_start3A_173 = tpu.memref_slice %arg6[%multiple_of3A_168] : memref<160000xi32, #tpu.memory_space<hbm>> -> memref<40xi32, #tpu.memory_space<hbm>>
            %dma_start3A_174 = tpu.memref_slice %arg6[%multiple_of3A_168] : memref<160000xi32, #tpu.memory_space<hbm>> -> memref<40xi32, #tpu.memory_space<hbm>>
            tpu.enqueue_dma source(%dma_start3A_174 : memref<40xi32, #tpu.memory_space<hbm>>) target(%arg17 : memref<40xi32, #tpu.memory_space<vmem>>) target_semaphore(%arg21 : memref<!tpu.dma_semaphore, #tpu.memory_space<semaphore_mem>>)
            %dma_start3A_175 = arith.constant 0 : i32
            %dma_start3A_176 = tpu.memref_slice %arg4[%multiple_of3A_172, %dma_start3A_175] : memref<80000x128xf32, #tpu.memory_space<hbm>> -> memref<40x128xf32, #tpu.memory_space<hbm>>
            %dma_start3A_177 = arith.constant 0 : i32
            %dma_start3A_178 = tpu.memref_slice %arg4[%multiple_of3A_172, %dma_start3A_177] : memref<80000x128xf32, #tpu.memory_space<hbm>> -> memref<40x128xf32, #tpu.memory_space<hbm>>
            tpu.enqueue_dma source(%dma_start3A_178 : memref<40x128xf32, #tpu.memory_space<hbm>>) target(%arg13 : memref<40x128xf32, #tpu.memory_space<vmem>>) target_semaphore(%arg21 : memref<!tpu.dma_semaphore, #tpu.memory_space<semaphore_mem>>)
          } else {
          }
          %dma_start3A_158 = arith.constant 0 : i32
          %dma_start3A_159 = arith.constant 0 : i32
          %dma_start3A_160 = tpu.memref_slice %arg20[%dma_start3A_158, %dma_start3A_159] : memref<10000x128xf32, #tpu.memory_space<vmem_shared>> -> memref<10000x128xf32, #tpu.memory_space<vmem_shared>>
          tpu.enqueue_indirect_dma source(%arg14 : memref<40x128xf32, #tpu.memory_space<vmem>>) target(%dma_start3A_160 : memref<10000x128xf32, #tpu.memory_space<vmem_shared>>) offsets(%arg18 : memref<40xi32, #tpu.memory_space<vmem>>) semaphore(%arg22 : memref<!tpu.dma_semaphore, #tpu.memory_space<semaphore_mem>>) {add = true}
        } else {
        }
      }
      %scan3A_84 = arith.constant 32 : i32
      %dma_wait3A = arith.constant 0 : i32
      %dma_wait3A_85 = arith.constant 0 : i32
      %dma_wait3A_86 = tpu.memref_slice %arg20[%dma_wait3A, %dma_wait3A_85] : memref<10000x128xf32, #tpu.memory_space<vmem_shared>> -> memref<10000x128xf32, #tpu.memory_space<vmem_shared>>
      tpu.wait_indirect_dma semaphore(%arg22 : memref<!tpu.dma_semaphore, #tpu.memory_space<semaphore_mem>>) src(%arg11 : memref<40x128xf32, #tpu.memory_space<vmem>>) dst(%dma_wait3A_86 : memref<10000x128xf32, #tpu.memory_space<vmem_shared>>)
      %barrier3A_87 = arith.constant 0 : index
      tpu.barrier barrier_id(%barrier3A_87)
      %add3A_88 = arith.constant 0 : i32
      %add3A_89 = arith.addi %multiple_of3A, %add3A_88 : i32
      %multiple_of3A_90 = tpu.assume_multiple %add3A_89, 8 : i32
      "tpu.region"() ({
        %run_scoped3A = tpu.sem_alloc : memref<!tpu.dma_semaphore, #tpu.memory_space<semaphore_mem>>
        %dma_start3A_102 = arith.constant 0 : i32
        %dma_start3A_103 = tpu.memref_slice %arg9[%multiple_of3A_90, %dma_start3A_102] : memref<10000x128xf32, #tpu.memory_space<hbm>> -> memref<208x128xf32, #tpu.memory_space<hbm>>
        %dma_start3A_104 = arith.constant 0 : i32
        %dma_start3A_105 = tpu.memref_slice %arg20[%multiple_of3A_90, %dma_start3A_104] : memref<10000x128xf32, #tpu.memory_space<vmem_shared>> -> memref<208x128xf32, #tpu.memory_space<vmem_shared>>
        tpu.enqueue_dma source(%dma_start3A_105 : memref<208x128xf32, #tpu.memory_space<vmem_shared>>) target(%dma_start3A_103 : memref<208x128xf32, #tpu.memory_space<hbm>>) target_semaphore(%run_scoped3A : memref<!tpu.dma_semaphore, #tpu.memory_space<semaphore_mem>>)
        %dma_wait3A_106 = arith.constant 0 : i32
        %dma_wait3A_107 = tpu.memref_slice %arg9[%multiple_of3A_90, %dma_wait3A_106] : memref<10000x128xf32, #tpu.memory_space<hbm>> -> memref<208x128xf32, #tpu.memory_space<hbm>>
        %dma_wait3A_108 = arith.constant 0 : i32
        %dma_wait3A_109 = tpu.memref_slice %arg20[%multiple_of3A_90, %dma_wait3A_108] : memref<10000x128xf32, #tpu.memory_space<vmem_shared>> -> memref<208x128xf32, #tpu.memory_space<vmem_shared>>
        tpu.wait_dma2 semaphore(%run_scoped3A : memref<!tpu.dma_semaphore, #tpu.memory_space<semaphore_mem>>) src(%dma_wait3A_109 : memref<208x128xf32, #tpu.memory_space<vmem_shared>>) dst(%dma_wait3A_107 : memref<208x128xf32, #tpu.memory_space<hbm>>)
        tpu.yield
      }) : () -> ()
      %add3A_91 = arith.constant 208 : i32
      %add3A_92 = arith.addi %multiple_of3A, %add3A_91 : i32
      %multiple_of3A_93 = tpu.assume_multiple %add3A_92, 8 : i32
      "tpu.region"() ({
        %run_scoped3A = tpu.sem_alloc : memref<!tpu.dma_semaphore, #tpu.memory_space<semaphore_mem>>
        %dma_start3A_102 = arith.constant 0 : i32
        %dma_start3A_103 = tpu.memref_slice %arg9[%multiple_of3A_93, %dma_start3A_102] : memref<10000x128xf32, #tpu.memory_space<hbm>> -> memref<208x128xf32, #tpu.memory_space<hbm>>
        %dma_start3A_104 = arith.constant 0 : i32
        %dma_start3A_105 = tpu.memref_slice %arg20[%multiple_of3A_93, %dma_start3A_104] : memref<10000x128xf32, #tpu.memory_space<vmem_shared>> -> memref<208x128xf32, #tpu.memory_space<vmem_shared>>
        tpu.enqueue_dma source(%dma_start3A_105 : memref<208x128xf32, #tpu.memory_space<vmem_shared>>) target(%dma_start3A_103 : memref<208x128xf32, #tpu.memory_space<hbm>>) target_semaphore(%run_scoped3A : memref<!tpu.dma_semaphore, #tpu.memory_space<semaphore_mem>>)
        %dma_wait3A_106 = arith.constant 0 : i32
        %dma_wait3A_107 = tpu.memref_slice %arg9[%multiple_of3A_93, %dma_wait3A_106] : memref<10000x128xf32, #tpu.memory_space<hbm>> -> memref<208x128xf32, #tpu.memory_space<hbm>>
        %dma_wait3A_108 = arith.constant 0 : i32
        %dma_wait3A_109 = tpu.memref_slice %arg20[%multiple_of3A_93, %dma_wait3A_108] : memref<10000x128xf32, #tpu.memory_space<vmem_shared>> -> memref<208x128xf32, #tpu.memory_space<vmem_shared>>
        tpu.wait_dma2 semaphore(%run_scoped3A : memref<!tpu.dma_semaphore, #tpu.memory_space<semaphore_mem>>) src(%dma_wait3A_109 : memref<208x128xf32, #tpu.memory_space<vmem_shared>>) dst(%dma_wait3A_107 : memref<208x128xf32, #tpu.memory_space<hbm>>)
        tpu.yield
      }) : () -> ()
      %add3A_94 = arith.constant 416 : i32
      %add3A_95 = arith.addi %multiple_of3A, %add3A_94 : i32
      %multiple_of3A_96 = tpu.assume_multiple %add3A_95, 8 : i32
      "tpu.region"() ({
        %run_scoped3A = tpu.sem_alloc : memref<!tpu.dma_semaphore, #tpu.memory_space<semaphore_mem>>
        %dma_start3A_102 = arith.constant 0 : i32
        %dma_start3A_103 = tpu.memref_slice %arg9[%multiple_of3A_96, %dma_start3A_102] : memref<10000x128xf32, #tpu.memory_space<hbm>> -> memref<208x128xf32, #tpu.memory_space<hbm>>
        %dma_start3A_104 = arith.constant 0 : i32
        %dma_start3A_105 = tpu.memref_slice %arg20[%multiple_of3A_96, %dma_start3A_104] : memref<10000x128xf32, #tpu.memory_space<vmem_shared>> -> memref<208x128xf32, #tpu.memory_space<vmem_shared>>
        tpu.enqueue_dma source(%dma_start3A_105 : memref<208x128xf32, #tpu.memory_space<vmem_shared>>) target(%dma_start3A_103 : memref<208x128xf32, #tpu.memory_space<hbm>>) target_semaphore(%run_scoped3A : memref<!tpu.dma_semaphore, #tpu.memory_space<semaphore_mem>>)
        %dma_wait3A_106 = arith.constant 0 : i32
        %dma_wait3A_107 = tpu.memref_slice %arg9[%multiple_of3A_96, %dma_wait3A_106] : memref<10000x128xf32, #tpu.memory_space<hbm>> -> memref<208x128xf32, #tpu.memory_space<hbm>>
        %dma_wait3A_108 = arith.constant 0 : i32
        %dma_wait3A_109 = tpu.memref_slice %arg20[%multiple_of3A_96, %dma_wait3A_108] : memref<10000x128xf32, #tpu.memory_space<vmem_shared>> -> memref<208x128xf32, #tpu.memory_space<vmem_shared>>
        tpu.wait_dma2 semaphore(%run_scoped3A : memref<!tpu.dma_semaphore, #tpu.memory_space<semaphore_mem>>) src(%dma_wait3A_109 : memref<208x128xf32, #tpu.memory_space<vmem_shared>>) dst(%dma_wait3A_107 : memref<208x128xf32, #tpu.memory_space<hbm>>)
        tpu.yield
      }) : () -> ()
      %eq3A_97 = arith.constant 15 : i32
      %eq3A_98 = arith.cmpi eq, %arg1, %eq3A_97 : i32
      %convert_element_type3A_99 = arith.extui %eq3A_98 : i1 to i32
      %cond3A_100 = arith.constant 0 : i32
      %cond3A_101 = arith.cmpi ne, %convert_element_type3A_99, %cond3A_100 : i32
      scf.if %cond3A_101 {
        "tpu.region"() ({
          %run_scoped3A = tpu.sem_alloc : memref<!tpu.dma_semaphore, #tpu.memory_space<semaphore_mem>>
          %dma_start3A_102 = arith.constant 9984 : i32
          %dma_start3A_103 = arith.constant 0 : i32
          %dma_start3A_104 = tpu.memref_slice %arg9[%dma_start3A_102, %dma_start3A_103] : memref<10000x128xf32, #tpu.memory_space<hbm>> -> memref<16x128xf32, #tpu.memory_space<hbm>>
          %dma_start3A_105 = arith.constant 9984 : i32
          %dma_start3A_106 = arith.constant 0 : i32
          %dma_start3A_107 = tpu.memref_slice %arg20[%dma_start3A_105, %dma_start3A_106] : memref<10000x128xf32, #tpu.memory_space<vmem_shared>> -> memref<16x128xf32, #tpu.memory_space<vmem_shared>>
          tpu.enqueue_dma source(%dma_start3A_107 : memref<16x128xf32, #tpu.memory_space<vmem_shared>>) target(%dma_start3A_104 : memref<16x128xf32, #tpu.memory_space<hbm>>) target_semaphore(%run_scoped3A : memref<!tpu.dma_semaphore, #tpu.memory_space<semaphore_mem>>)
          %dma_wait3A_108 = arith.constant 9984 : i32
          %dma_wait3A_109 = arith.constant 0 : i32
          %dma_wait3A_110 = tpu.memref_slice %arg9[%dma_wait3A_108, %dma_wait3A_109] : memref<10000x128xf32, #tpu.memory_space<hbm>> -> memref<16x128xf32, #tpu.memory_space<hbm>>
          %dma_wait3A_111 = arith.constant 9984 : i32
          %dma_wait3A_112 = arith.constant 0 : i32
          %dma_wait3A_113 = tpu.memref_slice %arg20[%dma_wait3A_111, %dma_wait3A_112] : memref<10000x128xf32, #tpu.memory_space<vmem_shared>> -> memref<16x128xf32, #tpu.memory_space<vmem_shared>>
          tpu.wait_dma2 semaphore(%run_scoped3A : memref<!tpu.dma_semaphore, #tpu.memory_space<semaphore_mem>>) src(%dma_wait3A_113 : memref<16x128xf32, #tpu.memory_space<vmem_shared>>) dst(%dma_wait3A_110 : memref<16x128xf32, #tpu.memory_space<hbm>>)
          tpu.yield
        }) : () -> ()
      } else {
      }
    } else {
    }
    %eq3A_25 = arith.constant 1 : i32
    %eq3A_26 = arith.cmpi eq, %arg0, %eq3A_25 : i32
    %convert_element_type3A_27 = arith.extui %eq3A_26 : i1 to i32
    %cond3A_28 = arith.constant 0 : i32
    %cond3A_29 = arith.cmpi ne, %convert_element_type3A_27, %cond3A_28 : i32
    scf.if %cond3A_29 {
      %add3A_30 = arith.constant 0 : i32
      %add3A_31 = arith.addi %multiple_of3A, %add3A_30 : i32
      %multiple_of3A_32 = tpu.assume_multiple %add3A_31, 8 : i32
      "tpu.region"() ({
        %run_scoped3A = tpu.sem_alloc : memref<!tpu.dma_semaphore, #tpu.memory_space<semaphore_mem>>
        %dma_start3A_102 = arith.constant 0 : i32
        %dma_start3A_103 = tpu.memref_slice %arg20[%multiple_of3A_32, %dma_start3A_102] : memref<10000x128xf32, #tpu.memory_space<vmem_shared>> -> memref<208x128xf32, #tpu.memory_space<vmem_shared>>
        %dma_start3A_104 = arith.constant 0 : i32
        %dma_start3A_105 = tpu.memref_slice %arg20[%multiple_of3A_32, %dma_start3A_104] : memref<10000x128xf32, #tpu.memory_space<vmem_shared>> -> memref<208x128xf32, #tpu.memory_space<vmem_shared>>
        tpu.enqueue_dma source(%arg19 : memref<208x128xf32, #tpu.memory_space<vmem>>) target(%dma_start3A_105 : memref<208x128xf32, #tpu.memory_space<vmem_shared>>) target_semaphore(%run_scoped3A : memref<!tpu.dma_semaphore, #tpu.memory_space<semaphore_mem>>)
        %dma_wait3A_106 = arith.constant 0 : i32
        %dma_wait3A_107 = tpu.memref_slice %arg20[%multiple_of3A_32, %dma_wait3A_106] : memref<10000x128xf32, #tpu.memory_space<vmem_shared>> -> memref<208x128xf32, #tpu.memory_space<vmem_shared>>
        %dma_wait3A_108 = arith.constant 0 : i32
        %dma_wait3A_109 = tpu.memref_slice %arg20[%multiple_of3A_32, %dma_wait3A_108] : memref<10000x128xf32, #tpu.memory_space<vmem_shared>> -> memref<208x128xf32, #tpu.memory_space<vmem_shared>>
        tpu.wait_dma2 semaphore(%run_scoped3A : memref<!tpu.dma_semaphore, #tpu.memory_space<semaphore_mem>>) src(%arg19 : memref<208x128xf32, #tpu.memory_space<vmem>>) dst(%dma_wait3A_109 : memref<208x128xf32, #tpu.memory_space<vmem_shared>>)
        tpu.yield
      }) : () -> ()
      %add3A_33 = arith.constant 208 : i32
      %add3A_34 = arith.addi %multiple_of3A, %add3A_33 : i32
      %multiple_of3A_35 = tpu.assume_multiple %add3A_34, 8 : i32
      "tpu.region"() ({
        %run_scoped3A = tpu.sem_alloc : memref<!tpu.dma_semaphore, #tpu.memory_space<semaphore_mem>>
        %dma_start3A_102 = arith.constant 0 : i32
        %dma_start3A_103 = tpu.memref_slice %arg20[%multiple_of3A_35, %dma_start3A_102] : memref<10000x128xf32, #tpu.memory_space<vmem_shared>> -> memref<208x128xf32, #tpu.memory_space<vmem_shared>>
        %dma_start3A_104 = arith.constant 0 : i32
        %dma_start3A_105 = tpu.memref_slice %arg20[%multiple_of3A_35, %dma_start3A_104] : memref<10000x128xf32, #tpu.memory_space<vmem_shared>> -> memref<208x128xf32, #tpu.memory_space<vmem_shared>>
        tpu.enqueue_dma source(%arg19 : memref<208x128xf32, #tpu.memory_space<vmem>>) target(%dma_start3A_105 : memref<208x128xf32, #tpu.memory_space<vmem_shared>>) target_semaphore(%run_scoped3A : memref<!tpu.dma_semaphore, #tpu.memory_space<semaphore_mem>>)
        %dma_wait3A_106 = arith.constant 0 : i32
        %dma_wait3A_107 = tpu.memref_slice %arg20[%multiple_of3A_35, %dma_wait3A_106] : memref<10000x128xf32, #tpu.memory_space<vmem_shared>> -> memref<208x128xf32, #tpu.memory_space<vmem_shared>>
        %dma_wait3A_108 = arith.constant 0 : i32
        %dma_wait3A_109 = tpu.memref_slice %arg20[%multiple_of3A_35, %dma_wait3A_108] : memref<10000x128xf32, #tpu.memory_space<vmem_shared>> -> memref<208x128xf32, #tpu.memory_space<vmem_shared>>
        tpu.wait_dma2 semaphore(%run_scoped3A : memref<!tpu.dma_semaphore, #tpu.memory_space<semaphore_mem>>) src(%arg19 : memref<208x128xf32, #tpu.memory_space<vmem>>) dst(%dma_wait3A_109 : memref<208x128xf32, #tpu.memory_space<vmem_shared>>)
        tpu.yield
      }) : () -> ()
      %add3A_36 = arith.constant 416 : i32
      %add3A_37 = arith.addi %multiple_of3A, %add3A_36 : i32
      %multiple_of3A_38 = tpu.assume_multiple %add3A_37, 8 : i32
      "tpu.region"() ({
        %run_scoped3A = tpu.sem_alloc : memref<!tpu.dma_semaphore, #tpu.memory_space<semaphore_mem>>
        %dma_start3A_102 = arith.constant 0 : i32
        %dma_start3A_103 = tpu.memref_slice %arg20[%multiple_of3A_38, %dma_start3A_102] : memref<10000x128xf32, #tpu.memory_space<vmem_shared>> -> memref<208x128xf32, #tpu.memory_space<vmem_shared>>
        %dma_start3A_104 = arith.constant 0 : i32
        %dma_start3A_105 = tpu.memref_slice %arg20[%multiple_of3A_38, %dma_start3A_104] : memref<10000x128xf32, #tpu.memory_space<vmem_shared>> -> memref<208x128xf32, #tpu.memory_space<vmem_shared>>
        tpu.enqueue_dma source(%arg19 : memref<208x128xf32, #tpu.memory_space<vmem>>) target(%dma_start3A_105 : memref<208x128xf32, #tpu.memory_space<vmem_shared>>) target_semaphore(%run_scoped3A : memref<!tpu.dma_semaphore, #tpu.memory_space<semaphore_mem>>)
        %dma_wait3A_106 = arith.constant 0 : i32
        %dma_wait3A_107 = tpu.memref_slice %arg20[%multiple_of3A_38, %dma_wait3A_106] : memref<10000x128xf32, #tpu.memory_space<vmem_shared>> -> memref<208x128xf32, #tpu.memory_space<vmem_shared>>
        %dma_wait3A_108 = arith.constant 0 : i32
        %dma_wait3A_109 = tpu.memref_slice %arg20[%multiple_of3A_38, %dma_wait3A_108] : memref<10000x128xf32, #tpu.memory_space<vmem_shared>> -> memref<208x128xf32, #tpu.memory_space<vmem_shared>>
        tpu.wait_dma2 semaphore(%run_scoped3A : memref<!tpu.dma_semaphore, #tpu.memory_space<semaphore_mem>>) src(%arg19 : memref<208x128xf32, #tpu.memory_space<vmem>>) dst(%dma_wait3A_109 : memref<208x128xf32, #tpu.memory_space<vmem_shared>>)
        tpu.yield
      }) : () -> ()
      %eq3A_39 = arith.constant 15 : i32
      %eq3A_40 = arith.cmpi eq, %arg1, %eq3A_39 : i32
      %convert_element_type3A_41 = arith.extui %eq3A_40 : i1 to i32
      %cond3A_42 = arith.constant 0 : i32
      %cond3A_43 = arith.cmpi ne, %convert_element_type3A_41, %cond3A_42 : i32
      scf.if %cond3A_43 {
        "tpu.region"() ({
          %run_scoped3A = tpu.sem_alloc : memref<!tpu.dma_semaphore, #tpu.memory_space<semaphore_mem>>
          %dma_start3A_102 = arith.constant 0 : i32
          %dma_start3A_103 = arith.constant 0 : i32
          %dma_start3A_104 = tpu.memref_slice %arg19[%dma_start3A_102, %dma_start3A_103] : memref<208x128xf32, #tpu.memory_space<vmem>> -> memref<16x128xf32, #tpu.memory_space<vmem>>
          %dma_start3A_105 = arith.constant 9984 : i32
          %dma_start3A_106 = arith.constant 0 : i32
          %dma_start3A_107 = tpu.memref_slice %arg20[%dma_start3A_105, %dma_start3A_106] : memref<10000x128xf32, #tpu.memory_space<vmem_shared>> -> memref<16x128xf32, #tpu.memory_space<vmem_shared>>
          %dma_start3A_108 = arith.constant 9984 : i32
          %dma_start3A_109 = arith.constant 0 : i32
          %dma_start3A_110 = tpu.memref_slice %arg20[%dma_start3A_108, %dma_start3A_109] : memref<10000x128xf32, #tpu.memory_space<vmem_shared>> -> memref<16x128xf32, #tpu.memory_space<vmem_shared>>
          %dma_start3A_111 = arith.constant 0 : i32
          %dma_start3A_112 = arith.constant 0 : i32
          %dma_start3A_113 = tpu.memref_slice %arg19[%dma_start3A_111, %dma_start3A_112] : memref<208x128xf32, #tpu.memory_space<vmem>> -> memref<16x128xf32, #tpu.memory_space<vmem>>
          tpu.enqueue_dma source(%dma_start3A_113 : memref<16x128xf32, #tpu.memory_space<vmem>>) target(%dma_start3A_110 : memref<16x128xf32, #tpu.memory_space<vmem_shared>>) target_semaphore(%run_scoped3A : memref<!tpu.dma_semaphore, #tpu.memory_space<semaphore_mem>>)
          %dma_wait3A_114 = arith.constant 0 : i32
          %dma_wait3A_115 = arith.constant 0 : i32
          %dma_wait3A_116 = tpu.memref_slice %arg19[%dma_wait3A_114, %dma_wait3A_115] : memref<208x128xf32, #tpu.memory_space<vmem>> -> memref<16x128xf32, #tpu.memory_space<vmem>>
          %dma_wait3A_117 = arith.constant 9984 : i32
          %dma_wait3A_118 = arith.constant 0 : i32
          %dma_wait3A_119 = tpu.memref_slice %arg20[%dma_wait3A_117, %dma_wait3A_118] : memref<10000x128xf32, #tpu.memory_space<vmem_shared>> -> memref<16x128xf32, #tpu.memory_space<vmem_shared>>
          %dma_wait3A_120 = arith.constant 9984 : i32
          %dma_wait3A_121 = arith.constant 0 : i32
          %dma_wait3A_122 = tpu.memref_slice %arg20[%dma_wait3A_120, %dma_wait3A_121] : memref<10000x128xf32, #tpu.memory_space<vmem_shared>> -> memref<16x128xf32, #tpu.memory_space<vmem_shared>>
          %dma_wait3A_123 = arith.constant 0 : i32
          %dma_wait3A_124 = arith.constant 0 : i32
          %dma_wait3A_125 = tpu.memref_slice %arg19[%dma_wait3A_123, %dma_wait3A_124] : memref<208x128xf32, #tpu.memory_space<vmem>> -> memref<16x128xf32, #tpu.memory_space<vmem>>
          tpu.wait_dma2 semaphore(%run_scoped3A : memref<!tpu.dma_semaphore, #tpu.memory_space<semaphore_mem>>) src(%dma_wait3A_125 : memref<16x128xf32, #tpu.memory_space<vmem>>) dst(%dma_wait3A_122 : memref<16x128xf32, #tpu.memory_space<vmem_shared>>)
          tpu.yield
        }) : () -> ()
      } else {
      }
      %barrier3A = arith.constant 0 : index
      tpu.barrier barrier_id(%barrier3A)
      %add3A_44 = arith.constant 0 : i32
      %add3A_45 = arith.addi %multiple_of3A_12, %add3A_44 : i32
      %multiple_of3A_46 = tpu.assume_multiple %add3A_45, 8 : i32
      %add3A_47 = arith.constant 0 : i32
      %add3A_48 = arith.addi %multiple_of3A_8, %add3A_47 : i32
      %multiple_of3A_49 = tpu.assume_multiple %add3A_48, 8 : i32
      %dma_start3A = tpu.memref_slice %arg6[%multiple_of3A_46] : memref<160000xi32, #tpu.memory_space<hbm>> -> memref<40xi32, #tpu.memory_space<hbm>>
      %dma_start3A_50 = tpu.memref_slice %arg6[%multiple_of3A_46] : memref<160000xi32, #tpu.memory_space<hbm>> -> memref<40xi32, #tpu.memory_space<hbm>>
      tpu.enqueue_dma source(%dma_start3A_50 : memref<40xi32, #tpu.memory_space<hbm>>) target(%arg15 : memref<40xi32, #tpu.memory_space<vmem>>) target_semaphore(%arg21 : memref<!tpu.dma_semaphore, #tpu.memory_space<semaphore_mem>>)
      %dma_start3A_51 = arith.constant 0 : i32
      %dma_start3A_52 = tpu.memref_slice %arg5[%multiple_of3A_49, %dma_start3A_51] : memref<80000x128xf32, #tpu.memory_space<hbm>> -> memref<40x128xf32, #tpu.memory_space<hbm>>
      %dma_start3A_53 = arith.constant 0 : i32
      %dma_start3A_54 = tpu.memref_slice %arg5[%multiple_of3A_49, %dma_start3A_53] : memref<80000x128xf32, #tpu.memory_space<hbm>> -> memref<40x128xf32, #tpu.memory_space<hbm>>
      tpu.enqueue_dma source(%dma_start3A_54 : memref<40x128xf32, #tpu.memory_space<hbm>>) target(%arg11 : memref<40x128xf32, #tpu.memory_space<vmem>>) target_semaphore(%arg21 : memref<!tpu.dma_semaphore, #tpu.memory_space<semaphore_mem>>)
      %add3A_55 = arith.constant 40 : i32
      %add3A_56 = arith.addi %multiple_of3A_12, %add3A_55 : i32
      %multiple_of3A_57 = tpu.assume_multiple %add3A_56, 8 : i32
      %add3A_58 = arith.constant 40 : i32
      %add3A_59 = arith.addi %multiple_of3A_8, %add3A_58 : i32
      %multiple_of3A_60 = tpu.assume_multiple %add3A_59, 8 : i32
      %dma_start3A_61 = tpu.memref_slice %arg6[%multiple_of3A_57] : memref<160000xi32, #tpu.memory_space<hbm>> -> memref<40xi32, #tpu.memory_space<hbm>>
      %dma_start3A_62 = tpu.memref_slice %arg6[%multiple_of3A_57] : memref<160000xi32, #tpu.memory_space<hbm>> -> memref<40xi32, #tpu.memory_space<hbm>>
      tpu.enqueue_dma source(%dma_start3A_62 : memref<40xi32, #tpu.memory_space<hbm>>) target(%arg16 : memref<40xi32, #tpu.memory_space<vmem>>) target_semaphore(%arg21 : memref<!tpu.dma_semaphore, #tpu.memory_space<semaphore_mem>>)
      %dma_start3A_63 = arith.constant 0 : i32
      %dma_start3A_64 = tpu.memref_slice %arg5[%multiple_of3A_60, %dma_start3A_63] : memref<80000x128xf32, #tpu.memory_space<hbm>> -> memref<40x128xf32, #tpu.memory_space<hbm>>
      %dma_start3A_65 = arith.constant 0 : i32
      %dma_start3A_66 = tpu.memref_slice %arg5[%multiple_of3A_60, %dma_start3A_65] : memref<80000x128xf32, #tpu.memory_space<hbm>> -> memref<40x128xf32, #tpu.memory_space<hbm>>
      tpu.enqueue_dma source(%dma_start3A_66 : memref<40x128xf32, #tpu.memory_space<hbm>>) target(%arg12 : memref<40x128xf32, #tpu.memory_space<vmem>>) target_semaphore(%arg21 : memref<!tpu.dma_semaphore, #tpu.memory_space<semaphore_mem>>)
      %add3A_67 = arith.constant 80 : i32
      %add3A_68 = arith.addi %multiple_of3A_12, %add3A_67 : i32
      %multiple_of3A_69 = tpu.assume_multiple %add3A_68, 8 : i32
      %add3A_70 = arith.constant 80 : i32
      %add3A_71 = arith.addi %multiple_of3A_8, %add3A_70 : i32
      %multiple_of3A_72 = tpu.assume_multiple %add3A_71, 8 : i32
      %dma_start3A_73 = tpu.memref_slice %arg6[%multiple_of3A_69] : memref<160000xi32, #tpu.memory_space<hbm>> -> memref<40xi32, #tpu.memory_space<hbm>>
      %dma_start3A_74 = tpu.memref_slice %arg6[%multiple_of3A_69] : memref<160000xi32, #tpu.memory_space<hbm>> -> memref<40xi32, #tpu.memory_space<hbm>>
      tpu.enqueue_dma source(%dma_start3A_74 : memref<40xi32, #tpu.memory_space<hbm>>) target(%arg17 : memref<40xi32, #tpu.memory_space<vmem>>) target_semaphore(%arg21 : memref<!tpu.dma_semaphore, #tpu.memory_space<semaphore_mem>>)
      %dma_start3A_75 = arith.constant 0 : i32
      %dma_start3A_76 = tpu.memref_slice %arg5[%multiple_of3A_72, %dma_start3A_75] : memref<80000x128xf32, #tpu.memory_space<hbm>> -> memref<40x128xf32, #tpu.memory_space<hbm>>
      %dma_start3A_77 = arith.constant 0 : i32
      %dma_start3A_78 = tpu.memref_slice %arg5[%multiple_of3A_72, %dma_start3A_77] : memref<80000x128xf32, #tpu.memory_space<hbm>> -> memref<40x128xf32, #tpu.memory_space<hbm>>
      tpu.enqueue_dma source(%dma_start3A_78 : memref<40x128xf32, #tpu.memory_space<hbm>>) target(%arg13 : memref<40x128xf32, #tpu.memory_space<vmem>>) target_semaphore(%arg21 : memref<!tpu.dma_semaphore, #tpu.memory_space<semaphore_mem>>)
      %scan3A_79 = arith.constant 0 : i32
      %scan3A_80 = arith.constant 0 : i32
      %scan3A_81 = arith.constant 32 : i32
      %scan3A_82 = arith.addi %scan3A_80, %scan3A_81 : i32
      %scan3A_83 = arith.constant 1 : i32
      scf.for %scan3A_102 = %scan3A_80 to %scan3A_82 step %scan3A_83  : i32 {
        %mul3A_103 = arith.constant 4 : i32
        %mul3A_104 = arith.muli %scan3A_102, %mul3A_103 : i32
        %add3A_105 = arith.constant 0 : i32
        %add3A_106 = arith.addi %mul3A_104, %add3A_105 : i32
        %lt3A = arith.constant 125 : i32
        %lt3A_107 = arith.cmpi slt, %add3A_106, %lt3A : i32
        %convert_element_type3A_108 = arith.extui %lt3A_107 : i1 to i32
        %cond3A_109 = arith.constant 0 : i32
        %cond3A_110 = arith.cmpi ne, %convert_element_type3A_108, %cond3A_109 : i32
        scf.if %cond3A_110 {
          %mul3A_132 = arith.constant 40 : i32
          %mul3A_133 = arith.muli %add3A_106, %mul3A_132 : i32
          %add3A_134 = arith.addi %multiple_of3A_12, %mul3A_133 : i32
          %multiple_of3A_135 = tpu.assume_multiple %add3A_134, 8 : i32
          %mul3A_136 = arith.constant 40 : i32
          %mul3A_137 = arith.muli %add3A_106, %mul3A_136 : i32
          %add3A_138 = arith.addi %multiple_of3A_8, %mul3A_137 : i32
          %multiple_of3A_139 = tpu.assume_multiple %add3A_138, 8 : i32
          %dma_wait3A_140 = tpu.memref_slice %arg6[%multiple_of3A_135] : memref<160000xi32, #tpu.memory_space<hbm>> -> memref<40xi32, #tpu.memory_space<hbm>>
          %dma_wait3A_141 = tpu.memref_slice %arg6[%multiple_of3A_135] : memref<160000xi32, #tpu.memory_space<hbm>> -> memref<40xi32, #tpu.memory_space<hbm>>
          tpu.wait_dma2 semaphore(%arg21 : memref<!tpu.dma_semaphore, #tpu.memory_space<semaphore_mem>>) src(%dma_wait3A_141 : memref<40xi32, #tpu.memory_space<hbm>>) dst(%arg15 : memref<40xi32, #tpu.memory_space<vmem>>)
          %dma_wait3A_142 = arith.constant 0 : i32
          %dma_wait3A_143 = tpu.memref_slice %arg5[%multiple_of3A_139, %dma_wait3A_142] : memref<80000x128xf32, #tpu.memory_space<hbm>> -> memref<40x128xf32, #tpu.memory_space<hbm>>
          %dma_wait3A_144 = arith.constant 0 : i32
          %dma_wait3A_145 = tpu.memref_slice %arg5[%multiple_of3A_139, %dma_wait3A_144] : memref<80000x128xf32, #tpu.memory_space<hbm>> -> memref<40x128xf32, #tpu.memory_space<hbm>>
          tpu.wait_dma2 semaphore(%arg21 : memref<!tpu.dma_semaphore, #tpu.memory_space<semaphore_mem>>) src(%dma_wait3A_145 : memref<40x128xf32, #tpu.memory_space<hbm>>) dst(%arg11 : memref<40x128xf32, #tpu.memory_space<vmem>>)
          %gt3A = arith.constant 0 : i32
          %gt3A_146 = arith.cmpi sgt, %add3A_106, %gt3A : i32
          %convert_element_type3A_147 = arith.extui %gt3A_146 : i1 to i32
          %cond3A_148 = arith.constant 0 : i32
          %cond3A_149 = arith.cmpi ne, %convert_element_type3A_147, %cond3A_148 : i32
          scf.if %cond3A_149 {
            %dma_wait3A_161 = arith.constant 0 : i32
            %dma_wait3A_162 = arith.constant 0 : i32
            %dma_wait3A_163 = tpu.memref_slice %arg20[%dma_wait3A_161, %dma_wait3A_162] : memref<10000x128xf32, #tpu.memory_space<vmem_shared>> -> memref<10000x128xf32, #tpu.memory_space<vmem_shared>>
            tpu.wait_indirect_dma semaphore(%arg22 : memref<!tpu.dma_semaphore, #tpu.memory_space<semaphore_mem>>) src(%arg14 : memref<40x128xf32, #tpu.memory_space<vmem>>) dst(%dma_wait3A_163 : memref<10000x128xf32, #tpu.memory_space<vmem_shared>>)
          } else {
          }
          %add3A_150 = arith.constant 4 : i32
          %add3A_151 = arith.addi %add3A_106, %add3A_150 : i32
          %sub3A = arith.constant 1 : i32
          %sub3A_152 = arith.subi %add3A_151, %sub3A : i32
          %lt3A_153 = arith.constant 125 : i32
          %lt3A_154 = arith.cmpi slt, %sub3A_152, %lt3A_153 : i32
          %convert_element_type3A_155 = arith.extui %lt3A_154 : i1 to i32
          %cond3A_156 = arith.constant 0 : i32
          %cond3A_157 = arith.cmpi ne, %convert_element_type3A_155, %cond3A_156 : i32
          scf.if %cond3A_157 {
            %add3A_161 = arith.constant 4 : i32
            %add3A_162 = arith.addi %add3A_106, %add3A_161 : i32
            %sub3A_163 = arith.constant 1 : i32
            %sub3A_164 = arith.subi %add3A_162, %sub3A_163 : i32
            %mul3A_165 = arith.constant 40 : i32
            %mul3A_166 = arith.muli %sub3A_164, %mul3A_165 : i32
            %add3A_167 = arith.addi %multiple_of3A_12, %mul3A_166 : i32
            %multiple_of3A_168 = tpu.assume_multiple %add3A_167, 8 : i32
            %mul3A_169 = arith.constant 40 : i32
            %mul3A_170 = arith.muli %sub3A_164, %mul3A_169 : i32
            %add3A_171 = arith.addi %multiple_of3A_8, %mul3A_170 : i32
            %multiple_of3A_172 = tpu.assume_multiple %add3A_171, 8 : i32
            %dma_start3A_173 = tpu.memref_slice %arg6[%multiple_of3A_168] : memref<160000xi32, #tpu.memory_space<hbm>> -> memref<40xi32, #tpu.memory_space<hbm>>
            %dma_start3A_174 = tpu.memref_slice %arg6[%multiple_of3A_168] : memref<160000xi32, #tpu.memory_space<hbm>> -> memref<40xi32, #tpu.memory_space<hbm>>
            tpu.enqueue_dma source(%dma_start3A_174 : memref<40xi32, #tpu.memory_space<hbm>>) target(%arg18 : memref<40xi32, #tpu.memory_space<vmem>>) target_semaphore(%arg21 : memref<!tpu.dma_semaphore, #tpu.memory_space<semaphore_mem>>)
            %dma_start3A_175 = arith.constant 0 : i32
            %dma_start3A_176 = tpu.memref_slice %arg5[%multiple_of3A_172, %dma_start3A_175] : memref<80000x128xf32, #tpu.memory_space<hbm>> -> memref<40x128xf32, #tpu.memory_space<hbm>>
            %dma_start3A_177 = arith.constant 0 : i32
            %dma_start3A_178 = tpu.memref_slice %arg5[%multiple_of3A_172, %dma_start3A_177] : memref<80000x128xf32, #tpu.memory_space<hbm>> -> memref<40x128xf32, #tpu.memory_space<hbm>>
            tpu.enqueue_dma source(%dma_start3A_178 : memref<40x128xf32, #tpu.memory_space<hbm>>) target(%arg14 : memref<40x128xf32, #tpu.memory_space<vmem>>) target_semaphore(%arg21 : memref<!tpu.dma_semaphore, #tpu.memory_space<semaphore_mem>>)
          } else {
          }
          %dma_start3A_158 = arith.constant 0 : i32
          %dma_start3A_159 = arith.constant 0 : i32
          %dma_start3A_160 = tpu.memref_slice %arg20[%dma_start3A_158, %dma_start3A_159] : memref<10000x128xf32, #tpu.memory_space<vmem_shared>> -> memref<10000x128xf32, #tpu.memory_space<vmem_shared>>
          tpu.enqueue_indirect_dma source(%arg11 : memref<40x128xf32, #tpu.memory_space<vmem>>) target(%dma_start3A_160 : memref<10000x128xf32, #tpu.memory_space<vmem_shared>>) offsets(%arg15 : memref<40xi32, #tpu.memory_space<vmem>>) semaphore(%arg22 : memref<!tpu.dma_semaphore, #tpu.memory_space<semaphore_mem>>) {add = true}
        } else {
        }
        %add3A_111 = arith.constant 1 : i32
        %add3A_112 = arith.addi %mul3A_104, %add3A_111 : i32
        %lt3A_113 = arith.constant 125 : i32
        %lt3A_114 = arith.cmpi slt, %add3A_112, %lt3A_113 : i32
        %convert_element_type3A_115 = arith.extui %lt3A_114 : i1 to i32
        %cond3A_116 = arith.constant 0 : i32
        %cond3A_117 = arith.cmpi ne, %convert_element_type3A_115, %cond3A_116 : i32
        scf.if %cond3A_117 {
          %mul3A_132 = arith.constant 40 : i32
          %mul3A_133 = arith.muli %add3A_112, %mul3A_132 : i32
          %add3A_134 = arith.addi %multiple_of3A_12, %mul3A_133 : i32
          %multiple_of3A_135 = tpu.assume_multiple %add3A_134, 8 : i32
          %mul3A_136 = arith.constant 40 : i32
          %mul3A_137 = arith.muli %add3A_112, %mul3A_136 : i32
          %add3A_138 = arith.addi %multiple_of3A_8, %mul3A_137 : i32
          %multiple_of3A_139 = tpu.assume_multiple %add3A_138, 8 : i32
          %dma_wait3A_140 = tpu.memref_slice %arg6[%multiple_of3A_135] : memref<160000xi32, #tpu.memory_space<hbm>> -> memref<40xi32, #tpu.memory_space<hbm>>
          %dma_wait3A_141 = tpu.memref_slice %arg6[%multiple_of3A_135] : memref<160000xi32, #tpu.memory_space<hbm>> -> memref<40xi32, #tpu.memory_space<hbm>>
          tpu.wait_dma2 semaphore(%arg21 : memref<!tpu.dma_semaphore, #tpu.memory_space<semaphore_mem>>) src(%dma_wait3A_141 : memref<40xi32, #tpu.memory_space<hbm>>) dst(%arg16 : memref<40xi32, #tpu.memory_space<vmem>>)
          %dma_wait3A_142 = arith.constant 0 : i32
          %dma_wait3A_143 = tpu.memref_slice %arg5[%multiple_of3A_139, %dma_wait3A_142] : memref<80000x128xf32, #tpu.memory_space<hbm>> -> memref<40x128xf32, #tpu.memory_space<hbm>>
          %dma_wait3A_144 = arith.constant 0 : i32
          %dma_wait3A_145 = tpu.memref_slice %arg5[%multiple_of3A_139, %dma_wait3A_144] : memref<80000x128xf32, #tpu.memory_space<hbm>> -> memref<40x128xf32, #tpu.memory_space<hbm>>
          tpu.wait_dma2 semaphore(%arg21 : memref<!tpu.dma_semaphore, #tpu.memory_space<semaphore_mem>>) src(%dma_wait3A_145 : memref<40x128xf32, #tpu.memory_space<hbm>>) dst(%arg12 : memref<40x128xf32, #tpu.memory_space<vmem>>)
          %gt3A = arith.constant 0 : i32
          %gt3A_146 = arith.cmpi sgt, %add3A_112, %gt3A : i32
          %convert_element_type3A_147 = arith.extui %gt3A_146 : i1 to i32
          %cond3A_148 = arith.constant 0 : i32
          %cond3A_149 = arith.cmpi ne, %convert_element_type3A_147, %cond3A_148 : i32
          scf.if %cond3A_149 {
            %dma_wait3A_161 = arith.constant 0 : i32
            %dma_wait3A_162 = arith.constant 0 : i32
            %dma_wait3A_163 = tpu.memref_slice %arg20[%dma_wait3A_161, %dma_wait3A_162] : memref<10000x128xf32, #tpu.memory_space<vmem_shared>> -> memref<10000x128xf32, #tpu.memory_space<vmem_shared>>
            tpu.wait_indirect_dma semaphore(%arg22 : memref<!tpu.dma_semaphore, #tpu.memory_space<semaphore_mem>>) src(%arg11 : memref<40x128xf32, #tpu.memory_space<vmem>>) dst(%dma_wait3A_163 : memref<10000x128xf32, #tpu.memory_space<vmem_shared>>)
          } else {
          }
          %add3A_150 = arith.constant 4 : i32
          %add3A_151 = arith.addi %add3A_112, %add3A_150 : i32
          %sub3A = arith.constant 1 : i32
          %sub3A_152 = arith.subi %add3A_151, %sub3A : i32
          %lt3A_153 = arith.constant 125 : i32
          %lt3A_154 = arith.cmpi slt, %sub3A_152, %lt3A_153 : i32
          %convert_element_type3A_155 = arith.extui %lt3A_154 : i1 to i32
          %cond3A_156 = arith.constant 0 : i32
          %cond3A_157 = arith.cmpi ne, %convert_element_type3A_155, %cond3A_156 : i32
          scf.if %cond3A_157 {
            %add3A_161 = arith.constant 4 : i32
            %add3A_162 = arith.addi %add3A_112, %add3A_161 : i32
            %sub3A_163 = arith.constant 1 : i32
            %sub3A_164 = arith.subi %add3A_162, %sub3A_163 : i32
            %mul3A_165 = arith.constant 40 : i32
            %mul3A_166 = arith.muli %sub3A_164, %mul3A_165 : i32
            %add3A_167 = arith.addi %multiple_of3A_12, %mul3A_166 : i32
            %multiple_of3A_168 = tpu.assume_multiple %add3A_167, 8 : i32
            %mul3A_169 = arith.constant 40 : i32
            %mul3A_170 = arith.muli %sub3A_164, %mul3A_169 : i32
            %add3A_171 = arith.addi %multiple_of3A_8, %mul3A_170 : i32
            %multiple_of3A_172 = tpu.assume_multiple %add3A_171, 8 : i32
            %dma_start3A_173 = tpu.memref_slice %arg6[%multiple_of3A_168] : memref<160000xi32, #tpu.memory_space<hbm>> -> memref<40xi32, #tpu.memory_space<hbm>>
            %dma_start3A_174 = tpu.memref_slice %arg6[%multiple_of3A_168] : memref<160000xi32, #tpu.memory_space<hbm>> -> memref<40xi32, #tpu.memory_space<hbm>>
            tpu.enqueue_dma source(%dma_start3A_174 : memref<40xi32, #tpu.memory_space<hbm>>) target(%arg15 : memref<40xi32, #tpu.memory_space<vmem>>) target_semaphore(%arg21 : memref<!tpu.dma_semaphore, #tpu.memory_space<semaphore_mem>>)
            %dma_start3A_175 = arith.constant 0 : i32
            %dma_start3A_176 = tpu.memref_slice %arg5[%multiple_of3A_172, %dma_start3A_175] : memref<80000x128xf32, #tpu.memory_space<hbm>> -> memref<40x128xf32, #tpu.memory_space<hbm>>
            %dma_start3A_177 = arith.constant 0 : i32
            %dma_start3A_178 = tpu.memref_slice %arg5[%multiple_of3A_172, %dma_start3A_177] : memref<80000x128xf32, #tpu.memory_space<hbm>> -> memref<40x128xf32, #tpu.memory_space<hbm>>
            tpu.enqueue_dma source(%dma_start3A_178 : memref<40x128xf32, #tpu.memory_space<hbm>>) target(%arg11 : memref<40x128xf32, #tpu.memory_space<vmem>>) target_semaphore(%arg21 : memref<!tpu.dma_semaphore, #tpu.memory_space<semaphore_mem>>)
          } else {
          }
          %dma_start3A_158 = arith.constant 0 : i32
          %dma_start3A_159 = arith.constant 0 : i32
          %dma_start3A_160 = tpu.memref_slice %arg20[%dma_start3A_158, %dma_start3A_159] : memref<10000x128xf32, #tpu.memory_space<vmem_shared>> -> memref<10000x128xf32, #tpu.memory_space<vmem_shared>>
          tpu.enqueue_indirect_dma source(%arg12 : memref<40x128xf32, #tpu.memory_space<vmem>>) target(%dma_start3A_160 : memref<10000x128xf32, #tpu.memory_space<vmem_shared>>) offsets(%arg16 : memref<40xi32, #tpu.memory_space<vmem>>) semaphore(%arg22 : memref<!tpu.dma_semaphore, #tpu.memory_space<semaphore_mem>>) {add = true}
        } else {
        }
        %add3A_118 = arith.constant 2 : i32
        %add3A_119 = arith.addi %mul3A_104, %add3A_118 : i32
        %lt3A_120 = arith.constant 125 : i32
        %lt3A_121 = arith.cmpi slt, %add3A_119, %lt3A_120 : i32
        %convert_element_type3A_122 = arith.extui %lt3A_121 : i1 to i32
        %cond3A_123 = arith.constant 0 : i32
        %cond3A_124 = arith.cmpi ne, %convert_element_type3A_122, %cond3A_123 : i32
        scf.if %cond3A_124 {
          %mul3A_132 = arith.constant 40 : i32
          %mul3A_133 = arith.muli %add3A_119, %mul3A_132 : i32
          %add3A_134 = arith.addi %multiple_of3A_12, %mul3A_133 : i32
          %multiple_of3A_135 = tpu.assume_multiple %add3A_134, 8 : i32
          %mul3A_136 = arith.constant 40 : i32
          %mul3A_137 = arith.muli %add3A_119, %mul3A_136 : i32
          %add3A_138 = arith.addi %multiple_of3A_8, %mul3A_137 : i32
          %multiple_of3A_139 = tpu.assume_multiple %add3A_138, 8 : i32
          %dma_wait3A_140 = tpu.memref_slice %arg6[%multiple_of3A_135] : memref<160000xi32, #tpu.memory_space<hbm>> -> memref<40xi32, #tpu.memory_space<hbm>>
          %dma_wait3A_141 = tpu.memref_slice %arg6[%multiple_of3A_135] : memref<160000xi32, #tpu.memory_space<hbm>> -> memref<40xi32, #tpu.memory_space<hbm>>
          tpu.wait_dma2 semaphore(%arg21 : memref<!tpu.dma_semaphore, #tpu.memory_space<semaphore_mem>>) src(%dma_wait3A_141 : memref<40xi32, #tpu.memory_space<hbm>>) dst(%arg17 : memref<40xi32, #tpu.memory_space<vmem>>)
          %dma_wait3A_142 = arith.constant 0 : i32
          %dma_wait3A_143 = tpu.memref_slice %arg5[%multiple_of3A_139, %dma_wait3A_142] : memref<80000x128xf32, #tpu.memory_space<hbm>> -> memref<40x128xf32, #tpu.memory_space<hbm>>
          %dma_wait3A_144 = arith.constant 0 : i32
          %dma_wait3A_145 = tpu.memref_slice %arg5[%multiple_of3A_139, %dma_wait3A_144] : memref<80000x128xf32, #tpu.memory_space<hbm>> -> memref<40x128xf32, #tpu.memory_space<hbm>>
          tpu.wait_dma2 semaphore(%arg21 : memref<!tpu.dma_semaphore, #tpu.memory_space<semaphore_mem>>) src(%dma_wait3A_145 : memref<40x128xf32, #tpu.memory_space<hbm>>) dst(%arg13 : memref<40x128xf32, #tpu.memory_space<vmem>>)
          %gt3A = arith.constant 0 : i32
          %gt3A_146 = arith.cmpi sgt, %add3A_119, %gt3A : i32
          %convert_element_type3A_147 = arith.extui %gt3A_146 : i1 to i32
          %cond3A_148 = arith.constant 0 : i32
          %cond3A_149 = arith.cmpi ne, %convert_element_type3A_147, %cond3A_148 : i32
          scf.if %cond3A_149 {
            %dma_wait3A_161 = arith.constant 0 : i32
            %dma_wait3A_162 = arith.constant 0 : i32
            %dma_wait3A_163 = tpu.memref_slice %arg20[%dma_wait3A_161, %dma_wait3A_162] : memref<10000x128xf32, #tpu.memory_space<vmem_shared>> -> memref<10000x128xf32, #tpu.memory_space<vmem_shared>>
            tpu.wait_indirect_dma semaphore(%arg22 : memref<!tpu.dma_semaphore, #tpu.memory_space<semaphore_mem>>) src(%arg12 : memref<40x128xf32, #tpu.memory_space<vmem>>) dst(%dma_wait3A_163 : memref<10000x128xf32, #tpu.memory_space<vmem_shared>>)
          } else {
          }
          %add3A_150 = arith.constant 4 : i32
          %add3A_151 = arith.addi %add3A_119, %add3A_150 : i32
          %sub3A = arith.constant 1 : i32
          %sub3A_152 = arith.subi %add3A_151, %sub3A : i32
          %lt3A_153 = arith.constant 125 : i32
          %lt3A_154 = arith.cmpi slt, %sub3A_152, %lt3A_153 : i32
          %convert_element_type3A_155 = arith.extui %lt3A_154 : i1 to i32
          %cond3A_156 = arith.constant 0 : i32
          %cond3A_157 = arith.cmpi ne, %convert_element_type3A_155, %cond3A_156 : i32
          scf.if %cond3A_157 {
            %add3A_161 = arith.constant 4 : i32
            %add3A_162 = arith.addi %add3A_119, %add3A_161 : i32
            %sub3A_163 = arith.constant 1 : i32
            %sub3A_164 = arith.subi %add3A_162, %sub3A_163 : i32
            %mul3A_165 = arith.constant 40 : i32
            %mul3A_166 = arith.muli %sub3A_164, %mul3A_165 : i32
            %add3A_167 = arith.addi %multiple_of3A_12, %mul3A_166 : i32
            %multiple_of3A_168 = tpu.assume_multiple %add3A_167, 8 : i32
            %mul3A_169 = arith.constant 40 : i32
            %mul3A_170 = arith.muli %sub3A_164, %mul3A_169 : i32
            %add3A_171 = arith.addi %multiple_of3A_8, %mul3A_170 : i32
            %multiple_of3A_172 = tpu.assume_multiple %add3A_171, 8 : i32
            %dma_start3A_173 = tpu.memref_slice %arg6[%multiple_of3A_168] : memref<160000xi32, #tpu.memory_space<hbm>> -> memref<40xi32, #tpu.memory_space<hbm>>
            %dma_start3A_174 = tpu.memref_slice %arg6[%multiple_of3A_168] : memref<160000xi32, #tpu.memory_space<hbm>> -> memref<40xi32, #tpu.memory_space<hbm>>
            tpu.enqueue_dma source(%dma_start3A_174 : memref<40xi32, #tpu.memory_space<hbm>>) target(%arg16 : memref<40xi32, #tpu.memory_space<vmem>>) target_semaphore(%arg21 : memref<!tpu.dma_semaphore, #tpu.memory_space<semaphore_mem>>)
            %dma_start3A_175 = arith.constant 0 : i32
            %dma_start3A_176 = tpu.memref_slice %arg5[%multiple_of3A_172, %dma_start3A_175] : memref<80000x128xf32, #tpu.memory_space<hbm>> -> memref<40x128xf32, #tpu.memory_space<hbm>>
            %dma_start3A_177 = arith.constant 0 : i32
            %dma_start3A_178 = tpu.memref_slice %arg5[%multiple_of3A_172, %dma_start3A_177] : memref<80000x128xf32, #tpu.memory_space<hbm>> -> memref<40x128xf32, #tpu.memory_space<hbm>>
            tpu.enqueue_dma source(%dma_start3A_178 : memref<40x128xf32, #tpu.memory_space<hbm>>) target(%arg12 : memref<40x128xf32, #tpu.memory_space<vmem>>) target_semaphore(%arg21 : memref<!tpu.dma_semaphore, #tpu.memory_space<semaphore_mem>>)
          } else {
          }
          %dma_start3A_158 = arith.constant 0 : i32
          %dma_start3A_159 = arith.constant 0 : i32
          %dma_start3A_160 = tpu.memref_slice %arg20[%dma_start3A_158, %dma_start3A_159] : memref<10000x128xf32, #tpu.memory_space<vmem_shared>> -> memref<10000x128xf32, #tpu.memory_space<vmem_shared>>
          tpu.enqueue_indirect_dma source(%arg13 : memref<40x128xf32, #tpu.memory_space<vmem>>) target(%dma_start3A_160 : memref<10000x128xf32, #tpu.memory_space<vmem_shared>>) offsets(%arg17 : memref<40xi32, #tpu.memory_space<vmem>>) semaphore(%arg22 : memref<!tpu.dma_semaphore, #tpu.memory_space<semaphore_mem>>) {add = true}
        } else {
        }
        %add3A_125 = arith.constant 3 : i32
        %add3A_126 = arith.addi %mul3A_104, %add3A_125 : i32
        %lt3A_127 = arith.constant 125 : i32
        %lt3A_128 = arith.cmpi slt, %add3A_126, %lt3A_127 : i32
        %convert_element_type3A_129 = arith.extui %lt3A_128 : i1 to i32
        %cond3A_130 = arith.constant 0 : i32
        %cond3A_131 = arith.cmpi ne, %convert_element_type3A_129, %cond3A_130 : i32
        scf.if %cond3A_131 {
          %mul3A_132 = arith.constant 40 : i32
          %mul3A_133 = arith.muli %add3A_126, %mul3A_132 : i32
          %add3A_134 = arith.addi %multiple_of3A_12, %mul3A_133 : i32
          %multiple_of3A_135 = tpu.assume_multiple %add3A_134, 8 : i32
          %mul3A_136 = arith.constant 40 : i32
          %mul3A_137 = arith.muli %add3A_126, %mul3A_136 : i32
          %add3A_138 = arith.addi %multiple_of3A_8, %mul3A_137 : i32
          %multiple_of3A_139 = tpu.assume_multiple %add3A_138, 8 : i32
          %dma_wait3A_140 = tpu.memref_slice %arg6[%multiple_of3A_135] : memref<160000xi32, #tpu.memory_space<hbm>> -> memref<40xi32, #tpu.memory_space<hbm>>
          %dma_wait3A_141 = tpu.memref_slice %arg6[%multiple_of3A_135] : memref<160000xi32, #tpu.memory_space<hbm>> -> memref<40xi32, #tpu.memory_space<hbm>>
          tpu.wait_dma2 semaphore(%arg21 : memref<!tpu.dma_semaphore, #tpu.memory_space<semaphore_mem>>) src(%dma_wait3A_141 : memref<40xi32, #tpu.memory_space<hbm>>) dst(%arg18 : memref<40xi32, #tpu.memory_space<vmem>>)
          %dma_wait3A_142 = arith.constant 0 : i32
          %dma_wait3A_143 = tpu.memref_slice %arg5[%multiple_of3A_139, %dma_wait3A_142] : memref<80000x128xf32, #tpu.memory_space<hbm>> -> memref<40x128xf32, #tpu.memory_space<hbm>>
          %dma_wait3A_144 = arith.constant 0 : i32
          %dma_wait3A_145 = tpu.memref_slice %arg5[%multiple_of3A_139, %dma_wait3A_144] : memref<80000x128xf32, #tpu.memory_space<hbm>> -> memref<40x128xf32, #tpu.memory_space<hbm>>
          tpu.wait_dma2 semaphore(%arg21 : memref<!tpu.dma_semaphore, #tpu.memory_space<semaphore_mem>>) src(%dma_wait3A_145 : memref<40x128xf32, #tpu.memory_space<hbm>>) dst(%arg14 : memref<40x128xf32, #tpu.memory_space<vmem>>)
          %gt3A = arith.constant 0 : i32
          %gt3A_146 = arith.cmpi sgt, %add3A_126, %gt3A : i32
          %convert_element_type3A_147 = arith.extui %gt3A_146 : i1 to i32
          %cond3A_148 = arith.constant 0 : i32
          %cond3A_149 = arith.cmpi ne, %convert_element_type3A_147, %cond3A_148 : i32
          scf.if %cond3A_149 {
            %dma_wait3A_161 = arith.constant 0 : i32
            %dma_wait3A_162 = arith.constant 0 : i32
            %dma_wait3A_163 = tpu.memref_slice %arg20[%dma_wait3A_161, %dma_wait3A_162] : memref<10000x128xf32, #tpu.memory_space<vmem_shared>> -> memref<10000x128xf32, #tpu.memory_space<vmem_shared>>
            tpu.wait_indirect_dma semaphore(%arg22 : memref<!tpu.dma_semaphore, #tpu.memory_space<semaphore_mem>>) src(%arg13 : memref<40x128xf32, #tpu.memory_space<vmem>>) dst(%dma_wait3A_163 : memref<10000x128xf32, #tpu.memory_space<vmem_shared>>)
          } else {
          }
          %add3A_150 = arith.constant 4 : i32
          %add3A_151 = arith.addi %add3A_126, %add3A_150 : i32
          %sub3A = arith.constant 1 : i32
          %sub3A_152 = arith.subi %add3A_151, %sub3A : i32
          %lt3A_153 = arith.constant 125 : i32
          %lt3A_154 = arith.cmpi slt, %sub3A_152, %lt3A_153 : i32
          %convert_element_type3A_155 = arith.extui %lt3A_154 : i1 to i32
          %cond3A_156 = arith.constant 0 : i32
          %cond3A_157 = arith.cmpi ne, %convert_element_type3A_155, %cond3A_156 : i32
          scf.if %cond3A_157 {
            %add3A_161 = arith.constant 4 : i32
            %add3A_162 = arith.addi %add3A_126, %add3A_161 : i32
            %sub3A_163 = arith.constant 1 : i32
            %sub3A_164 = arith.subi %add3A_162, %sub3A_163 : i32
            %mul3A_165 = arith.constant 40 : i32
            %mul3A_166 = arith.muli %sub3A_164, %mul3A_165 : i32
            %add3A_167 = arith.addi %multiple_of3A_12, %mul3A_166 : i32
            %multiple_of3A_168 = tpu.assume_multiple %add3A_167, 8 : i32
            %mul3A_169 = arith.constant 40 : i32
            %mul3A_170 = arith.muli %sub3A_164, %mul3A_169 : i32
            %add3A_171 = arith.addi %multiple_of3A_8, %mul3A_170 : i32
            %multiple_of3A_172 = tpu.assume_multiple %add3A_171, 8 : i32
            %dma_start3A_173 = tpu.memref_slice %arg6[%multiple_of3A_168] : memref<160000xi32, #tpu.memory_space<hbm>> -> memref<40xi32, #tpu.memory_space<hbm>>
            %dma_start3A_174 = tpu.memref_slice %arg6[%multiple_of3A_168] : memref<160000xi32, #tpu.memory_space<hbm>> -> memref<40xi32, #tpu.memory_space<hbm>>
            tpu.enqueue_dma source(%dma_start3A_174 : memref<40xi32, #tpu.memory_space<hbm>>) target(%arg17 : memref<40xi32, #tpu.memory_space<vmem>>) target_semaphore(%arg21 : memref<!tpu.dma_semaphore, #tpu.memory_space<semaphore_mem>>)
            %dma_start3A_175 = arith.constant 0 : i32
            %dma_start3A_176 = tpu.memref_slice %arg5[%multiple_of3A_172, %dma_start3A_175] : memref<80000x128xf32, #tpu.memory_space<hbm>> -> memref<40x128xf32, #tpu.memory_space<hbm>>
            %dma_start3A_177 = arith.constant 0 : i32
            %dma_start3A_178 = tpu.memref_slice %arg5[%multiple_of3A_172, %dma_start3A_177] : memref<80000x128xf32, #tpu.memory_space<hbm>> -> memref<40x128xf32, #tpu.memory_space<hbm>>
            tpu.enqueue_dma source(%dma_start3A_178 : memref<40x128xf32, #tpu.memory_space<hbm>>) target(%arg13 : memref<40x128xf32, #tpu.memory_space<vmem>>) target_semaphore(%arg21 : memref<!tpu.dma_semaphore, #tpu.memory_space<semaphore_mem>>)
          } else {
          }
          %dma_start3A_158 = arith.constant 0 : i32
          %dma_start3A_159 = arith.constant 0 : i32
          %dma_start3A_160 = tpu.memref_slice %arg20[%dma_start3A_158, %dma_start3A_159] : memref<10000x128xf32, #tpu.memory_space<vmem_shared>> -> memref<10000x128xf32, #tpu.memory_space<vmem_shared>>
          tpu.enqueue_indirect_dma source(%arg14 : memref<40x128xf32, #tpu.memory_space<vmem>>) target(%dma_start3A_160 : memref<10000x128xf32, #tpu.memory_space<vmem_shared>>) offsets(%arg18 : memref<40xi32, #tpu.memory_space<vmem>>) semaphore(%arg22 : memref<!tpu.dma_semaphore, #tpu.memory_space<semaphore_mem>>) {add = true}
        } else {
        }
      }
      %scan3A_84 = arith.constant 32 : i32
      %dma_wait3A = arith.constant 0 : i32
      %dma_wait3A_85 = arith.constant 0 : i32
      %dma_wait3A_86 = tpu.memref_slice %arg20[%dma_wait3A, %dma_wait3A_85] : memref<10000x128xf32, #tpu.memory_space<vmem_shared>> -> memref<10000x128xf32, #tpu.memory_space<vmem_shared>>
      tpu.wait_indirect_dma semaphore(%arg22 : memref<!tpu.dma_semaphore, #tpu.memory_space<semaphore_mem>>) src(%arg11 : memref<40x128xf32, #tpu.memory_space<vmem>>) dst(%dma_wait3A_86 : memref<10000x128xf32, #tpu.memory_space<vmem_shared>>)
      %barrier3A_87 = arith.constant 0 : index
      tpu.barrier barrier_id(%barrier3A_87)
      %add3A_88 = arith.constant 0 : i32
      %add3A_89 = arith.addi %multiple_of3A, %add3A_88 : i32
      %multiple_of3A_90 = tpu.assume_multiple %add3A_89, 8 : i32
      "tpu.region"() ({
        %run_scoped3A = tpu.sem_alloc : memref<!tpu.dma_semaphore, #tpu.memory_space<semaphore_mem>>
        %dma_start3A_102 = arith.constant 0 : i32
        %dma_start3A_103 = tpu.memref_slice %arg10[%multiple_of3A_90, %dma_start3A_102] : memref<10000x128xf32, #tpu.memory_space<hbm>> -> memref<208x128xf32, #tpu.memory_space<hbm>>
        %dma_start3A_104 = arith.constant 0 : i32
        %dma_start3A_105 = tpu.memref_slice %arg20[%multiple_of3A_90, %dma_start3A_104] : memref<10000x128xf32, #tpu.memory_space<vmem_shared>> -> memref<208x128xf32, #tpu.memory_space<vmem_shared>>
        tpu.enqueue_dma source(%dma_start3A_105 : memref<208x128xf32, #tpu.memory_space<vmem_shared>>) target(%dma_start3A_103 : memref<208x128xf32, #tpu.memory_space<hbm>>) target_semaphore(%run_scoped3A : memref<!tpu.dma_semaphore, #tpu.memory_space<semaphore_mem>>)
        %dma_wait3A_106 = arith.constant 0 : i32
        %dma_wait3A_107 = tpu.memref_slice %arg10[%multiple_of3A_90, %dma_wait3A_106] : memref<10000x128xf32, #tpu.memory_space<hbm>> -> memref<208x128xf32, #tpu.memory_space<hbm>>
        %dma_wait3A_108 = arith.constant 0 : i32
        %dma_wait3A_109 = tpu.memref_slice %arg20[%multiple_of3A_90, %dma_wait3A_108] : memref<10000x128xf32, #tpu.memory_space<vmem_shared>> -> memref<208x128xf32, #tpu.memory_space<vmem_shared>>
        tpu.wait_dma2 semaphore(%run_scoped3A : memref<!tpu.dma_semaphore, #tpu.memory_space<semaphore_mem>>) src(%dma_wait3A_109 : memref<208x128xf32, #tpu.memory_space<vmem_shared>>) dst(%dma_wait3A_107 : memref<208x128xf32, #tpu.memory_space<hbm>>)
        tpu.yield
      }) : () -> ()
      %add3A_91 = arith.constant 208 : i32
      %add3A_92 = arith.addi %multiple_of3A, %add3A_91 : i32
      %multiple_of3A_93 = tpu.assume_multiple %add3A_92, 8 : i32
      "tpu.region"() ({
        %run_scoped3A = tpu.sem_alloc : memref<!tpu.dma_semaphore, #tpu.memory_space<semaphore_mem>>
        %dma_start3A_102 = arith.constant 0 : i32
        %dma_start3A_103 = tpu.memref_slice %arg10[%multiple_of3A_93, %dma_start3A_102] : memref<10000x128xf32, #tpu.memory_space<hbm>> -> memref<208x128xf32, #tpu.memory_space<hbm>>
        %dma_start3A_104 = arith.constant 0 : i32
        %dma_start3A_105 = tpu.memref_slice %arg20[%multiple_of3A_93, %dma_start3A_104] : memref<10000x128xf32, #tpu.memory_space<vmem_shared>> -> memref<208x128xf32, #tpu.memory_space<vmem_shared>>
        tpu.enqueue_dma source(%dma_start3A_105 : memref<208x128xf32, #tpu.memory_space<vmem_shared>>) target(%dma_start3A_103 : memref<208x128xf32, #tpu.memory_space<hbm>>) target_semaphore(%run_scoped3A : memref<!tpu.dma_semaphore, #tpu.memory_space<semaphore_mem>>)
        %dma_wait3A_106 = arith.constant 0 : i32
        %dma_wait3A_107 = tpu.memref_slice %arg10[%multiple_of3A_93, %dma_wait3A_106] : memref<10000x128xf32, #tpu.memory_space<hbm>> -> memref<208x128xf32, #tpu.memory_space<hbm>>
        %dma_wait3A_108 = arith.constant 0 : i32
        %dma_wait3A_109 = tpu.memref_slice %arg20[%multiple_of3A_93, %dma_wait3A_108] : memref<10000x128xf32, #tpu.memory_space<vmem_shared>> -> memref<208x128xf32, #tpu.memory_space<vmem_shared>>
        tpu.wait_dma2 semaphore(%run_scoped3A : memref<!tpu.dma_semaphore, #tpu.memory_space<semaphore_mem>>) src(%dma_wait3A_109 : memref<208x128xf32, #tpu.memory_space<vmem_shared>>) dst(%dma_wait3A_107 : memref<208x128xf32, #tpu.memory_space<hbm>>)
        tpu.yield
      }) : () -> ()
      %add3A_94 = arith.constant 416 : i32
      %add3A_95 = arith.addi %multiple_of3A, %add3A_94 : i32
      %multiple_of3A_96 = tpu.assume_multiple %add3A_95, 8 : i32
      "tpu.region"() ({
        %run_scoped3A = tpu.sem_alloc : memref<!tpu.dma_semaphore, #tpu.memory_space<semaphore_mem>>
        %dma_start3A_102 = arith.constant 0 : i32
        %dma_start3A_103 = tpu.memref_slice %arg10[%multiple_of3A_96, %dma_start3A_102] : memref<10000x128xf32, #tpu.memory_space<hbm>> -> memref<208x128xf32, #tpu.memory_space<hbm>>
        %dma_start3A_104 = arith.constant 0 : i32
        %dma_start3A_105 = tpu.memref_slice %arg20[%multiple_of3A_96, %dma_start3A_104] : memref<10000x128xf32, #tpu.memory_space<vmem_shared>> -> memref<208x128xf32, #tpu.memory_space<vmem_shared>>
        tpu.enqueue_dma source(%dma_start3A_105 : memref<208x128xf32, #tpu.memory_space<vmem_shared>>) target(%dma_start3A_103 : memref<208x128xf32, #tpu.memory_space<hbm>>) target_semaphore(%run_scoped3A : memref<!tpu.dma_semaphore, #tpu.memory_space<semaphore_mem>>)
        %dma_wait3A_106 = arith.constant 0 : i32
        %dma_wait3A_107 = tpu.memref_slice %arg10[%multiple_of3A_96, %dma_wait3A_106] : memref<10000x128xf32, #tpu.memory_space<hbm>> -> memref<208x128xf32, #tpu.memory_space<hbm>>
        %dma_wait3A_108 = arith.constant 0 : i32
        %dma_wait3A_109 = tpu.memref_slice %arg20[%multiple_of3A_96, %dma_wait3A_108] : memref<10000x128xf32, #tpu.memory_space<vmem_shared>> -> memref<208x128xf32, #tpu.memory_space<vmem_shared>>
        tpu.wait_dma2 semaphore(%run_scoped3A : memref<!tpu.dma_semaphore, #tpu.memory_space<semaphore_mem>>) src(%dma_wait3A_109 : memref<208x128xf32, #tpu.memory_space<vmem_shared>>) dst(%dma_wait3A_107 : memref<208x128xf32, #tpu.memory_space<hbm>>)
        tpu.yield
      }) : () -> ()
      %eq3A_97 = arith.constant 15 : i32
      %eq3A_98 = arith.cmpi eq, %arg1, %eq3A_97 : i32
      %convert_element_type3A_99 = arith.extui %eq3A_98 : i1 to i32
      %cond3A_100 = arith.constant 0 : i32
      %cond3A_101 = arith.cmpi ne, %convert_element_type3A_99, %cond3A_100 : i32
      scf.if %cond3A_101 {
        "tpu.region"() ({
          %run_scoped3A = tpu.sem_alloc : memref<!tpu.dma_semaphore, #tpu.memory_space<semaphore_mem>>
          %dma_start3A_102 = arith.constant 9984 : i32
          %dma_start3A_103 = arith.constant 0 : i32
          %dma_start3A_104 = tpu.memref_slice %arg10[%dma_start3A_102, %dma_start3A_103] : memref<10000x128xf32, #tpu.memory_space<hbm>> -> memref<16x128xf32, #tpu.memory_space<hbm>>
          %dma_start3A_105 = arith.constant 9984 : i32
          %dma_start3A_106 = arith.constant 0 : i32
          %dma_start3A_107 = tpu.memref_slice %arg20[%dma_start3A_105, %dma_start3A_106] : memref<10000x128xf32, #tpu.memory_space<vmem_shared>> -> memref<16x128xf32, #tpu.memory_space<vmem_shared>>
          tpu.enqueue_dma source(%dma_start3A_107 : memref<16x128xf32, #tpu.memory_space<vmem_shared>>) target(%dma_start3A_104 : memref<16x128xf32, #tpu.memory_space<hbm>>) target_semaphore(%run_scoped3A : memref<!tpu.dma_semaphore, #tpu.memory_space<semaphore_mem>>)
          %dma_wait3A_108 = arith.constant 9984 : i32
          %dma_wait3A_109 = arith.constant 0 : i32
          %dma_wait3A_110 = tpu.memref_slice %arg10[%dma_wait3A_108, %dma_wait3A_109] : memref<10000x128xf32, #tpu.memory_space<hbm>> -> memref<16x128xf32, #tpu.memory_space<hbm>>
          %dma_wait3A_111 = arith.constant 9984 : i32
          %dma_wait3A_112 = arith.constant 0 : i32
          %dma_wait3A_113 = tpu.memref_slice %arg20[%dma_wait3A_111, %dma_wait3A_112] : memref<10000x128xf32, #tpu.memory_space<vmem_shared>> -> memref<16x128xf32, #tpu.memory_space<vmem_shared>>
          tpu.wait_dma2 semaphore(%run_scoped3A : memref<!tpu.dma_semaphore, #tpu.memory_space<semaphore_mem>>) src(%dma_wait3A_113 : memref<16x128xf32, #tpu.memory_space<vmem_shared>>) dst(%dma_wait3A_110 : memref<16x128xf32, #tpu.memory_space<hbm>>)
          tpu.yield
        }) : () -> ()
      } else {
      }
    } else {
    }
    return
  }
}

#map = affine_map<(d0, d1) -> (0, 0)>
#map1 = affine_map<(d0, d1) -> (0)>
module attributes {stable_mosaic.version = 14 : i64} {
  func.func @body(%arg0: i32, %arg1: i32, %arg2: memref<80000x128xf32, #tpu.memory_space<hbm>>, %arg3: memref<80000x128xf32, #tpu.memory_space<hbm>>, %arg4: memref<80000x128xf32, #tpu.memory_space<hbm>>, %arg5: memref<80000x128xf32, #tpu.memory_space<hbm>>, %arg6: memref<160000xi32, #tpu.memory_space<hbm>>, %arg7: memref<10000x128xf32, #tpu.memory_space<hbm>>, %arg8: memref<10000x128xf32, #tpu.memory_space<hbm>>, %arg9: memref<10000x128xf32, #tpu.memory_space<hbm>>, %arg10: memref<10000x128xf32, #tpu.memory_space<hbm>>, %arg11: memref<10000x128xf32, #tpu.memory_space<hbm>>, %arg12: memref<10000x128xf32, #tpu.memory_space<hbm>>, %arg13: memref<10000x128xf32, #tpu.memory_space<hbm>>, %arg14: memref<10000x128xf32, #tpu.memory_space<hbm>>, %arg15: memref<40x128xf32, #tpu.memory_space<vmem>>, %arg16: memref<40x128xf32, #tpu.memory_space<vmem>>, %arg17: memref<40x128xf32, #tpu.memory_space<vmem>>, %arg18: memref<40x128xf32, #tpu.memory_space<vmem>>, %arg19: memref<40xi32, #tpu.memory_space<vmem>>, %arg20: memref<40xi32, #tpu.memory_space<vmem>>, %arg21: memref<40xi32, #tpu.memory_space<vmem>>, %arg22: memref<40xi32, #tpu.memory_space<vmem>>, %arg23: memref<208x128xf32, #tpu.memory_space<vmem>>, %arg24: memref<10000x128xf32, #tpu.memory_space<vmem_shared>>, %arg25: memref<!tpu.dma_semaphore, #tpu.memory_space<semaphore_mem>>, %arg26: memref<!tpu.dma_semaphore, #tpu.memory_space<semaphore_mem>>) attributes {dimension_semantics = [#tpu.dimension_semantics<core_parallel>, #tpu.dimension_semantics<subcore_parallel>], iteration_bounds = array<i64: 2, 16>, scalar_prefetch = 0 : i64, scratch_operands = 12 : i64, tpu.core_type = #tpu.core_type<sc_vector_subcore>, window_params = [{transform_indices = #map}, {transform_indices = #map}, {transform_indices = #map}, {transform_indices = #map}, {transform_indices = #map1}, {transform_indices = #map}, {transform_indices = #map}, {transform_indices = #map}, {transform_indices = #map}, {transform_indices = #map}, {transform_indices = #map}, {transform_indices = #map}, {transform_indices = #map}]} {
    %mul3A = arith.constant 624 : i32
    %mul3A_0 = arith.muli %arg1, %mul3A : i32
    %multiple_of3A = tpu.assume_multiple %mul3A_0, 8 : i32
    %mul3A_1 = arith.constant 5000 : i32
    %mul3A_2 = arith.muli %arg1, %mul3A_1 : i32
    %multiple_of3A_3 = tpu.assume_multiple %mul3A_2, 8 : i32
    %mul3A_4 = arith.constant 5000 : i32
    %mul3A_5 = arith.muli %arg1, %mul3A_4 : i32
    %add3A = arith.constant 80000 : i32
    %add3A_6 = arith.addi %add3A, %mul3A_5 : i32
    %multiple_of3A_7 = tpu.assume_multiple %add3A_6, 8 : i32
    %eq3A = arith.constant 0 : i32
    %eq3A_8 = arith.cmpi eq, %arg0, %eq3A : i32
    %convert_element_type3A = arith.extui %eq3A_8 : i1 to i32
    %cond3A = arith.constant 0 : i32
    %cond3A_9 = arith.cmpi ne, %convert_element_type3A, %cond3A : i32
    scf.if %cond3A_9 {
      %add3A_25 = arith.constant 0 : i32
      %add3A_26 = arith.addi %multiple_of3A, %add3A_25 : i32
      %multiple_of3A_27 = tpu.assume_multiple %add3A_26, 8 : i32
      "tpu.region"() ({
        %run_scoped3A = tpu.sem_alloc : memref<!tpu.dma_semaphore, #tpu.memory_space<semaphore_mem>>
        %dma_start3A_96 = arith.constant 0 : i32
        %dma_start3A_97 = tpu.memref_slice %arg24[%multiple_of3A_27, %dma_start3A_96] : memref<10000x128xf32, #tpu.memory_space<vmem_shared>> -> memref<208x128xf32, #tpu.memory_space<vmem_shared>>
        %dma_start3A_98 = arith.constant 0 : i32
        %dma_start3A_99 = tpu.memref_slice %arg7[%multiple_of3A_27, %dma_start3A_98] : memref<10000x128xf32, #tpu.memory_space<hbm>> -> memref<208x128xf32, #tpu.memory_space<hbm>>
        tpu.enqueue_dma source(%dma_start3A_99 : memref<208x128xf32, #tpu.memory_space<hbm>>) target(%dma_start3A_97 : memref<208x128xf32, #tpu.memory_space<vmem_shared>>) target_semaphore(%run_scoped3A : memref<!tpu.dma_semaphore, #tpu.memory_space<semaphore_mem>>)
        %dma_wait3A_100 = arith.constant 0 : i32
        %dma_wait3A_101 = tpu.memref_slice %arg24[%multiple_of3A_27, %dma_wait3A_100] : memref<10000x128xf32, #tpu.memory_space<vmem_shared>> -> memref<208x128xf32, #tpu.memory_space<vmem_shared>>
        %dma_wait3A_102 = arith.constant 0 : i32
        %dma_wait3A_103 = tpu.memref_slice %arg7[%multiple_of3A_27, %dma_wait3A_102] : memref<10000x128xf32, #tpu.memory_space<hbm>> -> memref<208x128xf32, #tpu.memory_space<hbm>>
        tpu.wait_dma2 semaphore(%run_scoped3A : memref<!tpu.dma_semaphore, #tpu.memory_space<semaphore_mem>>) src(%dma_wait3A_103 : memref<208x128xf32, #tpu.memory_space<hbm>>) dst(%dma_wait3A_101 : memref<208x128xf32, #tpu.memory_space<vmem_shared>>)
        tpu.yield
      }) : () -> ()
      %add3A_28 = arith.constant 208 : i32
      %add3A_29 = arith.addi %multiple_of3A, %add3A_28 : i32
      %multiple_of3A_30 = tpu.assume_multiple %add3A_29, 8 : i32
      "tpu.region"() ({
        %run_scoped3A = tpu.sem_alloc : memref<!tpu.dma_semaphore, #tpu.memory_space<semaphore_mem>>
        %dma_start3A_96 = arith.constant 0 : i32
        %dma_start3A_97 = tpu.memref_slice %arg24[%multiple_of3A_30, %dma_start3A_96] : memref<10000x128xf32, #tpu.memory_space<vmem_shared>> -> memref<208x128xf32, #tpu.memory_space<vmem_shared>>
        %dma_start3A_98 = arith.constant 0 : i32
        %dma_start3A_99 = tpu.memref_slice %arg7[%multiple_of3A_30, %dma_start3A_98] : memref<10000x128xf32, #tpu.memory_space<hbm>> -> memref<208x128xf32, #tpu.memory_space<hbm>>
        tpu.enqueue_dma source(%dma_start3A_99 : memref<208x128xf32, #tpu.memory_space<hbm>>) target(%dma_start3A_97 : memref<208x128xf32, #tpu.memory_space<vmem_shared>>) target_semaphore(%run_scoped3A : memref<!tpu.dma_semaphore, #tpu.memory_space<semaphore_mem>>)
        %dma_wait3A_100 = arith.constant 0 : i32
        %dma_wait3A_101 = tpu.memref_slice %arg24[%multiple_of3A_30, %dma_wait3A_100] : memref<10000x128xf32, #tpu.memory_space<vmem_shared>> -> memref<208x128xf32, #tpu.memory_space<vmem_shared>>
        %dma_wait3A_102 = arith.constant 0 : i32
        %dma_wait3A_103 = tpu.memref_slice %arg7[%multiple_of3A_30, %dma_wait3A_102] : memref<10000x128xf32, #tpu.memory_space<hbm>> -> memref<208x128xf32, #tpu.memory_space<hbm>>
        tpu.wait_dma2 semaphore(%run_scoped3A : memref<!tpu.dma_semaphore, #tpu.memory_space<semaphore_mem>>) src(%dma_wait3A_103 : memref<208x128xf32, #tpu.memory_space<hbm>>) dst(%dma_wait3A_101 : memref<208x128xf32, #tpu.memory_space<vmem_shared>>)
        tpu.yield
      }) : () -> ()
      %add3A_31 = arith.constant 416 : i32
      %add3A_32 = arith.addi %multiple_of3A, %add3A_31 : i32
      %multiple_of3A_33 = tpu.assume_multiple %add3A_32, 8 : i32
      "tpu.region"() ({
        %run_scoped3A = tpu.sem_alloc : memref<!tpu.dma_semaphore, #tpu.memory_space<semaphore_mem>>
        %dma_start3A_96 = arith.constant 0 : i32
        %dma_start3A_97 = tpu.memref_slice %arg24[%multiple_of3A_33, %dma_start3A_96] : memref<10000x128xf32, #tpu.memory_space<vmem_shared>> -> memref<208x128xf32, #tpu.memory_space<vmem_shared>>
        %dma_start3A_98 = arith.constant 0 : i32
        %dma_start3A_99 = tpu.memref_slice %arg7[%multiple_of3A_33, %dma_start3A_98] : memref<10000x128xf32, #tpu.memory_space<hbm>> -> memref<208x128xf32, #tpu.memory_space<hbm>>
        tpu.enqueue_dma source(%dma_start3A_99 : memref<208x128xf32, #tpu.memory_space<hbm>>) target(%dma_start3A_97 : memref<208x128xf32, #tpu.memory_space<vmem_shared>>) target_semaphore(%run_scoped3A : memref<!tpu.dma_semaphore, #tpu.memory_space<semaphore_mem>>)
        %dma_wait3A_100 = arith.constant 0 : i32
        %dma_wait3A_101 = tpu.memref_slice %arg24[%multiple_of3A_33, %dma_wait3A_100] : memref<10000x128xf32, #tpu.memory_space<vmem_shared>> -> memref<208x128xf32, #tpu.memory_space<vmem_shared>>
        %dma_wait3A_102 = arith.constant 0 : i32
        %dma_wait3A_103 = tpu.memref_slice %arg7[%multiple_of3A_33, %dma_wait3A_102] : memref<10000x128xf32, #tpu.memory_space<hbm>> -> memref<208x128xf32, #tpu.memory_space<hbm>>
        tpu.wait_dma2 semaphore(%run_scoped3A : memref<!tpu.dma_semaphore, #tpu.memory_space<semaphore_mem>>) src(%dma_wait3A_103 : memref<208x128xf32, #tpu.memory_space<hbm>>) dst(%dma_wait3A_101 : memref<208x128xf32, #tpu.memory_space<vmem_shared>>)
        tpu.yield
      }) : () -> ()
      %eq3A_34 = arith.constant 15 : i32
      %eq3A_35 = arith.cmpi eq, %arg1, %eq3A_34 : i32
      %convert_element_type3A_36 = arith.extui %eq3A_35 : i1 to i32
      %cond3A_37 = arith.constant 0 : i32
      %cond3A_38 = arith.cmpi ne, %convert_element_type3A_36, %cond3A_37 : i32
      scf.if %cond3A_38 {
        "tpu.region"() ({
          %run_scoped3A = tpu.sem_alloc : memref<!tpu.dma_semaphore, #tpu.memory_space<semaphore_mem>>
          %dma_start3A_96 = arith.constant 9984 : i32
          %dma_start3A_97 = arith.constant 0 : i32
          %dma_start3A_98 = tpu.memref_slice %arg24[%dma_start3A_96, %dma_start3A_97] : memref<10000x128xf32, #tpu.memory_space<vmem_shared>> -> memref<16x128xf32, #tpu.memory_space<vmem_shared>>
          %dma_start3A_99 = arith.constant 9984 : i32
          %dma_start3A_100 = arith.constant 0 : i32
          %dma_start3A_101 = tpu.memref_slice %arg7[%dma_start3A_99, %dma_start3A_100] : memref<10000x128xf32, #tpu.memory_space<hbm>> -> memref<16x128xf32, #tpu.memory_space<hbm>>
          tpu.enqueue_dma source(%dma_start3A_101 : memref<16x128xf32, #tpu.memory_space<hbm>>) target(%dma_start3A_98 : memref<16x128xf32, #tpu.memory_space<vmem_shared>>) target_semaphore(%run_scoped3A : memref<!tpu.dma_semaphore, #tpu.memory_space<semaphore_mem>>)
          %dma_wait3A_102 = arith.constant 9984 : i32
          %dma_wait3A_103 = arith.constant 0 : i32
          %dma_wait3A_104 = tpu.memref_slice %arg24[%dma_wait3A_102, %dma_wait3A_103] : memref<10000x128xf32, #tpu.memory_space<vmem_shared>> -> memref<16x128xf32, #tpu.memory_space<vmem_shared>>
          %dma_wait3A_105 = arith.constant 9984 : i32
          %dma_wait3A_106 = arith.constant 0 : i32
          %dma_wait3A_107 = tpu.memref_slice %arg7[%dma_wait3A_105, %dma_wait3A_106] : memref<10000x128xf32, #tpu.memory_space<hbm>> -> memref<16x128xf32, #tpu.memory_space<hbm>>
          tpu.wait_dma2 semaphore(%run_scoped3A : memref<!tpu.dma_semaphore, #tpu.memory_space<semaphore_mem>>) src(%dma_wait3A_107 : memref<16x128xf32, #tpu.memory_space<hbm>>) dst(%dma_wait3A_104 : memref<16x128xf32, #tpu.memory_space<vmem_shared>>)
          tpu.yield
        }) : () -> ()
      } else {
      }
      %barrier3A = arith.constant 0 : index
      tpu.barrier barrier_id(%barrier3A)
      %add3A_39 = arith.constant 0 : i32
      %add3A_40 = arith.addi %multiple_of3A_7, %add3A_39 : i32
      %multiple_of3A_41 = tpu.assume_multiple %add3A_40, 8 : i32
      %add3A_42 = arith.constant 0 : i32
      %add3A_43 = arith.addi %multiple_of3A_3, %add3A_42 : i32
      %multiple_of3A_44 = tpu.assume_multiple %add3A_43, 8 : i32
      %dma_start3A = tpu.memref_slice %arg6[%multiple_of3A_41] : memref<160000xi32, #tpu.memory_space<hbm>> -> memref<40xi32, #tpu.memory_space<hbm>>
      %dma_start3A_45 = tpu.memref_slice %arg6[%multiple_of3A_41] : memref<160000xi32, #tpu.memory_space<hbm>> -> memref<40xi32, #tpu.memory_space<hbm>>
      tpu.enqueue_dma source(%dma_start3A_45 : memref<40xi32, #tpu.memory_space<hbm>>) target(%arg19 : memref<40xi32, #tpu.memory_space<vmem>>) target_semaphore(%arg25 : memref<!tpu.dma_semaphore, #tpu.memory_space<semaphore_mem>>)
      %dma_start3A_46 = arith.constant 0 : i32
      %dma_start3A_47 = tpu.memref_slice %arg2[%multiple_of3A_44, %dma_start3A_46] : memref<80000x128xf32, #tpu.memory_space<hbm>> -> memref<40x128xf32, #tpu.memory_space<hbm>>
      %dma_start3A_48 = arith.constant 0 : i32
      %dma_start3A_49 = tpu.memref_slice %arg2[%multiple_of3A_44, %dma_start3A_48] : memref<80000x128xf32, #tpu.memory_space<hbm>> -> memref<40x128xf32, #tpu.memory_space<hbm>>
      tpu.enqueue_dma source(%dma_start3A_49 : memref<40x128xf32, #tpu.memory_space<hbm>>) target(%arg15 : memref<40x128xf32, #tpu.memory_space<vmem>>) target_semaphore(%arg25 : memref<!tpu.dma_semaphore, #tpu.memory_space<semaphore_mem>>)
      %add3A_50 = arith.constant 40 : i32
      %add3A_51 = arith.addi %multiple_of3A_7, %add3A_50 : i32
      %multiple_of3A_52 = tpu.assume_multiple %add3A_51, 8 : i32
      %add3A_53 = arith.constant 40 : i32
      %add3A_54 = arith.addi %multiple_of3A_3, %add3A_53 : i32
      %multiple_of3A_55 = tpu.assume_multiple %add3A_54, 8 : i32
      %dma_start3A_56 = tpu.memref_slice %arg6[%multiple_of3A_52] : memref<160000xi32, #tpu.memory_space<hbm>> -> memref<40xi32, #tpu.memory_space<hbm>>
      %dma_start3A_57 = tpu.memref_slice %arg6[%multiple_of3A_52] : memref<160000xi32, #tpu.memory_space<hbm>> -> memref<40xi32, #tpu.memory_space<hbm>>
      tpu.enqueue_dma source(%dma_start3A_57 : memref<40xi32, #tpu.memory_space<hbm>>) target(%arg20 : memref<40xi32, #tpu.memory_space<vmem>>) target_semaphore(%arg25 : memref<!tpu.dma_semaphore, #tpu.memory_space<semaphore_mem>>)
      %dma_start3A_58 = arith.constant 0 : i32
      %dma_start3A_59 = tpu.memref_slice %arg2[%multiple_of3A_55, %dma_start3A_58] : memref<80000x128xf32, #tpu.memory_space<hbm>> -> memref<40x128xf32, #tpu.memory_space<hbm>>
      %dma_start3A_60 = arith.constant 0 : i32
      %dma_start3A_61 = tpu.memref_slice %arg2[%multiple_of3A_55, %dma_start3A_60] : memref<80000x128xf32, #tpu.memory_space<hbm>> -> memref<40x128xf32, #tpu.memory_space<hbm>>
      tpu.enqueue_dma source(%dma_start3A_61 : memref<40x128xf32, #tpu.memory_space<hbm>>) target(%arg16 : memref<40x128xf32, #tpu.memory_space<vmem>>) target_semaphore(%arg25 : memref<!tpu.dma_semaphore, #tpu.memory_space<semaphore_mem>>)
      %add3A_62 = arith.constant 80 : i32
      %add3A_63 = arith.addi %multiple_of3A_7, %add3A_62 : i32
      %multiple_of3A_64 = tpu.assume_multiple %add3A_63, 8 : i32
      %add3A_65 = arith.constant 80 : i32
      %add3A_66 = arith.addi %multiple_of3A_3, %add3A_65 : i32
      %multiple_of3A_67 = tpu.assume_multiple %add3A_66, 8 : i32
      %dma_start3A_68 = tpu.memref_slice %arg6[%multiple_of3A_64] : memref<160000xi32, #tpu.memory_space<hbm>> -> memref<40xi32, #tpu.memory_space<hbm>>
      %dma_start3A_69 = tpu.memref_slice %arg6[%multiple_of3A_64] : memref<160000xi32, #tpu.memory_space<hbm>> -> memref<40xi32, #tpu.memory_space<hbm>>
      tpu.enqueue_dma source(%dma_start3A_69 : memref<40xi32, #tpu.memory_space<hbm>>) target(%arg21 : memref<40xi32, #tpu.memory_space<vmem>>) target_semaphore(%arg25 : memref<!tpu.dma_semaphore, #tpu.memory_space<semaphore_mem>>)
      %dma_start3A_70 = arith.constant 0 : i32
      %dma_start3A_71 = tpu.memref_slice %arg2[%multiple_of3A_67, %dma_start3A_70] : memref<80000x128xf32, #tpu.memory_space<hbm>> -> memref<40x128xf32, #tpu.memory_space<hbm>>
      %dma_start3A_72 = arith.constant 0 : i32
      %dma_start3A_73 = tpu.memref_slice %arg2[%multiple_of3A_67, %dma_start3A_72] : memref<80000x128xf32, #tpu.memory_space<hbm>> -> memref<40x128xf32, #tpu.memory_space<hbm>>
      tpu.enqueue_dma source(%dma_start3A_73 : memref<40x128xf32, #tpu.memory_space<hbm>>) target(%arg17 : memref<40x128xf32, #tpu.memory_space<vmem>>) target_semaphore(%arg25 : memref<!tpu.dma_semaphore, #tpu.memory_space<semaphore_mem>>)
      %scan3A = arith.constant 0 : i32
      %scan3A_74 = arith.constant 0 : i32
      %scan3A_75 = arith.constant 32 : i32
      %scan3A_76 = arith.addi %scan3A_74, %scan3A_75 : i32
      %scan3A_77 = arith.constant 1 : i32
      scf.for %scan3A_96 = %scan3A_74 to %scan3A_76 step %scan3A_77  : i32 {
        %mul3A_97 = arith.constant 4 : i32
        %mul3A_98 = arith.muli %scan3A_96, %mul3A_97 : i32
        %add3A_99 = arith.constant 0 : i32
        %add3A_100 = arith.addi %mul3A_98, %add3A_99 : i32
        %lt3A = arith.constant 125 : i32
        %lt3A_101 = arith.cmpi slt, %add3A_100, %lt3A : i32
        %convert_element_type3A_102 = arith.extui %lt3A_101 : i1 to i32
        %cond3A_103 = arith.constant 0 : i32
        %cond3A_104 = arith.cmpi ne, %convert_element_type3A_102, %cond3A_103 : i32
        scf.if %cond3A_104 {
          %mul3A_126 = arith.constant 40 : i32
          %mul3A_127 = arith.muli %add3A_100, %mul3A_126 : i32
          %add3A_128 = arith.addi %multiple_of3A_7, %mul3A_127 : i32
          %multiple_of3A_129 = tpu.assume_multiple %add3A_128, 8 : i32
          %mul3A_130 = arith.constant 40 : i32
          %mul3A_131 = arith.muli %add3A_100, %mul3A_130 : i32
          %add3A_132 = arith.addi %multiple_of3A_3, %mul3A_131 : i32
          %multiple_of3A_133 = tpu.assume_multiple %add3A_132, 8 : i32
          %dma_wait3A_134 = tpu.memref_slice %arg6[%multiple_of3A_129] : memref<160000xi32, #tpu.memory_space<hbm>> -> memref<40xi32, #tpu.memory_space<hbm>>
          %dma_wait3A_135 = tpu.memref_slice %arg6[%multiple_of3A_129] : memref<160000xi32, #tpu.memory_space<hbm>> -> memref<40xi32, #tpu.memory_space<hbm>>
          tpu.wait_dma2 semaphore(%arg25 : memref<!tpu.dma_semaphore, #tpu.memory_space<semaphore_mem>>) src(%dma_wait3A_135 : memref<40xi32, #tpu.memory_space<hbm>>) dst(%arg19 : memref<40xi32, #tpu.memory_space<vmem>>)
          %dma_wait3A_136 = arith.constant 0 : i32
          %dma_wait3A_137 = tpu.memref_slice %arg2[%multiple_of3A_133, %dma_wait3A_136] : memref<80000x128xf32, #tpu.memory_space<hbm>> -> memref<40x128xf32, #tpu.memory_space<hbm>>
          %dma_wait3A_138 = arith.constant 0 : i32
          %dma_wait3A_139 = tpu.memref_slice %arg2[%multiple_of3A_133, %dma_wait3A_138] : memref<80000x128xf32, #tpu.memory_space<hbm>> -> memref<40x128xf32, #tpu.memory_space<hbm>>
          tpu.wait_dma2 semaphore(%arg25 : memref<!tpu.dma_semaphore, #tpu.memory_space<semaphore_mem>>) src(%dma_wait3A_139 : memref<40x128xf32, #tpu.memory_space<hbm>>) dst(%arg15 : memref<40x128xf32, #tpu.memory_space<vmem>>)
          %gt3A = arith.constant 0 : i32
          %gt3A_140 = arith.cmpi sgt, %add3A_100, %gt3A : i32
          %convert_element_type3A_141 = arith.extui %gt3A_140 : i1 to i32
          %cond3A_142 = arith.constant 0 : i32
          %cond3A_143 = arith.cmpi ne, %convert_element_type3A_141, %cond3A_142 : i32
          scf.if %cond3A_143 {
            %dma_wait3A_155 = arith.constant 0 : i32
            %dma_wait3A_156 = arith.constant 0 : i32
            %dma_wait3A_157 = tpu.memref_slice %arg24[%dma_wait3A_155, %dma_wait3A_156] : memref<10000x128xf32, #tpu.memory_space<vmem_shared>> -> memref<10000x128xf32, #tpu.memory_space<vmem_shared>>
            tpu.wait_indirect_dma semaphore(%arg26 : memref<!tpu.dma_semaphore, #tpu.memory_space<semaphore_mem>>) src(%arg18 : memref<40x128xf32, #tpu.memory_space<vmem>>) dst(%dma_wait3A_157 : memref<10000x128xf32, #tpu.memory_space<vmem_shared>>)
          } else {
          }
          %add3A_144 = arith.constant 4 : i32
          %add3A_145 = arith.addi %add3A_100, %add3A_144 : i32
          %sub3A = arith.constant 1 : i32
          %sub3A_146 = arith.subi %add3A_145, %sub3A : i32
          %lt3A_147 = arith.constant 125 : i32
          %lt3A_148 = arith.cmpi slt, %sub3A_146, %lt3A_147 : i32
          %convert_element_type3A_149 = arith.extui %lt3A_148 : i1 to i32
          %cond3A_150 = arith.constant 0 : i32
          %cond3A_151 = arith.cmpi ne, %convert_element_type3A_149, %cond3A_150 : i32
          scf.if %cond3A_151 {
            %add3A_155 = arith.constant 4 : i32
            %add3A_156 = arith.addi %add3A_100, %add3A_155 : i32
            %sub3A_157 = arith.constant 1 : i32
            %sub3A_158 = arith.subi %add3A_156, %sub3A_157 : i32
            %mul3A_159 = arith.constant 40 : i32
            %mul3A_160 = arith.muli %sub3A_158, %mul3A_159 : i32
            %add3A_161 = arith.addi %multiple_of3A_7, %mul3A_160 : i32
            %multiple_of3A_162 = tpu.assume_multiple %add3A_161, 8 : i32
            %mul3A_163 = arith.constant 40 : i32
            %mul3A_164 = arith.muli %sub3A_158, %mul3A_163 : i32
            %add3A_165 = arith.addi %multiple_of3A_3, %mul3A_164 : i32
            %multiple_of3A_166 = tpu.assume_multiple %add3A_165, 8 : i32
            %dma_start3A_167 = tpu.memref_slice %arg6[%multiple_of3A_162] : memref<160000xi32, #tpu.memory_space<hbm>> -> memref<40xi32, #tpu.memory_space<hbm>>
            %dma_start3A_168 = tpu.memref_slice %arg6[%multiple_of3A_162] : memref<160000xi32, #tpu.memory_space<hbm>> -> memref<40xi32, #tpu.memory_space<hbm>>
            tpu.enqueue_dma source(%dma_start3A_168 : memref<40xi32, #tpu.memory_space<hbm>>) target(%arg22 : memref<40xi32, #tpu.memory_space<vmem>>) target_semaphore(%arg25 : memref<!tpu.dma_semaphore, #tpu.memory_space<semaphore_mem>>)
            %dma_start3A_169 = arith.constant 0 : i32
            %dma_start3A_170 = tpu.memref_slice %arg2[%multiple_of3A_166, %dma_start3A_169] : memref<80000x128xf32, #tpu.memory_space<hbm>> -> memref<40x128xf32, #tpu.memory_space<hbm>>
            %dma_start3A_171 = arith.constant 0 : i32
            %dma_start3A_172 = tpu.memref_slice %arg2[%multiple_of3A_166, %dma_start3A_171] : memref<80000x128xf32, #tpu.memory_space<hbm>> -> memref<40x128xf32, #tpu.memory_space<hbm>>
            tpu.enqueue_dma source(%dma_start3A_172 : memref<40x128xf32, #tpu.memory_space<hbm>>) target(%arg18 : memref<40x128xf32, #tpu.memory_space<vmem>>) target_semaphore(%arg25 : memref<!tpu.dma_semaphore, #tpu.memory_space<semaphore_mem>>)
          } else {
          }
          %dma_start3A_152 = arith.constant 0 : i32
          %dma_start3A_153 = arith.constant 0 : i32
          %dma_start3A_154 = tpu.memref_slice %arg24[%dma_start3A_152, %dma_start3A_153] : memref<10000x128xf32, #tpu.memory_space<vmem_shared>> -> memref<10000x128xf32, #tpu.memory_space<vmem_shared>>
          tpu.enqueue_indirect_dma source(%arg15 : memref<40x128xf32, #tpu.memory_space<vmem>>) target(%dma_start3A_154 : memref<10000x128xf32, #tpu.memory_space<vmem_shared>>) offsets(%arg19 : memref<40xi32, #tpu.memory_space<vmem>>) semaphore(%arg26 : memref<!tpu.dma_semaphore, #tpu.memory_space<semaphore_mem>>) {add = true}
        } else {
        }
        %add3A_105 = arith.constant 1 : i32
        %add3A_106 = arith.addi %mul3A_98, %add3A_105 : i32
        %lt3A_107 = arith.constant 125 : i32
        %lt3A_108 = arith.cmpi slt, %add3A_106, %lt3A_107 : i32
        %convert_element_type3A_109 = arith.extui %lt3A_108 : i1 to i32
        %cond3A_110 = arith.constant 0 : i32
        %cond3A_111 = arith.cmpi ne, %convert_element_type3A_109, %cond3A_110 : i32
        scf.if %cond3A_111 {
          %mul3A_126 = arith.constant 40 : i32
          %mul3A_127 = arith.muli %add3A_106, %mul3A_126 : i32
          %add3A_128 = arith.addi %multiple_of3A_7, %mul3A_127 : i32
          %multiple_of3A_129 = tpu.assume_multiple %add3A_128, 8 : i32
          %mul3A_130 = arith.constant 40 : i32
          %mul3A_131 = arith.muli %add3A_106, %mul3A_130 : i32
          %add3A_132 = arith.addi %multiple_of3A_3, %mul3A_131 : i32
          %multiple_of3A_133 = tpu.assume_multiple %add3A_132, 8 : i32
          %dma_wait3A_134 = tpu.memref_slice %arg6[%multiple_of3A_129] : memref<160000xi32, #tpu.memory_space<hbm>> -> memref<40xi32, #tpu.memory_space<hbm>>
          %dma_wait3A_135 = tpu.memref_slice %arg6[%multiple_of3A_129] : memref<160000xi32, #tpu.memory_space<hbm>> -> memref<40xi32, #tpu.memory_space<hbm>>
          tpu.wait_dma2 semaphore(%arg25 : memref<!tpu.dma_semaphore, #tpu.memory_space<semaphore_mem>>) src(%dma_wait3A_135 : memref<40xi32, #tpu.memory_space<hbm>>) dst(%arg20 : memref<40xi32, #tpu.memory_space<vmem>>)
          %dma_wait3A_136 = arith.constant 0 : i32
          %dma_wait3A_137 = tpu.memref_slice %arg2[%multiple_of3A_133, %dma_wait3A_136] : memref<80000x128xf32, #tpu.memory_space<hbm>> -> memref<40x128xf32, #tpu.memory_space<hbm>>
          %dma_wait3A_138 = arith.constant 0 : i32
          %dma_wait3A_139 = tpu.memref_slice %arg2[%multiple_of3A_133, %dma_wait3A_138] : memref<80000x128xf32, #tpu.memory_space<hbm>> -> memref<40x128xf32, #tpu.memory_space<hbm>>
          tpu.wait_dma2 semaphore(%arg25 : memref<!tpu.dma_semaphore, #tpu.memory_space<semaphore_mem>>) src(%dma_wait3A_139 : memref<40x128xf32, #tpu.memory_space<hbm>>) dst(%arg16 : memref<40x128xf32, #tpu.memory_space<vmem>>)
          %gt3A = arith.constant 0 : i32
          %gt3A_140 = arith.cmpi sgt, %add3A_106, %gt3A : i32
          %convert_element_type3A_141 = arith.extui %gt3A_140 : i1 to i32
          %cond3A_142 = arith.constant 0 : i32
          %cond3A_143 = arith.cmpi ne, %convert_element_type3A_141, %cond3A_142 : i32
          scf.if %cond3A_143 {
            %dma_wait3A_155 = arith.constant 0 : i32
            %dma_wait3A_156 = arith.constant 0 : i32
            %dma_wait3A_157 = tpu.memref_slice %arg24[%dma_wait3A_155, %dma_wait3A_156] : memref<10000x128xf32, #tpu.memory_space<vmem_shared>> -> memref<10000x128xf32, #tpu.memory_space<vmem_shared>>
            tpu.wait_indirect_dma semaphore(%arg26 : memref<!tpu.dma_semaphore, #tpu.memory_space<semaphore_mem>>) src(%arg15 : memref<40x128xf32, #tpu.memory_space<vmem>>) dst(%dma_wait3A_157 : memref<10000x128xf32, #tpu.memory_space<vmem_shared>>)
          } else {
          }
          %add3A_144 = arith.constant 4 : i32
          %add3A_145 = arith.addi %add3A_106, %add3A_144 : i32
          %sub3A = arith.constant 1 : i32
          %sub3A_146 = arith.subi %add3A_145, %sub3A : i32
          %lt3A_147 = arith.constant 125 : i32
          %lt3A_148 = arith.cmpi slt, %sub3A_146, %lt3A_147 : i32
          %convert_element_type3A_149 = arith.extui %lt3A_148 : i1 to i32
          %cond3A_150 = arith.constant 0 : i32
          %cond3A_151 = arith.cmpi ne, %convert_element_type3A_149, %cond3A_150 : i32
          scf.if %cond3A_151 {
            %add3A_155 = arith.constant 4 : i32
            %add3A_156 = arith.addi %add3A_106, %add3A_155 : i32
            %sub3A_157 = arith.constant 1 : i32
            %sub3A_158 = arith.subi %add3A_156, %sub3A_157 : i32
            %mul3A_159 = arith.constant 40 : i32
            %mul3A_160 = arith.muli %sub3A_158, %mul3A_159 : i32
            %add3A_161 = arith.addi %multiple_of3A_7, %mul3A_160 : i32
            %multiple_of3A_162 = tpu.assume_multiple %add3A_161, 8 : i32
            %mul3A_163 = arith.constant 40 : i32
            %mul3A_164 = arith.muli %sub3A_158, %mul3A_163 : i32
            %add3A_165 = arith.addi %multiple_of3A_3, %mul3A_164 : i32
            %multiple_of3A_166 = tpu.assume_multiple %add3A_165, 8 : i32
            %dma_start3A_167 = tpu.memref_slice %arg6[%multiple_of3A_162] : memref<160000xi32, #tpu.memory_space<hbm>> -> memref<40xi32, #tpu.memory_space<hbm>>
            %dma_start3A_168 = tpu.memref_slice %arg6[%multiple_of3A_162] : memref<160000xi32, #tpu.memory_space<hbm>> -> memref<40xi32, #tpu.memory_space<hbm>>
            tpu.enqueue_dma source(%dma_start3A_168 : memref<40xi32, #tpu.memory_space<hbm>>) target(%arg19 : memref<40xi32, #tpu.memory_space<vmem>>) target_semaphore(%arg25 : memref<!tpu.dma_semaphore, #tpu.memory_space<semaphore_mem>>)
            %dma_start3A_169 = arith.constant 0 : i32
            %dma_start3A_170 = tpu.memref_slice %arg2[%multiple_of3A_166, %dma_start3A_169] : memref<80000x128xf32, #tpu.memory_space<hbm>> -> memref<40x128xf32, #tpu.memory_space<hbm>>
            %dma_start3A_171 = arith.constant 0 : i32
            %dma_start3A_172 = tpu.memref_slice %arg2[%multiple_of3A_166, %dma_start3A_171] : memref<80000x128xf32, #tpu.memory_space<hbm>> -> memref<40x128xf32, #tpu.memory_space<hbm>>
            tpu.enqueue_dma source(%dma_start3A_172 : memref<40x128xf32, #tpu.memory_space<hbm>>) target(%arg15 : memref<40x128xf32, #tpu.memory_space<vmem>>) target_semaphore(%arg25 : memref<!tpu.dma_semaphore, #tpu.memory_space<semaphore_mem>>)
          } else {
          }
          %dma_start3A_152 = arith.constant 0 : i32
          %dma_start3A_153 = arith.constant 0 : i32
          %dma_start3A_154 = tpu.memref_slice %arg24[%dma_start3A_152, %dma_start3A_153] : memref<10000x128xf32, #tpu.memory_space<vmem_shared>> -> memref<10000x128xf32, #tpu.memory_space<vmem_shared>>
          tpu.enqueue_indirect_dma source(%arg16 : memref<40x128xf32, #tpu.memory_space<vmem>>) target(%dma_start3A_154 : memref<10000x128xf32, #tpu.memory_space<vmem_shared>>) offsets(%arg20 : memref<40xi32, #tpu.memory_space<vmem>>) semaphore(%arg26 : memref<!tpu.dma_semaphore, #tpu.memory_space<semaphore_mem>>) {add = true}
        } else {
        }
        %add3A_112 = arith.constant 2 : i32
        %add3A_113 = arith.addi %mul3A_98, %add3A_112 : i32
        %lt3A_114 = arith.constant 125 : i32
        %lt3A_115 = arith.cmpi slt, %add3A_113, %lt3A_114 : i32
        %convert_element_type3A_116 = arith.extui %lt3A_115 : i1 to i32
        %cond3A_117 = arith.constant 0 : i32
        %cond3A_118 = arith.cmpi ne, %convert_element_type3A_116, %cond3A_117 : i32
        scf.if %cond3A_118 {
          %mul3A_126 = arith.constant 40 : i32
          %mul3A_127 = arith.muli %add3A_113, %mul3A_126 : i32
          %add3A_128 = arith.addi %multiple_of3A_7, %mul3A_127 : i32
          %multiple_of3A_129 = tpu.assume_multiple %add3A_128, 8 : i32
          %mul3A_130 = arith.constant 40 : i32
          %mul3A_131 = arith.muli %add3A_113, %mul3A_130 : i32
          %add3A_132 = arith.addi %multiple_of3A_3, %mul3A_131 : i32
          %multiple_of3A_133 = tpu.assume_multiple %add3A_132, 8 : i32
          %dma_wait3A_134 = tpu.memref_slice %arg6[%multiple_of3A_129] : memref<160000xi32, #tpu.memory_space<hbm>> -> memref<40xi32, #tpu.memory_space<hbm>>
          %dma_wait3A_135 = tpu.memref_slice %arg6[%multiple_of3A_129] : memref<160000xi32, #tpu.memory_space<hbm>> -> memref<40xi32, #tpu.memory_space<hbm>>
          tpu.wait_dma2 semaphore(%arg25 : memref<!tpu.dma_semaphore, #tpu.memory_space<semaphore_mem>>) src(%dma_wait3A_135 : memref<40xi32, #tpu.memory_space<hbm>>) dst(%arg21 : memref<40xi32, #tpu.memory_space<vmem>>)
          %dma_wait3A_136 = arith.constant 0 : i32
          %dma_wait3A_137 = tpu.memref_slice %arg2[%multiple_of3A_133, %dma_wait3A_136] : memref<80000x128xf32, #tpu.memory_space<hbm>> -> memref<40x128xf32, #tpu.memory_space<hbm>>
          %dma_wait3A_138 = arith.constant 0 : i32
          %dma_wait3A_139 = tpu.memref_slice %arg2[%multiple_of3A_133, %dma_wait3A_138] : memref<80000x128xf32, #tpu.memory_space<hbm>> -> memref<40x128xf32, #tpu.memory_space<hbm>>
          tpu.wait_dma2 semaphore(%arg25 : memref<!tpu.dma_semaphore, #tpu.memory_space<semaphore_mem>>) src(%dma_wait3A_139 : memref<40x128xf32, #tpu.memory_space<hbm>>) dst(%arg17 : memref<40x128xf32, #tpu.memory_space<vmem>>)
          %gt3A = arith.constant 0 : i32
          %gt3A_140 = arith.cmpi sgt, %add3A_113, %gt3A : i32
          %convert_element_type3A_141 = arith.extui %gt3A_140 : i1 to i32
          %cond3A_142 = arith.constant 0 : i32
          %cond3A_143 = arith.cmpi ne, %convert_element_type3A_141, %cond3A_142 : i32
          scf.if %cond3A_143 {
            %dma_wait3A_155 = arith.constant 0 : i32
            %dma_wait3A_156 = arith.constant 0 : i32
            %dma_wait3A_157 = tpu.memref_slice %arg24[%dma_wait3A_155, %dma_wait3A_156] : memref<10000x128xf32, #tpu.memory_space<vmem_shared>> -> memref<10000x128xf32, #tpu.memory_space<vmem_shared>>
            tpu.wait_indirect_dma semaphore(%arg26 : memref<!tpu.dma_semaphore, #tpu.memory_space<semaphore_mem>>) src(%arg16 : memref<40x128xf32, #tpu.memory_space<vmem>>) dst(%dma_wait3A_157 : memref<10000x128xf32, #tpu.memory_space<vmem_shared>>)
          } else {
          }
          %add3A_144 = arith.constant 4 : i32
          %add3A_145 = arith.addi %add3A_113, %add3A_144 : i32
          %sub3A = arith.constant 1 : i32
          %sub3A_146 = arith.subi %add3A_145, %sub3A : i32
          %lt3A_147 = arith.constant 125 : i32
          %lt3A_148 = arith.cmpi slt, %sub3A_146, %lt3A_147 : i32
          %convert_element_type3A_149 = arith.extui %lt3A_148 : i1 to i32
          %cond3A_150 = arith.constant 0 : i32
          %cond3A_151 = arith.cmpi ne, %convert_element_type3A_149, %cond3A_150 : i32
          scf.if %cond3A_151 {
            %add3A_155 = arith.constant 4 : i32
            %add3A_156 = arith.addi %add3A_113, %add3A_155 : i32
            %sub3A_157 = arith.constant 1 : i32
            %sub3A_158 = arith.subi %add3A_156, %sub3A_157 : i32
            %mul3A_159 = arith.constant 40 : i32
            %mul3A_160 = arith.muli %sub3A_158, %mul3A_159 : i32
            %add3A_161 = arith.addi %multiple_of3A_7, %mul3A_160 : i32
            %multiple_of3A_162 = tpu.assume_multiple %add3A_161, 8 : i32
            %mul3A_163 = arith.constant 40 : i32
            %mul3A_164 = arith.muli %sub3A_158, %mul3A_163 : i32
            %add3A_165 = arith.addi %multiple_of3A_3, %mul3A_164 : i32
            %multiple_of3A_166 = tpu.assume_multiple %add3A_165, 8 : i32
            %dma_start3A_167 = tpu.memref_slice %arg6[%multiple_of3A_162] : memref<160000xi32, #tpu.memory_space<hbm>> -> memref<40xi32, #tpu.memory_space<hbm>>
            %dma_start3A_168 = tpu.memref_slice %arg6[%multiple_of3A_162] : memref<160000xi32, #tpu.memory_space<hbm>> -> memref<40xi32, #tpu.memory_space<hbm>>
            tpu.enqueue_dma source(%dma_start3A_168 : memref<40xi32, #tpu.memory_space<hbm>>) target(%arg20 : memref<40xi32, #tpu.memory_space<vmem>>) target_semaphore(%arg25 : memref<!tpu.dma_semaphore, #tpu.memory_space<semaphore_mem>>)
            %dma_start3A_169 = arith.constant 0 : i32
            %dma_start3A_170 = tpu.memref_slice %arg2[%multiple_of3A_166, %dma_start3A_169] : memref<80000x128xf32, #tpu.memory_space<hbm>> -> memref<40x128xf32, #tpu.memory_space<hbm>>
            %dma_start3A_171 = arith.constant 0 : i32
            %dma_start3A_172 = tpu.memref_slice %arg2[%multiple_of3A_166, %dma_start3A_171] : memref<80000x128xf32, #tpu.memory_space<hbm>> -> memref<40x128xf32, #tpu.memory_space<hbm>>
            tpu.enqueue_dma source(%dma_start3A_172 : memref<40x128xf32, #tpu.memory_space<hbm>>) target(%arg16 : memref<40x128xf32, #tpu.memory_space<vmem>>) target_semaphore(%arg25 : memref<!tpu.dma_semaphore, #tpu.memory_space<semaphore_mem>>)
          } else {
          }
          %dma_start3A_152 = arith.constant 0 : i32
          %dma_start3A_153 = arith.constant 0 : i32
          %dma_start3A_154 = tpu.memref_slice %arg24[%dma_start3A_152, %dma_start3A_153] : memref<10000x128xf32, #tpu.memory_space<vmem_shared>> -> memref<10000x128xf32, #tpu.memory_space<vmem_shared>>
          tpu.enqueue_indirect_dma source(%arg17 : memref<40x128xf32, #tpu.memory_space<vmem>>) target(%dma_start3A_154 : memref<10000x128xf32, #tpu.memory_space<vmem_shared>>) offsets(%arg21 : memref<40xi32, #tpu.memory_space<vmem>>) semaphore(%arg26 : memref<!tpu.dma_semaphore, #tpu.memory_space<semaphore_mem>>) {add = true}
        } else {
        }
        %add3A_119 = arith.constant 3 : i32
        %add3A_120 = arith.addi %mul3A_98, %add3A_119 : i32
        %lt3A_121 = arith.constant 125 : i32
        %lt3A_122 = arith.cmpi slt, %add3A_120, %lt3A_121 : i32
        %convert_element_type3A_123 = arith.extui %lt3A_122 : i1 to i32
        %cond3A_124 = arith.constant 0 : i32
        %cond3A_125 = arith.cmpi ne, %convert_element_type3A_123, %cond3A_124 : i32
        scf.if %cond3A_125 {
          %mul3A_126 = arith.constant 40 : i32
          %mul3A_127 = arith.muli %add3A_120, %mul3A_126 : i32
          %add3A_128 = arith.addi %multiple_of3A_7, %mul3A_127 : i32
          %multiple_of3A_129 = tpu.assume_multiple %add3A_128, 8 : i32
          %mul3A_130 = arith.constant 40 : i32
          %mul3A_131 = arith.muli %add3A_120, %mul3A_130 : i32
          %add3A_132 = arith.addi %multiple_of3A_3, %mul3A_131 : i32
          %multiple_of3A_133 = tpu.assume_multiple %add3A_132, 8 : i32
          %dma_wait3A_134 = tpu.memref_slice %arg6[%multiple_of3A_129] : memref<160000xi32, #tpu.memory_space<hbm>> -> memref<40xi32, #tpu.memory_space<hbm>>
          %dma_wait3A_135 = tpu.memref_slice %arg6[%multiple_of3A_129] : memref<160000xi32, #tpu.memory_space<hbm>> -> memref<40xi32, #tpu.memory_space<hbm>>
          tpu.wait_dma2 semaphore(%arg25 : memref<!tpu.dma_semaphore, #tpu.memory_space<semaphore_mem>>) src(%dma_wait3A_135 : memref<40xi32, #tpu.memory_space<hbm>>) dst(%arg22 : memref<40xi32, #tpu.memory_space<vmem>>)
          %dma_wait3A_136 = arith.constant 0 : i32
          %dma_wait3A_137 = tpu.memref_slice %arg2[%multiple_of3A_133, %dma_wait3A_136] : memref<80000x128xf32, #tpu.memory_space<hbm>> -> memref<40x128xf32, #tpu.memory_space<hbm>>
          %dma_wait3A_138 = arith.constant 0 : i32
          %dma_wait3A_139 = tpu.memref_slice %arg2[%multiple_of3A_133, %dma_wait3A_138] : memref<80000x128xf32, #tpu.memory_space<hbm>> -> memref<40x128xf32, #tpu.memory_space<hbm>>
          tpu.wait_dma2 semaphore(%arg25 : memref<!tpu.dma_semaphore, #tpu.memory_space<semaphore_mem>>) src(%dma_wait3A_139 : memref<40x128xf32, #tpu.memory_space<hbm>>) dst(%arg18 : memref<40x128xf32, #tpu.memory_space<vmem>>)
          %gt3A = arith.constant 0 : i32
          %gt3A_140 = arith.cmpi sgt, %add3A_120, %gt3A : i32
          %convert_element_type3A_141 = arith.extui %gt3A_140 : i1 to i32
          %cond3A_142 = arith.constant 0 : i32
          %cond3A_143 = arith.cmpi ne, %convert_element_type3A_141, %cond3A_142 : i32
          scf.if %cond3A_143 {
            %dma_wait3A_155 = arith.constant 0 : i32
            %dma_wait3A_156 = arith.constant 0 : i32
            %dma_wait3A_157 = tpu.memref_slice %arg24[%dma_wait3A_155, %dma_wait3A_156] : memref<10000x128xf32, #tpu.memory_space<vmem_shared>> -> memref<10000x128xf32, #tpu.memory_space<vmem_shared>>
            tpu.wait_indirect_dma semaphore(%arg26 : memref<!tpu.dma_semaphore, #tpu.memory_space<semaphore_mem>>) src(%arg17 : memref<40x128xf32, #tpu.memory_space<vmem>>) dst(%dma_wait3A_157 : memref<10000x128xf32, #tpu.memory_space<vmem_shared>>)
          } else {
          }
          %add3A_144 = arith.constant 4 : i32
          %add3A_145 = arith.addi %add3A_120, %add3A_144 : i32
          %sub3A = arith.constant 1 : i32
          %sub3A_146 = arith.subi %add3A_145, %sub3A : i32
          %lt3A_147 = arith.constant 125 : i32
          %lt3A_148 = arith.cmpi slt, %sub3A_146, %lt3A_147 : i32
          %convert_element_type3A_149 = arith.extui %lt3A_148 : i1 to i32
          %cond3A_150 = arith.constant 0 : i32
          %cond3A_151 = arith.cmpi ne, %convert_element_type3A_149, %cond3A_150 : i32
          scf.if %cond3A_151 {
            %add3A_155 = arith.constant 4 : i32
            %add3A_156 = arith.addi %add3A_120, %add3A_155 : i32
            %sub3A_157 = arith.constant 1 : i32
            %sub3A_158 = arith.subi %add3A_156, %sub3A_157 : i32
            %mul3A_159 = arith.constant 40 : i32
            %mul3A_160 = arith.muli %sub3A_158, %mul3A_159 : i32
            %add3A_161 = arith.addi %multiple_of3A_7, %mul3A_160 : i32
            %multiple_of3A_162 = tpu.assume_multiple %add3A_161, 8 : i32
            %mul3A_163 = arith.constant 40 : i32
            %mul3A_164 = arith.muli %sub3A_158, %mul3A_163 : i32
            %add3A_165 = arith.addi %multiple_of3A_3, %mul3A_164 : i32
            %multiple_of3A_166 = tpu.assume_multiple %add3A_165, 8 : i32
            %dma_start3A_167 = tpu.memref_slice %arg6[%multiple_of3A_162] : memref<160000xi32, #tpu.memory_space<hbm>> -> memref<40xi32, #tpu.memory_space<hbm>>
            %dma_start3A_168 = tpu.memref_slice %arg6[%multiple_of3A_162] : memref<160000xi32, #tpu.memory_space<hbm>> -> memref<40xi32, #tpu.memory_space<hbm>>
            tpu.enqueue_dma source(%dma_start3A_168 : memref<40xi32, #tpu.memory_space<hbm>>) target(%arg21 : memref<40xi32, #tpu.memory_space<vmem>>) target_semaphore(%arg25 : memref<!tpu.dma_semaphore, #tpu.memory_space<semaphore_mem>>)
            %dma_start3A_169 = arith.constant 0 : i32
            %dma_start3A_170 = tpu.memref_slice %arg2[%multiple_of3A_166, %dma_start3A_169] : memref<80000x128xf32, #tpu.memory_space<hbm>> -> memref<40x128xf32, #tpu.memory_space<hbm>>
            %dma_start3A_171 = arith.constant 0 : i32
            %dma_start3A_172 = tpu.memref_slice %arg2[%multiple_of3A_166, %dma_start3A_171] : memref<80000x128xf32, #tpu.memory_space<hbm>> -> memref<40x128xf32, #tpu.memory_space<hbm>>
            tpu.enqueue_dma source(%dma_start3A_172 : memref<40x128xf32, #tpu.memory_space<hbm>>) target(%arg17 : memref<40x128xf32, #tpu.memory_space<vmem>>) target_semaphore(%arg25 : memref<!tpu.dma_semaphore, #tpu.memory_space<semaphore_mem>>)
          } else {
          }
          %dma_start3A_152 = arith.constant 0 : i32
          %dma_start3A_153 = arith.constant 0 : i32
          %dma_start3A_154 = tpu.memref_slice %arg24[%dma_start3A_152, %dma_start3A_153] : memref<10000x128xf32, #tpu.memory_space<vmem_shared>> -> memref<10000x128xf32, #tpu.memory_space<vmem_shared>>
          tpu.enqueue_indirect_dma source(%arg18 : memref<40x128xf32, #tpu.memory_space<vmem>>) target(%dma_start3A_154 : memref<10000x128xf32, #tpu.memory_space<vmem_shared>>) offsets(%arg22 : memref<40xi32, #tpu.memory_space<vmem>>) semaphore(%arg26 : memref<!tpu.dma_semaphore, #tpu.memory_space<semaphore_mem>>) {add = true}
        } else {
        }
      }
      %scan3A_78 = arith.constant 32 : i32
      %dma_wait3A = arith.constant 0 : i32
      %dma_wait3A_79 = arith.constant 0 : i32
      %dma_wait3A_80 = tpu.memref_slice %arg24[%dma_wait3A, %dma_wait3A_79] : memref<10000x128xf32, #tpu.memory_space<vmem_shared>> -> memref<10000x128xf32, #tpu.memory_space<vmem_shared>>
      tpu.wait_indirect_dma semaphore(%arg26 : memref<!tpu.dma_semaphore, #tpu.memory_space<semaphore_mem>>) src(%arg15 : memref<40x128xf32, #tpu.memory_space<vmem>>) dst(%dma_wait3A_80 : memref<10000x128xf32, #tpu.memory_space<vmem_shared>>)
      %barrier3A_81 = arith.constant 0 : index
      tpu.barrier barrier_id(%barrier3A_81)
      %add3A_82 = arith.constant 0 : i32
      %add3A_83 = arith.addi %multiple_of3A, %add3A_82 : i32
      %multiple_of3A_84 = tpu.assume_multiple %add3A_83, 8 : i32
      "tpu.region"() ({
        %run_scoped3A = tpu.sem_alloc : memref<!tpu.dma_semaphore, #tpu.memory_space<semaphore_mem>>
        %dma_start3A_96 = arith.constant 0 : i32
        %dma_start3A_97 = tpu.memref_slice %arg11[%multiple_of3A_84, %dma_start3A_96] : memref<10000x128xf32, #tpu.memory_space<hbm>> -> memref<208x128xf32, #tpu.memory_space<hbm>>
        %dma_start3A_98 = arith.constant 0 : i32
        %dma_start3A_99 = tpu.memref_slice %arg24[%multiple_of3A_84, %dma_start3A_98] : memref<10000x128xf32, #tpu.memory_space<vmem_shared>> -> memref<208x128xf32, #tpu.memory_space<vmem_shared>>
        tpu.enqueue_dma source(%dma_start3A_99 : memref<208x128xf32, #tpu.memory_space<vmem_shared>>) target(%dma_start3A_97 : memref<208x128xf32, #tpu.memory_space<hbm>>) target_semaphore(%run_scoped3A : memref<!tpu.dma_semaphore, #tpu.memory_space<semaphore_mem>>)
        %dma_wait3A_100 = arith.constant 0 : i32
        %dma_wait3A_101 = tpu.memref_slice %arg11[%multiple_of3A_84, %dma_wait3A_100] : memref<10000x128xf32, #tpu.memory_space<hbm>> -> memref<208x128xf32, #tpu.memory_space<hbm>>
        %dma_wait3A_102 = arith.constant 0 : i32
        %dma_wait3A_103 = tpu.memref_slice %arg24[%multiple_of3A_84, %dma_wait3A_102] : memref<10000x128xf32, #tpu.memory_space<vmem_shared>> -> memref<208x128xf32, #tpu.memory_space<vmem_shared>>
        tpu.wait_dma2 semaphore(%run_scoped3A : memref<!tpu.dma_semaphore, #tpu.memory_space<semaphore_mem>>) src(%dma_wait3A_103 : memref<208x128xf32, #tpu.memory_space<vmem_shared>>) dst(%dma_wait3A_101 : memref<208x128xf32, #tpu.memory_space<hbm>>)
        tpu.yield
      }) : () -> ()
      %add3A_85 = arith.constant 208 : i32
      %add3A_86 = arith.addi %multiple_of3A, %add3A_85 : i32
      %multiple_of3A_87 = tpu.assume_multiple %add3A_86, 8 : i32
      "tpu.region"() ({
        %run_scoped3A = tpu.sem_alloc : memref<!tpu.dma_semaphore, #tpu.memory_space<semaphore_mem>>
        %dma_start3A_96 = arith.constant 0 : i32
        %dma_start3A_97 = tpu.memref_slice %arg11[%multiple_of3A_87, %dma_start3A_96] : memref<10000x128xf32, #tpu.memory_space<hbm>> -> memref<208x128xf32, #tpu.memory_space<hbm>>
        %dma_start3A_98 = arith.constant 0 : i32
        %dma_start3A_99 = tpu.memref_slice %arg24[%multiple_of3A_87, %dma_start3A_98] : memref<10000x128xf32, #tpu.memory_space<vmem_shared>> -> memref<208x128xf32, #tpu.memory_space<vmem_shared>>
        tpu.enqueue_dma source(%dma_start3A_99 : memref<208x128xf32, #tpu.memory_space<vmem_shared>>) target(%dma_start3A_97 : memref<208x128xf32, #tpu.memory_space<hbm>>) target_semaphore(%run_scoped3A : memref<!tpu.dma_semaphore, #tpu.memory_space<semaphore_mem>>)
        %dma_wait3A_100 = arith.constant 0 : i32
        %dma_wait3A_101 = tpu.memref_slice %arg11[%multiple_of3A_87, %dma_wait3A_100] : memref<10000x128xf32, #tpu.memory_space<hbm>> -> memref<208x128xf32, #tpu.memory_space<hbm>>
        %dma_wait3A_102 = arith.constant 0 : i32
        %dma_wait3A_103 = tpu.memref_slice %arg24[%multiple_of3A_87, %dma_wait3A_102] : memref<10000x128xf32, #tpu.memory_space<vmem_shared>> -> memref<208x128xf32, #tpu.memory_space<vmem_shared>>
        tpu.wait_dma2 semaphore(%run_scoped3A : memref<!tpu.dma_semaphore, #tpu.memory_space<semaphore_mem>>) src(%dma_wait3A_103 : memref<208x128xf32, #tpu.memory_space<vmem_shared>>) dst(%dma_wait3A_101 : memref<208x128xf32, #tpu.memory_space<hbm>>)
        tpu.yield
      }) : () -> ()
      %add3A_88 = arith.constant 416 : i32
      %add3A_89 = arith.addi %multiple_of3A, %add3A_88 : i32
      %multiple_of3A_90 = tpu.assume_multiple %add3A_89, 8 : i32
      "tpu.region"() ({
        %run_scoped3A = tpu.sem_alloc : memref<!tpu.dma_semaphore, #tpu.memory_space<semaphore_mem>>
        %dma_start3A_96 = arith.constant 0 : i32
        %dma_start3A_97 = tpu.memref_slice %arg11[%multiple_of3A_90, %dma_start3A_96] : memref<10000x128xf32, #tpu.memory_space<hbm>> -> memref<208x128xf32, #tpu.memory_space<hbm>>
        %dma_start3A_98 = arith.constant 0 : i32
        %dma_start3A_99 = tpu.memref_slice %arg24[%multiple_of3A_90, %dma_start3A_98] : memref<10000x128xf32, #tpu.memory_space<vmem_shared>> -> memref<208x128xf32, #tpu.memory_space<vmem_shared>>
        tpu.enqueue_dma source(%dma_start3A_99 : memref<208x128xf32, #tpu.memory_space<vmem_shared>>) target(%dma_start3A_97 : memref<208x128xf32, #tpu.memory_space<hbm>>) target_semaphore(%run_scoped3A : memref<!tpu.dma_semaphore, #tpu.memory_space<semaphore_mem>>)
        %dma_wait3A_100 = arith.constant 0 : i32
        %dma_wait3A_101 = tpu.memref_slice %arg11[%multiple_of3A_90, %dma_wait3A_100] : memref<10000x128xf32, #tpu.memory_space<hbm>> -> memref<208x128xf32, #tpu.memory_space<hbm>>
        %dma_wait3A_102 = arith.constant 0 : i32
        %dma_wait3A_103 = tpu.memref_slice %arg24[%multiple_of3A_90, %dma_wait3A_102] : memref<10000x128xf32, #tpu.memory_space<vmem_shared>> -> memref<208x128xf32, #tpu.memory_space<vmem_shared>>
        tpu.wait_dma2 semaphore(%run_scoped3A : memref<!tpu.dma_semaphore, #tpu.memory_space<semaphore_mem>>) src(%dma_wait3A_103 : memref<208x128xf32, #tpu.memory_space<vmem_shared>>) dst(%dma_wait3A_101 : memref<208x128xf32, #tpu.memory_space<hbm>>)
        tpu.yield
      }) : () -> ()
      %eq3A_91 = arith.constant 15 : i32
      %eq3A_92 = arith.cmpi eq, %arg1, %eq3A_91 : i32
      %convert_element_type3A_93 = arith.extui %eq3A_92 : i1 to i32
      %cond3A_94 = arith.constant 0 : i32
      %cond3A_95 = arith.cmpi ne, %convert_element_type3A_93, %cond3A_94 : i32
      scf.if %cond3A_95 {
        "tpu.region"() ({
          %run_scoped3A = tpu.sem_alloc : memref<!tpu.dma_semaphore, #tpu.memory_space<semaphore_mem>>
          %dma_start3A_96 = arith.constant 9984 : i32
          %dma_start3A_97 = arith.constant 0 : i32
          %dma_start3A_98 = tpu.memref_slice %arg11[%dma_start3A_96, %dma_start3A_97] : memref<10000x128xf32, #tpu.memory_space<hbm>> -> memref<16x128xf32, #tpu.memory_space<hbm>>
          %dma_start3A_99 = arith.constant 9984 : i32
          %dma_start3A_100 = arith.constant 0 : i32
          %dma_start3A_101 = tpu.memref_slice %arg24[%dma_start3A_99, %dma_start3A_100] : memref<10000x128xf32, #tpu.memory_space<vmem_shared>> -> memref<16x128xf32, #tpu.memory_space<vmem_shared>>
          tpu.enqueue_dma source(%dma_start3A_101 : memref<16x128xf32, #tpu.memory_space<vmem_shared>>) target(%dma_start3A_98 : memref<16x128xf32, #tpu.memory_space<hbm>>) target_semaphore(%run_scoped3A : memref<!tpu.dma_semaphore, #tpu.memory_space<semaphore_mem>>)
          %dma_wait3A_102 = arith.constant 9984 : i32
          %dma_wait3A_103 = arith.constant 0 : i32
          %dma_wait3A_104 = tpu.memref_slice %arg11[%dma_wait3A_102, %dma_wait3A_103] : memref<10000x128xf32, #tpu.memory_space<hbm>> -> memref<16x128xf32, #tpu.memory_space<hbm>>
          %dma_wait3A_105 = arith.constant 9984 : i32
          %dma_wait3A_106 = arith.constant 0 : i32
          %dma_wait3A_107 = tpu.memref_slice %arg24[%dma_wait3A_105, %dma_wait3A_106] : memref<10000x128xf32, #tpu.memory_space<vmem_shared>> -> memref<16x128xf32, #tpu.memory_space<vmem_shared>>
          tpu.wait_dma2 semaphore(%run_scoped3A : memref<!tpu.dma_semaphore, #tpu.memory_space<semaphore_mem>>) src(%dma_wait3A_107 : memref<16x128xf32, #tpu.memory_space<vmem_shared>>) dst(%dma_wait3A_104 : memref<16x128xf32, #tpu.memory_space<hbm>>)
          tpu.yield
        }) : () -> ()
      } else {
      }
    } else {
    }
    %eq3A_10 = arith.constant 0 : i32
    %eq3A_11 = arith.cmpi eq, %arg0, %eq3A_10 : i32
    %convert_element_type3A_12 = arith.extui %eq3A_11 : i1 to i32
    %cond3A_13 = arith.constant 0 : i32
    %cond3A_14 = arith.cmpi ne, %convert_element_type3A_12, %cond3A_13 : i32
    scf.if %cond3A_14 {
      %add3A_25 = arith.constant 0 : i32
      %add3A_26 = arith.addi %multiple_of3A, %add3A_25 : i32
      %multiple_of3A_27 = tpu.assume_multiple %add3A_26, 8 : i32
      "tpu.region"() ({
        %run_scoped3A = tpu.sem_alloc : memref<!tpu.dma_semaphore, #tpu.memory_space<semaphore_mem>>
        %dma_start3A_96 = arith.constant 0 : i32
        %dma_start3A_97 = tpu.memref_slice %arg24[%multiple_of3A_27, %dma_start3A_96] : memref<10000x128xf32, #tpu.memory_space<vmem_shared>> -> memref<208x128xf32, #tpu.memory_space<vmem_shared>>
        %dma_start3A_98 = arith.constant 0 : i32
        %dma_start3A_99 = tpu.memref_slice %arg8[%multiple_of3A_27, %dma_start3A_98] : memref<10000x128xf32, #tpu.memory_space<hbm>> -> memref<208x128xf32, #tpu.memory_space<hbm>>
        tpu.enqueue_dma source(%dma_start3A_99 : memref<208x128xf32, #tpu.memory_space<hbm>>) target(%dma_start3A_97 : memref<208x128xf32, #tpu.memory_space<vmem_shared>>) target_semaphore(%run_scoped3A : memref<!tpu.dma_semaphore, #tpu.memory_space<semaphore_mem>>)
        %dma_wait3A_100 = arith.constant 0 : i32
        %dma_wait3A_101 = tpu.memref_slice %arg24[%multiple_of3A_27, %dma_wait3A_100] : memref<10000x128xf32, #tpu.memory_space<vmem_shared>> -> memref<208x128xf32, #tpu.memory_space<vmem_shared>>
        %dma_wait3A_102 = arith.constant 0 : i32
        %dma_wait3A_103 = tpu.memref_slice %arg8[%multiple_of3A_27, %dma_wait3A_102] : memref<10000x128xf32, #tpu.memory_space<hbm>> -> memref<208x128xf32, #tpu.memory_space<hbm>>
        tpu.wait_dma2 semaphore(%run_scoped3A : memref<!tpu.dma_semaphore, #tpu.memory_space<semaphore_mem>>) src(%dma_wait3A_103 : memref<208x128xf32, #tpu.memory_space<hbm>>) dst(%dma_wait3A_101 : memref<208x128xf32, #tpu.memory_space<vmem_shared>>)
        tpu.yield
      }) : () -> ()
      %add3A_28 = arith.constant 208 : i32
      %add3A_29 = arith.addi %multiple_of3A, %add3A_28 : i32
      %multiple_of3A_30 = tpu.assume_multiple %add3A_29, 8 : i32
      "tpu.region"() ({
        %run_scoped3A = tpu.sem_alloc : memref<!tpu.dma_semaphore, #tpu.memory_space<semaphore_mem>>
        %dma_start3A_96 = arith.constant 0 : i32
        %dma_start3A_97 = tpu.memref_slice %arg24[%multiple_of3A_30, %dma_start3A_96] : memref<10000x128xf32, #tpu.memory_space<vmem_shared>> -> memref<208x128xf32, #tpu.memory_space<vmem_shared>>
        %dma_start3A_98 = arith.constant 0 : i32
        %dma_start3A_99 = tpu.memref_slice %arg8[%multiple_of3A_30, %dma_start3A_98] : memref<10000x128xf32, #tpu.memory_space<hbm>> -> memref<208x128xf32, #tpu.memory_space<hbm>>
        tpu.enqueue_dma source(%dma_start3A_99 : memref<208x128xf32, #tpu.memory_space<hbm>>) target(%dma_start3A_97 : memref<208x128xf32, #tpu.memory_space<vmem_shared>>) target_semaphore(%run_scoped3A : memref<!tpu.dma_semaphore, #tpu.memory_space<semaphore_mem>>)
        %dma_wait3A_100 = arith.constant 0 : i32
        %dma_wait3A_101 = tpu.memref_slice %arg24[%multiple_of3A_30, %dma_wait3A_100] : memref<10000x128xf32, #tpu.memory_space<vmem_shared>> -> memref<208x128xf32, #tpu.memory_space<vmem_shared>>
        %dma_wait3A_102 = arith.constant 0 : i32
        %dma_wait3A_103 = tpu.memref_slice %arg8[%multiple_of3A_30, %dma_wait3A_102] : memref<10000x128xf32, #tpu.memory_space<hbm>> -> memref<208x128xf32, #tpu.memory_space<hbm>>
        tpu.wait_dma2 semaphore(%run_scoped3A : memref<!tpu.dma_semaphore, #tpu.memory_space<semaphore_mem>>) src(%dma_wait3A_103 : memref<208x128xf32, #tpu.memory_space<hbm>>) dst(%dma_wait3A_101 : memref<208x128xf32, #tpu.memory_space<vmem_shared>>)
        tpu.yield
      }) : () -> ()
      %add3A_31 = arith.constant 416 : i32
      %add3A_32 = arith.addi %multiple_of3A, %add3A_31 : i32
      %multiple_of3A_33 = tpu.assume_multiple %add3A_32, 8 : i32
      "tpu.region"() ({
        %run_scoped3A = tpu.sem_alloc : memref<!tpu.dma_semaphore, #tpu.memory_space<semaphore_mem>>
        %dma_start3A_96 = arith.constant 0 : i32
        %dma_start3A_97 = tpu.memref_slice %arg24[%multiple_of3A_33, %dma_start3A_96] : memref<10000x128xf32, #tpu.memory_space<vmem_shared>> -> memref<208x128xf32, #tpu.memory_space<vmem_shared>>
        %dma_start3A_98 = arith.constant 0 : i32
        %dma_start3A_99 = tpu.memref_slice %arg8[%multiple_of3A_33, %dma_start3A_98] : memref<10000x128xf32, #tpu.memory_space<hbm>> -> memref<208x128xf32, #tpu.memory_space<hbm>>
        tpu.enqueue_dma source(%dma_start3A_99 : memref<208x128xf32, #tpu.memory_space<hbm>>) target(%dma_start3A_97 : memref<208x128xf32, #tpu.memory_space<vmem_shared>>) target_semaphore(%run_scoped3A : memref<!tpu.dma_semaphore, #tpu.memory_space<semaphore_mem>>)
        %dma_wait3A_100 = arith.constant 0 : i32
        %dma_wait3A_101 = tpu.memref_slice %arg24[%multiple_of3A_33, %dma_wait3A_100] : memref<10000x128xf32, #tpu.memory_space<vmem_shared>> -> memref<208x128xf32, #tpu.memory_space<vmem_shared>>
        %dma_wait3A_102 = arith.constant 0 : i32
        %dma_wait3A_103 = tpu.memref_slice %arg8[%multiple_of3A_33, %dma_wait3A_102] : memref<10000x128xf32, #tpu.memory_space<hbm>> -> memref<208x128xf32, #tpu.memory_space<hbm>>
        tpu.wait_dma2 semaphore(%run_scoped3A : memref<!tpu.dma_semaphore, #tpu.memory_space<semaphore_mem>>) src(%dma_wait3A_103 : memref<208x128xf32, #tpu.memory_space<hbm>>) dst(%dma_wait3A_101 : memref<208x128xf32, #tpu.memory_space<vmem_shared>>)
        tpu.yield
      }) : () -> ()
      %eq3A_34 = arith.constant 15 : i32
      %eq3A_35 = arith.cmpi eq, %arg1, %eq3A_34 : i32
      %convert_element_type3A_36 = arith.extui %eq3A_35 : i1 to i32
      %cond3A_37 = arith.constant 0 : i32
      %cond3A_38 = arith.cmpi ne, %convert_element_type3A_36, %cond3A_37 : i32
      scf.if %cond3A_38 {
        "tpu.region"() ({
          %run_scoped3A = tpu.sem_alloc : memref<!tpu.dma_semaphore, #tpu.memory_space<semaphore_mem>>
          %dma_start3A_96 = arith.constant 9984 : i32
          %dma_start3A_97 = arith.constant 0 : i32
          %dma_start3A_98 = tpu.memref_slice %arg24[%dma_start3A_96, %dma_start3A_97] : memref<10000x128xf32, #tpu.memory_space<vmem_shared>> -> memref<16x128xf32, #tpu.memory_space<vmem_shared>>
          %dma_start3A_99 = arith.constant 9984 : i32
          %dma_start3A_100 = arith.constant 0 : i32
          %dma_start3A_101 = tpu.memref_slice %arg8[%dma_start3A_99, %dma_start3A_100] : memref<10000x128xf32, #tpu.memory_space<hbm>> -> memref<16x128xf32, #tpu.memory_space<hbm>>
          tpu.enqueue_dma source(%dma_start3A_101 : memref<16x128xf32, #tpu.memory_space<hbm>>) target(%dma_start3A_98 : memref<16x128xf32, #tpu.memory_space<vmem_shared>>) target_semaphore(%run_scoped3A : memref<!tpu.dma_semaphore, #tpu.memory_space<semaphore_mem>>)
          %dma_wait3A_102 = arith.constant 9984 : i32
          %dma_wait3A_103 = arith.constant 0 : i32
          %dma_wait3A_104 = tpu.memref_slice %arg24[%dma_wait3A_102, %dma_wait3A_103] : memref<10000x128xf32, #tpu.memory_space<vmem_shared>> -> memref<16x128xf32, #tpu.memory_space<vmem_shared>>
          %dma_wait3A_105 = arith.constant 9984 : i32
          %dma_wait3A_106 = arith.constant 0 : i32
          %dma_wait3A_107 = tpu.memref_slice %arg8[%dma_wait3A_105, %dma_wait3A_106] : memref<10000x128xf32, #tpu.memory_space<hbm>> -> memref<16x128xf32, #tpu.memory_space<hbm>>
          tpu.wait_dma2 semaphore(%run_scoped3A : memref<!tpu.dma_semaphore, #tpu.memory_space<semaphore_mem>>) src(%dma_wait3A_107 : memref<16x128xf32, #tpu.memory_space<hbm>>) dst(%dma_wait3A_104 : memref<16x128xf32, #tpu.memory_space<vmem_shared>>)
          tpu.yield
        }) : () -> ()
      } else {
      }
      %barrier3A = arith.constant 0 : index
      tpu.barrier barrier_id(%barrier3A)
      %add3A_39 = arith.constant 0 : i32
      %add3A_40 = arith.addi %multiple_of3A_7, %add3A_39 : i32
      %multiple_of3A_41 = tpu.assume_multiple %add3A_40, 8 : i32
      %add3A_42 = arith.constant 0 : i32
      %add3A_43 = arith.addi %multiple_of3A_3, %add3A_42 : i32
      %multiple_of3A_44 = tpu.assume_multiple %add3A_43, 8 : i32
      %dma_start3A = tpu.memref_slice %arg6[%multiple_of3A_41] : memref<160000xi32, #tpu.memory_space<hbm>> -> memref<40xi32, #tpu.memory_space<hbm>>
      %dma_start3A_45 = tpu.memref_slice %arg6[%multiple_of3A_41] : memref<160000xi32, #tpu.memory_space<hbm>> -> memref<40xi32, #tpu.memory_space<hbm>>
      tpu.enqueue_dma source(%dma_start3A_45 : memref<40xi32, #tpu.memory_space<hbm>>) target(%arg19 : memref<40xi32, #tpu.memory_space<vmem>>) target_semaphore(%arg25 : memref<!tpu.dma_semaphore, #tpu.memory_space<semaphore_mem>>)
      %dma_start3A_46 = arith.constant 0 : i32
      %dma_start3A_47 = tpu.memref_slice %arg3[%multiple_of3A_44, %dma_start3A_46] : memref<80000x128xf32, #tpu.memory_space<hbm>> -> memref<40x128xf32, #tpu.memory_space<hbm>>
      %dma_start3A_48 = arith.constant 0 : i32
      %dma_start3A_49 = tpu.memref_slice %arg3[%multiple_of3A_44, %dma_start3A_48] : memref<80000x128xf32, #tpu.memory_space<hbm>> -> memref<40x128xf32, #tpu.memory_space<hbm>>
      tpu.enqueue_dma source(%dma_start3A_49 : memref<40x128xf32, #tpu.memory_space<hbm>>) target(%arg15 : memref<40x128xf32, #tpu.memory_space<vmem>>) target_semaphore(%arg25 : memref<!tpu.dma_semaphore, #tpu.memory_space<semaphore_mem>>)
      %add3A_50 = arith.constant 40 : i32
      %add3A_51 = arith.addi %multiple_of3A_7, %add3A_50 : i32
      %multiple_of3A_52 = tpu.assume_multiple %add3A_51, 8 : i32
      %add3A_53 = arith.constant 40 : i32
      %add3A_54 = arith.addi %multiple_of3A_3, %add3A_53 : i32
      %multiple_of3A_55 = tpu.assume_multiple %add3A_54, 8 : i32
      %dma_start3A_56 = tpu.memref_slice %arg6[%multiple_of3A_52] : memref<160000xi32, #tpu.memory_space<hbm>> -> memref<40xi32, #tpu.memory_space<hbm>>
      %dma_start3A_57 = tpu.memref_slice %arg6[%multiple_of3A_52] : memref<160000xi32, #tpu.memory_space<hbm>> -> memref<40xi32, #tpu.memory_space<hbm>>
      tpu.enqueue_dma source(%dma_start3A_57 : memref<40xi32, #tpu.memory_space<hbm>>) target(%arg20 : memref<40xi32, #tpu.memory_space<vmem>>) target_semaphore(%arg25 : memref<!tpu.dma_semaphore, #tpu.memory_space<semaphore_mem>>)
      %dma_start3A_58 = arith.constant 0 : i32
      %dma_start3A_59 = tpu.memref_slice %arg3[%multiple_of3A_55, %dma_start3A_58] : memref<80000x128xf32, #tpu.memory_space<hbm>> -> memref<40x128xf32, #tpu.memory_space<hbm>>
      %dma_start3A_60 = arith.constant 0 : i32
      %dma_start3A_61 = tpu.memref_slice %arg3[%multiple_of3A_55, %dma_start3A_60] : memref<80000x128xf32, #tpu.memory_space<hbm>> -> memref<40x128xf32, #tpu.memory_space<hbm>>
      tpu.enqueue_dma source(%dma_start3A_61 : memref<40x128xf32, #tpu.memory_space<hbm>>) target(%arg16 : memref<40x128xf32, #tpu.memory_space<vmem>>) target_semaphore(%arg25 : memref<!tpu.dma_semaphore, #tpu.memory_space<semaphore_mem>>)
      %add3A_62 = arith.constant 80 : i32
      %add3A_63 = arith.addi %multiple_of3A_7, %add3A_62 : i32
      %multiple_of3A_64 = tpu.assume_multiple %add3A_63, 8 : i32
      %add3A_65 = arith.constant 80 : i32
      %add3A_66 = arith.addi %multiple_of3A_3, %add3A_65 : i32
      %multiple_of3A_67 = tpu.assume_multiple %add3A_66, 8 : i32
      %dma_start3A_68 = tpu.memref_slice %arg6[%multiple_of3A_64] : memref<160000xi32, #tpu.memory_space<hbm>> -> memref<40xi32, #tpu.memory_space<hbm>>
      %dma_start3A_69 = tpu.memref_slice %arg6[%multiple_of3A_64] : memref<160000xi32, #tpu.memory_space<hbm>> -> memref<40xi32, #tpu.memory_space<hbm>>
      tpu.enqueue_dma source(%dma_start3A_69 : memref<40xi32, #tpu.memory_space<hbm>>) target(%arg21 : memref<40xi32, #tpu.memory_space<vmem>>) target_semaphore(%arg25 : memref<!tpu.dma_semaphore, #tpu.memory_space<semaphore_mem>>)
      %dma_start3A_70 = arith.constant 0 : i32
      %dma_start3A_71 = tpu.memref_slice %arg3[%multiple_of3A_67, %dma_start3A_70] : memref<80000x128xf32, #tpu.memory_space<hbm>> -> memref<40x128xf32, #tpu.memory_space<hbm>>
      %dma_start3A_72 = arith.constant 0 : i32
      %dma_start3A_73 = tpu.memref_slice %arg3[%multiple_of3A_67, %dma_start3A_72] : memref<80000x128xf32, #tpu.memory_space<hbm>> -> memref<40x128xf32, #tpu.memory_space<hbm>>
      tpu.enqueue_dma source(%dma_start3A_73 : memref<40x128xf32, #tpu.memory_space<hbm>>) target(%arg17 : memref<40x128xf32, #tpu.memory_space<vmem>>) target_semaphore(%arg25 : memref<!tpu.dma_semaphore, #tpu.memory_space<semaphore_mem>>)
      %scan3A = arith.constant 0 : i32
      %scan3A_74 = arith.constant 0 : i32
      %scan3A_75 = arith.constant 32 : i32
      %scan3A_76 = arith.addi %scan3A_74, %scan3A_75 : i32
      %scan3A_77 = arith.constant 1 : i32
      scf.for %scan3A_96 = %scan3A_74 to %scan3A_76 step %scan3A_77  : i32 {
        %mul3A_97 = arith.constant 4 : i32
        %mul3A_98 = arith.muli %scan3A_96, %mul3A_97 : i32
        %add3A_99 = arith.constant 0 : i32
        %add3A_100 = arith.addi %mul3A_98, %add3A_99 : i32
        %lt3A = arith.constant 125 : i32
        %lt3A_101 = arith.cmpi slt, %add3A_100, %lt3A : i32
        %convert_element_type3A_102 = arith.extui %lt3A_101 : i1 to i32
        %cond3A_103 = arith.constant 0 : i32
        %cond3A_104 = arith.cmpi ne, %convert_element_type3A_102, %cond3A_103 : i32
        scf.if %cond3A_104 {
          %mul3A_126 = arith.constant 40 : i32
          %mul3A_127 = arith.muli %add3A_100, %mul3A_126 : i32
          %add3A_128 = arith.addi %multiple_of3A_7, %mul3A_127 : i32
          %multiple_of3A_129 = tpu.assume_multiple %add3A_128, 8 : i32
          %mul3A_130 = arith.constant 40 : i32
          %mul3A_131 = arith.muli %add3A_100, %mul3A_130 : i32
          %add3A_132 = arith.addi %multiple_of3A_3, %mul3A_131 : i32
          %multiple_of3A_133 = tpu.assume_multiple %add3A_132, 8 : i32
          %dma_wait3A_134 = tpu.memref_slice %arg6[%multiple_of3A_129] : memref<160000xi32, #tpu.memory_space<hbm>> -> memref<40xi32, #tpu.memory_space<hbm>>
          %dma_wait3A_135 = tpu.memref_slice %arg6[%multiple_of3A_129] : memref<160000xi32, #tpu.memory_space<hbm>> -> memref<40xi32, #tpu.memory_space<hbm>>
          tpu.wait_dma2 semaphore(%arg25 : memref<!tpu.dma_semaphore, #tpu.memory_space<semaphore_mem>>) src(%dma_wait3A_135 : memref<40xi32, #tpu.memory_space<hbm>>) dst(%arg19 : memref<40xi32, #tpu.memory_space<vmem>>)
          %dma_wait3A_136 = arith.constant 0 : i32
          %dma_wait3A_137 = tpu.memref_slice %arg3[%multiple_of3A_133, %dma_wait3A_136] : memref<80000x128xf32, #tpu.memory_space<hbm>> -> memref<40x128xf32, #tpu.memory_space<hbm>>
          %dma_wait3A_138 = arith.constant 0 : i32
          %dma_wait3A_139 = tpu.memref_slice %arg3[%multiple_of3A_133, %dma_wait3A_138] : memref<80000x128xf32, #tpu.memory_space<hbm>> -> memref<40x128xf32, #tpu.memory_space<hbm>>
          tpu.wait_dma2 semaphore(%arg25 : memref<!tpu.dma_semaphore, #tpu.memory_space<semaphore_mem>>) src(%dma_wait3A_139 : memref<40x128xf32, #tpu.memory_space<hbm>>) dst(%arg15 : memref<40x128xf32, #tpu.memory_space<vmem>>)
          %gt3A = arith.constant 0 : i32
          %gt3A_140 = arith.cmpi sgt, %add3A_100, %gt3A : i32
          %convert_element_type3A_141 = arith.extui %gt3A_140 : i1 to i32
          %cond3A_142 = arith.constant 0 : i32
          %cond3A_143 = arith.cmpi ne, %convert_element_type3A_141, %cond3A_142 : i32
          scf.if %cond3A_143 {
            %dma_wait3A_155 = arith.constant 0 : i32
            %dma_wait3A_156 = arith.constant 0 : i32
            %dma_wait3A_157 = tpu.memref_slice %arg24[%dma_wait3A_155, %dma_wait3A_156] : memref<10000x128xf32, #tpu.memory_space<vmem_shared>> -> memref<10000x128xf32, #tpu.memory_space<vmem_shared>>
            tpu.wait_indirect_dma semaphore(%arg26 : memref<!tpu.dma_semaphore, #tpu.memory_space<semaphore_mem>>) src(%arg18 : memref<40x128xf32, #tpu.memory_space<vmem>>) dst(%dma_wait3A_157 : memref<10000x128xf32, #tpu.memory_space<vmem_shared>>)
          } else {
          }
          %add3A_144 = arith.constant 4 : i32
          %add3A_145 = arith.addi %add3A_100, %add3A_144 : i32
          %sub3A = arith.constant 1 : i32
          %sub3A_146 = arith.subi %add3A_145, %sub3A : i32
          %lt3A_147 = arith.constant 125 : i32
          %lt3A_148 = arith.cmpi slt, %sub3A_146, %lt3A_147 : i32
          %convert_element_type3A_149 = arith.extui %lt3A_148 : i1 to i32
          %cond3A_150 = arith.constant 0 : i32
          %cond3A_151 = arith.cmpi ne, %convert_element_type3A_149, %cond3A_150 : i32
          scf.if %cond3A_151 {
            %add3A_155 = arith.constant 4 : i32
            %add3A_156 = arith.addi %add3A_100, %add3A_155 : i32
            %sub3A_157 = arith.constant 1 : i32
            %sub3A_158 = arith.subi %add3A_156, %sub3A_157 : i32
            %mul3A_159 = arith.constant 40 : i32
            %mul3A_160 = arith.muli %sub3A_158, %mul3A_159 : i32
            %add3A_161 = arith.addi %multiple_of3A_7, %mul3A_160 : i32
            %multiple_of3A_162 = tpu.assume_multiple %add3A_161, 8 : i32
            %mul3A_163 = arith.constant 40 : i32
            %mul3A_164 = arith.muli %sub3A_158, %mul3A_163 : i32
            %add3A_165 = arith.addi %multiple_of3A_3, %mul3A_164 : i32
            %multiple_of3A_166 = tpu.assume_multiple %add3A_165, 8 : i32
            %dma_start3A_167 = tpu.memref_slice %arg6[%multiple_of3A_162] : memref<160000xi32, #tpu.memory_space<hbm>> -> memref<40xi32, #tpu.memory_space<hbm>>
            %dma_start3A_168 = tpu.memref_slice %arg6[%multiple_of3A_162] : memref<160000xi32, #tpu.memory_space<hbm>> -> memref<40xi32, #tpu.memory_space<hbm>>
            tpu.enqueue_dma source(%dma_start3A_168 : memref<40xi32, #tpu.memory_space<hbm>>) target(%arg22 : memref<40xi32, #tpu.memory_space<vmem>>) target_semaphore(%arg25 : memref<!tpu.dma_semaphore, #tpu.memory_space<semaphore_mem>>)
            %dma_start3A_169 = arith.constant 0 : i32
            %dma_start3A_170 = tpu.memref_slice %arg3[%multiple_of3A_166, %dma_start3A_169] : memref<80000x128xf32, #tpu.memory_space<hbm>> -> memref<40x128xf32, #tpu.memory_space<hbm>>
            %dma_start3A_171 = arith.constant 0 : i32
            %dma_start3A_172 = tpu.memref_slice %arg3[%multiple_of3A_166, %dma_start3A_171] : memref<80000x128xf32, #tpu.memory_space<hbm>> -> memref<40x128xf32, #tpu.memory_space<hbm>>
            tpu.enqueue_dma source(%dma_start3A_172 : memref<40x128xf32, #tpu.memory_space<hbm>>) target(%arg18 : memref<40x128xf32, #tpu.memory_space<vmem>>) target_semaphore(%arg25 : memref<!tpu.dma_semaphore, #tpu.memory_space<semaphore_mem>>)
          } else {
          }
          %dma_start3A_152 = arith.constant 0 : i32
          %dma_start3A_153 = arith.constant 0 : i32
          %dma_start3A_154 = tpu.memref_slice %arg24[%dma_start3A_152, %dma_start3A_153] : memref<10000x128xf32, #tpu.memory_space<vmem_shared>> -> memref<10000x128xf32, #tpu.memory_space<vmem_shared>>
          tpu.enqueue_indirect_dma source(%arg15 : memref<40x128xf32, #tpu.memory_space<vmem>>) target(%dma_start3A_154 : memref<10000x128xf32, #tpu.memory_space<vmem_shared>>) offsets(%arg19 : memref<40xi32, #tpu.memory_space<vmem>>) semaphore(%arg26 : memref<!tpu.dma_semaphore, #tpu.memory_space<semaphore_mem>>) {add = true}
        } else {
        }
        %add3A_105 = arith.constant 1 : i32
        %add3A_106 = arith.addi %mul3A_98, %add3A_105 : i32
        %lt3A_107 = arith.constant 125 : i32
        %lt3A_108 = arith.cmpi slt, %add3A_106, %lt3A_107 : i32
        %convert_element_type3A_109 = arith.extui %lt3A_108 : i1 to i32
        %cond3A_110 = arith.constant 0 : i32
        %cond3A_111 = arith.cmpi ne, %convert_element_type3A_109, %cond3A_110 : i32
        scf.if %cond3A_111 {
          %mul3A_126 = arith.constant 40 : i32
          %mul3A_127 = arith.muli %add3A_106, %mul3A_126 : i32
          %add3A_128 = arith.addi %multiple_of3A_7, %mul3A_127 : i32
          %multiple_of3A_129 = tpu.assume_multiple %add3A_128, 8 : i32
          %mul3A_130 = arith.constant 40 : i32
          %mul3A_131 = arith.muli %add3A_106, %mul3A_130 : i32
          %add3A_132 = arith.addi %multiple_of3A_3, %mul3A_131 : i32
          %multiple_of3A_133 = tpu.assume_multiple %add3A_132, 8 : i32
          %dma_wait3A_134 = tpu.memref_slice %arg6[%multiple_of3A_129] : memref<160000xi32, #tpu.memory_space<hbm>> -> memref<40xi32, #tpu.memory_space<hbm>>
          %dma_wait3A_135 = tpu.memref_slice %arg6[%multiple_of3A_129] : memref<160000xi32, #tpu.memory_space<hbm>> -> memref<40xi32, #tpu.memory_space<hbm>>
          tpu.wait_dma2 semaphore(%arg25 : memref<!tpu.dma_semaphore, #tpu.memory_space<semaphore_mem>>) src(%dma_wait3A_135 : memref<40xi32, #tpu.memory_space<hbm>>) dst(%arg20 : memref<40xi32, #tpu.memory_space<vmem>>)
          %dma_wait3A_136 = arith.constant 0 : i32
          %dma_wait3A_137 = tpu.memref_slice %arg3[%multiple_of3A_133, %dma_wait3A_136] : memref<80000x128xf32, #tpu.memory_space<hbm>> -> memref<40x128xf32, #tpu.memory_space<hbm>>
          %dma_wait3A_138 = arith.constant 0 : i32
          %dma_wait3A_139 = tpu.memref_slice %arg3[%multiple_of3A_133, %dma_wait3A_138] : memref<80000x128xf32, #tpu.memory_space<hbm>> -> memref<40x128xf32, #tpu.memory_space<hbm>>
          tpu.wait_dma2 semaphore(%arg25 : memref<!tpu.dma_semaphore, #tpu.memory_space<semaphore_mem>>) src(%dma_wait3A_139 : memref<40x128xf32, #tpu.memory_space<hbm>>) dst(%arg16 : memref<40x128xf32, #tpu.memory_space<vmem>>)
          %gt3A = arith.constant 0 : i32
          %gt3A_140 = arith.cmpi sgt, %add3A_106, %gt3A : i32
          %convert_element_type3A_141 = arith.extui %gt3A_140 : i1 to i32
          %cond3A_142 = arith.constant 0 : i32
          %cond3A_143 = arith.cmpi ne, %convert_element_type3A_141, %cond3A_142 : i32
          scf.if %cond3A_143 {
            %dma_wait3A_155 = arith.constant 0 : i32
            %dma_wait3A_156 = arith.constant 0 : i32
            %dma_wait3A_157 = tpu.memref_slice %arg24[%dma_wait3A_155, %dma_wait3A_156] : memref<10000x128xf32, #tpu.memory_space<vmem_shared>> -> memref<10000x128xf32, #tpu.memory_space<vmem_shared>>
            tpu.wait_indirect_dma semaphore(%arg26 : memref<!tpu.dma_semaphore, #tpu.memory_space<semaphore_mem>>) src(%arg15 : memref<40x128xf32, #tpu.memory_space<vmem>>) dst(%dma_wait3A_157 : memref<10000x128xf32, #tpu.memory_space<vmem_shared>>)
          } else {
          }
          %add3A_144 = arith.constant 4 : i32
          %add3A_145 = arith.addi %add3A_106, %add3A_144 : i32
          %sub3A = arith.constant 1 : i32
          %sub3A_146 = arith.subi %add3A_145, %sub3A : i32
          %lt3A_147 = arith.constant 125 : i32
          %lt3A_148 = arith.cmpi slt, %sub3A_146, %lt3A_147 : i32
          %convert_element_type3A_149 = arith.extui %lt3A_148 : i1 to i32
          %cond3A_150 = arith.constant 0 : i32
          %cond3A_151 = arith.cmpi ne, %convert_element_type3A_149, %cond3A_150 : i32
          scf.if %cond3A_151 {
            %add3A_155 = arith.constant 4 : i32
            %add3A_156 = arith.addi %add3A_106, %add3A_155 : i32
            %sub3A_157 = arith.constant 1 : i32
            %sub3A_158 = arith.subi %add3A_156, %sub3A_157 : i32
            %mul3A_159 = arith.constant 40 : i32
            %mul3A_160 = arith.muli %sub3A_158, %mul3A_159 : i32
            %add3A_161 = arith.addi %multiple_of3A_7, %mul3A_160 : i32
            %multiple_of3A_162 = tpu.assume_multiple %add3A_161, 8 : i32
            %mul3A_163 = arith.constant 40 : i32
            %mul3A_164 = arith.muli %sub3A_158, %mul3A_163 : i32
            %add3A_165 = arith.addi %multiple_of3A_3, %mul3A_164 : i32
            %multiple_of3A_166 = tpu.assume_multiple %add3A_165, 8 : i32
            %dma_start3A_167 = tpu.memref_slice %arg6[%multiple_of3A_162] : memref<160000xi32, #tpu.memory_space<hbm>> -> memref<40xi32, #tpu.memory_space<hbm>>
            %dma_start3A_168 = tpu.memref_slice %arg6[%multiple_of3A_162] : memref<160000xi32, #tpu.memory_space<hbm>> -> memref<40xi32, #tpu.memory_space<hbm>>
            tpu.enqueue_dma source(%dma_start3A_168 : memref<40xi32, #tpu.memory_space<hbm>>) target(%arg19 : memref<40xi32, #tpu.memory_space<vmem>>) target_semaphore(%arg25 : memref<!tpu.dma_semaphore, #tpu.memory_space<semaphore_mem>>)
            %dma_start3A_169 = arith.constant 0 : i32
            %dma_start3A_170 = tpu.memref_slice %arg3[%multiple_of3A_166, %dma_start3A_169] : memref<80000x128xf32, #tpu.memory_space<hbm>> -> memref<40x128xf32, #tpu.memory_space<hbm>>
            %dma_start3A_171 = arith.constant 0 : i32
            %dma_start3A_172 = tpu.memref_slice %arg3[%multiple_of3A_166, %dma_start3A_171] : memref<80000x128xf32, #tpu.memory_space<hbm>> -> memref<40x128xf32, #tpu.memory_space<hbm>>
            tpu.enqueue_dma source(%dma_start3A_172 : memref<40x128xf32, #tpu.memory_space<hbm>>) target(%arg15 : memref<40x128xf32, #tpu.memory_space<vmem>>) target_semaphore(%arg25 : memref<!tpu.dma_semaphore, #tpu.memory_space<semaphore_mem>>)
          } else {
          }
          %dma_start3A_152 = arith.constant 0 : i32
          %dma_start3A_153 = arith.constant 0 : i32
          %dma_start3A_154 = tpu.memref_slice %arg24[%dma_start3A_152, %dma_start3A_153] : memref<10000x128xf32, #tpu.memory_space<vmem_shared>> -> memref<10000x128xf32, #tpu.memory_space<vmem_shared>>
          tpu.enqueue_indirect_dma source(%arg16 : memref<40x128xf32, #tpu.memory_space<vmem>>) target(%dma_start3A_154 : memref<10000x128xf32, #tpu.memory_space<vmem_shared>>) offsets(%arg20 : memref<40xi32, #tpu.memory_space<vmem>>) semaphore(%arg26 : memref<!tpu.dma_semaphore, #tpu.memory_space<semaphore_mem>>) {add = true}
        } else {
        }
        %add3A_112 = arith.constant 2 : i32
        %add3A_113 = arith.addi %mul3A_98, %add3A_112 : i32
        %lt3A_114 = arith.constant 125 : i32
        %lt3A_115 = arith.cmpi slt, %add3A_113, %lt3A_114 : i32
        %convert_element_type3A_116 = arith.extui %lt3A_115 : i1 to i32
        %cond3A_117 = arith.constant 0 : i32
        %cond3A_118 = arith.cmpi ne, %convert_element_type3A_116, %cond3A_117 : i32
        scf.if %cond3A_118 {
          %mul3A_126 = arith.constant 40 : i32
          %mul3A_127 = arith.muli %add3A_113, %mul3A_126 : i32
          %add3A_128 = arith.addi %multiple_of3A_7, %mul3A_127 : i32
          %multiple_of3A_129 = tpu.assume_multiple %add3A_128, 8 : i32
          %mul3A_130 = arith.constant 40 : i32
          %mul3A_131 = arith.muli %add3A_113, %mul3A_130 : i32
          %add3A_132 = arith.addi %multiple_of3A_3, %mul3A_131 : i32
          %multiple_of3A_133 = tpu.assume_multiple %add3A_132, 8 : i32
          %dma_wait3A_134 = tpu.memref_slice %arg6[%multiple_of3A_129] : memref<160000xi32, #tpu.memory_space<hbm>> -> memref<40xi32, #tpu.memory_space<hbm>>
          %dma_wait3A_135 = tpu.memref_slice %arg6[%multiple_of3A_129] : memref<160000xi32, #tpu.memory_space<hbm>> -> memref<40xi32, #tpu.memory_space<hbm>>
          tpu.wait_dma2 semaphore(%arg25 : memref<!tpu.dma_semaphore, #tpu.memory_space<semaphore_mem>>) src(%dma_wait3A_135 : memref<40xi32, #tpu.memory_space<hbm>>) dst(%arg21 : memref<40xi32, #tpu.memory_space<vmem>>)
          %dma_wait3A_136 = arith.constant 0 : i32
          %dma_wait3A_137 = tpu.memref_slice %arg3[%multiple_of3A_133, %dma_wait3A_136] : memref<80000x128xf32, #tpu.memory_space<hbm>> -> memref<40x128xf32, #tpu.memory_space<hbm>>
          %dma_wait3A_138 = arith.constant 0 : i32
          %dma_wait3A_139 = tpu.memref_slice %arg3[%multiple_of3A_133, %dma_wait3A_138] : memref<80000x128xf32, #tpu.memory_space<hbm>> -> memref<40x128xf32, #tpu.memory_space<hbm>>
          tpu.wait_dma2 semaphore(%arg25 : memref<!tpu.dma_semaphore, #tpu.memory_space<semaphore_mem>>) src(%dma_wait3A_139 : memref<40x128xf32, #tpu.memory_space<hbm>>) dst(%arg17 : memref<40x128xf32, #tpu.memory_space<vmem>>)
          %gt3A = arith.constant 0 : i32
          %gt3A_140 = arith.cmpi sgt, %add3A_113, %gt3A : i32
          %convert_element_type3A_141 = arith.extui %gt3A_140 : i1 to i32
          %cond3A_142 = arith.constant 0 : i32
          %cond3A_143 = arith.cmpi ne, %convert_element_type3A_141, %cond3A_142 : i32
          scf.if %cond3A_143 {
            %dma_wait3A_155 = arith.constant 0 : i32
            %dma_wait3A_156 = arith.constant 0 : i32
            %dma_wait3A_157 = tpu.memref_slice %arg24[%dma_wait3A_155, %dma_wait3A_156] : memref<10000x128xf32, #tpu.memory_space<vmem_shared>> -> memref<10000x128xf32, #tpu.memory_space<vmem_shared>>
            tpu.wait_indirect_dma semaphore(%arg26 : memref<!tpu.dma_semaphore, #tpu.memory_space<semaphore_mem>>) src(%arg16 : memref<40x128xf32, #tpu.memory_space<vmem>>) dst(%dma_wait3A_157 : memref<10000x128xf32, #tpu.memory_space<vmem_shared>>)
          } else {
          }
          %add3A_144 = arith.constant 4 : i32
          %add3A_145 = arith.addi %add3A_113, %add3A_144 : i32
          %sub3A = arith.constant 1 : i32
          %sub3A_146 = arith.subi %add3A_145, %sub3A : i32
          %lt3A_147 = arith.constant 125 : i32
          %lt3A_148 = arith.cmpi slt, %sub3A_146, %lt3A_147 : i32
          %convert_element_type3A_149 = arith.extui %lt3A_148 : i1 to i32
          %cond3A_150 = arith.constant 0 : i32
          %cond3A_151 = arith.cmpi ne, %convert_element_type3A_149, %cond3A_150 : i32
          scf.if %cond3A_151 {
            %add3A_155 = arith.constant 4 : i32
            %add3A_156 = arith.addi %add3A_113, %add3A_155 : i32
            %sub3A_157 = arith.constant 1 : i32
            %sub3A_158 = arith.subi %add3A_156, %sub3A_157 : i32
            %mul3A_159 = arith.constant 40 : i32
            %mul3A_160 = arith.muli %sub3A_158, %mul3A_159 : i32
            %add3A_161 = arith.addi %multiple_of3A_7, %mul3A_160 : i32
            %multiple_of3A_162 = tpu.assume_multiple %add3A_161, 8 : i32
            %mul3A_163 = arith.constant 40 : i32
            %mul3A_164 = arith.muli %sub3A_158, %mul3A_163 : i32
            %add3A_165 = arith.addi %multiple_of3A_3, %mul3A_164 : i32
            %multiple_of3A_166 = tpu.assume_multiple %add3A_165, 8 : i32
            %dma_start3A_167 = tpu.memref_slice %arg6[%multiple_of3A_162] : memref<160000xi32, #tpu.memory_space<hbm>> -> memref<40xi32, #tpu.memory_space<hbm>>
            %dma_start3A_168 = tpu.memref_slice %arg6[%multiple_of3A_162] : memref<160000xi32, #tpu.memory_space<hbm>> -> memref<40xi32, #tpu.memory_space<hbm>>
            tpu.enqueue_dma source(%dma_start3A_168 : memref<40xi32, #tpu.memory_space<hbm>>) target(%arg20 : memref<40xi32, #tpu.memory_space<vmem>>) target_semaphore(%arg25 : memref<!tpu.dma_semaphore, #tpu.memory_space<semaphore_mem>>)
            %dma_start3A_169 = arith.constant 0 : i32
            %dma_start3A_170 = tpu.memref_slice %arg3[%multiple_of3A_166, %dma_start3A_169] : memref<80000x128xf32, #tpu.memory_space<hbm>> -> memref<40x128xf32, #tpu.memory_space<hbm>>
            %dma_start3A_171 = arith.constant 0 : i32
            %dma_start3A_172 = tpu.memref_slice %arg3[%multiple_of3A_166, %dma_start3A_171] : memref<80000x128xf32, #tpu.memory_space<hbm>> -> memref<40x128xf32, #tpu.memory_space<hbm>>
            tpu.enqueue_dma source(%dma_start3A_172 : memref<40x128xf32, #tpu.memory_space<hbm>>) target(%arg16 : memref<40x128xf32, #tpu.memory_space<vmem>>) target_semaphore(%arg25 : memref<!tpu.dma_semaphore, #tpu.memory_space<semaphore_mem>>)
          } else {
          }
          %dma_start3A_152 = arith.constant 0 : i32
          %dma_start3A_153 = arith.constant 0 : i32
          %dma_start3A_154 = tpu.memref_slice %arg24[%dma_start3A_152, %dma_start3A_153] : memref<10000x128xf32, #tpu.memory_space<vmem_shared>> -> memref<10000x128xf32, #tpu.memory_space<vmem_shared>>
          tpu.enqueue_indirect_dma source(%arg17 : memref<40x128xf32, #tpu.memory_space<vmem>>) target(%dma_start3A_154 : memref<10000x128xf32, #tpu.memory_space<vmem_shared>>) offsets(%arg21 : memref<40xi32, #tpu.memory_space<vmem>>) semaphore(%arg26 : memref<!tpu.dma_semaphore, #tpu.memory_space<semaphore_mem>>) {add = true}
        } else {
        }
        %add3A_119 = arith.constant 3 : i32
        %add3A_120 = arith.addi %mul3A_98, %add3A_119 : i32
        %lt3A_121 = arith.constant 125 : i32
        %lt3A_122 = arith.cmpi slt, %add3A_120, %lt3A_121 : i32
        %convert_element_type3A_123 = arith.extui %lt3A_122 : i1 to i32
        %cond3A_124 = arith.constant 0 : i32
        %cond3A_125 = arith.cmpi ne, %convert_element_type3A_123, %cond3A_124 : i32
        scf.if %cond3A_125 {
          %mul3A_126 = arith.constant 40 : i32
          %mul3A_127 = arith.muli %add3A_120, %mul3A_126 : i32
          %add3A_128 = arith.addi %multiple_of3A_7, %mul3A_127 : i32
          %multiple_of3A_129 = tpu.assume_multiple %add3A_128, 8 : i32
          %mul3A_130 = arith.constant 40 : i32
          %mul3A_131 = arith.muli %add3A_120, %mul3A_130 : i32
          %add3A_132 = arith.addi %multiple_of3A_3, %mul3A_131 : i32
          %multiple_of3A_133 = tpu.assume_multiple %add3A_132, 8 : i32
          %dma_wait3A_134 = tpu.memref_slice %arg6[%multiple_of3A_129] : memref<160000xi32, #tpu.memory_space<hbm>> -> memref<40xi32, #tpu.memory_space<hbm>>
          %dma_wait3A_135 = tpu.memref_slice %arg6[%multiple_of3A_129] : memref<160000xi32, #tpu.memory_space<hbm>> -> memref<40xi32, #tpu.memory_space<hbm>>
          tpu.wait_dma2 semaphore(%arg25 : memref<!tpu.dma_semaphore, #tpu.memory_space<semaphore_mem>>) src(%dma_wait3A_135 : memref<40xi32, #tpu.memory_space<hbm>>) dst(%arg22 : memref<40xi32, #tpu.memory_space<vmem>>)
          %dma_wait3A_136 = arith.constant 0 : i32
          %dma_wait3A_137 = tpu.memref_slice %arg3[%multiple_of3A_133, %dma_wait3A_136] : memref<80000x128xf32, #tpu.memory_space<hbm>> -> memref<40x128xf32, #tpu.memory_space<hbm>>
          %dma_wait3A_138 = arith.constant 0 : i32
          %dma_wait3A_139 = tpu.memref_slice %arg3[%multiple_of3A_133, %dma_wait3A_138] : memref<80000x128xf32, #tpu.memory_space<hbm>> -> memref<40x128xf32, #tpu.memory_space<hbm>>
          tpu.wait_dma2 semaphore(%arg25 : memref<!tpu.dma_semaphore, #tpu.memory_space<semaphore_mem>>) src(%dma_wait3A_139 : memref<40x128xf32, #tpu.memory_space<hbm>>) dst(%arg18 : memref<40x128xf32, #tpu.memory_space<vmem>>)
          %gt3A = arith.constant 0 : i32
          %gt3A_140 = arith.cmpi sgt, %add3A_120, %gt3A : i32
          %convert_element_type3A_141 = arith.extui %gt3A_140 : i1 to i32
          %cond3A_142 = arith.constant 0 : i32
          %cond3A_143 = arith.cmpi ne, %convert_element_type3A_141, %cond3A_142 : i32
          scf.if %cond3A_143 {
            %dma_wait3A_155 = arith.constant 0 : i32
            %dma_wait3A_156 = arith.constant 0 : i32
            %dma_wait3A_157 = tpu.memref_slice %arg24[%dma_wait3A_155, %dma_wait3A_156] : memref<10000x128xf32, #tpu.memory_space<vmem_shared>> -> memref<10000x128xf32, #tpu.memory_space<vmem_shared>>
            tpu.wait_indirect_dma semaphore(%arg26 : memref<!tpu.dma_semaphore, #tpu.memory_space<semaphore_mem>>) src(%arg17 : memref<40x128xf32, #tpu.memory_space<vmem>>) dst(%dma_wait3A_157 : memref<10000x128xf32, #tpu.memory_space<vmem_shared>>)
          } else {
          }
          %add3A_144 = arith.constant 4 : i32
          %add3A_145 = arith.addi %add3A_120, %add3A_144 : i32
          %sub3A = arith.constant 1 : i32
          %sub3A_146 = arith.subi %add3A_145, %sub3A : i32
          %lt3A_147 = arith.constant 125 : i32
          %lt3A_148 = arith.cmpi slt, %sub3A_146, %lt3A_147 : i32
          %convert_element_type3A_149 = arith.extui %lt3A_148 : i1 to i32
          %cond3A_150 = arith.constant 0 : i32
          %cond3A_151 = arith.cmpi ne, %convert_element_type3A_149, %cond3A_150 : i32
          scf.if %cond3A_151 {
            %add3A_155 = arith.constant 4 : i32
            %add3A_156 = arith.addi %add3A_120, %add3A_155 : i32
            %sub3A_157 = arith.constant 1 : i32
            %sub3A_158 = arith.subi %add3A_156, %sub3A_157 : i32
            %mul3A_159 = arith.constant 40 : i32
            %mul3A_160 = arith.muli %sub3A_158, %mul3A_159 : i32
            %add3A_161 = arith.addi %multiple_of3A_7, %mul3A_160 : i32
            %multiple_of3A_162 = tpu.assume_multiple %add3A_161, 8 : i32
            %mul3A_163 = arith.constant 40 : i32
            %mul3A_164 = arith.muli %sub3A_158, %mul3A_163 : i32
            %add3A_165 = arith.addi %multiple_of3A_3, %mul3A_164 : i32
            %multiple_of3A_166 = tpu.assume_multiple %add3A_165, 8 : i32
            %dma_start3A_167 = tpu.memref_slice %arg6[%multiple_of3A_162] : memref<160000xi32, #tpu.memory_space<hbm>> -> memref<40xi32, #tpu.memory_space<hbm>>
            %dma_start3A_168 = tpu.memref_slice %arg6[%multiple_of3A_162] : memref<160000xi32, #tpu.memory_space<hbm>> -> memref<40xi32, #tpu.memory_space<hbm>>
            tpu.enqueue_dma source(%dma_start3A_168 : memref<40xi32, #tpu.memory_space<hbm>>) target(%arg21 : memref<40xi32, #tpu.memory_space<vmem>>) target_semaphore(%arg25 : memref<!tpu.dma_semaphore, #tpu.memory_space<semaphore_mem>>)
            %dma_start3A_169 = arith.constant 0 : i32
            %dma_start3A_170 = tpu.memref_slice %arg3[%multiple_of3A_166, %dma_start3A_169] : memref<80000x128xf32, #tpu.memory_space<hbm>> -> memref<40x128xf32, #tpu.memory_space<hbm>>
            %dma_start3A_171 = arith.constant 0 : i32
            %dma_start3A_172 = tpu.memref_slice %arg3[%multiple_of3A_166, %dma_start3A_171] : memref<80000x128xf32, #tpu.memory_space<hbm>> -> memref<40x128xf32, #tpu.memory_space<hbm>>
            tpu.enqueue_dma source(%dma_start3A_172 : memref<40x128xf32, #tpu.memory_space<hbm>>) target(%arg17 : memref<40x128xf32, #tpu.memory_space<vmem>>) target_semaphore(%arg25 : memref<!tpu.dma_semaphore, #tpu.memory_space<semaphore_mem>>)
          } else {
          }
          %dma_start3A_152 = arith.constant 0 : i32
          %dma_start3A_153 = arith.constant 0 : i32
          %dma_start3A_154 = tpu.memref_slice %arg24[%dma_start3A_152, %dma_start3A_153] : memref<10000x128xf32, #tpu.memory_space<vmem_shared>> -> memref<10000x128xf32, #tpu.memory_space<vmem_shared>>
          tpu.enqueue_indirect_dma source(%arg18 : memref<40x128xf32, #tpu.memory_space<vmem>>) target(%dma_start3A_154 : memref<10000x128xf32, #tpu.memory_space<vmem_shared>>) offsets(%arg22 : memref<40xi32, #tpu.memory_space<vmem>>) semaphore(%arg26 : memref<!tpu.dma_semaphore, #tpu.memory_space<semaphore_mem>>) {add = true}
        } else {
        }
      }
      %scan3A_78 = arith.constant 32 : i32
      %dma_wait3A = arith.constant 0 : i32
      %dma_wait3A_79 = arith.constant 0 : i32
      %dma_wait3A_80 = tpu.memref_slice %arg24[%dma_wait3A, %dma_wait3A_79] : memref<10000x128xf32, #tpu.memory_space<vmem_shared>> -> memref<10000x128xf32, #tpu.memory_space<vmem_shared>>
      tpu.wait_indirect_dma semaphore(%arg26 : memref<!tpu.dma_semaphore, #tpu.memory_space<semaphore_mem>>) src(%arg15 : memref<40x128xf32, #tpu.memory_space<vmem>>) dst(%dma_wait3A_80 : memref<10000x128xf32, #tpu.memory_space<vmem_shared>>)
      %barrier3A_81 = arith.constant 0 : index
      tpu.barrier barrier_id(%barrier3A_81)
      %add3A_82 = arith.constant 0 : i32
      %add3A_83 = arith.addi %multiple_of3A, %add3A_82 : i32
      %multiple_of3A_84 = tpu.assume_multiple %add3A_83, 8 : i32
      "tpu.region"() ({
        %run_scoped3A = tpu.sem_alloc : memref<!tpu.dma_semaphore, #tpu.memory_space<semaphore_mem>>
        %dma_start3A_96 = arith.constant 0 : i32
        %dma_start3A_97 = tpu.memref_slice %arg12[%multiple_of3A_84, %dma_start3A_96] : memref<10000x128xf32, #tpu.memory_space<hbm>> -> memref<208x128xf32, #tpu.memory_space<hbm>>
        %dma_start3A_98 = arith.constant 0 : i32
        %dma_start3A_99 = tpu.memref_slice %arg24[%multiple_of3A_84, %dma_start3A_98] : memref<10000x128xf32, #tpu.memory_space<vmem_shared>> -> memref<208x128xf32, #tpu.memory_space<vmem_shared>>
        tpu.enqueue_dma source(%dma_start3A_99 : memref<208x128xf32, #tpu.memory_space<vmem_shared>>) target(%dma_start3A_97 : memref<208x128xf32, #tpu.memory_space<hbm>>) target_semaphore(%run_scoped3A : memref<!tpu.dma_semaphore, #tpu.memory_space<semaphore_mem>>)
        %dma_wait3A_100 = arith.constant 0 : i32
        %dma_wait3A_101 = tpu.memref_slice %arg12[%multiple_of3A_84, %dma_wait3A_100] : memref<10000x128xf32, #tpu.memory_space<hbm>> -> memref<208x128xf32, #tpu.memory_space<hbm>>
        %dma_wait3A_102 = arith.constant 0 : i32
        %dma_wait3A_103 = tpu.memref_slice %arg24[%multiple_of3A_84, %dma_wait3A_102] : memref<10000x128xf32, #tpu.memory_space<vmem_shared>> -> memref<208x128xf32, #tpu.memory_space<vmem_shared>>
        tpu.wait_dma2 semaphore(%run_scoped3A : memref<!tpu.dma_semaphore, #tpu.memory_space<semaphore_mem>>) src(%dma_wait3A_103 : memref<208x128xf32, #tpu.memory_space<vmem_shared>>) dst(%dma_wait3A_101 : memref<208x128xf32, #tpu.memory_space<hbm>>)
        tpu.yield
      }) : () -> ()
      %add3A_85 = arith.constant 208 : i32
      %add3A_86 = arith.addi %multiple_of3A, %add3A_85 : i32
      %multiple_of3A_87 = tpu.assume_multiple %add3A_86, 8 : i32
      "tpu.region"() ({
        %run_scoped3A = tpu.sem_alloc : memref<!tpu.dma_semaphore, #tpu.memory_space<semaphore_mem>>
        %dma_start3A_96 = arith.constant 0 : i32
        %dma_start3A_97 = tpu.memref_slice %arg12[%multiple_of3A_87, %dma_start3A_96] : memref<10000x128xf32, #tpu.memory_space<hbm>> -> memref<208x128xf32, #tpu.memory_space<hbm>>
        %dma_start3A_98 = arith.constant 0 : i32
        %dma_start3A_99 = tpu.memref_slice %arg24[%multiple_of3A_87, %dma_start3A_98] : memref<10000x128xf32, #tpu.memory_space<vmem_shared>> -> memref<208x128xf32, #tpu.memory_space<vmem_shared>>
        tpu.enqueue_dma source(%dma_start3A_99 : memref<208x128xf32, #tpu.memory_space<vmem_shared>>) target(%dma_start3A_97 : memref<208x128xf32, #tpu.memory_space<hbm>>) target_semaphore(%run_scoped3A : memref<!tpu.dma_semaphore, #tpu.memory_space<semaphore_mem>>)
        %dma_wait3A_100 = arith.constant 0 : i32
        %dma_wait3A_101 = tpu.memref_slice %arg12[%multiple_of3A_87, %dma_wait3A_100] : memref<10000x128xf32, #tpu.memory_space<hbm>> -> memref<208x128xf32, #tpu.memory_space<hbm>>
        %dma_wait3A_102 = arith.constant 0 : i32
        %dma_wait3A_103 = tpu.memref_slice %arg24[%multiple_of3A_87, %dma_wait3A_102] : memref<10000x128xf32, #tpu.memory_space<vmem_shared>> -> memref<208x128xf32, #tpu.memory_space<vmem_shared>>
        tpu.wait_dma2 semaphore(%run_scoped3A : memref<!tpu.dma_semaphore, #tpu.memory_space<semaphore_mem>>) src(%dma_wait3A_103 : memref<208x128xf32, #tpu.memory_space<vmem_shared>>) dst(%dma_wait3A_101 : memref<208x128xf32, #tpu.memory_space<hbm>>)
        tpu.yield
      }) : () -> ()
      %add3A_88 = arith.constant 416 : i32
      %add3A_89 = arith.addi %multiple_of3A, %add3A_88 : i32
      %multiple_of3A_90 = tpu.assume_multiple %add3A_89, 8 : i32
      "tpu.region"() ({
        %run_scoped3A = tpu.sem_alloc : memref<!tpu.dma_semaphore, #tpu.memory_space<semaphore_mem>>
        %dma_start3A_96 = arith.constant 0 : i32
        %dma_start3A_97 = tpu.memref_slice %arg12[%multiple_of3A_90, %dma_start3A_96] : memref<10000x128xf32, #tpu.memory_space<hbm>> -> memref<208x128xf32, #tpu.memory_space<hbm>>
        %dma_start3A_98 = arith.constant 0 : i32
        %dma_start3A_99 = tpu.memref_slice %arg24[%multiple_of3A_90, %dma_start3A_98] : memref<10000x128xf32, #tpu.memory_space<vmem_shared>> -> memref<208x128xf32, #tpu.memory_space<vmem_shared>>
        tpu.enqueue_dma source(%dma_start3A_99 : memref<208x128xf32, #tpu.memory_space<vmem_shared>>) target(%dma_start3A_97 : memref<208x128xf32, #tpu.memory_space<hbm>>) target_semaphore(%run_scoped3A : memref<!tpu.dma_semaphore, #tpu.memory_space<semaphore_mem>>)
        %dma_wait3A_100 = arith.constant 0 : i32
        %dma_wait3A_101 = tpu.memref_slice %arg12[%multiple_of3A_90, %dma_wait3A_100] : memref<10000x128xf32, #tpu.memory_space<hbm>> -> memref<208x128xf32, #tpu.memory_space<hbm>>
        %dma_wait3A_102 = arith.constant 0 : i32
        %dma_wait3A_103 = tpu.memref_slice %arg24[%multiple_of3A_90, %dma_wait3A_102] : memref<10000x128xf32, #tpu.memory_space<vmem_shared>> -> memref<208x128xf32, #tpu.memory_space<vmem_shared>>
        tpu.wait_dma2 semaphore(%run_scoped3A : memref<!tpu.dma_semaphore, #tpu.memory_space<semaphore_mem>>) src(%dma_wait3A_103 : memref<208x128xf32, #tpu.memory_space<vmem_shared>>) dst(%dma_wait3A_101 : memref<208x128xf32, #tpu.memory_space<hbm>>)
        tpu.yield
      }) : () -> ()
      %eq3A_91 = arith.constant 15 : i32
      %eq3A_92 = arith.cmpi eq, %arg1, %eq3A_91 : i32
      %convert_element_type3A_93 = arith.extui %eq3A_92 : i1 to i32
      %cond3A_94 = arith.constant 0 : i32
      %cond3A_95 = arith.cmpi ne, %convert_element_type3A_93, %cond3A_94 : i32
      scf.if %cond3A_95 {
        "tpu.region"() ({
          %run_scoped3A = tpu.sem_alloc : memref<!tpu.dma_semaphore, #tpu.memory_space<semaphore_mem>>
          %dma_start3A_96 = arith.constant 9984 : i32
          %dma_start3A_97 = arith.constant 0 : i32
          %dma_start3A_98 = tpu.memref_slice %arg12[%dma_start3A_96, %dma_start3A_97] : memref<10000x128xf32, #tpu.memory_space<hbm>> -> memref<16x128xf32, #tpu.memory_space<hbm>>
          %dma_start3A_99 = arith.constant 9984 : i32
          %dma_start3A_100 = arith.constant 0 : i32
          %dma_start3A_101 = tpu.memref_slice %arg24[%dma_start3A_99, %dma_start3A_100] : memref<10000x128xf32, #tpu.memory_space<vmem_shared>> -> memref<16x128xf32, #tpu.memory_space<vmem_shared>>
          tpu.enqueue_dma source(%dma_start3A_101 : memref<16x128xf32, #tpu.memory_space<vmem_shared>>) target(%dma_start3A_98 : memref<16x128xf32, #tpu.memory_space<hbm>>) target_semaphore(%run_scoped3A : memref<!tpu.dma_semaphore, #tpu.memory_space<semaphore_mem>>)
          %dma_wait3A_102 = arith.constant 9984 : i32
          %dma_wait3A_103 = arith.constant 0 : i32
          %dma_wait3A_104 = tpu.memref_slice %arg12[%dma_wait3A_102, %dma_wait3A_103] : memref<10000x128xf32, #tpu.memory_space<hbm>> -> memref<16x128xf32, #tpu.memory_space<hbm>>
          %dma_wait3A_105 = arith.constant 9984 : i32
          %dma_wait3A_106 = arith.constant 0 : i32
          %dma_wait3A_107 = tpu.memref_slice %arg24[%dma_wait3A_105, %dma_wait3A_106] : memref<10000x128xf32, #tpu.memory_space<vmem_shared>> -> memref<16x128xf32, #tpu.memory_space<vmem_shared>>
          tpu.wait_dma2 semaphore(%run_scoped3A : memref<!tpu.dma_semaphore, #tpu.memory_space<semaphore_mem>>) src(%dma_wait3A_107 : memref<16x128xf32, #tpu.memory_space<vmem_shared>>) dst(%dma_wait3A_104 : memref<16x128xf32, #tpu.memory_space<hbm>>)
          tpu.yield
        }) : () -> ()
      } else {
      }
    } else {
    }
    %eq3A_15 = arith.constant 1 : i32
    %eq3A_16 = arith.cmpi eq, %arg0, %eq3A_15 : i32
    %convert_element_type3A_17 = arith.extui %eq3A_16 : i1 to i32
    %cond3A_18 = arith.constant 0 : i32
    %cond3A_19 = arith.cmpi ne, %convert_element_type3A_17, %cond3A_18 : i32
    scf.if %cond3A_19 {
      %add3A_25 = arith.constant 0 : i32
      %add3A_26 = arith.addi %multiple_of3A, %add3A_25 : i32
      %multiple_of3A_27 = tpu.assume_multiple %add3A_26, 8 : i32
      "tpu.region"() ({
        %run_scoped3A = tpu.sem_alloc : memref<!tpu.dma_semaphore, #tpu.memory_space<semaphore_mem>>
        %dma_start3A_96 = arith.constant 0 : i32
        %dma_start3A_97 = tpu.memref_slice %arg24[%multiple_of3A_27, %dma_start3A_96] : memref<10000x128xf32, #tpu.memory_space<vmem_shared>> -> memref<208x128xf32, #tpu.memory_space<vmem_shared>>
        %dma_start3A_98 = arith.constant 0 : i32
        %dma_start3A_99 = tpu.memref_slice %arg9[%multiple_of3A_27, %dma_start3A_98] : memref<10000x128xf32, #tpu.memory_space<hbm>> -> memref<208x128xf32, #tpu.memory_space<hbm>>
        tpu.enqueue_dma source(%dma_start3A_99 : memref<208x128xf32, #tpu.memory_space<hbm>>) target(%dma_start3A_97 : memref<208x128xf32, #tpu.memory_space<vmem_shared>>) target_semaphore(%run_scoped3A : memref<!tpu.dma_semaphore, #tpu.memory_space<semaphore_mem>>)
        %dma_wait3A_100 = arith.constant 0 : i32
        %dma_wait3A_101 = tpu.memref_slice %arg24[%multiple_of3A_27, %dma_wait3A_100] : memref<10000x128xf32, #tpu.memory_space<vmem_shared>> -> memref<208x128xf32, #tpu.memory_space<vmem_shared>>
        %dma_wait3A_102 = arith.constant 0 : i32
        %dma_wait3A_103 = tpu.memref_slice %arg9[%multiple_of3A_27, %dma_wait3A_102] : memref<10000x128xf32, #tpu.memory_space<hbm>> -> memref<208x128xf32, #tpu.memory_space<hbm>>
        tpu.wait_dma2 semaphore(%run_scoped3A : memref<!tpu.dma_semaphore, #tpu.memory_space<semaphore_mem>>) src(%dma_wait3A_103 : memref<208x128xf32, #tpu.memory_space<hbm>>) dst(%dma_wait3A_101 : memref<208x128xf32, #tpu.memory_space<vmem_shared>>)
        tpu.yield
      }) : () -> ()
      %add3A_28 = arith.constant 208 : i32
      %add3A_29 = arith.addi %multiple_of3A, %add3A_28 : i32
      %multiple_of3A_30 = tpu.assume_multiple %add3A_29, 8 : i32
      "tpu.region"() ({
        %run_scoped3A = tpu.sem_alloc : memref<!tpu.dma_semaphore, #tpu.memory_space<semaphore_mem>>
        %dma_start3A_96 = arith.constant 0 : i32
        %dma_start3A_97 = tpu.memref_slice %arg24[%multiple_of3A_30, %dma_start3A_96] : memref<10000x128xf32, #tpu.memory_space<vmem_shared>> -> memref<208x128xf32, #tpu.memory_space<vmem_shared>>
        %dma_start3A_98 = arith.constant 0 : i32
        %dma_start3A_99 = tpu.memref_slice %arg9[%multiple_of3A_30, %dma_start3A_98] : memref<10000x128xf32, #tpu.memory_space<hbm>> -> memref<208x128xf32, #tpu.memory_space<hbm>>
        tpu.enqueue_dma source(%dma_start3A_99 : memref<208x128xf32, #tpu.memory_space<hbm>>) target(%dma_start3A_97 : memref<208x128xf32, #tpu.memory_space<vmem_shared>>) target_semaphore(%run_scoped3A : memref<!tpu.dma_semaphore, #tpu.memory_space<semaphore_mem>>)
        %dma_wait3A_100 = arith.constant 0 : i32
        %dma_wait3A_101 = tpu.memref_slice %arg24[%multiple_of3A_30, %dma_wait3A_100] : memref<10000x128xf32, #tpu.memory_space<vmem_shared>> -> memref<208x128xf32, #tpu.memory_space<vmem_shared>>
        %dma_wait3A_102 = arith.constant 0 : i32
        %dma_wait3A_103 = tpu.memref_slice %arg9[%multiple_of3A_30, %dma_wait3A_102] : memref<10000x128xf32, #tpu.memory_space<hbm>> -> memref<208x128xf32, #tpu.memory_space<hbm>>
        tpu.wait_dma2 semaphore(%run_scoped3A : memref<!tpu.dma_semaphore, #tpu.memory_space<semaphore_mem>>) src(%dma_wait3A_103 : memref<208x128xf32, #tpu.memory_space<hbm>>) dst(%dma_wait3A_101 : memref<208x128xf32, #tpu.memory_space<vmem_shared>>)
        tpu.yield
      }) : () -> ()
      %add3A_31 = arith.constant 416 : i32
      %add3A_32 = arith.addi %multiple_of3A, %add3A_31 : i32
      %multiple_of3A_33 = tpu.assume_multiple %add3A_32, 8 : i32
      "tpu.region"() ({
        %run_scoped3A = tpu.sem_alloc : memref<!tpu.dma_semaphore, #tpu.memory_space<semaphore_mem>>
        %dma_start3A_96 = arith.constant 0 : i32
        %dma_start3A_97 = tpu.memref_slice %arg24[%multiple_of3A_33, %dma_start3A_96] : memref<10000x128xf32, #tpu.memory_space<vmem_shared>> -> memref<208x128xf32, #tpu.memory_space<vmem_shared>>
        %dma_start3A_98 = arith.constant 0 : i32
        %dma_start3A_99 = tpu.memref_slice %arg9[%multiple_of3A_33, %dma_start3A_98] : memref<10000x128xf32, #tpu.memory_space<hbm>> -> memref<208x128xf32, #tpu.memory_space<hbm>>
        tpu.enqueue_dma source(%dma_start3A_99 : memref<208x128xf32, #tpu.memory_space<hbm>>) target(%dma_start3A_97 : memref<208x128xf32, #tpu.memory_space<vmem_shared>>) target_semaphore(%run_scoped3A : memref<!tpu.dma_semaphore, #tpu.memory_space<semaphore_mem>>)
        %dma_wait3A_100 = arith.constant 0 : i32
        %dma_wait3A_101 = tpu.memref_slice %arg24[%multiple_of3A_33, %dma_wait3A_100] : memref<10000x128xf32, #tpu.memory_space<vmem_shared>> -> memref<208x128xf32, #tpu.memory_space<vmem_shared>>
        %dma_wait3A_102 = arith.constant 0 : i32
        %dma_wait3A_103 = tpu.memref_slice %arg9[%multiple_of3A_33, %dma_wait3A_102] : memref<10000x128xf32, #tpu.memory_space<hbm>> -> memref<208x128xf32, #tpu.memory_space<hbm>>
        tpu.wait_dma2 semaphore(%run_scoped3A : memref<!tpu.dma_semaphore, #tpu.memory_space<semaphore_mem>>) src(%dma_wait3A_103 : memref<208x128xf32, #tpu.memory_space<hbm>>) dst(%dma_wait3A_101 : memref<208x128xf32, #tpu.memory_space<vmem_shared>>)
        tpu.yield
      }) : () -> ()
      %eq3A_34 = arith.constant 15 : i32
      %eq3A_35 = arith.cmpi eq, %arg1, %eq3A_34 : i32
      %convert_element_type3A_36 = arith.extui %eq3A_35 : i1 to i32
      %cond3A_37 = arith.constant 0 : i32
      %cond3A_38 = arith.cmpi ne, %convert_element_type3A_36, %cond3A_37 : i32
      scf.if %cond3A_38 {
        "tpu.region"() ({
          %run_scoped3A = tpu.sem_alloc : memref<!tpu.dma_semaphore, #tpu.memory_space<semaphore_mem>>
          %dma_start3A_96 = arith.constant 9984 : i32
          %dma_start3A_97 = arith.constant 0 : i32
          %dma_start3A_98 = tpu.memref_slice %arg24[%dma_start3A_96, %dma_start3A_97] : memref<10000x128xf32, #tpu.memory_space<vmem_shared>> -> memref<16x128xf32, #tpu.memory_space<vmem_shared>>
          %dma_start3A_99 = arith.constant 9984 : i32
          %dma_start3A_100 = arith.constant 0 : i32
          %dma_start3A_101 = tpu.memref_slice %arg9[%dma_start3A_99, %dma_start3A_100] : memref<10000x128xf32, #tpu.memory_space<hbm>> -> memref<16x128xf32, #tpu.memory_space<hbm>>
          tpu.enqueue_dma source(%dma_start3A_101 : memref<16x128xf32, #tpu.memory_space<hbm>>) target(%dma_start3A_98 : memref<16x128xf32, #tpu.memory_space<vmem_shared>>) target_semaphore(%run_scoped3A : memref<!tpu.dma_semaphore, #tpu.memory_space<semaphore_mem>>)
          %dma_wait3A_102 = arith.constant 9984 : i32
          %dma_wait3A_103 = arith.constant 0 : i32
          %dma_wait3A_104 = tpu.memref_slice %arg24[%dma_wait3A_102, %dma_wait3A_103] : memref<10000x128xf32, #tpu.memory_space<vmem_shared>> -> memref<16x128xf32, #tpu.memory_space<vmem_shared>>
          %dma_wait3A_105 = arith.constant 9984 : i32
          %dma_wait3A_106 = arith.constant 0 : i32
          %dma_wait3A_107 = tpu.memref_slice %arg9[%dma_wait3A_105, %dma_wait3A_106] : memref<10000x128xf32, #tpu.memory_space<hbm>> -> memref<16x128xf32, #tpu.memory_space<hbm>>
          tpu.wait_dma2 semaphore(%run_scoped3A : memref<!tpu.dma_semaphore, #tpu.memory_space<semaphore_mem>>) src(%dma_wait3A_107 : memref<16x128xf32, #tpu.memory_space<hbm>>) dst(%dma_wait3A_104 : memref<16x128xf32, #tpu.memory_space<vmem_shared>>)
          tpu.yield
        }) : () -> ()
      } else {
      }
      %barrier3A = arith.constant 0 : index
      tpu.barrier barrier_id(%barrier3A)
      %add3A_39 = arith.constant 0 : i32
      %add3A_40 = arith.addi %multiple_of3A_7, %add3A_39 : i32
      %multiple_of3A_41 = tpu.assume_multiple %add3A_40, 8 : i32
      %add3A_42 = arith.constant 0 : i32
      %add3A_43 = arith.addi %multiple_of3A_3, %add3A_42 : i32
      %multiple_of3A_44 = tpu.assume_multiple %add3A_43, 8 : i32
      %dma_start3A = tpu.memref_slice %arg6[%multiple_of3A_41] : memref<160000xi32, #tpu.memory_space<hbm>> -> memref<40xi32, #tpu.memory_space<hbm>>
      %dma_start3A_45 = tpu.memref_slice %arg6[%multiple_of3A_41] : memref<160000xi32, #tpu.memory_space<hbm>> -> memref<40xi32, #tpu.memory_space<hbm>>
      tpu.enqueue_dma source(%dma_start3A_45 : memref<40xi32, #tpu.memory_space<hbm>>) target(%arg19 : memref<40xi32, #tpu.memory_space<vmem>>) target_semaphore(%arg25 : memref<!tpu.dma_semaphore, #tpu.memory_space<semaphore_mem>>)
      %dma_start3A_46 = arith.constant 0 : i32
      %dma_start3A_47 = tpu.memref_slice %arg4[%multiple_of3A_44, %dma_start3A_46] : memref<80000x128xf32, #tpu.memory_space<hbm>> -> memref<40x128xf32, #tpu.memory_space<hbm>>
      %dma_start3A_48 = arith.constant 0 : i32
      %dma_start3A_49 = tpu.memref_slice %arg4[%multiple_of3A_44, %dma_start3A_48] : memref<80000x128xf32, #tpu.memory_space<hbm>> -> memref<40x128xf32, #tpu.memory_space<hbm>>
      tpu.enqueue_dma source(%dma_start3A_49 : memref<40x128xf32, #tpu.memory_space<hbm>>) target(%arg15 : memref<40x128xf32, #tpu.memory_space<vmem>>) target_semaphore(%arg25 : memref<!tpu.dma_semaphore, #tpu.memory_space<semaphore_mem>>)
      %add3A_50 = arith.constant 40 : i32
      %add3A_51 = arith.addi %multiple_of3A_7, %add3A_50 : i32
      %multiple_of3A_52 = tpu.assume_multiple %add3A_51, 8 : i32
      %add3A_53 = arith.constant 40 : i32
      %add3A_54 = arith.addi %multiple_of3A_3, %add3A_53 : i32
      %multiple_of3A_55 = tpu.assume_multiple %add3A_54, 8 : i32
      %dma_start3A_56 = tpu.memref_slice %arg6[%multiple_of3A_52] : memref<160000xi32, #tpu.memory_space<hbm>> -> memref<40xi32, #tpu.memory_space<hbm>>
      %dma_start3A_57 = tpu.memref_slice %arg6[%multiple_of3A_52] : memref<160000xi32, #tpu.memory_space<hbm>> -> memref<40xi32, #tpu.memory_space<hbm>>
      tpu.enqueue_dma source(%dma_start3A_57 : memref<40xi32, #tpu.memory_space<hbm>>) target(%arg20 : memref<40xi32, #tpu.memory_space<vmem>>) target_semaphore(%arg25 : memref<!tpu.dma_semaphore, #tpu.memory_space<semaphore_mem>>)
      %dma_start3A_58 = arith.constant 0 : i32
      %dma_start3A_59 = tpu.memref_slice %arg4[%multiple_of3A_55, %dma_start3A_58] : memref<80000x128xf32, #tpu.memory_space<hbm>> -> memref<40x128xf32, #tpu.memory_space<hbm>>
      %dma_start3A_60 = arith.constant 0 : i32
      %dma_start3A_61 = tpu.memref_slice %arg4[%multiple_of3A_55, %dma_start3A_60] : memref<80000x128xf32, #tpu.memory_space<hbm>> -> memref<40x128xf32, #tpu.memory_space<hbm>>
      tpu.enqueue_dma source(%dma_start3A_61 : memref<40x128xf32, #tpu.memory_space<hbm>>) target(%arg16 : memref<40x128xf32, #tpu.memory_space<vmem>>) target_semaphore(%arg25 : memref<!tpu.dma_semaphore, #tpu.memory_space<semaphore_mem>>)
      %add3A_62 = arith.constant 80 : i32
      %add3A_63 = arith.addi %multiple_of3A_7, %add3A_62 : i32
      %multiple_of3A_64 = tpu.assume_multiple %add3A_63, 8 : i32
      %add3A_65 = arith.constant 80 : i32
      %add3A_66 = arith.addi %multiple_of3A_3, %add3A_65 : i32
      %multiple_of3A_67 = tpu.assume_multiple %add3A_66, 8 : i32
      %dma_start3A_68 = tpu.memref_slice %arg6[%multiple_of3A_64] : memref<160000xi32, #tpu.memory_space<hbm>> -> memref<40xi32, #tpu.memory_space<hbm>>
      %dma_start3A_69 = tpu.memref_slice %arg6[%multiple_of3A_64] : memref<160000xi32, #tpu.memory_space<hbm>> -> memref<40xi32, #tpu.memory_space<hbm>>
      tpu.enqueue_dma source(%dma_start3A_69 : memref<40xi32, #tpu.memory_space<hbm>>) target(%arg21 : memref<40xi32, #tpu.memory_space<vmem>>) target_semaphore(%arg25 : memref<!tpu.dma_semaphore, #tpu.memory_space<semaphore_mem>>)
      %dma_start3A_70 = arith.constant 0 : i32
      %dma_start3A_71 = tpu.memref_slice %arg4[%multiple_of3A_67, %dma_start3A_70] : memref<80000x128xf32, #tpu.memory_space<hbm>> -> memref<40x128xf32, #tpu.memory_space<hbm>>
      %dma_start3A_72 = arith.constant 0 : i32
      %dma_start3A_73 = tpu.memref_slice %arg4[%multiple_of3A_67, %dma_start3A_72] : memref<80000x128xf32, #tpu.memory_space<hbm>> -> memref<40x128xf32, #tpu.memory_space<hbm>>
      tpu.enqueue_dma source(%dma_start3A_73 : memref<40x128xf32, #tpu.memory_space<hbm>>) target(%arg17 : memref<40x128xf32, #tpu.memory_space<vmem>>) target_semaphore(%arg25 : memref<!tpu.dma_semaphore, #tpu.memory_space<semaphore_mem>>)
      %scan3A = arith.constant 0 : i32
      %scan3A_74 = arith.constant 0 : i32
      %scan3A_75 = arith.constant 32 : i32
      %scan3A_76 = arith.addi %scan3A_74, %scan3A_75 : i32
      %scan3A_77 = arith.constant 1 : i32
      scf.for %scan3A_96 = %scan3A_74 to %scan3A_76 step %scan3A_77  : i32 {
        %mul3A_97 = arith.constant 4 : i32
        %mul3A_98 = arith.muli %scan3A_96, %mul3A_97 : i32
        %add3A_99 = arith.constant 0 : i32
        %add3A_100 = arith.addi %mul3A_98, %add3A_99 : i32
        %lt3A = arith.constant 125 : i32
        %lt3A_101 = arith.cmpi slt, %add3A_100, %lt3A : i32
        %convert_element_type3A_102 = arith.extui %lt3A_101 : i1 to i32
        %cond3A_103 = arith.constant 0 : i32
        %cond3A_104 = arith.cmpi ne, %convert_element_type3A_102, %cond3A_103 : i32
        scf.if %cond3A_104 {
          %mul3A_126 = arith.constant 40 : i32
          %mul3A_127 = arith.muli %add3A_100, %mul3A_126 : i32
          %add3A_128 = arith.addi %multiple_of3A_7, %mul3A_127 : i32
          %multiple_of3A_129 = tpu.assume_multiple %add3A_128, 8 : i32
          %mul3A_130 = arith.constant 40 : i32
          %mul3A_131 = arith.muli %add3A_100, %mul3A_130 : i32
          %add3A_132 = arith.addi %multiple_of3A_3, %mul3A_131 : i32
          %multiple_of3A_133 = tpu.assume_multiple %add3A_132, 8 : i32
          %dma_wait3A_134 = tpu.memref_slice %arg6[%multiple_of3A_129] : memref<160000xi32, #tpu.memory_space<hbm>> -> memref<40xi32, #tpu.memory_space<hbm>>
          %dma_wait3A_135 = tpu.memref_slice %arg6[%multiple_of3A_129] : memref<160000xi32, #tpu.memory_space<hbm>> -> memref<40xi32, #tpu.memory_space<hbm>>
          tpu.wait_dma2 semaphore(%arg25 : memref<!tpu.dma_semaphore, #tpu.memory_space<semaphore_mem>>) src(%dma_wait3A_135 : memref<40xi32, #tpu.memory_space<hbm>>) dst(%arg19 : memref<40xi32, #tpu.memory_space<vmem>>)
          %dma_wait3A_136 = arith.constant 0 : i32
          %dma_wait3A_137 = tpu.memref_slice %arg4[%multiple_of3A_133, %dma_wait3A_136] : memref<80000x128xf32, #tpu.memory_space<hbm>> -> memref<40x128xf32, #tpu.memory_space<hbm>>
          %dma_wait3A_138 = arith.constant 0 : i32
          %dma_wait3A_139 = tpu.memref_slice %arg4[%multiple_of3A_133, %dma_wait3A_138] : memref<80000x128xf32, #tpu.memory_space<hbm>> -> memref<40x128xf32, #tpu.memory_space<hbm>>
          tpu.wait_dma2 semaphore(%arg25 : memref<!tpu.dma_semaphore, #tpu.memory_space<semaphore_mem>>) src(%dma_wait3A_139 : memref<40x128xf32, #tpu.memory_space<hbm>>) dst(%arg15 : memref<40x128xf32, #tpu.memory_space<vmem>>)
          %gt3A = arith.constant 0 : i32
          %gt3A_140 = arith.cmpi sgt, %add3A_100, %gt3A : i32
          %convert_element_type3A_141 = arith.extui %gt3A_140 : i1 to i32
          %cond3A_142 = arith.constant 0 : i32
          %cond3A_143 = arith.cmpi ne, %convert_element_type3A_141, %cond3A_142 : i32
          scf.if %cond3A_143 {
            %dma_wait3A_155 = arith.constant 0 : i32
            %dma_wait3A_156 = arith.constant 0 : i32
            %dma_wait3A_157 = tpu.memref_slice %arg24[%dma_wait3A_155, %dma_wait3A_156] : memref<10000x128xf32, #tpu.memory_space<vmem_shared>> -> memref<10000x128xf32, #tpu.memory_space<vmem_shared>>
            tpu.wait_indirect_dma semaphore(%arg26 : memref<!tpu.dma_semaphore, #tpu.memory_space<semaphore_mem>>) src(%arg18 : memref<40x128xf32, #tpu.memory_space<vmem>>) dst(%dma_wait3A_157 : memref<10000x128xf32, #tpu.memory_space<vmem_shared>>)
          } else {
          }
          %add3A_144 = arith.constant 4 : i32
          %add3A_145 = arith.addi %add3A_100, %add3A_144 : i32
          %sub3A = arith.constant 1 : i32
          %sub3A_146 = arith.subi %add3A_145, %sub3A : i32
          %lt3A_147 = arith.constant 125 : i32
          %lt3A_148 = arith.cmpi slt, %sub3A_146, %lt3A_147 : i32
          %convert_element_type3A_149 = arith.extui %lt3A_148 : i1 to i32
          %cond3A_150 = arith.constant 0 : i32
          %cond3A_151 = arith.cmpi ne, %convert_element_type3A_149, %cond3A_150 : i32
          scf.if %cond3A_151 {
            %add3A_155 = arith.constant 4 : i32
            %add3A_156 = arith.addi %add3A_100, %add3A_155 : i32
            %sub3A_157 = arith.constant 1 : i32
            %sub3A_158 = arith.subi %add3A_156, %sub3A_157 : i32
            %mul3A_159 = arith.constant 40 : i32
            %mul3A_160 = arith.muli %sub3A_158, %mul3A_159 : i32
            %add3A_161 = arith.addi %multiple_of3A_7, %mul3A_160 : i32
            %multiple_of3A_162 = tpu.assume_multiple %add3A_161, 8 : i32
            %mul3A_163 = arith.constant 40 : i32
            %mul3A_164 = arith.muli %sub3A_158, %mul3A_163 : i32
            %add3A_165 = arith.addi %multiple_of3A_3, %mul3A_164 : i32
            %multiple_of3A_166 = tpu.assume_multiple %add3A_165, 8 : i32
            %dma_start3A_167 = tpu.memref_slice %arg6[%multiple_of3A_162] : memref<160000xi32, #tpu.memory_space<hbm>> -> memref<40xi32, #tpu.memory_space<hbm>>
            %dma_start3A_168 = tpu.memref_slice %arg6[%multiple_of3A_162] : memref<160000xi32, #tpu.memory_space<hbm>> -> memref<40xi32, #tpu.memory_space<hbm>>
            tpu.enqueue_dma source(%dma_start3A_168 : memref<40xi32, #tpu.memory_space<hbm>>) target(%arg22 : memref<40xi32, #tpu.memory_space<vmem>>) target_semaphore(%arg25 : memref<!tpu.dma_semaphore, #tpu.memory_space<semaphore_mem>>)
            %dma_start3A_169 = arith.constant 0 : i32
            %dma_start3A_170 = tpu.memref_slice %arg4[%multiple_of3A_166, %dma_start3A_169] : memref<80000x128xf32, #tpu.memory_space<hbm>> -> memref<40x128xf32, #tpu.memory_space<hbm>>
            %dma_start3A_171 = arith.constant 0 : i32
            %dma_start3A_172 = tpu.memref_slice %arg4[%multiple_of3A_166, %dma_start3A_171] : memref<80000x128xf32, #tpu.memory_space<hbm>> -> memref<40x128xf32, #tpu.memory_space<hbm>>
            tpu.enqueue_dma source(%dma_start3A_172 : memref<40x128xf32, #tpu.memory_space<hbm>>) target(%arg18 : memref<40x128xf32, #tpu.memory_space<vmem>>) target_semaphore(%arg25 : memref<!tpu.dma_semaphore, #tpu.memory_space<semaphore_mem>>)
          } else {
          }
          %dma_start3A_152 = arith.constant 0 : i32
          %dma_start3A_153 = arith.constant 0 : i32
          %dma_start3A_154 = tpu.memref_slice %arg24[%dma_start3A_152, %dma_start3A_153] : memref<10000x128xf32, #tpu.memory_space<vmem_shared>> -> memref<10000x128xf32, #tpu.memory_space<vmem_shared>>
          tpu.enqueue_indirect_dma source(%arg15 : memref<40x128xf32, #tpu.memory_space<vmem>>) target(%dma_start3A_154 : memref<10000x128xf32, #tpu.memory_space<vmem_shared>>) offsets(%arg19 : memref<40xi32, #tpu.memory_space<vmem>>) semaphore(%arg26 : memref<!tpu.dma_semaphore, #tpu.memory_space<semaphore_mem>>) {add = true}
        } else {
        }
        %add3A_105 = arith.constant 1 : i32
        %add3A_106 = arith.addi %mul3A_98, %add3A_105 : i32
        %lt3A_107 = arith.constant 125 : i32
        %lt3A_108 = arith.cmpi slt, %add3A_106, %lt3A_107 : i32
        %convert_element_type3A_109 = arith.extui %lt3A_108 : i1 to i32
        %cond3A_110 = arith.constant 0 : i32
        %cond3A_111 = arith.cmpi ne, %convert_element_type3A_109, %cond3A_110 : i32
        scf.if %cond3A_111 {
          %mul3A_126 = arith.constant 40 : i32
          %mul3A_127 = arith.muli %add3A_106, %mul3A_126 : i32
          %add3A_128 = arith.addi %multiple_of3A_7, %mul3A_127 : i32
          %multiple_of3A_129 = tpu.assume_multiple %add3A_128, 8 : i32
          %mul3A_130 = arith.constant 40 : i32
          %mul3A_131 = arith.muli %add3A_106, %mul3A_130 : i32
          %add3A_132 = arith.addi %multiple_of3A_3, %mul3A_131 : i32
          %multiple_of3A_133 = tpu.assume_multiple %add3A_132, 8 : i32
          %dma_wait3A_134 = tpu.memref_slice %arg6[%multiple_of3A_129] : memref<160000xi32, #tpu.memory_space<hbm>> -> memref<40xi32, #tpu.memory_space<hbm>>
          %dma_wait3A_135 = tpu.memref_slice %arg6[%multiple_of3A_129] : memref<160000xi32, #tpu.memory_space<hbm>> -> memref<40xi32, #tpu.memory_space<hbm>>
          tpu.wait_dma2 semaphore(%arg25 : memref<!tpu.dma_semaphore, #tpu.memory_space<semaphore_mem>>) src(%dma_wait3A_135 : memref<40xi32, #tpu.memory_space<hbm>>) dst(%arg20 : memref<40xi32, #tpu.memory_space<vmem>>)
          %dma_wait3A_136 = arith.constant 0 : i32
          %dma_wait3A_137 = tpu.memref_slice %arg4[%multiple_of3A_133, %dma_wait3A_136] : memref<80000x128xf32, #tpu.memory_space<hbm>> -> memref<40x128xf32, #tpu.memory_space<hbm>>
          %dma_wait3A_138 = arith.constant 0 : i32
          %dma_wait3A_139 = tpu.memref_slice %arg4[%multiple_of3A_133, %dma_wait3A_138] : memref<80000x128xf32, #tpu.memory_space<hbm>> -> memref<40x128xf32, #tpu.memory_space<hbm>>
          tpu.wait_dma2 semaphore(%arg25 : memref<!tpu.dma_semaphore, #tpu.memory_space<semaphore_mem>>) src(%dma_wait3A_139 : memref<40x128xf32, #tpu.memory_space<hbm>>) dst(%arg16 : memref<40x128xf32, #tpu.memory_space<vmem>>)
          %gt3A = arith.constant 0 : i32
          %gt3A_140 = arith.cmpi sgt, %add3A_106, %gt3A : i32
          %convert_element_type3A_141 = arith.extui %gt3A_140 : i1 to i32
          %cond3A_142 = arith.constant 0 : i32
          %cond3A_143 = arith.cmpi ne, %convert_element_type3A_141, %cond3A_142 : i32
          scf.if %cond3A_143 {
            %dma_wait3A_155 = arith.constant 0 : i32
            %dma_wait3A_156 = arith.constant 0 : i32
            %dma_wait3A_157 = tpu.memref_slice %arg24[%dma_wait3A_155, %dma_wait3A_156] : memref<10000x128xf32, #tpu.memory_space<vmem_shared>> -> memref<10000x128xf32, #tpu.memory_space<vmem_shared>>
            tpu.wait_indirect_dma semaphore(%arg26 : memref<!tpu.dma_semaphore, #tpu.memory_space<semaphore_mem>>) src(%arg15 : memref<40x128xf32, #tpu.memory_space<vmem>>) dst(%dma_wait3A_157 : memref<10000x128xf32, #tpu.memory_space<vmem_shared>>)
          } else {
          }
          %add3A_144 = arith.constant 4 : i32
          %add3A_145 = arith.addi %add3A_106, %add3A_144 : i32
          %sub3A = arith.constant 1 : i32
          %sub3A_146 = arith.subi %add3A_145, %sub3A : i32
          %lt3A_147 = arith.constant 125 : i32
          %lt3A_148 = arith.cmpi slt, %sub3A_146, %lt3A_147 : i32
          %convert_element_type3A_149 = arith.extui %lt3A_148 : i1 to i32
          %cond3A_150 = arith.constant 0 : i32
          %cond3A_151 = arith.cmpi ne, %convert_element_type3A_149, %cond3A_150 : i32
          scf.if %cond3A_151 {
            %add3A_155 = arith.constant 4 : i32
            %add3A_156 = arith.addi %add3A_106, %add3A_155 : i32
            %sub3A_157 = arith.constant 1 : i32
            %sub3A_158 = arith.subi %add3A_156, %sub3A_157 : i32
            %mul3A_159 = arith.constant 40 : i32
            %mul3A_160 = arith.muli %sub3A_158, %mul3A_159 : i32
            %add3A_161 = arith.addi %multiple_of3A_7, %mul3A_160 : i32
            %multiple_of3A_162 = tpu.assume_multiple %add3A_161, 8 : i32
            %mul3A_163 = arith.constant 40 : i32
            %mul3A_164 = arith.muli %sub3A_158, %mul3A_163 : i32
            %add3A_165 = arith.addi %multiple_of3A_3, %mul3A_164 : i32
            %multiple_of3A_166 = tpu.assume_multiple %add3A_165, 8 : i32
            %dma_start3A_167 = tpu.memref_slice %arg6[%multiple_of3A_162] : memref<160000xi32, #tpu.memory_space<hbm>> -> memref<40xi32, #tpu.memory_space<hbm>>
            %dma_start3A_168 = tpu.memref_slice %arg6[%multiple_of3A_162] : memref<160000xi32, #tpu.memory_space<hbm>> -> memref<40xi32, #tpu.memory_space<hbm>>
            tpu.enqueue_dma source(%dma_start3A_168 : memref<40xi32, #tpu.memory_space<hbm>>) target(%arg19 : memref<40xi32, #tpu.memory_space<vmem>>) target_semaphore(%arg25 : memref<!tpu.dma_semaphore, #tpu.memory_space<semaphore_mem>>)
            %dma_start3A_169 = arith.constant 0 : i32
            %dma_start3A_170 = tpu.memref_slice %arg4[%multiple_of3A_166, %dma_start3A_169] : memref<80000x128xf32, #tpu.memory_space<hbm>> -> memref<40x128xf32, #tpu.memory_space<hbm>>
            %dma_start3A_171 = arith.constant 0 : i32
            %dma_start3A_172 = tpu.memref_slice %arg4[%multiple_of3A_166, %dma_start3A_171] : memref<80000x128xf32, #tpu.memory_space<hbm>> -> memref<40x128xf32, #tpu.memory_space<hbm>>
            tpu.enqueue_dma source(%dma_start3A_172 : memref<40x128xf32, #tpu.memory_space<hbm>>) target(%arg15 : memref<40x128xf32, #tpu.memory_space<vmem>>) target_semaphore(%arg25 : memref<!tpu.dma_semaphore, #tpu.memory_space<semaphore_mem>>)
          } else {
          }
          %dma_start3A_152 = arith.constant 0 : i32
          %dma_start3A_153 = arith.constant 0 : i32
          %dma_start3A_154 = tpu.memref_slice %arg24[%dma_start3A_152, %dma_start3A_153] : memref<10000x128xf32, #tpu.memory_space<vmem_shared>> -> memref<10000x128xf32, #tpu.memory_space<vmem_shared>>
          tpu.enqueue_indirect_dma source(%arg16 : memref<40x128xf32, #tpu.memory_space<vmem>>) target(%dma_start3A_154 : memref<10000x128xf32, #tpu.memory_space<vmem_shared>>) offsets(%arg20 : memref<40xi32, #tpu.memory_space<vmem>>) semaphore(%arg26 : memref<!tpu.dma_semaphore, #tpu.memory_space<semaphore_mem>>) {add = true}
        } else {
        }
        %add3A_112 = arith.constant 2 : i32
        %add3A_113 = arith.addi %mul3A_98, %add3A_112 : i32
        %lt3A_114 = arith.constant 125 : i32
        %lt3A_115 = arith.cmpi slt, %add3A_113, %lt3A_114 : i32
        %convert_element_type3A_116 = arith.extui %lt3A_115 : i1 to i32
        %cond3A_117 = arith.constant 0 : i32
        %cond3A_118 = arith.cmpi ne, %convert_element_type3A_116, %cond3A_117 : i32
        scf.if %cond3A_118 {
          %mul3A_126 = arith.constant 40 : i32
          %mul3A_127 = arith.muli %add3A_113, %mul3A_126 : i32
          %add3A_128 = arith.addi %multiple_of3A_7, %mul3A_127 : i32
          %multiple_of3A_129 = tpu.assume_multiple %add3A_128, 8 : i32
          %mul3A_130 = arith.constant 40 : i32
          %mul3A_131 = arith.muli %add3A_113, %mul3A_130 : i32
          %add3A_132 = arith.addi %multiple_of3A_3, %mul3A_131 : i32
          %multiple_of3A_133 = tpu.assume_multiple %add3A_132, 8 : i32
          %dma_wait3A_134 = tpu.memref_slice %arg6[%multiple_of3A_129] : memref<160000xi32, #tpu.memory_space<hbm>> -> memref<40xi32, #tpu.memory_space<hbm>>
          %dma_wait3A_135 = tpu.memref_slice %arg6[%multiple_of3A_129] : memref<160000xi32, #tpu.memory_space<hbm>> -> memref<40xi32, #tpu.memory_space<hbm>>
          tpu.wait_dma2 semaphore(%arg25 : memref<!tpu.dma_semaphore, #tpu.memory_space<semaphore_mem>>) src(%dma_wait3A_135 : memref<40xi32, #tpu.memory_space<hbm>>) dst(%arg21 : memref<40xi32, #tpu.memory_space<vmem>>)
          %dma_wait3A_136 = arith.constant 0 : i32
          %dma_wait3A_137 = tpu.memref_slice %arg4[%multiple_of3A_133, %dma_wait3A_136] : memref<80000x128xf32, #tpu.memory_space<hbm>> -> memref<40x128xf32, #tpu.memory_space<hbm>>
          %dma_wait3A_138 = arith.constant 0 : i32
          %dma_wait3A_139 = tpu.memref_slice %arg4[%multiple_of3A_133, %dma_wait3A_138] : memref<80000x128xf32, #tpu.memory_space<hbm>> -> memref<40x128xf32, #tpu.memory_space<hbm>>
          tpu.wait_dma2 semaphore(%arg25 : memref<!tpu.dma_semaphore, #tpu.memory_space<semaphore_mem>>) src(%dma_wait3A_139 : memref<40x128xf32, #tpu.memory_space<hbm>>) dst(%arg17 : memref<40x128xf32, #tpu.memory_space<vmem>>)
          %gt3A = arith.constant 0 : i32
          %gt3A_140 = arith.cmpi sgt, %add3A_113, %gt3A : i32
          %convert_element_type3A_141 = arith.extui %gt3A_140 : i1 to i32
          %cond3A_142 = arith.constant 0 : i32
          %cond3A_143 = arith.cmpi ne, %convert_element_type3A_141, %cond3A_142 : i32
          scf.if %cond3A_143 {
            %dma_wait3A_155 = arith.constant 0 : i32
            %dma_wait3A_156 = arith.constant 0 : i32
            %dma_wait3A_157 = tpu.memref_slice %arg24[%dma_wait3A_155, %dma_wait3A_156] : memref<10000x128xf32, #tpu.memory_space<vmem_shared>> -> memref<10000x128xf32, #tpu.memory_space<vmem_shared>>
            tpu.wait_indirect_dma semaphore(%arg26 : memref<!tpu.dma_semaphore, #tpu.memory_space<semaphore_mem>>) src(%arg16 : memref<40x128xf32, #tpu.memory_space<vmem>>) dst(%dma_wait3A_157 : memref<10000x128xf32, #tpu.memory_space<vmem_shared>>)
          } else {
          }
          %add3A_144 = arith.constant 4 : i32
          %add3A_145 = arith.addi %add3A_113, %add3A_144 : i32
          %sub3A = arith.constant 1 : i32
          %sub3A_146 = arith.subi %add3A_145, %sub3A : i32
          %lt3A_147 = arith.constant 125 : i32
          %lt3A_148 = arith.cmpi slt, %sub3A_146, %lt3A_147 : i32
          %convert_element_type3A_149 = arith.extui %lt3A_148 : i1 to i32
          %cond3A_150 = arith.constant 0 : i32
          %cond3A_151 = arith.cmpi ne, %convert_element_type3A_149, %cond3A_150 : i32
          scf.if %cond3A_151 {
            %add3A_155 = arith.constant 4 : i32
            %add3A_156 = arith.addi %add3A_113, %add3A_155 : i32
            %sub3A_157 = arith.constant 1 : i32
            %sub3A_158 = arith.subi %add3A_156, %sub3A_157 : i32
            %mul3A_159 = arith.constant 40 : i32
            %mul3A_160 = arith.muli %sub3A_158, %mul3A_159 : i32
            %add3A_161 = arith.addi %multiple_of3A_7, %mul3A_160 : i32
            %multiple_of3A_162 = tpu.assume_multiple %add3A_161, 8 : i32
            %mul3A_163 = arith.constant 40 : i32
            %mul3A_164 = arith.muli %sub3A_158, %mul3A_163 : i32
            %add3A_165 = arith.addi %multiple_of3A_3, %mul3A_164 : i32
            %multiple_of3A_166 = tpu.assume_multiple %add3A_165, 8 : i32
            %dma_start3A_167 = tpu.memref_slice %arg6[%multiple_of3A_162] : memref<160000xi32, #tpu.memory_space<hbm>> -> memref<40xi32, #tpu.memory_space<hbm>>
            %dma_start3A_168 = tpu.memref_slice %arg6[%multiple_of3A_162] : memref<160000xi32, #tpu.memory_space<hbm>> -> memref<40xi32, #tpu.memory_space<hbm>>
            tpu.enqueue_dma source(%dma_start3A_168 : memref<40xi32, #tpu.memory_space<hbm>>) target(%arg20 : memref<40xi32, #tpu.memory_space<vmem>>) target_semaphore(%arg25 : memref<!tpu.dma_semaphore, #tpu.memory_space<semaphore_mem>>)
            %dma_start3A_169 = arith.constant 0 : i32
            %dma_start3A_170 = tpu.memref_slice %arg4[%multiple_of3A_166, %dma_start3A_169] : memref<80000x128xf32, #tpu.memory_space<hbm>> -> memref<40x128xf32, #tpu.memory_space<hbm>>
            %dma_start3A_171 = arith.constant 0 : i32
            %dma_start3A_172 = tpu.memref_slice %arg4[%multiple_of3A_166, %dma_start3A_171] : memref<80000x128xf32, #tpu.memory_space<hbm>> -> memref<40x128xf32, #tpu.memory_space<hbm>>
            tpu.enqueue_dma source(%dma_start3A_172 : memref<40x128xf32, #tpu.memory_space<hbm>>) target(%arg16 : memref<40x128xf32, #tpu.memory_space<vmem>>) target_semaphore(%arg25 : memref<!tpu.dma_semaphore, #tpu.memory_space<semaphore_mem>>)
          } else {
          }
          %dma_start3A_152 = arith.constant 0 : i32
          %dma_start3A_153 = arith.constant 0 : i32
          %dma_start3A_154 = tpu.memref_slice %arg24[%dma_start3A_152, %dma_start3A_153] : memref<10000x128xf32, #tpu.memory_space<vmem_shared>> -> memref<10000x128xf32, #tpu.memory_space<vmem_shared>>
          tpu.enqueue_indirect_dma source(%arg17 : memref<40x128xf32, #tpu.memory_space<vmem>>) target(%dma_start3A_154 : memref<10000x128xf32, #tpu.memory_space<vmem_shared>>) offsets(%arg21 : memref<40xi32, #tpu.memory_space<vmem>>) semaphore(%arg26 : memref<!tpu.dma_semaphore, #tpu.memory_space<semaphore_mem>>) {add = true}
        } else {
        }
        %add3A_119 = arith.constant 3 : i32
        %add3A_120 = arith.addi %mul3A_98, %add3A_119 : i32
        %lt3A_121 = arith.constant 125 : i32
        %lt3A_122 = arith.cmpi slt, %add3A_120, %lt3A_121 : i32
        %convert_element_type3A_123 = arith.extui %lt3A_122 : i1 to i32
        %cond3A_124 = arith.constant 0 : i32
        %cond3A_125 = arith.cmpi ne, %convert_element_type3A_123, %cond3A_124 : i32
        scf.if %cond3A_125 {
          %mul3A_126 = arith.constant 40 : i32
          %mul3A_127 = arith.muli %add3A_120, %mul3A_126 : i32
          %add3A_128 = arith.addi %multiple_of3A_7, %mul3A_127 : i32
          %multiple_of3A_129 = tpu.assume_multiple %add3A_128, 8 : i32
          %mul3A_130 = arith.constant 40 : i32
          %mul3A_131 = arith.muli %add3A_120, %mul3A_130 : i32
          %add3A_132 = arith.addi %multiple_of3A_3, %mul3A_131 : i32
          %multiple_of3A_133 = tpu.assume_multiple %add3A_132, 8 : i32
          %dma_wait3A_134 = tpu.memref_slice %arg6[%multiple_of3A_129] : memref<160000xi32, #tpu.memory_space<hbm>> -> memref<40xi32, #tpu.memory_space<hbm>>
          %dma_wait3A_135 = tpu.memref_slice %arg6[%multiple_of3A_129] : memref<160000xi32, #tpu.memory_space<hbm>> -> memref<40xi32, #tpu.memory_space<hbm>>
          tpu.wait_dma2 semaphore(%arg25 : memref<!tpu.dma_semaphore, #tpu.memory_space<semaphore_mem>>) src(%dma_wait3A_135 : memref<40xi32, #tpu.memory_space<hbm>>) dst(%arg22 : memref<40xi32, #tpu.memory_space<vmem>>)
          %dma_wait3A_136 = arith.constant 0 : i32
          %dma_wait3A_137 = tpu.memref_slice %arg4[%multiple_of3A_133, %dma_wait3A_136] : memref<80000x128xf32, #tpu.memory_space<hbm>> -> memref<40x128xf32, #tpu.memory_space<hbm>>
          %dma_wait3A_138 = arith.constant 0 : i32
          %dma_wait3A_139 = tpu.memref_slice %arg4[%multiple_of3A_133, %dma_wait3A_138] : memref<80000x128xf32, #tpu.memory_space<hbm>> -> memref<40x128xf32, #tpu.memory_space<hbm>>
          tpu.wait_dma2 semaphore(%arg25 : memref<!tpu.dma_semaphore, #tpu.memory_space<semaphore_mem>>) src(%dma_wait3A_139 : memref<40x128xf32, #tpu.memory_space<hbm>>) dst(%arg18 : memref<40x128xf32, #tpu.memory_space<vmem>>)
          %gt3A = arith.constant 0 : i32
          %gt3A_140 = arith.cmpi sgt, %add3A_120, %gt3A : i32
          %convert_element_type3A_141 = arith.extui %gt3A_140 : i1 to i32
          %cond3A_142 = arith.constant 0 : i32
          %cond3A_143 = arith.cmpi ne, %convert_element_type3A_141, %cond3A_142 : i32
          scf.if %cond3A_143 {
            %dma_wait3A_155 = arith.constant 0 : i32
            %dma_wait3A_156 = arith.constant 0 : i32
            %dma_wait3A_157 = tpu.memref_slice %arg24[%dma_wait3A_155, %dma_wait3A_156] : memref<10000x128xf32, #tpu.memory_space<vmem_shared>> -> memref<10000x128xf32, #tpu.memory_space<vmem_shared>>
            tpu.wait_indirect_dma semaphore(%arg26 : memref<!tpu.dma_semaphore, #tpu.memory_space<semaphore_mem>>) src(%arg17 : memref<40x128xf32, #tpu.memory_space<vmem>>) dst(%dma_wait3A_157 : memref<10000x128xf32, #tpu.memory_space<vmem_shared>>)
          } else {
          }
          %add3A_144 = arith.constant 4 : i32
          %add3A_145 = arith.addi %add3A_120, %add3A_144 : i32
          %sub3A = arith.constant 1 : i32
          %sub3A_146 = arith.subi %add3A_145, %sub3A : i32
          %lt3A_147 = arith.constant 125 : i32
          %lt3A_148 = arith.cmpi slt, %sub3A_146, %lt3A_147 : i32
          %convert_element_type3A_149 = arith.extui %lt3A_148 : i1 to i32
          %cond3A_150 = arith.constant 0 : i32
          %cond3A_151 = arith.cmpi ne, %convert_element_type3A_149, %cond3A_150 : i32
          scf.if %cond3A_151 {
            %add3A_155 = arith.constant 4 : i32
            %add3A_156 = arith.addi %add3A_120, %add3A_155 : i32
            %sub3A_157 = arith.constant 1 : i32
            %sub3A_158 = arith.subi %add3A_156, %sub3A_157 : i32
            %mul3A_159 = arith.constant 40 : i32
            %mul3A_160 = arith.muli %sub3A_158, %mul3A_159 : i32
            %add3A_161 = arith.addi %multiple_of3A_7, %mul3A_160 : i32
            %multiple_of3A_162 = tpu.assume_multiple %add3A_161, 8 : i32
            %mul3A_163 = arith.constant 40 : i32
            %mul3A_164 = arith.muli %sub3A_158, %mul3A_163 : i32
            %add3A_165 = arith.addi %multiple_of3A_3, %mul3A_164 : i32
            %multiple_of3A_166 = tpu.assume_multiple %add3A_165, 8 : i32
            %dma_start3A_167 = tpu.memref_slice %arg6[%multiple_of3A_162] : memref<160000xi32, #tpu.memory_space<hbm>> -> memref<40xi32, #tpu.memory_space<hbm>>
            %dma_start3A_168 = tpu.memref_slice %arg6[%multiple_of3A_162] : memref<160000xi32, #tpu.memory_space<hbm>> -> memref<40xi32, #tpu.memory_space<hbm>>
            tpu.enqueue_dma source(%dma_start3A_168 : memref<40xi32, #tpu.memory_space<hbm>>) target(%arg21 : memref<40xi32, #tpu.memory_space<vmem>>) target_semaphore(%arg25 : memref<!tpu.dma_semaphore, #tpu.memory_space<semaphore_mem>>)
            %dma_start3A_169 = arith.constant 0 : i32
            %dma_start3A_170 = tpu.memref_slice %arg4[%multiple_of3A_166, %dma_start3A_169] : memref<80000x128xf32, #tpu.memory_space<hbm>> -> memref<40x128xf32, #tpu.memory_space<hbm>>
            %dma_start3A_171 = arith.constant 0 : i32
            %dma_start3A_172 = tpu.memref_slice %arg4[%multiple_of3A_166, %dma_start3A_171] : memref<80000x128xf32, #tpu.memory_space<hbm>> -> memref<40x128xf32, #tpu.memory_space<hbm>>
            tpu.enqueue_dma source(%dma_start3A_172 : memref<40x128xf32, #tpu.memory_space<hbm>>) target(%arg17 : memref<40x128xf32, #tpu.memory_space<vmem>>) target_semaphore(%arg25 : memref<!tpu.dma_semaphore, #tpu.memory_space<semaphore_mem>>)
          } else {
          }
          %dma_start3A_152 = arith.constant 0 : i32
          %dma_start3A_153 = arith.constant 0 : i32
          %dma_start3A_154 = tpu.memref_slice %arg24[%dma_start3A_152, %dma_start3A_153] : memref<10000x128xf32, #tpu.memory_space<vmem_shared>> -> memref<10000x128xf32, #tpu.memory_space<vmem_shared>>
          tpu.enqueue_indirect_dma source(%arg18 : memref<40x128xf32, #tpu.memory_space<vmem>>) target(%dma_start3A_154 : memref<10000x128xf32, #tpu.memory_space<vmem_shared>>) offsets(%arg22 : memref<40xi32, #tpu.memory_space<vmem>>) semaphore(%arg26 : memref<!tpu.dma_semaphore, #tpu.memory_space<semaphore_mem>>) {add = true}
        } else {
        }
      }
      %scan3A_78 = arith.constant 32 : i32
      %dma_wait3A = arith.constant 0 : i32
      %dma_wait3A_79 = arith.constant 0 : i32
      %dma_wait3A_80 = tpu.memref_slice %arg24[%dma_wait3A, %dma_wait3A_79] : memref<10000x128xf32, #tpu.memory_space<vmem_shared>> -> memref<10000x128xf32, #tpu.memory_space<vmem_shared>>
      tpu.wait_indirect_dma semaphore(%arg26 : memref<!tpu.dma_semaphore, #tpu.memory_space<semaphore_mem>>) src(%arg15 : memref<40x128xf32, #tpu.memory_space<vmem>>) dst(%dma_wait3A_80 : memref<10000x128xf32, #tpu.memory_space<vmem_shared>>)
      %barrier3A_81 = arith.constant 0 : index
      tpu.barrier barrier_id(%barrier3A_81)
      %add3A_82 = arith.constant 0 : i32
      %add3A_83 = arith.addi %multiple_of3A, %add3A_82 : i32
      %multiple_of3A_84 = tpu.assume_multiple %add3A_83, 8 : i32
      "tpu.region"() ({
        %run_scoped3A = tpu.sem_alloc : memref<!tpu.dma_semaphore, #tpu.memory_space<semaphore_mem>>
        %dma_start3A_96 = arith.constant 0 : i32
        %dma_start3A_97 = tpu.memref_slice %arg13[%multiple_of3A_84, %dma_start3A_96] : memref<10000x128xf32, #tpu.memory_space<hbm>> -> memref<208x128xf32, #tpu.memory_space<hbm>>
        %dma_start3A_98 = arith.constant 0 : i32
        %dma_start3A_99 = tpu.memref_slice %arg24[%multiple_of3A_84, %dma_start3A_98] : memref<10000x128xf32, #tpu.memory_space<vmem_shared>> -> memref<208x128xf32, #tpu.memory_space<vmem_shared>>
        tpu.enqueue_dma source(%dma_start3A_99 : memref<208x128xf32, #tpu.memory_space<vmem_shared>>) target(%dma_start3A_97 : memref<208x128xf32, #tpu.memory_space<hbm>>) target_semaphore(%run_scoped3A : memref<!tpu.dma_semaphore, #tpu.memory_space<semaphore_mem>>)
        %dma_wait3A_100 = arith.constant 0 : i32
        %dma_wait3A_101 = tpu.memref_slice %arg13[%multiple_of3A_84, %dma_wait3A_100] : memref<10000x128xf32, #tpu.memory_space<hbm>> -> memref<208x128xf32, #tpu.memory_space<hbm>>
        %dma_wait3A_102 = arith.constant 0 : i32
        %dma_wait3A_103 = tpu.memref_slice %arg24[%multiple_of3A_84, %dma_wait3A_102] : memref<10000x128xf32, #tpu.memory_space<vmem_shared>> -> memref<208x128xf32, #tpu.memory_space<vmem_shared>>
        tpu.wait_dma2 semaphore(%run_scoped3A : memref<!tpu.dma_semaphore, #tpu.memory_space<semaphore_mem>>) src(%dma_wait3A_103 : memref<208x128xf32, #tpu.memory_space<vmem_shared>>) dst(%dma_wait3A_101 : memref<208x128xf32, #tpu.memory_space<hbm>>)
        tpu.yield
      }) : () -> ()
      %add3A_85 = arith.constant 208 : i32
      %add3A_86 = arith.addi %multiple_of3A, %add3A_85 : i32
      %multiple_of3A_87 = tpu.assume_multiple %add3A_86, 8 : i32
      "tpu.region"() ({
        %run_scoped3A = tpu.sem_alloc : memref<!tpu.dma_semaphore, #tpu.memory_space<semaphore_mem>>
        %dma_start3A_96 = arith.constant 0 : i32
        %dma_start3A_97 = tpu.memref_slice %arg13[%multiple_of3A_87, %dma_start3A_96] : memref<10000x128xf32, #tpu.memory_space<hbm>> -> memref<208x128xf32, #tpu.memory_space<hbm>>
        %dma_start3A_98 = arith.constant 0 : i32
        %dma_start3A_99 = tpu.memref_slice %arg24[%multiple_of3A_87, %dma_start3A_98] : memref<10000x128xf32, #tpu.memory_space<vmem_shared>> -> memref<208x128xf32, #tpu.memory_space<vmem_shared>>
        tpu.enqueue_dma source(%dma_start3A_99 : memref<208x128xf32, #tpu.memory_space<vmem_shared>>) target(%dma_start3A_97 : memref<208x128xf32, #tpu.memory_space<hbm>>) target_semaphore(%run_scoped3A : memref<!tpu.dma_semaphore, #tpu.memory_space<semaphore_mem>>)
        %dma_wait3A_100 = arith.constant 0 : i32
        %dma_wait3A_101 = tpu.memref_slice %arg13[%multiple_of3A_87, %dma_wait3A_100] : memref<10000x128xf32, #tpu.memory_space<hbm>> -> memref<208x128xf32, #tpu.memory_space<hbm>>
        %dma_wait3A_102 = arith.constant 0 : i32
        %dma_wait3A_103 = tpu.memref_slice %arg24[%multiple_of3A_87, %dma_wait3A_102] : memref<10000x128xf32, #tpu.memory_space<vmem_shared>> -> memref<208x128xf32, #tpu.memory_space<vmem_shared>>
        tpu.wait_dma2 semaphore(%run_scoped3A : memref<!tpu.dma_semaphore, #tpu.memory_space<semaphore_mem>>) src(%dma_wait3A_103 : memref<208x128xf32, #tpu.memory_space<vmem_shared>>) dst(%dma_wait3A_101 : memref<208x128xf32, #tpu.memory_space<hbm>>)
        tpu.yield
      }) : () -> ()
      %add3A_88 = arith.constant 416 : i32
      %add3A_89 = arith.addi %multiple_of3A, %add3A_88 : i32
      %multiple_of3A_90 = tpu.assume_multiple %add3A_89, 8 : i32
      "tpu.region"() ({
        %run_scoped3A = tpu.sem_alloc : memref<!tpu.dma_semaphore, #tpu.memory_space<semaphore_mem>>
        %dma_start3A_96 = arith.constant 0 : i32
        %dma_start3A_97 = tpu.memref_slice %arg13[%multiple_of3A_90, %dma_start3A_96] : memref<10000x128xf32, #tpu.memory_space<hbm>> -> memref<208x128xf32, #tpu.memory_space<hbm>>
        %dma_start3A_98 = arith.constant 0 : i32
        %dma_start3A_99 = tpu.memref_slice %arg24[%multiple_of3A_90, %dma_start3A_98] : memref<10000x128xf32, #tpu.memory_space<vmem_shared>> -> memref<208x128xf32, #tpu.memory_space<vmem_shared>>
        tpu.enqueue_dma source(%dma_start3A_99 : memref<208x128xf32, #tpu.memory_space<vmem_shared>>) target(%dma_start3A_97 : memref<208x128xf32, #tpu.memory_space<hbm>>) target_semaphore(%run_scoped3A : memref<!tpu.dma_semaphore, #tpu.memory_space<semaphore_mem>>)
        %dma_wait3A_100 = arith.constant 0 : i32
        %dma_wait3A_101 = tpu.memref_slice %arg13[%multiple_of3A_90, %dma_wait3A_100] : memref<10000x128xf32, #tpu.memory_space<hbm>> -> memref<208x128xf32, #tpu.memory_space<hbm>>
        %dma_wait3A_102 = arith.constant 0 : i32
        %dma_wait3A_103 = tpu.memref_slice %arg24[%multiple_of3A_90, %dma_wait3A_102] : memref<10000x128xf32, #tpu.memory_space<vmem_shared>> -> memref<208x128xf32, #tpu.memory_space<vmem_shared>>
        tpu.wait_dma2 semaphore(%run_scoped3A : memref<!tpu.dma_semaphore, #tpu.memory_space<semaphore_mem>>) src(%dma_wait3A_103 : memref<208x128xf32, #tpu.memory_space<vmem_shared>>) dst(%dma_wait3A_101 : memref<208x128xf32, #tpu.memory_space<hbm>>)
        tpu.yield
      }) : () -> ()
      %eq3A_91 = arith.constant 15 : i32
      %eq3A_92 = arith.cmpi eq, %arg1, %eq3A_91 : i32
      %convert_element_type3A_93 = arith.extui %eq3A_92 : i1 to i32
      %cond3A_94 = arith.constant 0 : i32
      %cond3A_95 = arith.cmpi ne, %convert_element_type3A_93, %cond3A_94 : i32
      scf.if %cond3A_95 {
        "tpu.region"() ({
          %run_scoped3A = tpu.sem_alloc : memref<!tpu.dma_semaphore, #tpu.memory_space<semaphore_mem>>
          %dma_start3A_96 = arith.constant 9984 : i32
          %dma_start3A_97 = arith.constant 0 : i32
          %dma_start3A_98 = tpu.memref_slice %arg13[%dma_start3A_96, %dma_start3A_97] : memref<10000x128xf32, #tpu.memory_space<hbm>> -> memref<16x128xf32, #tpu.memory_space<hbm>>
          %dma_start3A_99 = arith.constant 9984 : i32
          %dma_start3A_100 = arith.constant 0 : i32
          %dma_start3A_101 = tpu.memref_slice %arg24[%dma_start3A_99, %dma_start3A_100] : memref<10000x128xf32, #tpu.memory_space<vmem_shared>> -> memref<16x128xf32, #tpu.memory_space<vmem_shared>>
          tpu.enqueue_dma source(%dma_start3A_101 : memref<16x128xf32, #tpu.memory_space<vmem_shared>>) target(%dma_start3A_98 : memref<16x128xf32, #tpu.memory_space<hbm>>) target_semaphore(%run_scoped3A : memref<!tpu.dma_semaphore, #tpu.memory_space<semaphore_mem>>)
          %dma_wait3A_102 = arith.constant 9984 : i32
          %dma_wait3A_103 = arith.constant 0 : i32
          %dma_wait3A_104 = tpu.memref_slice %arg13[%dma_wait3A_102, %dma_wait3A_103] : memref<10000x128xf32, #tpu.memory_space<hbm>> -> memref<16x128xf32, #tpu.memory_space<hbm>>
          %dma_wait3A_105 = arith.constant 9984 : i32
          %dma_wait3A_106 = arith.constant 0 : i32
          %dma_wait3A_107 = tpu.memref_slice %arg24[%dma_wait3A_105, %dma_wait3A_106] : memref<10000x128xf32, #tpu.memory_space<vmem_shared>> -> memref<16x128xf32, #tpu.memory_space<vmem_shared>>
          tpu.wait_dma2 semaphore(%run_scoped3A : memref<!tpu.dma_semaphore, #tpu.memory_space<semaphore_mem>>) src(%dma_wait3A_107 : memref<16x128xf32, #tpu.memory_space<vmem_shared>>) dst(%dma_wait3A_104 : memref<16x128xf32, #tpu.memory_space<hbm>>)
          tpu.yield
        }) : () -> ()
      } else {
      }
    } else {
    }
    %eq3A_20 = arith.constant 1 : i32
    %eq3A_21 = arith.cmpi eq, %arg0, %eq3A_20 : i32
    %convert_element_type3A_22 = arith.extui %eq3A_21 : i1 to i32
    %cond3A_23 = arith.constant 0 : i32
    %cond3A_24 = arith.cmpi ne, %convert_element_type3A_22, %cond3A_23 : i32
    scf.if %cond3A_24 {
      %add3A_25 = arith.constant 0 : i32
      %add3A_26 = arith.addi %multiple_of3A, %add3A_25 : i32
      %multiple_of3A_27 = tpu.assume_multiple %add3A_26, 8 : i32
      "tpu.region"() ({
        %run_scoped3A = tpu.sem_alloc : memref<!tpu.dma_semaphore, #tpu.memory_space<semaphore_mem>>
        %dma_start3A_96 = arith.constant 0 : i32
        %dma_start3A_97 = tpu.memref_slice %arg24[%multiple_of3A_27, %dma_start3A_96] : memref<10000x128xf32, #tpu.memory_space<vmem_shared>> -> memref<208x128xf32, #tpu.memory_space<vmem_shared>>
        %dma_start3A_98 = arith.constant 0 : i32
        %dma_start3A_99 = tpu.memref_slice %arg10[%multiple_of3A_27, %dma_start3A_98] : memref<10000x128xf32, #tpu.memory_space<hbm>> -> memref<208x128xf32, #tpu.memory_space<hbm>>
        tpu.enqueue_dma source(%dma_start3A_99 : memref<208x128xf32, #tpu.memory_space<hbm>>) target(%dma_start3A_97 : memref<208x128xf32, #tpu.memory_space<vmem_shared>>) target_semaphore(%run_scoped3A : memref<!tpu.dma_semaphore, #tpu.memory_space<semaphore_mem>>)
        %dma_wait3A_100 = arith.constant 0 : i32
        %dma_wait3A_101 = tpu.memref_slice %arg24[%multiple_of3A_27, %dma_wait3A_100] : memref<10000x128xf32, #tpu.memory_space<vmem_shared>> -> memref<208x128xf32, #tpu.memory_space<vmem_shared>>
        %dma_wait3A_102 = arith.constant 0 : i32
        %dma_wait3A_103 = tpu.memref_slice %arg10[%multiple_of3A_27, %dma_wait3A_102] : memref<10000x128xf32, #tpu.memory_space<hbm>> -> memref<208x128xf32, #tpu.memory_space<hbm>>
        tpu.wait_dma2 semaphore(%run_scoped3A : memref<!tpu.dma_semaphore, #tpu.memory_space<semaphore_mem>>) src(%dma_wait3A_103 : memref<208x128xf32, #tpu.memory_space<hbm>>) dst(%dma_wait3A_101 : memref<208x128xf32, #tpu.memory_space<vmem_shared>>)
        tpu.yield
      }) : () -> ()
      %add3A_28 = arith.constant 208 : i32
      %add3A_29 = arith.addi %multiple_of3A, %add3A_28 : i32
      %multiple_of3A_30 = tpu.assume_multiple %add3A_29, 8 : i32
      "tpu.region"() ({
        %run_scoped3A = tpu.sem_alloc : memref<!tpu.dma_semaphore, #tpu.memory_space<semaphore_mem>>
        %dma_start3A_96 = arith.constant 0 : i32
        %dma_start3A_97 = tpu.memref_slice %arg24[%multiple_of3A_30, %dma_start3A_96] : memref<10000x128xf32, #tpu.memory_space<vmem_shared>> -> memref<208x128xf32, #tpu.memory_space<vmem_shared>>
        %dma_start3A_98 = arith.constant 0 : i32
        %dma_start3A_99 = tpu.memref_slice %arg10[%multiple_of3A_30, %dma_start3A_98] : memref<10000x128xf32, #tpu.memory_space<hbm>> -> memref<208x128xf32, #tpu.memory_space<hbm>>
        tpu.enqueue_dma source(%dma_start3A_99 : memref<208x128xf32, #tpu.memory_space<hbm>>) target(%dma_start3A_97 : memref<208x128xf32, #tpu.memory_space<vmem_shared>>) target_semaphore(%run_scoped3A : memref<!tpu.dma_semaphore, #tpu.memory_space<semaphore_mem>>)
        %dma_wait3A_100 = arith.constant 0 : i32
        %dma_wait3A_101 = tpu.memref_slice %arg24[%multiple_of3A_30, %dma_wait3A_100] : memref<10000x128xf32, #tpu.memory_space<vmem_shared>> -> memref<208x128xf32, #tpu.memory_space<vmem_shared>>
        %dma_wait3A_102 = arith.constant 0 : i32
        %dma_wait3A_103 = tpu.memref_slice %arg10[%multiple_of3A_30, %dma_wait3A_102] : memref<10000x128xf32, #tpu.memory_space<hbm>> -> memref<208x128xf32, #tpu.memory_space<hbm>>
        tpu.wait_dma2 semaphore(%run_scoped3A : memref<!tpu.dma_semaphore, #tpu.memory_space<semaphore_mem>>) src(%dma_wait3A_103 : memref<208x128xf32, #tpu.memory_space<hbm>>) dst(%dma_wait3A_101 : memref<208x128xf32, #tpu.memory_space<vmem_shared>>)
        tpu.yield
      }) : () -> ()
      %add3A_31 = arith.constant 416 : i32
      %add3A_32 = arith.addi %multiple_of3A, %add3A_31 : i32
      %multiple_of3A_33 = tpu.assume_multiple %add3A_32, 8 : i32
      "tpu.region"() ({
        %run_scoped3A = tpu.sem_alloc : memref<!tpu.dma_semaphore, #tpu.memory_space<semaphore_mem>>
        %dma_start3A_96 = arith.constant 0 : i32
        %dma_start3A_97 = tpu.memref_slice %arg24[%multiple_of3A_33, %dma_start3A_96] : memref<10000x128xf32, #tpu.memory_space<vmem_shared>> -> memref<208x128xf32, #tpu.memory_space<vmem_shared>>
        %dma_start3A_98 = arith.constant 0 : i32
        %dma_start3A_99 = tpu.memref_slice %arg10[%multiple_of3A_33, %dma_start3A_98] : memref<10000x128xf32, #tpu.memory_space<hbm>> -> memref<208x128xf32, #tpu.memory_space<hbm>>
        tpu.enqueue_dma source(%dma_start3A_99 : memref<208x128xf32, #tpu.memory_space<hbm>>) target(%dma_start3A_97 : memref<208x128xf32, #tpu.memory_space<vmem_shared>>) target_semaphore(%run_scoped3A : memref<!tpu.dma_semaphore, #tpu.memory_space<semaphore_mem>>)
        %dma_wait3A_100 = arith.constant 0 : i32
        %dma_wait3A_101 = tpu.memref_slice %arg24[%multiple_of3A_33, %dma_wait3A_100] : memref<10000x128xf32, #tpu.memory_space<vmem_shared>> -> memref<208x128xf32, #tpu.memory_space<vmem_shared>>
        %dma_wait3A_102 = arith.constant 0 : i32
        %dma_wait3A_103 = tpu.memref_slice %arg10[%multiple_of3A_33, %dma_wait3A_102] : memref<10000x128xf32, #tpu.memory_space<hbm>> -> memref<208x128xf32, #tpu.memory_space<hbm>>
        tpu.wait_dma2 semaphore(%run_scoped3A : memref<!tpu.dma_semaphore, #tpu.memory_space<semaphore_mem>>) src(%dma_wait3A_103 : memref<208x128xf32, #tpu.memory_space<hbm>>) dst(%dma_wait3A_101 : memref<208x128xf32, #tpu.memory_space<vmem_shared>>)
        tpu.yield
      }) : () -> ()
      %eq3A_34 = arith.constant 15 : i32
      %eq3A_35 = arith.cmpi eq, %arg1, %eq3A_34 : i32
      %convert_element_type3A_36 = arith.extui %eq3A_35 : i1 to i32
      %cond3A_37 = arith.constant 0 : i32
      %cond3A_38 = arith.cmpi ne, %convert_element_type3A_36, %cond3A_37 : i32
      scf.if %cond3A_38 {
        "tpu.region"() ({
          %run_scoped3A = tpu.sem_alloc : memref<!tpu.dma_semaphore, #tpu.memory_space<semaphore_mem>>
          %dma_start3A_96 = arith.constant 9984 : i32
          %dma_start3A_97 = arith.constant 0 : i32
          %dma_start3A_98 = tpu.memref_slice %arg24[%dma_start3A_96, %dma_start3A_97] : memref<10000x128xf32, #tpu.memory_space<vmem_shared>> -> memref<16x128xf32, #tpu.memory_space<vmem_shared>>
          %dma_start3A_99 = arith.constant 9984 : i32
          %dma_start3A_100 = arith.constant 0 : i32
          %dma_start3A_101 = tpu.memref_slice %arg10[%dma_start3A_99, %dma_start3A_100] : memref<10000x128xf32, #tpu.memory_space<hbm>> -> memref<16x128xf32, #tpu.memory_space<hbm>>
          tpu.enqueue_dma source(%dma_start3A_101 : memref<16x128xf32, #tpu.memory_space<hbm>>) target(%dma_start3A_98 : memref<16x128xf32, #tpu.memory_space<vmem_shared>>) target_semaphore(%run_scoped3A : memref<!tpu.dma_semaphore, #tpu.memory_space<semaphore_mem>>)
          %dma_wait3A_102 = arith.constant 9984 : i32
          %dma_wait3A_103 = arith.constant 0 : i32
          %dma_wait3A_104 = tpu.memref_slice %arg24[%dma_wait3A_102, %dma_wait3A_103] : memref<10000x128xf32, #tpu.memory_space<vmem_shared>> -> memref<16x128xf32, #tpu.memory_space<vmem_shared>>
          %dma_wait3A_105 = arith.constant 9984 : i32
          %dma_wait3A_106 = arith.constant 0 : i32
          %dma_wait3A_107 = tpu.memref_slice %arg10[%dma_wait3A_105, %dma_wait3A_106] : memref<10000x128xf32, #tpu.memory_space<hbm>> -> memref<16x128xf32, #tpu.memory_space<hbm>>
          tpu.wait_dma2 semaphore(%run_scoped3A : memref<!tpu.dma_semaphore, #tpu.memory_space<semaphore_mem>>) src(%dma_wait3A_107 : memref<16x128xf32, #tpu.memory_space<hbm>>) dst(%dma_wait3A_104 : memref<16x128xf32, #tpu.memory_space<vmem_shared>>)
          tpu.yield
        }) : () -> ()
      } else {
      }
      %barrier3A = arith.constant 0 : index
      tpu.barrier barrier_id(%barrier3A)
      %add3A_39 = arith.constant 0 : i32
      %add3A_40 = arith.addi %multiple_of3A_7, %add3A_39 : i32
      %multiple_of3A_41 = tpu.assume_multiple %add3A_40, 8 : i32
      %add3A_42 = arith.constant 0 : i32
      %add3A_43 = arith.addi %multiple_of3A_3, %add3A_42 : i32
      %multiple_of3A_44 = tpu.assume_multiple %add3A_43, 8 : i32
      %dma_start3A = tpu.memref_slice %arg6[%multiple_of3A_41] : memref<160000xi32, #tpu.memory_space<hbm>> -> memref<40xi32, #tpu.memory_space<hbm>>
      %dma_start3A_45 = tpu.memref_slice %arg6[%multiple_of3A_41] : memref<160000xi32, #tpu.memory_space<hbm>> -> memref<40xi32, #tpu.memory_space<hbm>>
      tpu.enqueue_dma source(%dma_start3A_45 : memref<40xi32, #tpu.memory_space<hbm>>) target(%arg19 : memref<40xi32, #tpu.memory_space<vmem>>) target_semaphore(%arg25 : memref<!tpu.dma_semaphore, #tpu.memory_space<semaphore_mem>>)
      %dma_start3A_46 = arith.constant 0 : i32
      %dma_start3A_47 = tpu.memref_slice %arg5[%multiple_of3A_44, %dma_start3A_46] : memref<80000x128xf32, #tpu.memory_space<hbm>> -> memref<40x128xf32, #tpu.memory_space<hbm>>
      %dma_start3A_48 = arith.constant 0 : i32
      %dma_start3A_49 = tpu.memref_slice %arg5[%multiple_of3A_44, %dma_start3A_48] : memref<80000x128xf32, #tpu.memory_space<hbm>> -> memref<40x128xf32, #tpu.memory_space<hbm>>
      tpu.enqueue_dma source(%dma_start3A_49 : memref<40x128xf32, #tpu.memory_space<hbm>>) target(%arg15 : memref<40x128xf32, #tpu.memory_space<vmem>>) target_semaphore(%arg25 : memref<!tpu.dma_semaphore, #tpu.memory_space<semaphore_mem>>)
      %add3A_50 = arith.constant 40 : i32
      %add3A_51 = arith.addi %multiple_of3A_7, %add3A_50 : i32
      %multiple_of3A_52 = tpu.assume_multiple %add3A_51, 8 : i32
      %add3A_53 = arith.constant 40 : i32
      %add3A_54 = arith.addi %multiple_of3A_3, %add3A_53 : i32
      %multiple_of3A_55 = tpu.assume_multiple %add3A_54, 8 : i32
      %dma_start3A_56 = tpu.memref_slice %arg6[%multiple_of3A_52] : memref<160000xi32, #tpu.memory_space<hbm>> -> memref<40xi32, #tpu.memory_space<hbm>>
      %dma_start3A_57 = tpu.memref_slice %arg6[%multiple_of3A_52] : memref<160000xi32, #tpu.memory_space<hbm>> -> memref<40xi32, #tpu.memory_space<hbm>>
      tpu.enqueue_dma source(%dma_start3A_57 : memref<40xi32, #tpu.memory_space<hbm>>) target(%arg20 : memref<40xi32, #tpu.memory_space<vmem>>) target_semaphore(%arg25 : memref<!tpu.dma_semaphore, #tpu.memory_space<semaphore_mem>>)
      %dma_start3A_58 = arith.constant 0 : i32
      %dma_start3A_59 = tpu.memref_slice %arg5[%multiple_of3A_55, %dma_start3A_58] : memref<80000x128xf32, #tpu.memory_space<hbm>> -> memref<40x128xf32, #tpu.memory_space<hbm>>
      %dma_start3A_60 = arith.constant 0 : i32
      %dma_start3A_61 = tpu.memref_slice %arg5[%multiple_of3A_55, %dma_start3A_60] : memref<80000x128xf32, #tpu.memory_space<hbm>> -> memref<40x128xf32, #tpu.memory_space<hbm>>
      tpu.enqueue_dma source(%dma_start3A_61 : memref<40x128xf32, #tpu.memory_space<hbm>>) target(%arg16 : memref<40x128xf32, #tpu.memory_space<vmem>>) target_semaphore(%arg25 : memref<!tpu.dma_semaphore, #tpu.memory_space<semaphore_mem>>)
      %add3A_62 = arith.constant 80 : i32
      %add3A_63 = arith.addi %multiple_of3A_7, %add3A_62 : i32
      %multiple_of3A_64 = tpu.assume_multiple %add3A_63, 8 : i32
      %add3A_65 = arith.constant 80 : i32
      %add3A_66 = arith.addi %multiple_of3A_3, %add3A_65 : i32
      %multiple_of3A_67 = tpu.assume_multiple %add3A_66, 8 : i32
      %dma_start3A_68 = tpu.memref_slice %arg6[%multiple_of3A_64] : memref<160000xi32, #tpu.memory_space<hbm>> -> memref<40xi32, #tpu.memory_space<hbm>>
      %dma_start3A_69 = tpu.memref_slice %arg6[%multiple_of3A_64] : memref<160000xi32, #tpu.memory_space<hbm>> -> memref<40xi32, #tpu.memory_space<hbm>>
      tpu.enqueue_dma source(%dma_start3A_69 : memref<40xi32, #tpu.memory_space<hbm>>) target(%arg21 : memref<40xi32, #tpu.memory_space<vmem>>) target_semaphore(%arg25 : memref<!tpu.dma_semaphore, #tpu.memory_space<semaphore_mem>>)
      %dma_start3A_70 = arith.constant 0 : i32
      %dma_start3A_71 = tpu.memref_slice %arg5[%multiple_of3A_67, %dma_start3A_70] : memref<80000x128xf32, #tpu.memory_space<hbm>> -> memref<40x128xf32, #tpu.memory_space<hbm>>
      %dma_start3A_72 = arith.constant 0 : i32
      %dma_start3A_73 = tpu.memref_slice %arg5[%multiple_of3A_67, %dma_start3A_72] : memref<80000x128xf32, #tpu.memory_space<hbm>> -> memref<40x128xf32, #tpu.memory_space<hbm>>
      tpu.enqueue_dma source(%dma_start3A_73 : memref<40x128xf32, #tpu.memory_space<hbm>>) target(%arg17 : memref<40x128xf32, #tpu.memory_space<vmem>>) target_semaphore(%arg25 : memref<!tpu.dma_semaphore, #tpu.memory_space<semaphore_mem>>)
      %scan3A = arith.constant 0 : i32
      %scan3A_74 = arith.constant 0 : i32
      %scan3A_75 = arith.constant 32 : i32
      %scan3A_76 = arith.addi %scan3A_74, %scan3A_75 : i32
      %scan3A_77 = arith.constant 1 : i32
      scf.for %scan3A_96 = %scan3A_74 to %scan3A_76 step %scan3A_77  : i32 {
        %mul3A_97 = arith.constant 4 : i32
        %mul3A_98 = arith.muli %scan3A_96, %mul3A_97 : i32
        %add3A_99 = arith.constant 0 : i32
        %add3A_100 = arith.addi %mul3A_98, %add3A_99 : i32
        %lt3A = arith.constant 125 : i32
        %lt3A_101 = arith.cmpi slt, %add3A_100, %lt3A : i32
        %convert_element_type3A_102 = arith.extui %lt3A_101 : i1 to i32
        %cond3A_103 = arith.constant 0 : i32
        %cond3A_104 = arith.cmpi ne, %convert_element_type3A_102, %cond3A_103 : i32
        scf.if %cond3A_104 {
          %mul3A_126 = arith.constant 40 : i32
          %mul3A_127 = arith.muli %add3A_100, %mul3A_126 : i32
          %add3A_128 = arith.addi %multiple_of3A_7, %mul3A_127 : i32
          %multiple_of3A_129 = tpu.assume_multiple %add3A_128, 8 : i32
          %mul3A_130 = arith.constant 40 : i32
          %mul3A_131 = arith.muli %add3A_100, %mul3A_130 : i32
          %add3A_132 = arith.addi %multiple_of3A_3, %mul3A_131 : i32
          %multiple_of3A_133 = tpu.assume_multiple %add3A_132, 8 : i32
          %dma_wait3A_134 = tpu.memref_slice %arg6[%multiple_of3A_129] : memref<160000xi32, #tpu.memory_space<hbm>> -> memref<40xi32, #tpu.memory_space<hbm>>
          %dma_wait3A_135 = tpu.memref_slice %arg6[%multiple_of3A_129] : memref<160000xi32, #tpu.memory_space<hbm>> -> memref<40xi32, #tpu.memory_space<hbm>>
          tpu.wait_dma2 semaphore(%arg25 : memref<!tpu.dma_semaphore, #tpu.memory_space<semaphore_mem>>) src(%dma_wait3A_135 : memref<40xi32, #tpu.memory_space<hbm>>) dst(%arg19 : memref<40xi32, #tpu.memory_space<vmem>>)
          %dma_wait3A_136 = arith.constant 0 : i32
          %dma_wait3A_137 = tpu.memref_slice %arg5[%multiple_of3A_133, %dma_wait3A_136] : memref<80000x128xf32, #tpu.memory_space<hbm>> -> memref<40x128xf32, #tpu.memory_space<hbm>>
          %dma_wait3A_138 = arith.constant 0 : i32
          %dma_wait3A_139 = tpu.memref_slice %arg5[%multiple_of3A_133, %dma_wait3A_138] : memref<80000x128xf32, #tpu.memory_space<hbm>> -> memref<40x128xf32, #tpu.memory_space<hbm>>
          tpu.wait_dma2 semaphore(%arg25 : memref<!tpu.dma_semaphore, #tpu.memory_space<semaphore_mem>>) src(%dma_wait3A_139 : memref<40x128xf32, #tpu.memory_space<hbm>>) dst(%arg15 : memref<40x128xf32, #tpu.memory_space<vmem>>)
          %gt3A = arith.constant 0 : i32
          %gt3A_140 = arith.cmpi sgt, %add3A_100, %gt3A : i32
          %convert_element_type3A_141 = arith.extui %gt3A_140 : i1 to i32
          %cond3A_142 = arith.constant 0 : i32
          %cond3A_143 = arith.cmpi ne, %convert_element_type3A_141, %cond3A_142 : i32
          scf.if %cond3A_143 {
            %dma_wait3A_155 = arith.constant 0 : i32
            %dma_wait3A_156 = arith.constant 0 : i32
            %dma_wait3A_157 = tpu.memref_slice %arg24[%dma_wait3A_155, %dma_wait3A_156] : memref<10000x128xf32, #tpu.memory_space<vmem_shared>> -> memref<10000x128xf32, #tpu.memory_space<vmem_shared>>
            tpu.wait_indirect_dma semaphore(%arg26 : memref<!tpu.dma_semaphore, #tpu.memory_space<semaphore_mem>>) src(%arg18 : memref<40x128xf32, #tpu.memory_space<vmem>>) dst(%dma_wait3A_157 : memref<10000x128xf32, #tpu.memory_space<vmem_shared>>)
          } else {
          }
          %add3A_144 = arith.constant 4 : i32
          %add3A_145 = arith.addi %add3A_100, %add3A_144 : i32
          %sub3A = arith.constant 1 : i32
          %sub3A_146 = arith.subi %add3A_145, %sub3A : i32
          %lt3A_147 = arith.constant 125 : i32
          %lt3A_148 = arith.cmpi slt, %sub3A_146, %lt3A_147 : i32
          %convert_element_type3A_149 = arith.extui %lt3A_148 : i1 to i32
          %cond3A_150 = arith.constant 0 : i32
          %cond3A_151 = arith.cmpi ne, %convert_element_type3A_149, %cond3A_150 : i32
          scf.if %cond3A_151 {
            %add3A_155 = arith.constant 4 : i32
            %add3A_156 = arith.addi %add3A_100, %add3A_155 : i32
            %sub3A_157 = arith.constant 1 : i32
            %sub3A_158 = arith.subi %add3A_156, %sub3A_157 : i32
            %mul3A_159 = arith.constant 40 : i32
            %mul3A_160 = arith.muli %sub3A_158, %mul3A_159 : i32
            %add3A_161 = arith.addi %multiple_of3A_7, %mul3A_160 : i32
            %multiple_of3A_162 = tpu.assume_multiple %add3A_161, 8 : i32
            %mul3A_163 = arith.constant 40 : i32
            %mul3A_164 = arith.muli %sub3A_158, %mul3A_163 : i32
            %add3A_165 = arith.addi %multiple_of3A_3, %mul3A_164 : i32
            %multiple_of3A_166 = tpu.assume_multiple %add3A_165, 8 : i32
            %dma_start3A_167 = tpu.memref_slice %arg6[%multiple_of3A_162] : memref<160000xi32, #tpu.memory_space<hbm>> -> memref<40xi32, #tpu.memory_space<hbm>>
            %dma_start3A_168 = tpu.memref_slice %arg6[%multiple_of3A_162] : memref<160000xi32, #tpu.memory_space<hbm>> -> memref<40xi32, #tpu.memory_space<hbm>>
            tpu.enqueue_dma source(%dma_start3A_168 : memref<40xi32, #tpu.memory_space<hbm>>) target(%arg22 : memref<40xi32, #tpu.memory_space<vmem>>) target_semaphore(%arg25 : memref<!tpu.dma_semaphore, #tpu.memory_space<semaphore_mem>>)
            %dma_start3A_169 = arith.constant 0 : i32
            %dma_start3A_170 = tpu.memref_slice %arg5[%multiple_of3A_166, %dma_start3A_169] : memref<80000x128xf32, #tpu.memory_space<hbm>> -> memref<40x128xf32, #tpu.memory_space<hbm>>
            %dma_start3A_171 = arith.constant 0 : i32
            %dma_start3A_172 = tpu.memref_slice %arg5[%multiple_of3A_166, %dma_start3A_171] : memref<80000x128xf32, #tpu.memory_space<hbm>> -> memref<40x128xf32, #tpu.memory_space<hbm>>
            tpu.enqueue_dma source(%dma_start3A_172 : memref<40x128xf32, #tpu.memory_space<hbm>>) target(%arg18 : memref<40x128xf32, #tpu.memory_space<vmem>>) target_semaphore(%arg25 : memref<!tpu.dma_semaphore, #tpu.memory_space<semaphore_mem>>)
          } else {
          }
          %dma_start3A_152 = arith.constant 0 : i32
          %dma_start3A_153 = arith.constant 0 : i32
          %dma_start3A_154 = tpu.memref_slice %arg24[%dma_start3A_152, %dma_start3A_153] : memref<10000x128xf32, #tpu.memory_space<vmem_shared>> -> memref<10000x128xf32, #tpu.memory_space<vmem_shared>>
          tpu.enqueue_indirect_dma source(%arg15 : memref<40x128xf32, #tpu.memory_space<vmem>>) target(%dma_start3A_154 : memref<10000x128xf32, #tpu.memory_space<vmem_shared>>) offsets(%arg19 : memref<40xi32, #tpu.memory_space<vmem>>) semaphore(%arg26 : memref<!tpu.dma_semaphore, #tpu.memory_space<semaphore_mem>>) {add = true}
        } else {
        }
        %add3A_105 = arith.constant 1 : i32
        %add3A_106 = arith.addi %mul3A_98, %add3A_105 : i32
        %lt3A_107 = arith.constant 125 : i32
        %lt3A_108 = arith.cmpi slt, %add3A_106, %lt3A_107 : i32
        %convert_element_type3A_109 = arith.extui %lt3A_108 : i1 to i32
        %cond3A_110 = arith.constant 0 : i32
        %cond3A_111 = arith.cmpi ne, %convert_element_type3A_109, %cond3A_110 : i32
        scf.if %cond3A_111 {
          %mul3A_126 = arith.constant 40 : i32
          %mul3A_127 = arith.muli %add3A_106, %mul3A_126 : i32
          %add3A_128 = arith.addi %multiple_of3A_7, %mul3A_127 : i32
          %multiple_of3A_129 = tpu.assume_multiple %add3A_128, 8 : i32
          %mul3A_130 = arith.constant 40 : i32
          %mul3A_131 = arith.muli %add3A_106, %mul3A_130 : i32
          %add3A_132 = arith.addi %multiple_of3A_3, %mul3A_131 : i32
          %multiple_of3A_133 = tpu.assume_multiple %add3A_132, 8 : i32
          %dma_wait3A_134 = tpu.memref_slice %arg6[%multiple_of3A_129] : memref<160000xi32, #tpu.memory_space<hbm>> -> memref<40xi32, #tpu.memory_space<hbm>>
          %dma_wait3A_135 = tpu.memref_slice %arg6[%multiple_of3A_129] : memref<160000xi32, #tpu.memory_space<hbm>> -> memref<40xi32, #tpu.memory_space<hbm>>
          tpu.wait_dma2 semaphore(%arg25 : memref<!tpu.dma_semaphore, #tpu.memory_space<semaphore_mem>>) src(%dma_wait3A_135 : memref<40xi32, #tpu.memory_space<hbm>>) dst(%arg20 : memref<40xi32, #tpu.memory_space<vmem>>)
          %dma_wait3A_136 = arith.constant 0 : i32
          %dma_wait3A_137 = tpu.memref_slice %arg5[%multiple_of3A_133, %dma_wait3A_136] : memref<80000x128xf32, #tpu.memory_space<hbm>> -> memref<40x128xf32, #tpu.memory_space<hbm>>
          %dma_wait3A_138 = arith.constant 0 : i32
          %dma_wait3A_139 = tpu.memref_slice %arg5[%multiple_of3A_133, %dma_wait3A_138] : memref<80000x128xf32, #tpu.memory_space<hbm>> -> memref<40x128xf32, #tpu.memory_space<hbm>>
          tpu.wait_dma2 semaphore(%arg25 : memref<!tpu.dma_semaphore, #tpu.memory_space<semaphore_mem>>) src(%dma_wait3A_139 : memref<40x128xf32, #tpu.memory_space<hbm>>) dst(%arg16 : memref<40x128xf32, #tpu.memory_space<vmem>>)
          %gt3A = arith.constant 0 : i32
          %gt3A_140 = arith.cmpi sgt, %add3A_106, %gt3A : i32
          %convert_element_type3A_141 = arith.extui %gt3A_140 : i1 to i32
          %cond3A_142 = arith.constant 0 : i32
          %cond3A_143 = arith.cmpi ne, %convert_element_type3A_141, %cond3A_142 : i32
          scf.if %cond3A_143 {
            %dma_wait3A_155 = arith.constant 0 : i32
            %dma_wait3A_156 = arith.constant 0 : i32
            %dma_wait3A_157 = tpu.memref_slice %arg24[%dma_wait3A_155, %dma_wait3A_156] : memref<10000x128xf32, #tpu.memory_space<vmem_shared>> -> memref<10000x128xf32, #tpu.memory_space<vmem_shared>>
            tpu.wait_indirect_dma semaphore(%arg26 : memref<!tpu.dma_semaphore, #tpu.memory_space<semaphore_mem>>) src(%arg15 : memref<40x128xf32, #tpu.memory_space<vmem>>) dst(%dma_wait3A_157 : memref<10000x128xf32, #tpu.memory_space<vmem_shared>>)
          } else {
          }
          %add3A_144 = arith.constant 4 : i32
          %add3A_145 = arith.addi %add3A_106, %add3A_144 : i32
          %sub3A = arith.constant 1 : i32
          %sub3A_146 = arith.subi %add3A_145, %sub3A : i32
          %lt3A_147 = arith.constant 125 : i32
          %lt3A_148 = arith.cmpi slt, %sub3A_146, %lt3A_147 : i32
          %convert_element_type3A_149 = arith.extui %lt3A_148 : i1 to i32
          %cond3A_150 = arith.constant 0 : i32
          %cond3A_151 = arith.cmpi ne, %convert_element_type3A_149, %cond3A_150 : i32
          scf.if %cond3A_151 {
            %add3A_155 = arith.constant 4 : i32
            %add3A_156 = arith.addi %add3A_106, %add3A_155 : i32
            %sub3A_157 = arith.constant 1 : i32
            %sub3A_158 = arith.subi %add3A_156, %sub3A_157 : i32
            %mul3A_159 = arith.constant 40 : i32
            %mul3A_160 = arith.muli %sub3A_158, %mul3A_159 : i32
            %add3A_161 = arith.addi %multiple_of3A_7, %mul3A_160 : i32
            %multiple_of3A_162 = tpu.assume_multiple %add3A_161, 8 : i32
            %mul3A_163 = arith.constant 40 : i32
            %mul3A_164 = arith.muli %sub3A_158, %mul3A_163 : i32
            %add3A_165 = arith.addi %multiple_of3A_3, %mul3A_164 : i32
            %multiple_of3A_166 = tpu.assume_multiple %add3A_165, 8 : i32
            %dma_start3A_167 = tpu.memref_slice %arg6[%multiple_of3A_162] : memref<160000xi32, #tpu.memory_space<hbm>> -> memref<40xi32, #tpu.memory_space<hbm>>
            %dma_start3A_168 = tpu.memref_slice %arg6[%multiple_of3A_162] : memref<160000xi32, #tpu.memory_space<hbm>> -> memref<40xi32, #tpu.memory_space<hbm>>
            tpu.enqueue_dma source(%dma_start3A_168 : memref<40xi32, #tpu.memory_space<hbm>>) target(%arg19 : memref<40xi32, #tpu.memory_space<vmem>>) target_semaphore(%arg25 : memref<!tpu.dma_semaphore, #tpu.memory_space<semaphore_mem>>)
            %dma_start3A_169 = arith.constant 0 : i32
            %dma_start3A_170 = tpu.memref_slice %arg5[%multiple_of3A_166, %dma_start3A_169] : memref<80000x128xf32, #tpu.memory_space<hbm>> -> memref<40x128xf32, #tpu.memory_space<hbm>>
            %dma_start3A_171 = arith.constant 0 : i32
            %dma_start3A_172 = tpu.memref_slice %arg5[%multiple_of3A_166, %dma_start3A_171] : memref<80000x128xf32, #tpu.memory_space<hbm>> -> memref<40x128xf32, #tpu.memory_space<hbm>>
            tpu.enqueue_dma source(%dma_start3A_172 : memref<40x128xf32, #tpu.memory_space<hbm>>) target(%arg15 : memref<40x128xf32, #tpu.memory_space<vmem>>) target_semaphore(%arg25 : memref<!tpu.dma_semaphore, #tpu.memory_space<semaphore_mem>>)
          } else {
          }
          %dma_start3A_152 = arith.constant 0 : i32
          %dma_start3A_153 = arith.constant 0 : i32
          %dma_start3A_154 = tpu.memref_slice %arg24[%dma_start3A_152, %dma_start3A_153] : memref<10000x128xf32, #tpu.memory_space<vmem_shared>> -> memref<10000x128xf32, #tpu.memory_space<vmem_shared>>
          tpu.enqueue_indirect_dma source(%arg16 : memref<40x128xf32, #tpu.memory_space<vmem>>) target(%dma_start3A_154 : memref<10000x128xf32, #tpu.memory_space<vmem_shared>>) offsets(%arg20 : memref<40xi32, #tpu.memory_space<vmem>>) semaphore(%arg26 : memref<!tpu.dma_semaphore, #tpu.memory_space<semaphore_mem>>) {add = true}
        } else {
        }
        %add3A_112 = arith.constant 2 : i32
        %add3A_113 = arith.addi %mul3A_98, %add3A_112 : i32
        %lt3A_114 = arith.constant 125 : i32
        %lt3A_115 = arith.cmpi slt, %add3A_113, %lt3A_114 : i32
        %convert_element_type3A_116 = arith.extui %lt3A_115 : i1 to i32
        %cond3A_117 = arith.constant 0 : i32
        %cond3A_118 = arith.cmpi ne, %convert_element_type3A_116, %cond3A_117 : i32
        scf.if %cond3A_118 {
          %mul3A_126 = arith.constant 40 : i32
          %mul3A_127 = arith.muli %add3A_113, %mul3A_126 : i32
          %add3A_128 = arith.addi %multiple_of3A_7, %mul3A_127 : i32
          %multiple_of3A_129 = tpu.assume_multiple %add3A_128, 8 : i32
          %mul3A_130 = arith.constant 40 : i32
          %mul3A_131 = arith.muli %add3A_113, %mul3A_130 : i32
          %add3A_132 = arith.addi %multiple_of3A_3, %mul3A_131 : i32
          %multiple_of3A_133 = tpu.assume_multiple %add3A_132, 8 : i32
          %dma_wait3A_134 = tpu.memref_slice %arg6[%multiple_of3A_129] : memref<160000xi32, #tpu.memory_space<hbm>> -> memref<40xi32, #tpu.memory_space<hbm>>
          %dma_wait3A_135 = tpu.memref_slice %arg6[%multiple_of3A_129] : memref<160000xi32, #tpu.memory_space<hbm>> -> memref<40xi32, #tpu.memory_space<hbm>>
          tpu.wait_dma2 semaphore(%arg25 : memref<!tpu.dma_semaphore, #tpu.memory_space<semaphore_mem>>) src(%dma_wait3A_135 : memref<40xi32, #tpu.memory_space<hbm>>) dst(%arg21 : memref<40xi32, #tpu.memory_space<vmem>>)
          %dma_wait3A_136 = arith.constant 0 : i32
          %dma_wait3A_137 = tpu.memref_slice %arg5[%multiple_of3A_133, %dma_wait3A_136] : memref<80000x128xf32, #tpu.memory_space<hbm>> -> memref<40x128xf32, #tpu.memory_space<hbm>>
          %dma_wait3A_138 = arith.constant 0 : i32
          %dma_wait3A_139 = tpu.memref_slice %arg5[%multiple_of3A_133, %dma_wait3A_138] : memref<80000x128xf32, #tpu.memory_space<hbm>> -> memref<40x128xf32, #tpu.memory_space<hbm>>
          tpu.wait_dma2 semaphore(%arg25 : memref<!tpu.dma_semaphore, #tpu.memory_space<semaphore_mem>>) src(%dma_wait3A_139 : memref<40x128xf32, #tpu.memory_space<hbm>>) dst(%arg17 : memref<40x128xf32, #tpu.memory_space<vmem>>)
          %gt3A = arith.constant 0 : i32
          %gt3A_140 = arith.cmpi sgt, %add3A_113, %gt3A : i32
          %convert_element_type3A_141 = arith.extui %gt3A_140 : i1 to i32
          %cond3A_142 = arith.constant 0 : i32
          %cond3A_143 = arith.cmpi ne, %convert_element_type3A_141, %cond3A_142 : i32
          scf.if %cond3A_143 {
            %dma_wait3A_155 = arith.constant 0 : i32
            %dma_wait3A_156 = arith.constant 0 : i32
            %dma_wait3A_157 = tpu.memref_slice %arg24[%dma_wait3A_155, %dma_wait3A_156] : memref<10000x128xf32, #tpu.memory_space<vmem_shared>> -> memref<10000x128xf32, #tpu.memory_space<vmem_shared>>
            tpu.wait_indirect_dma semaphore(%arg26 : memref<!tpu.dma_semaphore, #tpu.memory_space<semaphore_mem>>) src(%arg16 : memref<40x128xf32, #tpu.memory_space<vmem>>) dst(%dma_wait3A_157 : memref<10000x128xf32, #tpu.memory_space<vmem_shared>>)
          } else {
          }
          %add3A_144 = arith.constant 4 : i32
          %add3A_145 = arith.addi %add3A_113, %add3A_144 : i32
          %sub3A = arith.constant 1 : i32
          %sub3A_146 = arith.subi %add3A_145, %sub3A : i32
          %lt3A_147 = arith.constant 125 : i32
          %lt3A_148 = arith.cmpi slt, %sub3A_146, %lt3A_147 : i32
          %convert_element_type3A_149 = arith.extui %lt3A_148 : i1 to i32
          %cond3A_150 = arith.constant 0 : i32
          %cond3A_151 = arith.cmpi ne, %convert_element_type3A_149, %cond3A_150 : i32
          scf.if %cond3A_151 {
            %add3A_155 = arith.constant 4 : i32
            %add3A_156 = arith.addi %add3A_113, %add3A_155 : i32
            %sub3A_157 = arith.constant 1 : i32
            %sub3A_158 = arith.subi %add3A_156, %sub3A_157 : i32
            %mul3A_159 = arith.constant 40 : i32
            %mul3A_160 = arith.muli %sub3A_158, %mul3A_159 : i32
            %add3A_161 = arith.addi %multiple_of3A_7, %mul3A_160 : i32
            %multiple_of3A_162 = tpu.assume_multiple %add3A_161, 8 : i32
            %mul3A_163 = arith.constant 40 : i32
            %mul3A_164 = arith.muli %sub3A_158, %mul3A_163 : i32
            %add3A_165 = arith.addi %multiple_of3A_3, %mul3A_164 : i32
            %multiple_of3A_166 = tpu.assume_multiple %add3A_165, 8 : i32
            %dma_start3A_167 = tpu.memref_slice %arg6[%multiple_of3A_162] : memref<160000xi32, #tpu.memory_space<hbm>> -> memref<40xi32, #tpu.memory_space<hbm>>
            %dma_start3A_168 = tpu.memref_slice %arg6[%multiple_of3A_162] : memref<160000xi32, #tpu.memory_space<hbm>> -> memref<40xi32, #tpu.memory_space<hbm>>
            tpu.enqueue_dma source(%dma_start3A_168 : memref<40xi32, #tpu.memory_space<hbm>>) target(%arg20 : memref<40xi32, #tpu.memory_space<vmem>>) target_semaphore(%arg25 : memref<!tpu.dma_semaphore, #tpu.memory_space<semaphore_mem>>)
            %dma_start3A_169 = arith.constant 0 : i32
            %dma_start3A_170 = tpu.memref_slice %arg5[%multiple_of3A_166, %dma_start3A_169] : memref<80000x128xf32, #tpu.memory_space<hbm>> -> memref<40x128xf32, #tpu.memory_space<hbm>>
            %dma_start3A_171 = arith.constant 0 : i32
            %dma_start3A_172 = tpu.memref_slice %arg5[%multiple_of3A_166, %dma_start3A_171] : memref<80000x128xf32, #tpu.memory_space<hbm>> -> memref<40x128xf32, #tpu.memory_space<hbm>>
            tpu.enqueue_dma source(%dma_start3A_172 : memref<40x128xf32, #tpu.memory_space<hbm>>) target(%arg16 : memref<40x128xf32, #tpu.memory_space<vmem>>) target_semaphore(%arg25 : memref<!tpu.dma_semaphore, #tpu.memory_space<semaphore_mem>>)
          } else {
          }
          %dma_start3A_152 = arith.constant 0 : i32
          %dma_start3A_153 = arith.constant 0 : i32
          %dma_start3A_154 = tpu.memref_slice %arg24[%dma_start3A_152, %dma_start3A_153] : memref<10000x128xf32, #tpu.memory_space<vmem_shared>> -> memref<10000x128xf32, #tpu.memory_space<vmem_shared>>
          tpu.enqueue_indirect_dma source(%arg17 : memref<40x128xf32, #tpu.memory_space<vmem>>) target(%dma_start3A_154 : memref<10000x128xf32, #tpu.memory_space<vmem_shared>>) offsets(%arg21 : memref<40xi32, #tpu.memory_space<vmem>>) semaphore(%arg26 : memref<!tpu.dma_semaphore, #tpu.memory_space<semaphore_mem>>) {add = true}
        } else {
        }
        %add3A_119 = arith.constant 3 : i32
        %add3A_120 = arith.addi %mul3A_98, %add3A_119 : i32
        %lt3A_121 = arith.constant 125 : i32
        %lt3A_122 = arith.cmpi slt, %add3A_120, %lt3A_121 : i32
        %convert_element_type3A_123 = arith.extui %lt3A_122 : i1 to i32
        %cond3A_124 = arith.constant 0 : i32
        %cond3A_125 = arith.cmpi ne, %convert_element_type3A_123, %cond3A_124 : i32
        scf.if %cond3A_125 {
          %mul3A_126 = arith.constant 40 : i32
          %mul3A_127 = arith.muli %add3A_120, %mul3A_126 : i32
          %add3A_128 = arith.addi %multiple_of3A_7, %mul3A_127 : i32
          %multiple_of3A_129 = tpu.assume_multiple %add3A_128, 8 : i32
          %mul3A_130 = arith.constant 40 : i32
          %mul3A_131 = arith.muli %add3A_120, %mul3A_130 : i32
          %add3A_132 = arith.addi %multiple_of3A_3, %mul3A_131 : i32
          %multiple_of3A_133 = tpu.assume_multiple %add3A_132, 8 : i32
          %dma_wait3A_134 = tpu.memref_slice %arg6[%multiple_of3A_129] : memref<160000xi32, #tpu.memory_space<hbm>> -> memref<40xi32, #tpu.memory_space<hbm>>
          %dma_wait3A_135 = tpu.memref_slice %arg6[%multiple_of3A_129] : memref<160000xi32, #tpu.memory_space<hbm>> -> memref<40xi32, #tpu.memory_space<hbm>>
          tpu.wait_dma2 semaphore(%arg25 : memref<!tpu.dma_semaphore, #tpu.memory_space<semaphore_mem>>) src(%dma_wait3A_135 : memref<40xi32, #tpu.memory_space<hbm>>) dst(%arg22 : memref<40xi32, #tpu.memory_space<vmem>>)
          %dma_wait3A_136 = arith.constant 0 : i32
          %dma_wait3A_137 = tpu.memref_slice %arg5[%multiple_of3A_133, %dma_wait3A_136] : memref<80000x128xf32, #tpu.memory_space<hbm>> -> memref<40x128xf32, #tpu.memory_space<hbm>>
          %dma_wait3A_138 = arith.constant 0 : i32
          %dma_wait3A_139 = tpu.memref_slice %arg5[%multiple_of3A_133, %dma_wait3A_138] : memref<80000x128xf32, #tpu.memory_space<hbm>> -> memref<40x128xf32, #tpu.memory_space<hbm>>
          tpu.wait_dma2 semaphore(%arg25 : memref<!tpu.dma_semaphore, #tpu.memory_space<semaphore_mem>>) src(%dma_wait3A_139 : memref<40x128xf32, #tpu.memory_space<hbm>>) dst(%arg18 : memref<40x128xf32, #tpu.memory_space<vmem>>)
          %gt3A = arith.constant 0 : i32
          %gt3A_140 = arith.cmpi sgt, %add3A_120, %gt3A : i32
          %convert_element_type3A_141 = arith.extui %gt3A_140 : i1 to i32
          %cond3A_142 = arith.constant 0 : i32
          %cond3A_143 = arith.cmpi ne, %convert_element_type3A_141, %cond3A_142 : i32
          scf.if %cond3A_143 {
            %dma_wait3A_155 = arith.constant 0 : i32
            %dma_wait3A_156 = arith.constant 0 : i32
            %dma_wait3A_157 = tpu.memref_slice %arg24[%dma_wait3A_155, %dma_wait3A_156] : memref<10000x128xf32, #tpu.memory_space<vmem_shared>> -> memref<10000x128xf32, #tpu.memory_space<vmem_shared>>
            tpu.wait_indirect_dma semaphore(%arg26 : memref<!tpu.dma_semaphore, #tpu.memory_space<semaphore_mem>>) src(%arg17 : memref<40x128xf32, #tpu.memory_space<vmem>>) dst(%dma_wait3A_157 : memref<10000x128xf32, #tpu.memory_space<vmem_shared>>)
          } else {
          }
          %add3A_144 = arith.constant 4 : i32
          %add3A_145 = arith.addi %add3A_120, %add3A_144 : i32
          %sub3A = arith.constant 1 : i32
          %sub3A_146 = arith.subi %add3A_145, %sub3A : i32
          %lt3A_147 = arith.constant 125 : i32
          %lt3A_148 = arith.cmpi slt, %sub3A_146, %lt3A_147 : i32
          %convert_element_type3A_149 = arith.extui %lt3A_148 : i1 to i32
          %cond3A_150 = arith.constant 0 : i32
          %cond3A_151 = arith.cmpi ne, %convert_element_type3A_149, %cond3A_150 : i32
          scf.if %cond3A_151 {
            %add3A_155 = arith.constant 4 : i32
            %add3A_156 = arith.addi %add3A_120, %add3A_155 : i32
            %sub3A_157 = arith.constant 1 : i32
            %sub3A_158 = arith.subi %add3A_156, %sub3A_157 : i32
            %mul3A_159 = arith.constant 40 : i32
            %mul3A_160 = arith.muli %sub3A_158, %mul3A_159 : i32
            %add3A_161 = arith.addi %multiple_of3A_7, %mul3A_160 : i32
            %multiple_of3A_162 = tpu.assume_multiple %add3A_161, 8 : i32
            %mul3A_163 = arith.constant 40 : i32
            %mul3A_164 = arith.muli %sub3A_158, %mul3A_163 : i32
            %add3A_165 = arith.addi %multiple_of3A_3, %mul3A_164 : i32
            %multiple_of3A_166 = tpu.assume_multiple %add3A_165, 8 : i32
            %dma_start3A_167 = tpu.memref_slice %arg6[%multiple_of3A_162] : memref<160000xi32, #tpu.memory_space<hbm>> -> memref<40xi32, #tpu.memory_space<hbm>>
            %dma_start3A_168 = tpu.memref_slice %arg6[%multiple_of3A_162] : memref<160000xi32, #tpu.memory_space<hbm>> -> memref<40xi32, #tpu.memory_space<hbm>>
            tpu.enqueue_dma source(%dma_start3A_168 : memref<40xi32, #tpu.memory_space<hbm>>) target(%arg21 : memref<40xi32, #tpu.memory_space<vmem>>) target_semaphore(%arg25 : memref<!tpu.dma_semaphore, #tpu.memory_space<semaphore_mem>>)
            %dma_start3A_169 = arith.constant 0 : i32
            %dma_start3A_170 = tpu.memref_slice %arg5[%multiple_of3A_166, %dma_start3A_169] : memref<80000x128xf32, #tpu.memory_space<hbm>> -> memref<40x128xf32, #tpu.memory_space<hbm>>
            %dma_start3A_171 = arith.constant 0 : i32
            %dma_start3A_172 = tpu.memref_slice %arg5[%multiple_of3A_166, %dma_start3A_171] : memref<80000x128xf32, #tpu.memory_space<hbm>> -> memref<40x128xf32, #tpu.memory_space<hbm>>
            tpu.enqueue_dma source(%dma_start3A_172 : memref<40x128xf32, #tpu.memory_space<hbm>>) target(%arg17 : memref<40x128xf32, #tpu.memory_space<vmem>>) target_semaphore(%arg25 : memref<!tpu.dma_semaphore, #tpu.memory_space<semaphore_mem>>)
          } else {
          }
          %dma_start3A_152 = arith.constant 0 : i32
          %dma_start3A_153 = arith.constant 0 : i32
          %dma_start3A_154 = tpu.memref_slice %arg24[%dma_start3A_152, %dma_start3A_153] : memref<10000x128xf32, #tpu.memory_space<vmem_shared>> -> memref<10000x128xf32, #tpu.memory_space<vmem_shared>>
          tpu.enqueue_indirect_dma source(%arg18 : memref<40x128xf32, #tpu.memory_space<vmem>>) target(%dma_start3A_154 : memref<10000x128xf32, #tpu.memory_space<vmem_shared>>) offsets(%arg22 : memref<40xi32, #tpu.memory_space<vmem>>) semaphore(%arg26 : memref<!tpu.dma_semaphore, #tpu.memory_space<semaphore_mem>>) {add = true}
        } else {
        }
      }
      %scan3A_78 = arith.constant 32 : i32
      %dma_wait3A = arith.constant 0 : i32
      %dma_wait3A_79 = arith.constant 0 : i32
      %dma_wait3A_80 = tpu.memref_slice %arg24[%dma_wait3A, %dma_wait3A_79] : memref<10000x128xf32, #tpu.memory_space<vmem_shared>> -> memref<10000x128xf32, #tpu.memory_space<vmem_shared>>
      tpu.wait_indirect_dma semaphore(%arg26 : memref<!tpu.dma_semaphore, #tpu.memory_space<semaphore_mem>>) src(%arg15 : memref<40x128xf32, #tpu.memory_space<vmem>>) dst(%dma_wait3A_80 : memref<10000x128xf32, #tpu.memory_space<vmem_shared>>)
      %barrier3A_81 = arith.constant 0 : index
      tpu.barrier barrier_id(%barrier3A_81)
      %add3A_82 = arith.constant 0 : i32
      %add3A_83 = arith.addi %multiple_of3A, %add3A_82 : i32
      %multiple_of3A_84 = tpu.assume_multiple %add3A_83, 8 : i32
      "tpu.region"() ({
        %run_scoped3A = tpu.sem_alloc : memref<!tpu.dma_semaphore, #tpu.memory_space<semaphore_mem>>
        %dma_start3A_96 = arith.constant 0 : i32
        %dma_start3A_97 = tpu.memref_slice %arg14[%multiple_of3A_84, %dma_start3A_96] : memref<10000x128xf32, #tpu.memory_space<hbm>> -> memref<208x128xf32, #tpu.memory_space<hbm>>
        %dma_start3A_98 = arith.constant 0 : i32
        %dma_start3A_99 = tpu.memref_slice %arg24[%multiple_of3A_84, %dma_start3A_98] : memref<10000x128xf32, #tpu.memory_space<vmem_shared>> -> memref<208x128xf32, #tpu.memory_space<vmem_shared>>
        tpu.enqueue_dma source(%dma_start3A_99 : memref<208x128xf32, #tpu.memory_space<vmem_shared>>) target(%dma_start3A_97 : memref<208x128xf32, #tpu.memory_space<hbm>>) target_semaphore(%run_scoped3A : memref<!tpu.dma_semaphore, #tpu.memory_space<semaphore_mem>>)
        %dma_wait3A_100 = arith.constant 0 : i32
        %dma_wait3A_101 = tpu.memref_slice %arg14[%multiple_of3A_84, %dma_wait3A_100] : memref<10000x128xf32, #tpu.memory_space<hbm>> -> memref<208x128xf32, #tpu.memory_space<hbm>>
        %dma_wait3A_102 = arith.constant 0 : i32
        %dma_wait3A_103 = tpu.memref_slice %arg24[%multiple_of3A_84, %dma_wait3A_102] : memref<10000x128xf32, #tpu.memory_space<vmem_shared>> -> memref<208x128xf32, #tpu.memory_space<vmem_shared>>
        tpu.wait_dma2 semaphore(%run_scoped3A : memref<!tpu.dma_semaphore, #tpu.memory_space<semaphore_mem>>) src(%dma_wait3A_103 : memref<208x128xf32, #tpu.memory_space<vmem_shared>>) dst(%dma_wait3A_101 : memref<208x128xf32, #tpu.memory_space<hbm>>)
        tpu.yield
      }) : () -> ()
      %add3A_85 = arith.constant 208 : i32
      %add3A_86 = arith.addi %multiple_of3A, %add3A_85 : i32
      %multiple_of3A_87 = tpu.assume_multiple %add3A_86, 8 : i32
      "tpu.region"() ({
        %run_scoped3A = tpu.sem_alloc : memref<!tpu.dma_semaphore, #tpu.memory_space<semaphore_mem>>
        %dma_start3A_96 = arith.constant 0 : i32
        %dma_start3A_97 = tpu.memref_slice %arg14[%multiple_of3A_87, %dma_start3A_96] : memref<10000x128xf32, #tpu.memory_space<hbm>> -> memref<208x128xf32, #tpu.memory_space<hbm>>
        %dma_start3A_98 = arith.constant 0 : i32
        %dma_start3A_99 = tpu.memref_slice %arg24[%multiple_of3A_87, %dma_start3A_98] : memref<10000x128xf32, #tpu.memory_space<vmem_shared>> -> memref<208x128xf32, #tpu.memory_space<vmem_shared>>
        tpu.enqueue_dma source(%dma_start3A_99 : memref<208x128xf32, #tpu.memory_space<vmem_shared>>) target(%dma_start3A_97 : memref<208x128xf32, #tpu.memory_space<hbm>>) target_semaphore(%run_scoped3A : memref<!tpu.dma_semaphore, #tpu.memory_space<semaphore_mem>>)
        %dma_wait3A_100 = arith.constant 0 : i32
        %dma_wait3A_101 = tpu.memref_slice %arg14[%multiple_of3A_87, %dma_wait3A_100] : memref<10000x128xf32, #tpu.memory_space<hbm>> -> memref<208x128xf32, #tpu.memory_space<hbm>>
        %dma_wait3A_102 = arith.constant 0 : i32
        %dma_wait3A_103 = tpu.memref_slice %arg24[%multiple_of3A_87, %dma_wait3A_102] : memref<10000x128xf32, #tpu.memory_space<vmem_shared>> -> memref<208x128xf32, #tpu.memory_space<vmem_shared>>
        tpu.wait_dma2 semaphore(%run_scoped3A : memref<!tpu.dma_semaphore, #tpu.memory_space<semaphore_mem>>) src(%dma_wait3A_103 : memref<208x128xf32, #tpu.memory_space<vmem_shared>>) dst(%dma_wait3A_101 : memref<208x128xf32, #tpu.memory_space<hbm>>)
        tpu.yield
      }) : () -> ()
      %add3A_88 = arith.constant 416 : i32
      %add3A_89 = arith.addi %multiple_of3A, %add3A_88 : i32
      %multiple_of3A_90 = tpu.assume_multiple %add3A_89, 8 : i32
      "tpu.region"() ({
        %run_scoped3A = tpu.sem_alloc : memref<!tpu.dma_semaphore, #tpu.memory_space<semaphore_mem>>
        %dma_start3A_96 = arith.constant 0 : i32
        %dma_start3A_97 = tpu.memref_slice %arg14[%multiple_of3A_90, %dma_start3A_96] : memref<10000x128xf32, #tpu.memory_space<hbm>> -> memref<208x128xf32, #tpu.memory_space<hbm>>
        %dma_start3A_98 = arith.constant 0 : i32
        %dma_start3A_99 = tpu.memref_slice %arg24[%multiple_of3A_90, %dma_start3A_98] : memref<10000x128xf32, #tpu.memory_space<vmem_shared>> -> memref<208x128xf32, #tpu.memory_space<vmem_shared>>
        tpu.enqueue_dma source(%dma_start3A_99 : memref<208x128xf32, #tpu.memory_space<vmem_shared>>) target(%dma_start3A_97 : memref<208x128xf32, #tpu.memory_space<hbm>>) target_semaphore(%run_scoped3A : memref<!tpu.dma_semaphore, #tpu.memory_space<semaphore_mem>>)
        %dma_wait3A_100 = arith.constant 0 : i32
        %dma_wait3A_101 = tpu.memref_slice %arg14[%multiple_of3A_90, %dma_wait3A_100] : memref<10000x128xf32, #tpu.memory_space<hbm>> -> memref<208x128xf32, #tpu.memory_space<hbm>>
        %dma_wait3A_102 = arith.constant 0 : i32
        %dma_wait3A_103 = tpu.memref_slice %arg24[%multiple_of3A_90, %dma_wait3A_102] : memref<10000x128xf32, #tpu.memory_space<vmem_shared>> -> memref<208x128xf32, #tpu.memory_space<vmem_shared>>
        tpu.wait_dma2 semaphore(%run_scoped3A : memref<!tpu.dma_semaphore, #tpu.memory_space<semaphore_mem>>) src(%dma_wait3A_103 : memref<208x128xf32, #tpu.memory_space<vmem_shared>>) dst(%dma_wait3A_101 : memref<208x128xf32, #tpu.memory_space<hbm>>)
        tpu.yield
      }) : () -> ()
      %eq3A_91 = arith.constant 15 : i32
      %eq3A_92 = arith.cmpi eq, %arg1, %eq3A_91 : i32
      %convert_element_type3A_93 = arith.extui %eq3A_92 : i1 to i32
      %cond3A_94 = arith.constant 0 : i32
      %cond3A_95 = arith.cmpi ne, %convert_element_type3A_93, %cond3A_94 : i32
      scf.if %cond3A_95 {
        "tpu.region"() ({
          %run_scoped3A = tpu.sem_alloc : memref<!tpu.dma_semaphore, #tpu.memory_space<semaphore_mem>>
          %dma_start3A_96 = arith.constant 9984 : i32
          %dma_start3A_97 = arith.constant 0 : i32
          %dma_start3A_98 = tpu.memref_slice %arg14[%dma_start3A_96, %dma_start3A_97] : memref<10000x128xf32, #tpu.memory_space<hbm>> -> memref<16x128xf32, #tpu.memory_space<hbm>>
          %dma_start3A_99 = arith.constant 9984 : i32
          %dma_start3A_100 = arith.constant 0 : i32
          %dma_start3A_101 = tpu.memref_slice %arg24[%dma_start3A_99, %dma_start3A_100] : memref<10000x128xf32, #tpu.memory_space<vmem_shared>> -> memref<16x128xf32, #tpu.memory_space<vmem_shared>>
          tpu.enqueue_dma source(%dma_start3A_101 : memref<16x128xf32, #tpu.memory_space<vmem_shared>>) target(%dma_start3A_98 : memref<16x128xf32, #tpu.memory_space<hbm>>) target_semaphore(%run_scoped3A : memref<!tpu.dma_semaphore, #tpu.memory_space<semaphore_mem>>)
          %dma_wait3A_102 = arith.constant 9984 : i32
          %dma_wait3A_103 = arith.constant 0 : i32
          %dma_wait3A_104 = tpu.memref_slice %arg14[%dma_wait3A_102, %dma_wait3A_103] : memref<10000x128xf32, #tpu.memory_space<hbm>> -> memref<16x128xf32, #tpu.memory_space<hbm>>
          %dma_wait3A_105 = arith.constant 9984 : i32
          %dma_wait3A_106 = arith.constant 0 : i32
          %dma_wait3A_107 = tpu.memref_slice %arg24[%dma_wait3A_105, %dma_wait3A_106] : memref<10000x128xf32, #tpu.memory_space<vmem_shared>> -> memref<16x128xf32, #tpu.memory_space<vmem_shared>>
          tpu.wait_dma2 semaphore(%run_scoped3A : memref<!tpu.dma_semaphore, #tpu.memory_space<semaphore_mem>>) src(%dma_wait3A_107 : memref<16x128xf32, #tpu.memory_space<vmem_shared>>) dst(%dma_wait3A_104 : memref<16x128xf32, #tpu.memory_space<hbm>>)
          tpu.yield
        }) : () -> ()
      } else {
      }
    } else {
    }
    return
  }
}

module attributes {stable_mosaic.version = 14 : i64} {
  func.func @_tc_body(%arg0: i32, %arg1: memref<640x128xf32, #tpu.memory_space<vmem>>, %arg2: memref<3x640x128xf32, #tpu.memory_space<vmem>>, %arg3: memref<8x640xf32, #tpu.memory_space<vmem>>, %arg4: memref<128x128xf32, #tpu.memory_space<vmem>>, %arg5: memref<1x128xf32, #tpu.memory_space<vmem>>, %arg6: memref<128x384xf32, #tpu.memory_space<vmem>>, %arg7: memref<1x384xf32, #tpu.memory_space<vmem>>, %arg8: memref<32x384xf32, #tpu.memory_space<vmem>>, %arg9: memref<8x384xf32, #tpu.memory_space<vmem>>, %arg10: memref<640x128xf32, #tpu.memory_space<vmem>>, %arg11: memref<640x128xf32, #tpu.memory_space<vmem>>, %arg12: memref<640x128xf32, #tpu.memory_space<vmem>>, %arg13: memref<640x128xf32, #tpu.memory_space<vmem>>) attributes {dimension_semantics = [#tpu.dimension_semantics<arbitrary>], iteration_bounds = array<i64: 125>, scalar_prefetch = 0 : i64, scratch_operands = 0 : i64, tpu.core_type = #tpu.core_type<tc>, window_params = [{transform_indices = @transform_0, window_bounds = array<i64: 640, 128>}, {transform_indices = @transform_1, window_bounds = array<i64: 3, 640, 128>}, {transform_indices = @transform_2, window_bounds = array<i64: 8, 640>}, {pipeline_mode = #tpu.pipeline_mode<synchronous>, transform_indices = @transform_3, window_bounds = array<i64: 128, 128>}, {pipeline_mode = #tpu.pipeline_mode<synchronous>, transform_indices = @transform_4, window_bounds = array<i64: 1, 128>}, {pipeline_mode = #tpu.pipeline_mode<synchronous>, transform_indices = @transform_5, window_bounds = array<i64: 128, 384>}, {pipeline_mode = #tpu.pipeline_mode<synchronous>, transform_indices = @transform_6, window_bounds = array<i64: 1, 384>}, {pipeline_mode = #tpu.pipeline_mode<synchronous>, transform_indices = @transform_7, window_bounds = array<i64: 32, 384>}, {pipeline_mode = #tpu.pipeline_mode<synchronous>, transform_indices = @transform_8, window_bounds = array<i64: 8, 384>}, {transform_indices = @transform_9, window_bounds = array<i64: 640, 128>}, {transform_indices = @transform_10, window_bounds = array<i64: 640, 128>}, {transform_indices = @transform_11, window_bounds = array<i64: 640, 128>}, {transform_indices = @transform_12, window_bounds = array<i64: 640, 128>}]} {
    %get3A = arith.constant 0 : index
    %get3A_0 = arith.constant 0 : index
    %get3A_1 = vector.load %arg3[%get3A, %get3A_0] : memref<8x640xf32, #tpu.memory_space<vmem>>, vector<8x640xf32>
    %mul3A = arith.mulf %get3A_1, %get3A_1 : vector<8x640xf32>
    %reduce_sum3A = arith.constant dense<0.000000e+00> : vector<640xf32>
    %reduce_sum3A_2 = vector.multi_reduction <add>, %mul3A, %reduce_sum3A [0] : vector<8x640xf32> to vector<640xf32>
    %broadcast_in_dim3A = vector.shape_cast %reduce_sum3A_2 : vector<640xf32> to vector<1x640xf32>
    %sqrt3A = math.sqrt %broadcast_in_dim3A : vector<1x640xf32>
    %add3A = arith.constant 9.99999993E-9 : f32
    %add3A_3 = vector.broadcast %add3A : f32 to vector<1x640xf32>
    %add3A_4 = arith.addf %sqrt3A, %add3A_3 : vector<1x640xf32>
    %div3A = arith.constant 1.000000e+00 : f32
    %div3A_5 = vector.broadcast %div3A : f32 to vector<1x640xf32>
    %div3A_6 = arith.divf %div3A_5, %add3A_4 : vector<1x640xf32>
    %gt3A = arith.constant 5.000000e+00 : f32
    %gt3A_7 = vector.broadcast %gt3A : f32 to vector<1x640xf32>
    %gt3A_8 = arith.cmpf ogt, %sqrt3A, %gt3A_7 : vector<1x640xf32>
    %mul3A_9 = arith.constant 0.628318548 : f32
    %mul3A_10 = vector.broadcast %mul3A_9 : f32 to vector<1x640xf32>
    %mul3A_11 = arith.mulf %mul3A_10, %sqrt3A : vector<1x640xf32>
    %cos3A = math.cos %mul3A_11 : vector<1x640xf32>
    %add3A_12 = arith.constant 1.000000e+00 : f32
    %add3A_13 = vector.broadcast %add3A_12 : f32 to vector<1x640xf32>
    %add3A_14 = arith.addf %cos3A, %add3A_13 : vector<1x640xf32>
    %mul3A_15 = arith.constant 5.000000e-01 : f32
    %mul3A_16 = vector.broadcast %mul3A_15 : f32 to vector<1x640xf32>
    %mul3A_17 = arith.mulf %mul3A_16, %add3A_14 : vector<1x640xf32>
    %jit3A = arith.constant 0.000000e+00 : f32
    %broadcast_in_dim3A_18 = vector.broadcast %jit3A : f32 to vector<1x640xf32>
    %select_n3A = arith.select %gt3A_8, %broadcast_in_dim3A_18, %mul3A_17 : vector<1x640xi1>, vector<1x640xf32>
    %iota3A = tpu.iota {dimensions = array<i32: 0>} : vector<32x1xi32>
    %add3A_19 = arith.constant 1 : i32
    %add3A_20 = vector.broadcast %add3A_19 : i32 to vector<32x1xi32>
    %add3A_21 = arith.addi %iota3A, %add3A_20 : vector<32x1xi32>
    %convert_element_type3A = arith.sitofp %add3A_21 : vector<32x1xi32> to vector<32x1xf32>
    %mul3A_22 = arith.constant 0.628318548 : f32
    %mul3A_23 = vector.broadcast %mul3A_22 : f32 to vector<1x640xf32>
    %mul3A_24 = arith.mulf %mul3A_23, %sqrt3A : vector<1x640xf32>
    %mul3A_25 = vector.broadcast %convert_element_type3A : vector<32x1xf32> to vector<32x640xf32>
    %mul3A_26 = vector.broadcast %mul3A_24 : vector<1x640xf32> to vector<32x640xf32>
    %mul3A_27 = arith.mulf %mul3A_25, %mul3A_26 : vector<32x640xf32>
    %sin3A = math.sin %mul3A_27 : vector<32x640xf32>
    %mul3A_28 = arith.mulf %div3A_6, %select_n3A : vector<1x640xf32>
    %mul3A_29 = vector.broadcast %mul3A_28 : vector<1x640xf32> to vector<32x640xf32>
    %mul3A_30 = arith.mulf %sin3A, %mul3A_29 : vector<32x640xf32>
    %iota3A_31 = tpu.iota {dimensions = array<i32: 0>} : vector<32x640xi32>
    %eq3A = arith.constant 20 : i32
    %eq3A_32 = vector.broadcast %eq3A : i32 to vector<32x640xi32>
    %eq3A_33 = arith.cmpi eq, %iota3A_31, %eq3A_32 : vector<32x640xi32>
    %broadcast_in_dim3A_34 = vector.shape_cast %select_n3A : vector<1x640xf32> to vector<1x640xf32>
    %broadcast_in_dim3A_35 = vector.broadcast %broadcast_in_dim3A_34 : vector<1x640xf32> to vector<32x640xf32>
    %select_n3A_36 = arith.select %eq3A_33, %broadcast_in_dim3A_35, %mul3A_30 : vector<32x640xi1>, vector<32x640xf32>
    %transpose3A = tpu.transpose %select_n3A_36, [1, 0] : vector<32x640xf32> -> vector<640x32xf32>
    %get3A_37 = arith.constant 0 : index
    %get3A_38 = arith.constant 0 : index
    %get3A_39 = vector.load %arg8[%get3A_37, %get3A_38] : memref<32x384xf32, #tpu.memory_space<vmem>>, vector<32x384xf32>
    %dot_general3A = arith.constant dense<0.000000e+00> : vector<640x384xf32>
    %dot_general3A_40 = tpu.matmul %transpose3A, %get3A_39, %dot_general3A {dimension_numbers = #tpu.dot_dimension_numbers<[1], [0], [0], [1], [0, 0, 1, 1], [], []>, transpose_lhs_hint = false} : vector<640x32xf32>, vector<32x384xf32>, vector<640x384xf32> -> vector<640x384xf32>
    %mul3A_41 = vector.broadcast %div3A_6 : vector<1x640xf32> to vector<8x640xf32>
    %mul3A_42 = arith.mulf %get3A_1, %mul3A_41 : vector<8x640xf32>
    %transpose3A_43 = tpu.transpose %mul3A_42, [1, 0] : vector<8x640xf32> -> vector<640x8xf32>
    %get3A_44 = arith.constant 0 : index
    %get3A_45 = arith.constant 0 : index
    %get3A_46 = vector.load %arg1[%get3A_44, %get3A_45] : memref<640x128xf32, #tpu.memory_space<vmem>>, vector<640x128xf32>
    %get3A_47 = arith.constant 0 : index
    %get3A_48 = arith.constant 0 : index
    %get3A_49 = vector.load %arg4[%get3A_47, %get3A_48] : memref<128x128xf32, #tpu.memory_space<vmem>>, vector<128x128xf32>
    %dot_general3A_50 = arith.constant dense<0.000000e+00> : vector<640x128xf32>
    %dot_general3A_51 = tpu.matmul %get3A_46, %get3A_49, %dot_general3A_50 {dimension_numbers = #tpu.dot_dimension_numbers<[1], [0], [0], [1], [0, 0, 1, 1], [], []>, transpose_lhs_hint = false} : vector<640x128xf32>, vector<128x128xf32>, vector<640x128xf32> -> vector<640x128xf32>
    %get3A_52 = arith.constant 0 : index
    %get3A_53 = arith.constant 0 : index
    %get3A_54 = vector.load %arg5[%get3A_52, %get3A_53] : memref<1x128xf32, #tpu.memory_space<vmem>>, vector<1x128xf32>
    %add3A_55 = vector.broadcast %get3A_54 : vector<1x128xf32> to vector<640x128xf32>
    %add3A_56 = arith.addf %dot_general3A_51, %add3A_55 : vector<640x128xf32>
    %logistic3A = arith.negf %add3A_56 : vector<640x128xf32>
    %logistic3A_57 = math.exp %logistic3A : vector<640x128xf32>
    %logistic3A_58 = arith.constant 1.000000e+00 : f32
    %logistic3A_59 = vector.broadcast %logistic3A_58 : f32 to vector<640x128xf32>
    %logistic3A_60 = arith.addf %logistic3A_59, %logistic3A_57 : vector<640x128xf32>
    %logistic3A_61 = arith.divf %logistic3A_59, %logistic3A_60 : vector<640x128xf32>
    %mul3A_62 = arith.mulf %add3A_56, %logistic3A_61 : vector<640x128xf32>
    %get3A_63 = arith.constant 0 : index
    %get3A_64 = arith.constant 0 : index
    %get3A_65 = vector.load %arg6[%get3A_63, %get3A_64] : memref<128x384xf32, #tpu.memory_space<vmem>>, vector<128x384xf32>
    %dot_general3A_66 = arith.constant dense<0.000000e+00> : vector<640x384xf32>
    %dot_general3A_67 = tpu.matmul %mul3A_62, %get3A_65, %dot_general3A_66 {dimension_numbers = #tpu.dot_dimension_numbers<[1], [0], [0], [1], [0, 0, 1, 1], [], []>, transpose_lhs_hint = false} : vector<640x128xf32>, vector<128x384xf32>, vector<640x384xf32> -> vector<640x384xf32>
    %get3A_68 = arith.constant 0 : index
    %get3A_69 = arith.constant 0 : index
    %get3A_70 = vector.load %arg7[%get3A_68, %get3A_69] : memref<1x384xf32, #tpu.memory_space<vmem>>, vector<1x384xf32>
    %add3A_71 = vector.broadcast %get3A_70 : vector<1x384xf32> to vector<640x384xf32>
    %add3A_72 = arith.addf %dot_general3A_67, %add3A_71 : vector<640x384xf32>
    %mul3A_73 = arith.mulf %add3A_72, %dot_general3A_40 : vector<640x384xf32>
    %slice3A = vector.extract_strided_slice %mul3A_73 {offsets = [0, 0], sizes = [640, 128], strides = [1, 1]} : vector<640x384xf32> to vector<640x128xf32>
    %slice3A_74 = vector.extract_strided_slice %mul3A_73 {offsets = [0, 128], sizes = [640, 128], strides = [1, 1]} : vector<640x384xf32> to vector<640x128xf32>
    %slice3A_75 = vector.extract_strided_slice %mul3A_73 {offsets = [0, 256], sizes = [640, 128], strides = [1, 1]} : vector<640x384xf32> to vector<640x128xf32>
    %get3A_76 = arith.constant 0 : index
    %get3A_77 = arith.constant 0 : index
    %get3A_78 = vector.load %arg9[%get3A_76, %get3A_77] : memref<8x384xf32, #tpu.memory_space<vmem>>, vector<8x384xf32>
    %dot_general3A_79 = arith.constant dense<0.000000e+00> : vector<640x384xf32>
    %dot_general3A_80 = tpu.matmul %transpose3A_43, %get3A_78, %dot_general3A_79 {dimension_numbers = #tpu.dot_dimension_numbers<[1], [0], [0], [1], [0, 0, 1, 1], [], []>, transpose_lhs_hint = false} : vector<640x8xf32>, vector<8x384xf32>, vector<640x384xf32> -> vector<640x384xf32>
    %get3A_81 = arith.constant 0 : index
    %get3A_82 = arith.constant 0 : index
    %get3A_83 = arith.constant 0 : index
    %get3A_84 = vector.load %arg2[%get3A_81, %get3A_82, %get3A_83] : memref<3x640x128xf32, #tpu.memory_space<vmem>>, vector<3x640x128xf32>
    %slice3A_85 = vector.extract_strided_slice %get3A_84 {offsets = [0, 0, 0], sizes = [1, 640, 128], strides = [1, 1, 1]} : vector<3x640x128xf32> to vector<1x640x128xf32>
    %squeeze3A = vector.shape_cast %slice3A_85 : vector<1x640x128xf32> to vector<640x128xf32>
    %mul3A_86 = arith.mulf %squeeze3A, %slice3A : vector<640x128xf32>
    %slice3A_87 = vector.extract_strided_slice %dot_general3A_80 {offsets = [0, 0], sizes = [640, 128], strides = [1, 1]} : vector<640x384xf32> to vector<640x128xf32>
    %mul3A_88 = arith.mulf %slice3A_87, %slice3A_75 : vector<640x128xf32>
    %add3A_89 = arith.addf %mul3A_86, %mul3A_88 : vector<640x128xf32>
    %swap3A = arith.constant 0 : index
    %swap3A_90 = arith.constant 0 : index
    %swap3A_91 = vector.load %arg10[%swap3A, %swap3A_90] : memref<640x128xf32, #tpu.memory_space<vmem>>, vector<640x128xf32>
    tpu.vector_store %arg10[%swap3A, %swap3A_90], %add3A_89 {strides = array<i32>} : memref<640x128xf32, #tpu.memory_space<vmem>>, vector<640x128xf32>,
    %slice3A_92 = vector.extract_strided_slice %get3A_84 {offsets = [1, 0, 0], sizes = [1, 640, 128], strides = [1, 1, 1]} : vector<3x640x128xf32> to vector<1x640x128xf32>
    %squeeze3A_93 = vector.shape_cast %slice3A_92 : vector<1x640x128xf32> to vector<640x128xf32>
    %mul3A_94 = arith.mulf %squeeze3A_93, %slice3A : vector<640x128xf32>
    %slice3A_95 = vector.extract_strided_slice %dot_general3A_80 {offsets = [0, 128], sizes = [640, 128], strides = [1, 1]} : vector<640x384xf32> to vector<640x128xf32>
    %mul3A_96 = arith.mulf %slice3A_95, %slice3A_75 : vector<640x128xf32>
    %add3A_97 = arith.addf %mul3A_94, %mul3A_96 : vector<640x128xf32>
    %swap3A_98 = arith.constant 0 : index
    %swap3A_99 = arith.constant 0 : index
    %swap3A_100 = vector.load %arg11[%swap3A_98, %swap3A_99] : memref<640x128xf32, #tpu.memory_space<vmem>>, vector<640x128xf32>
    tpu.vector_store %arg11[%swap3A_98, %swap3A_99], %add3A_97 {strides = array<i32>} : memref<640x128xf32, #tpu.memory_space<vmem>>, vector<640x128xf32>,
    %slice3A_101 = vector.extract_strided_slice %get3A_84 {offsets = [2, 0, 0], sizes = [1, 640, 128], strides = [1, 1, 1]} : vector<3x640x128xf32> to vector<1x640x128xf32>
    %squeeze3A_102 = vector.shape_cast %slice3A_101 : vector<1x640x128xf32> to vector<640x128xf32>
    %mul3A_103 = arith.mulf %squeeze3A_102, %slice3A : vector<640x128xf32>
    %slice3A_104 = vector.extract_strided_slice %dot_general3A_80 {offsets = [0, 256], sizes = [640, 128], strides = [1, 1]} : vector<640x384xf32> to vector<640x128xf32>
    %mul3A_105 = arith.mulf %slice3A_104, %slice3A_75 : vector<640x128xf32>
    %add3A_106 = arith.addf %mul3A_103, %mul3A_105 : vector<640x128xf32>
    %swap3A_107 = arith.constant 0 : index
    %swap3A_108 = arith.constant 0 : index
    %swap3A_109 = vector.load %arg12[%swap3A_107, %swap3A_108] : memref<640x128xf32, #tpu.memory_space<vmem>>, vector<640x128xf32>
    tpu.vector_store %arg12[%swap3A_107, %swap3A_108], %add3A_106 {strides = array<i32>} : memref<640x128xf32, #tpu.memory_space<vmem>>, vector<640x128xf32>,
    %swap3A_110 = arith.constant 0 : index
    %swap3A_111 = arith.constant 0 : index
    %swap3A_112 = vector.load %arg13[%swap3A_110, %swap3A_111] : memref<640x128xf32, #tpu.memory_space<vmem>>, vector<640x128xf32>
    tpu.vector_store %arg13[%swap3A_110, %swap3A_111], %slice3A_74 {strides = array<i32>} : memref<640x128xf32, #tpu.memory_space<vmem>>, vector<640x128xf32>,
    return
  }
  func.func @transform_0(%arg0: i32) -> (i32, i32) {
    %add3A = arith.constant 0 : i32
    %add3A_0 = arith.addi %arg0, %add3A : i32
    %c0_i32 = arith.constant 0 : i32
    %c0_i32_1 = arith.constant 0 : i32
    return %add3A_0, %c0_i32 : i32, i32
  }
  func.func @transform_1(%arg0: i32) -> (i32, i32, i32) {
    %add3A = arith.constant 0 : i32
    %add3A_0 = arith.addi %arg0, %add3A : i32
    %c0_i32 = arith.constant 0 : i32
    %c0_i32_1 = arith.constant 0 : i32
    %c0_i32_2 = arith.constant 0 : i32
    return %c0_i32, %add3A_0, %c0_i32_1 : i32, i32, i32
  }
  func.func @transform_2(%arg0: i32) -> (i32, i32) {
    %add3A = arith.constant 0 : i32
    %add3A_0 = arith.addi %arg0, %add3A : i32
    %c0_i32 = arith.constant 0 : i32
    %c0_i32_1 = arith.constant 0 : i32
    return %c0_i32, %add3A_0 : i32, i32
  }
  func.func @transform_3(%arg0: i32) -> (i32, i32) {
    %c0_i32 = arith.constant 0 : i32
    %c0_i32_0 = arith.constant 0 : i32
    %c0_i32_1 = arith.constant 0 : i32
    return %c0_i32, %c0_i32_0 : i32, i32
  }
  func.func @transform_4(%arg0: i32) -> (i32, i32) {
    %c0_i32 = arith.constant 0 : i32
    %c0_i32_0 = arith.constant 0 : i32
    %c0_i32_1 = arith.constant 0 : i32
    return %c0_i32, %c0_i32_0 : i32, i32
  }
  func.func @transform_5(%arg0: i32) -> (i32, i32) {
    %c0_i32 = arith.constant 0 : i32
    %c0_i32_0 = arith.constant 0 : i32
    %c0_i32_1 = arith.constant 0 : i32
    return %c0_i32, %c0_i32_0 : i32, i32
  }
  func.func @transform_6(%arg0: i32) -> (i32, i32) {
    %c0_i32 = arith.constant 0 : i32
    %c0_i32_0 = arith.constant 0 : i32
    %c0_i32_1 = arith.constant 0 : i32
    return %c0_i32, %c0_i32_0 : i32, i32
  }
  func.func @transform_7(%arg0: i32) -> (i32, i32) {
    %c0_i32 = arith.constant 0 : i32
    %c0_i32_0 = arith.constant 0 : i32
    %c0_i32_1 = arith.constant 0 : i32
    return %c0_i32, %c0_i32_0 : i32, i32
  }
  func.func @transform_8(%arg0: i32) -> (i32, i32) {
    %c0_i32 = arith.constant 0 : i32
    %c0_i32_0 = arith.constant 0 : i32
    %c0_i32_1 = arith.constant 0 : i32
    return %c0_i32, %c0_i32_0 : i32, i32
  }
  func.func @transform_9(%arg0: i32) -> (i32, i32) {
    %c0_i32 = arith.constant 0 : i32
    %c0_i32_0 = arith.constant 0 : i32
    return %arg0, %c0_i32 : i32, i32
  }
  func.func @transform_10(%arg0: i32) -> (i32, i32) {
    %c0_i32 = arith.constant 0 : i32
    %c0_i32_0 = arith.constant 0 : i32
    return %arg0, %c0_i32 : i32, i32
  }
  func.func @transform_11(%arg0: i32) -> (i32, i32) {
    %c0_i32 = arith.constant 0 : i32
    %c0_i32_0 = arith.constant 0 : i32
    return %arg0, %c0_i32 : i32, i32
  }
  func.func @transform_12(%arg0: i32) -> (i32, i32) {
    %c0_i32 = arith.constant 0 : i32
    %c0_i32_0 = arith.constant 0 : i32
    return %arg0, %c0_i32 : i32, i32
  }
}

module attributes {stable_mosaic.version = 14 : i64} {
  func.func @_tc_body(%arg0: i32, %arg1: memref<640x128xf32, #tpu.memory_space<vmem>>, %arg2: memref<3x640x128xf32, #tpu.memory_space<vmem>>, %arg3: memref<8x640xf32, #tpu.memory_space<vmem>>, %arg4: memref<128x128xf32, #tpu.memory_space<vmem>>, %arg5: memref<1x128xf32, #tpu.memory_space<vmem>>, %arg6: memref<128x384xf32, #tpu.memory_space<vmem>>, %arg7: memref<1x384xf32, #tpu.memory_space<vmem>>, %arg8: memref<32x384xf32, #tpu.memory_space<vmem>>, %arg9: memref<8x384xf32, #tpu.memory_space<vmem>>, %arg10: memref<640x128xf32, #tpu.memory_space<vmem>>, %arg11: memref<640x128xf32, #tpu.memory_space<vmem>>, %arg12: memref<640x128xf32, #tpu.memory_space<vmem>>, %arg13: memref<640x128xf32, #tpu.memory_space<vmem>>) attributes {dimension_semantics = [#tpu.dimension_semantics<arbitrary>], iteration_bounds = array<i64: 125>, scalar_prefetch = 0 : i64, scratch_operands = 0 : i64, tpu.core_type = #tpu.core_type<tc>, window_params = [{transform_indices = @transform_0, window_bounds = array<i64: 640, 128>}, {transform_indices = @transform_1, window_bounds = array<i64: 3, 640, 128>}, {transform_indices = @transform_2, window_bounds = array<i64: 8, 640>}, {pipeline_mode = #tpu.pipeline_mode<synchronous>, transform_indices = @transform_3, window_bounds = array<i64: 128, 128>}, {pipeline_mode = #tpu.pipeline_mode<synchronous>, transform_indices = @transform_4, window_bounds = array<i64: 1, 128>}, {pipeline_mode = #tpu.pipeline_mode<synchronous>, transform_indices = @transform_5, window_bounds = array<i64: 128, 384>}, {pipeline_mode = #tpu.pipeline_mode<synchronous>, transform_indices = @transform_6, window_bounds = array<i64: 1, 384>}, {pipeline_mode = #tpu.pipeline_mode<synchronous>, transform_indices = @transform_7, window_bounds = array<i64: 32, 384>}, {pipeline_mode = #tpu.pipeline_mode<synchronous>, transform_indices = @transform_8, window_bounds = array<i64: 8, 384>}, {transform_indices = @transform_9, window_bounds = array<i64: 640, 128>}, {transform_indices = @transform_10, window_bounds = array<i64: 640, 128>}, {transform_indices = @transform_11, window_bounds = array<i64: 640, 128>}, {transform_indices = @transform_12, window_bounds = array<i64: 640, 128>}]} {
    %get3A = arith.constant 0 : index
    %get3A_0 = arith.constant 0 : index
    %get3A_1 = vector.load %arg3[%get3A, %get3A_0] : memref<8x640xf32, #tpu.memory_space<vmem>>, vector<8x640xf32>
    %mul3A = arith.mulf %get3A_1, %get3A_1 : vector<8x640xf32>
    %reduce_sum3A = arith.constant dense<0.000000e+00> : vector<640xf32>
    %reduce_sum3A_2 = vector.multi_reduction <add>, %mul3A, %reduce_sum3A [0] : vector<8x640xf32> to vector<640xf32>
    %broadcast_in_dim3A = vector.shape_cast %reduce_sum3A_2 : vector<640xf32> to vector<1x640xf32>
    %sqrt3A = math.sqrt %broadcast_in_dim3A : vector<1x640xf32>
    %add3A = arith.constant 9.99999993E-9 : f32
    %add3A_3 = vector.broadcast %add3A : f32 to vector<1x640xf32>
    %add3A_4 = arith.addf %sqrt3A, %add3A_3 : vector<1x640xf32>
    %div3A = arith.constant 1.000000e+00 : f32
    %div3A_5 = vector.broadcast %div3A : f32 to vector<1x640xf32>
    %div3A_6 = arith.divf %div3A_5, %add3A_4 : vector<1x640xf32>
    %gt3A = arith.constant 5.000000e+00 : f32
    %gt3A_7 = vector.broadcast %gt3A : f32 to vector<1x640xf32>
    %gt3A_8 = arith.cmpf ogt, %sqrt3A, %gt3A_7 : vector<1x640xf32>
    %mul3A_9 = arith.constant 0.628318548 : f32
    %mul3A_10 = vector.broadcast %mul3A_9 : f32 to vector<1x640xf32>
    %mul3A_11 = arith.mulf %mul3A_10, %sqrt3A : vector<1x640xf32>
    %cos3A = math.cos %mul3A_11 : vector<1x640xf32>
    %add3A_12 = arith.constant 1.000000e+00 : f32
    %add3A_13 = vector.broadcast %add3A_12 : f32 to vector<1x640xf32>
    %add3A_14 = arith.addf %cos3A, %add3A_13 : vector<1x640xf32>
    %mul3A_15 = arith.constant 5.000000e-01 : f32
    %mul3A_16 = vector.broadcast %mul3A_15 : f32 to vector<1x640xf32>
    %mul3A_17 = arith.mulf %mul3A_16, %add3A_14 : vector<1x640xf32>
    %jit3A = arith.constant 0.000000e+00 : f32
    %broadcast_in_dim3A_18 = vector.broadcast %jit3A : f32 to vector<1x640xf32>
    %select_n3A = arith.select %gt3A_8, %broadcast_in_dim3A_18, %mul3A_17 : vector<1x640xi1>, vector<1x640xf32>
    %iota3A = tpu.iota {dimensions = array<i32: 0>} : vector<32x1xi32>
    %add3A_19 = arith.constant 1 : i32
    %add3A_20 = vector.broadcast %add3A_19 : i32 to vector<32x1xi32>
    %add3A_21 = arith.addi %iota3A, %add3A_20 : vector<32x1xi32>
    %convert_element_type3A = arith.sitofp %add3A_21 : vector<32x1xi32> to vector<32x1xf32>
    %mul3A_22 = arith.constant 0.628318548 : f32
    %mul3A_23 = vector.broadcast %mul3A_22 : f32 to vector<1x640xf32>
    %mul3A_24 = arith.mulf %mul3A_23, %sqrt3A : vector<1x640xf32>
    %mul3A_25 = vector.broadcast %convert_element_type3A : vector<32x1xf32> to vector<32x640xf32>
    %mul3A_26 = vector.broadcast %mul3A_24 : vector<1x640xf32> to vector<32x640xf32>
    %mul3A_27 = arith.mulf %mul3A_25, %mul3A_26 : vector<32x640xf32>
    %sin3A = math.sin %mul3A_27 : vector<32x640xf32>
    %mul3A_28 = arith.mulf %div3A_6, %select_n3A : vector<1x640xf32>
    %mul3A_29 = vector.broadcast %mul3A_28 : vector<1x640xf32> to vector<32x640xf32>
    %mul3A_30 = arith.mulf %sin3A, %mul3A_29 : vector<32x640xf32>
    %iota3A_31 = tpu.iota {dimensions = array<i32: 0>} : vector<32x640xi32>
    %eq3A = arith.constant 20 : i32
    %eq3A_32 = vector.broadcast %eq3A : i32 to vector<32x640xi32>
    %eq3A_33 = arith.cmpi eq, %iota3A_31, %eq3A_32 : vector<32x640xi32>
    %broadcast_in_dim3A_34 = vector.shape_cast %select_n3A : vector<1x640xf32> to vector<1x640xf32>
    %broadcast_in_dim3A_35 = vector.broadcast %broadcast_in_dim3A_34 : vector<1x640xf32> to vector<32x640xf32>
    %select_n3A_36 = arith.select %eq3A_33, %broadcast_in_dim3A_35, %mul3A_30 : vector<32x640xi1>, vector<32x640xf32>
    %transpose3A = tpu.transpose %select_n3A_36, [1, 0] : vector<32x640xf32> -> vector<640x32xf32>
    %get3A_37 = arith.constant 0 : index
    %get3A_38 = arith.constant 0 : index
    %get3A_39 = vector.load %arg8[%get3A_37, %get3A_38] : memref<32x384xf32, #tpu.memory_space<vmem>>, vector<32x384xf32>
    %dot_general3A = arith.constant dense<0.000000e+00> : vector<640x384xf32>
    %dot_general3A_40 = tpu.matmul %transpose3A, %get3A_39, %dot_general3A {dimension_numbers = #tpu.dot_dimension_numbers<[1], [0], [0], [1], [0, 0, 1, 1], [], []>, transpose_lhs_hint = false} : vector<640x32xf32>, vector<32x384xf32>, vector<640x384xf32> -> vector<640x384xf32>
    %mul3A_41 = vector.broadcast %div3A_6 : vector<1x640xf32> to vector<8x640xf32>
    %mul3A_42 = arith.mulf %get3A_1, %mul3A_41 : vector<8x640xf32>
    %transpose3A_43 = tpu.transpose %mul3A_42, [1, 0] : vector<8x640xf32> -> vector<640x8xf32>
    %get3A_44 = arith.constant 0 : index
    %get3A_45 = arith.constant 0 : index
    %get3A_46 = vector.load %arg1[%get3A_44, %get3A_45] : memref<640x128xf32, #tpu.memory_space<vmem>>, vector<640x128xf32>
    %get3A_47 = arith.constant 0 : index
    %get3A_48 = arith.constant 0 : index
    %get3A_49 = vector.load %arg4[%get3A_47, %get3A_48] : memref<128x128xf32, #tpu.memory_space<vmem>>, vector<128x128xf32>
    %dot_general3A_50 = arith.constant dense<0.000000e+00> : vector<640x128xf32>
    %dot_general3A_51 = tpu.matmul %get3A_46, %get3A_49, %dot_general3A_50 {dimension_numbers = #tpu.dot_dimension_numbers<[1], [0], [0], [1], [0, 0, 1, 1], [], []>, transpose_lhs_hint = false} : vector<640x128xf32>, vector<128x128xf32>, vector<640x128xf32> -> vector<640x128xf32>
    %get3A_52 = arith.constant 0 : index
    %get3A_53 = arith.constant 0 : index
    %get3A_54 = vector.load %arg5[%get3A_52, %get3A_53] : memref<1x128xf32, #tpu.memory_space<vmem>>, vector<1x128xf32>
    %add3A_55 = vector.broadcast %get3A_54 : vector<1x128xf32> to vector<640x128xf32>
    %add3A_56 = arith.addf %dot_general3A_51, %add3A_55 : vector<640x128xf32>
    %logistic3A = arith.negf %add3A_56 : vector<640x128xf32>
    %logistic3A_57 = math.exp %logistic3A : vector<640x128xf32>
    %logistic3A_58 = arith.constant 1.000000e+00 : f32
    %logistic3A_59 = vector.broadcast %logistic3A_58 : f32 to vector<640x128xf32>
    %logistic3A_60 = arith.addf %logistic3A_59, %logistic3A_57 : vector<640x128xf32>
    %logistic3A_61 = arith.divf %logistic3A_59, %logistic3A_60 : vector<640x128xf32>
    %mul3A_62 = arith.mulf %add3A_56, %logistic3A_61 : vector<640x128xf32>
    %get3A_63 = arith.constant 0 : index
    %get3A_64 = arith.constant 0 : index
    %get3A_65 = vector.load %arg6[%get3A_63, %get3A_64] : memref<128x384xf32, #tpu.memory_space<vmem>>, vector<128x384xf32>
    %dot_general3A_66 = arith.constant dense<0.000000e+00> : vector<640x384xf32>
    %dot_general3A_67 = tpu.matmul %mul3A_62, %get3A_65, %dot_general3A_66 {dimension_numbers = #tpu.dot_dimension_numbers<[1], [0], [0], [1], [0, 0, 1, 1], [], []>, transpose_lhs_hint = false} : vector<640x128xf32>, vector<128x384xf32>, vector<640x384xf32> -> vector<640x384xf32>
    %get3A_68 = arith.constant 0 : index
    %get3A_69 = arith.constant 0 : index
    %get3A_70 = vector.load %arg7[%get3A_68, %get3A_69] : memref<1x384xf32, #tpu.memory_space<vmem>>, vector<1x384xf32>
    %add3A_71 = vector.broadcast %get3A_70 : vector<1x384xf32> to vector<640x384xf32>
    %add3A_72 = arith.addf %dot_general3A_67, %add3A_71 : vector<640x384xf32>
    %mul3A_73 = arith.mulf %add3A_72, %dot_general3A_40 : vector<640x384xf32>
    %slice3A = vector.extract_strided_slice %mul3A_73 {offsets = [0, 0], sizes = [640, 128], strides = [1, 1]} : vector<640x384xf32> to vector<640x128xf32>
    %slice3A_74 = vector.extract_strided_slice %mul3A_73 {offsets = [0, 128], sizes = [640, 128], strides = [1, 1]} : vector<640x384xf32> to vector<640x128xf32>
    %slice3A_75 = vector.extract_strided_slice %mul3A_73 {offsets = [0, 256], sizes = [640, 128], strides = [1, 1]} : vector<640x384xf32> to vector<640x128xf32>
    %get3A_76 = arith.constant 0 : index
    %get3A_77 = arith.constant 0 : index
    %get3A_78 = vector.load %arg9[%get3A_76, %get3A_77] : memref<8x384xf32, #tpu.memory_space<vmem>>, vector<8x384xf32>
    %dot_general3A_79 = arith.constant dense<0.000000e+00> : vector<640x384xf32>
    %dot_general3A_80 = tpu.matmul %transpose3A_43, %get3A_78, %dot_general3A_79 {dimension_numbers = #tpu.dot_dimension_numbers<[1], [0], [0], [1], [0, 0, 1, 1], [], []>, transpose_lhs_hint = false} : vector<640x8xf32>, vector<8x384xf32>, vector<640x384xf32> -> vector<640x384xf32>
    %get3A_81 = arith.constant 0 : index
    %get3A_82 = arith.constant 0 : index
    %get3A_83 = arith.constant 0 : index
    %get3A_84 = vector.load %arg2[%get3A_81, %get3A_82, %get3A_83] : memref<3x640x128xf32, #tpu.memory_space<vmem>>, vector<3x640x128xf32>
    %slice3A_85 = vector.extract_strided_slice %get3A_84 {offsets = [0, 0, 0], sizes = [1, 640, 128], strides = [1, 1, 1]} : vector<3x640x128xf32> to vector<1x640x128xf32>
    %squeeze3A = vector.shape_cast %slice3A_85 : vector<1x640x128xf32> to vector<640x128xf32>
    %mul3A_86 = arith.mulf %squeeze3A, %slice3A : vector<640x128xf32>
    %slice3A_87 = vector.extract_strided_slice %dot_general3A_80 {offsets = [0, 0], sizes = [640, 128], strides = [1, 1]} : vector<640x384xf32> to vector<640x128xf32>
    %mul3A_88 = arith.mulf %slice3A_87, %slice3A_75 : vector<640x128xf32>
    %add3A_89 = arith.addf %mul3A_86, %mul3A_88 : vector<640x128xf32>
    %swap3A = arith.constant 0 : index
    %swap3A_90 = arith.constant 0 : index
    %swap3A_91 = vector.load %arg10[%swap3A, %swap3A_90] : memref<640x128xf32, #tpu.memory_space<vmem>>, vector<640x128xf32>
    tpu.vector_store %arg10[%swap3A, %swap3A_90], %add3A_89 {strides = array<i32>} : memref<640x128xf32, #tpu.memory_space<vmem>>, vector<640x128xf32>,
    %slice3A_92 = vector.extract_strided_slice %get3A_84 {offsets = [1, 0, 0], sizes = [1, 640, 128], strides = [1, 1, 1]} : vector<3x640x128xf32> to vector<1x640x128xf32>
    %squeeze3A_93 = vector.shape_cast %slice3A_92 : vector<1x640x128xf32> to vector<640x128xf32>
    %mul3A_94 = arith.mulf %squeeze3A_93, %slice3A : vector<640x128xf32>
    %slice3A_95 = vector.extract_strided_slice %dot_general3A_80 {offsets = [0, 128], sizes = [640, 128], strides = [1, 1]} : vector<640x384xf32> to vector<640x128xf32>
    %mul3A_96 = arith.mulf %slice3A_95, %slice3A_75 : vector<640x128xf32>
    %add3A_97 = arith.addf %mul3A_94, %mul3A_96 : vector<640x128xf32>
    %swap3A_98 = arith.constant 0 : index
    %swap3A_99 = arith.constant 0 : index
    %swap3A_100 = vector.load %arg11[%swap3A_98, %swap3A_99] : memref<640x128xf32, #tpu.memory_space<vmem>>, vector<640x128xf32>
    tpu.vector_store %arg11[%swap3A_98, %swap3A_99], %add3A_97 {strides = array<i32>} : memref<640x128xf32, #tpu.memory_space<vmem>>, vector<640x128xf32>,
    %slice3A_101 = vector.extract_strided_slice %get3A_84 {offsets = [2, 0, 0], sizes = [1, 640, 128], strides = [1, 1, 1]} : vector<3x640x128xf32> to vector<1x640x128xf32>
    %squeeze3A_102 = vector.shape_cast %slice3A_101 : vector<1x640x128xf32> to vector<640x128xf32>
    %mul3A_103 = arith.mulf %squeeze3A_102, %slice3A : vector<640x128xf32>
    %slice3A_104 = vector.extract_strided_slice %dot_general3A_80 {offsets = [0, 256], sizes = [640, 128], strides = [1, 1]} : vector<640x384xf32> to vector<640x128xf32>
    %mul3A_105 = arith.mulf %slice3A_104, %slice3A_75 : vector<640x128xf32>
    %add3A_106 = arith.addf %mul3A_103, %mul3A_105 : vector<640x128xf32>
    %swap3A_107 = arith.constant 0 : index
    %swap3A_108 = arith.constant 0 : index
    %swap3A_109 = vector.load %arg12[%swap3A_107, %swap3A_108] : memref<640x128xf32, #tpu.memory_space<vmem>>, vector<640x128xf32>
    tpu.vector_store %arg12[%swap3A_107, %swap3A_108], %add3A_106 {strides = array<i32>} : memref<640x128xf32, #tpu.memory_space<vmem>>, vector<640x128xf32>,
    %swap3A_110 = arith.constant 0 : index
    %swap3A_111 = arith.constant 0 : index
    %swap3A_112 = vector.load %arg13[%swap3A_110, %swap3A_111] : memref<640x128xf32, #tpu.memory_space<vmem>>, vector<640x128xf32>
    tpu.vector_store %arg13[%swap3A_110, %swap3A_111], %slice3A_74 {strides = array<i32>} : memref<640x128xf32, #tpu.memory_space<vmem>>, vector<640x128xf32>,
    return
  }
  func.func @transform_0(%arg0: i32) -> (i32, i32) {
    %add3A = arith.constant 125 : i32
    %add3A_0 = arith.addi %arg0, %add3A : i32
    %c0_i32 = arith.constant 0 : i32
    %c0_i32_1 = arith.constant 0 : i32
    return %add3A_0, %c0_i32 : i32, i32
  }
  func.func @transform_1(%arg0: i32) -> (i32, i32, i32) {
    %add3A = arith.constant 125 : i32
    %add3A_0 = arith.addi %arg0, %add3A : i32
    %c0_i32 = arith.constant 0 : i32
    %c0_i32_1 = arith.constant 0 : i32
    %c0_i32_2 = arith.constant 0 : i32
    return %c0_i32, %add3A_0, %c0_i32_1 : i32, i32, i32
  }
  func.func @transform_2(%arg0: i32) -> (i32, i32) {
    %add3A = arith.constant 125 : i32
    %add3A_0 = arith.addi %arg0, %add3A : i32
    %c0_i32 = arith.constant 0 : i32
    %c0_i32_1 = arith.constant 0 : i32
    return %c0_i32, %add3A_0 : i32, i32
  }
  func.func @transform_3(%arg0: i32) -> (i32, i32) {
    %c0_i32 = arith.constant 0 : i32
    %c0_i32_0 = arith.constant 0 : i32
    %c0_i32_1 = arith.constant 0 : i32
    return %c0_i32, %c0_i32_0 : i32, i32
  }
  func.func @transform_4(%arg0: i32) -> (i32, i32) {
    %c0_i32 = arith.constant 0 : i32
    %c0_i32_0 = arith.constant 0 : i32
    %c0_i32_1 = arith.constant 0 : i32
    return %c0_i32, %c0_i32_0 : i32, i32
  }
  func.func @transform_5(%arg0: i32) -> (i32, i32) {
    %c0_i32 = arith.constant 0 : i32
    %c0_i32_0 = arith.constant 0 : i32
    %c0_i32_1 = arith.constant 0 : i32
    return %c0_i32, %c0_i32_0 : i32, i32
  }
  func.func @transform_6(%arg0: i32) -> (i32, i32) {
    %c0_i32 = arith.constant 0 : i32
    %c0_i32_0 = arith.constant 0 : i32
    %c0_i32_1 = arith.constant 0 : i32
    return %c0_i32, %c0_i32_0 : i32, i32
  }
  func.func @transform_7(%arg0: i32) -> (i32, i32) {
    %c0_i32 = arith.constant 0 : i32
    %c0_i32_0 = arith.constant 0 : i32
    %c0_i32_1 = arith.constant 0 : i32
    return %c0_i32, %c0_i32_0 : i32, i32
  }
  func.func @transform_8(%arg0: i32) -> (i32, i32) {
    %c0_i32 = arith.constant 0 : i32
    %c0_i32_0 = arith.constant 0 : i32
    %c0_i32_1 = arith.constant 0 : i32
    return %c0_i32, %c0_i32_0 : i32, i32
  }
  func.func @transform_9(%arg0: i32) -> (i32, i32) {
    %c0_i32 = arith.constant 0 : i32
    %c0_i32_0 = arith.constant 0 : i32
    return %arg0, %c0_i32 : i32, i32
  }
  func.func @transform_10(%arg0: i32) -> (i32, i32) {
    %c0_i32 = arith.constant 0 : i32
    %c0_i32_0 = arith.constant 0 : i32
    return %arg0, %c0_i32 : i32, i32
  }
  func.func @transform_11(%arg0: i32) -> (i32, i32) {
    %c0_i32 = arith.constant 0 : i32
    %c0_i32_0 = arith.constant 0 : i32
    return %arg0, %c0_i32 : i32, i32
  }
  func.func @transform_12(%arg0: i32) -> (i32, i32) {
    %c0_i32 = arith.constant 0 : i32
    %c0_i32_0 = arith.constant 0 : i32
    return %arg0, %c0_i32 : i32, i32
  }
}

</mosaic_0001>

<sc_bundles>
// kernel: kernel.6.cloned.1.call-start
scs
__scs_entry_jumppad:
0x0: {  	(pc) =	sbr.rel $0x88, $3  }
0x1: {  	(tag) =	ssettag $0x0;
	lr =	simm.s32 $0x1  }
0x2: {  	[smem:$0x3F97] =	sst lr;
	_ =	strace $0xD0000000  }
0x3: {  	_ = 	snop  }
0x4: {  	_ = 	snop  }
0x5: {  	_ = 	snop  }
0x6: {  	_ = 	snop  }
0x7: {  	_ = 	snop  }
__scs_overlays_trampoline_lowered:
0x8: {  	[smem:$0x3FA6] =	sst s0  }
0x9: {  	[smem:$0x3FA7] =	sst s1  }
0xa: {  	[smem:$0x3FA8] =	sst s2  }
0xb: {  	[smem:$0x3FA9] =	sst s3  }
0xc: {  	[smem:$0x3FAA] =	sst s4  }
0xd: {  	[smem:$0x3FAB] =	sst s5  }
0xe: {  	[smem:$0x3FAC] =	sst s6  }
0xf: {  	[smem:$0x3FAD] =	sst s7  }
0x10: {  	[smem:$0x3FAE] =	sst s8  }
0x11: {  	[smem:$0x3FAF] =	sst s9;
	s0 =	simm.s32 @!p0 $0x0  }
0x12: {  	s1 =	sld [smem:$0x3F95];
	s0 =	simm.s32 @p0 $0x1  }
0x13: {  	[smem:$0x3FB0] =	sst s0;
	s0 =	simm.s32 @!p1 $0x0  }
0x14: {  	s2 =	sld [smem:$0x3F94];
	s0 =	simm.s32 @p1 $0x1  }
0x15: {  	[smem:$0x3FB1] =	sst s0;
	s0 =	simm.s32 @!p2 $0x0  }
0x16: {  	s3 =	sld [smem:$0x3FDB];
	s0 =	simm.s32 @p2 $0x1  }
0x17: {  	s4 =	simm.s32 $0x1BF5;
	[smem:$0x3FB3] =	sst s0  }
0x18: {  	s0 =	sld [smem:$0x3F96];
	_ =	swait.ge [sflag:s4], $0x0  }
0x19: {  	s7 =	sld [smem:$0x3F97]  }
0x1a: {  	s8 =	sadd.s32 $0xFFFFE003, lr  }
0x1b: {  	s9 =	sadd.s32 $0xFFFFFEF7, lr;
	s5 =	simm.s32 $0xFFFFFFFF;
	p2 =	slt.u32 s8, $0xFFFFF086  }
0x1c: {  	p1 =	slt.u32 s9, $0xF7A;
	s5 =	simm.s32 @!p2 $0x0  }
0x1d: {  	s5 =	simm.s32 @p1 $0x1;
	p0 =	seq.s32 s7, s2  }
0x1e: {  	s7 =	smul.u32 @!p0 $0xF7A, s2;
	p2 =	seq.s32 @!p0 s5, $0x0  }
0x1f: {  	s9 =	smul.u32 $0xF7A, s1;
	s8 =	simm.s32 @!p0 $0x1BF5;
	p2 =	por !p2, p0  }
0x20: {  	[sflag:s8] =	ssyncset.s32 @!p0 $0xFFFFF086;
	s6 =	sadd.s32 @!p0 s3, s7;
	s7 =	simm.s32 @!p0 $0x108  }
0x21: {  	s3 =	sadd.s32 s3, s9;
	s6 =	sadd.s32 @!p0 $0x88, s6;
	s7 =	simm.s32 @p2 $0x1082  }
0x22: {  	[simem:s7], [sflag:s8] =	dma.local @!p0 [hbm:s6], $0xF7A  }
0x23: {  	s9 =	sor.u32 $0xD0000000, s2;
	s6 =	simm.s32 $0x108;
	_ =	swait.ge @!p0 [sflag:s8], $0x0  }
0x24: {  	s3 =	sadd.s32 $0x88, s3;
	s6 =	simm.s32 @!p1 $0x1082;
	[sflag:s4] =	ssyncset.s32 $0xFFFFF086  }
0x25: {  	[simem:s6], [sflag:s4] =	dma.local [hbm:s3], $0xF7A  }
0x26: {  	[smem:$0x3F97] =	sst s1;
	(tag) =	ssettag s2;
	_ =	strace s9  }
0x27: {  	s1 =	sld [smem:$0x3FA7]  }
0x28: {  	s2 =	sld [smem:$0x3FA8]  }
0x29: {  	s4 =	sld [smem:$0x3FAA]  }
0x2a: {  	p0 =	seq.s32 s5, $0x0;
	s5 =	sld [smem:$0x3FAB]  }
0x2b: {  	s6 =	sld [smem:$0x3FAC]  }
0x2c: {  	s7 =	sld [smem:$0x3FAD]  }
0x2d: {  	s3 =	simm.s32 $0x108;
	s8 =	sld [smem:$0x3FAE]  }
0x2e: {  	s3 =	simm.s32 @!p0 $0x1082;
	s9 =	sld [smem:$0x3FAF]  }
0x2f: {  	lr =	sadd.s32 s0, s3;
	s0 =	sld [smem:$0x3FA6]  }
0x30: {  	s3 =	sld [smem:$0x3FA9]  }
0x31: {  	[smem:$0x3FB2] =	sst s10  }
0x32: {  	s10 =	sld [smem:$0x3FB0];
	_ =	sdelay $0x3  }
0x33: {  	p0 =	seq.s32 s10, $0x1;
	s10 =	sld [smem:$0x3FB2];
	_ =	sdelay $0x3  }
0x34: {  	[smem:$0x3FB2] =	sst s10  }
0x35: {  	s10 =	sld [smem:$0x3FB1];
	_ =	sdelay $0x3  }
0x36: {  	p1 =	seq.s32 s10, $0x1;
	s10 =	sld [smem:$0x3FB2];
	_ =	sdelay $0x3  }
0x37: {  	[smem:$0x3FB2] =	sst s10  }
0x38: {  	s10 =	sld [smem:$0x3FB3]  }
0x39: {  	_ = 	snop;
	(pc) =	sbr.ind lr, $3  }
0x3a: {  	_ = 	snop  }
0x3b: {  	_ = 	snop  }
0x3c: {  	p2 =	seq.s32 s10, $0x1;
	s10 =	sld [smem:$0x3FB2]  }
0x3d: {  	_ =	shalt  }
0x3e: {  	_ =	shalt  }
0x3f: {  	_ =	shalt  }
0x40: {  	_ =	shalt  }
0x41: {  	_ =	shalt  }
0x42: {  	_ =	shalt  }
0x43: {  	_ =	shalt  }
0x44: {  	_ =	shalt  }
0x45: {  	_ =	shalt  }
0x46: {  	_ =	shalt  }
0x47: {  	_ =	shalt  }
0x48: {  	_ =	shalt  }
0x49: {  	_ =	shalt  }
0x4a: {  	_ =	shalt  }
0x4b: {  	_ =	shalt  }
0x4c: {  	_ =	shalt  }
0x4d: {  	_ =	shalt  }
0x4e: {  	_ =	shalt  }
0x4f: {  	_ =	shalt  }
0x50: {  	_ =	shalt  }
0x51: {  	_ =	shalt  }
0x52: {  	_ =	shalt  }
0x53: {  	_ =	shalt  }
0x54: {  	_ =	shalt  }
0x55: {  	_ =	shalt  }
0x56: {  	_ =	shalt  }
0x57: {  	_ =	shalt  }
0x58: {  	_ =	shalt  }
0x59: {  	_ =	shalt  }
0x5a: {  	_ =	shalt  }
0x5b: {  	_ =	shalt  }
0x5c: {  	_ =	shalt  }
0x5d: {  	_ =	shalt  }
0x5e: {  	_ =	shalt  }
0x5f: {  	_ =	shalt  }
0x60: {  	_ =	shalt  }
0x61: {  	_ =	shalt  }
0x62: {  	_ =	shalt  }
0x63: {  	_ =	shalt  }
0x64: {  	_ =	shalt  }
0x65: {  	_ =	shalt  }
0x66: {  	_ =	shalt  }
0x67: {  	_ =	shalt  }
0x68: {  	_ =	shalt  }
0x69: {  	_ =	shalt  }
0x6a: {  	_ =	shalt  }
0x6b: {  	_ =	shalt  }
0x6c: {  	_ =	shalt  }
0x6d: {  	_ =	shalt  }
0x6e: {  	_ =	shalt  }
0x6f: {  	_ =	shalt  }
0x70: {  	_ =	shalt  }
0x71: {  	_ =	shalt  }
0x72: {  	_ =	shalt  }
0x73: {  	_ =	shalt  }
0x74: {  	_ =	shalt  }
0x75: {  	_ =	shalt  }
0x76: {  	_ =	shalt  }
0x77: {  	_ =	shalt  }
0x78: {  	_ =	shalt  }
0x79: {  	_ =	shalt  }
0x7a: {  	_ =	shalt  }
0x7b: {  	_ =	shalt  }
0x7c: {  	_ =	shalt  }
0x7d: {  	_ =	shalt  }
0x7e: {  	_ =	shalt  }
0x7f: {  	_ =	shalt  }
0x80: {  	_ =	shalt  }
0x81: {  	_ =	shalt  }
0x82: {  	_ =	shalt  }
0x83: {  	_ =	shalt  }
0x84: {  	_ =	shalt  }
0x85: {  	_ =	shalt  }
0x86: {  	_ =	shalt  }
0x87: {  	_ =	shalt  }
.Lfunc_end0:
.L_simem_size_0:
called_computation_lowered:
.L_overlay_start_0:
0x88: {  	s2 =	sld [smem:$0x3FD9]  }
0x89: {  	s3 =	sld [smem:$0x3FFE];
	_ =	sdelay $0x1  }
0x8a: {  	s1 =	srdreg.scid  }
0x8b: {  	s0 =	sand.u32 $0x1, s1  }
0x8c: {  	s14 =	sshll.u32 s0, $0xA;
	s2 =	sadd.s32 s3, s2  }
0x8d: {  	s2 =	sadd.s32 s2, s14  }
0x8e: {  	[smem:$0x3FBE] =	sst s2  }
0x8f: {  	_ = 	snop  }
0x90: {  	s2 =	sld [smem:$0x3FD0];
	_ =	sdelay $0x2  }
0x91: {  	s15 =	simm.s32 $0xA;
	s4 =	simm.s32 $0x10  }
0x92: {  	[smem:s4], [sflag:s15] =	dma.local [hbm:s2], $0x1  }
0x93: {  	_ =	swait.eq [sflag:s15], $0x1  }
0x94: {  	[sflag:s15] =	ssyncset.done $0x0  }
0x95: {  	[sflag:s15] =	ssyncadd.s32 $0xFFFFFFFF  }
0x96: {  	s16 =	sld [smem:$0x10];
	(tm) =	ssettm $0x1  }
0x97: {  	s17 =	sld [smem:$0x3FFB];
	_ =	sdelay $0x3  }
0x98: {  	_ =	strace s17  }
0x99: {  	s3 =	sld [smem:$0x3FFC];
	_ =	sdelay $0x3  }
0x9a: {  	_ =	strace s3  }
0x9b: {  	s3 =	sld [smem:$0x3FFD];
	_ =	sdelay $0x3  }
0x9c: {  	_ =	strace s3  }
0x9d: {  	_ =	strace $0x8FFFFFFF  }
0x9e: {  	s18 =	sld [smem:$0x3FDB];
	_ =	sdelay $0x1  }
0x9f: {  	s19 =	simm.s32 $_scs_section_size  }
0xa0: {  	s5 =	simm.s32 $_size__tile_overlayer_lowered;
	s6 =	simm.s32 $_tile_overlayer_lowered  }
0xa1: {  	s22 =	simm.s32 $0x1BFF;
	s21 =	sshll.u32 s6, $0x1;
	s3 =	sadd.s32 s19, s18  }
0xa2: {  	s7 =	simm.s32 $0x0;
	s20 =	sshll.u32 s5, $0x1;
	s5 =	sadd.s32 s21, s3  }
0xa3: {  	[timem:s7], [sflag:s22] =	dma.local [hbm:s5], s20  }
0xa4: {  	_ =	swait.ge [sflag:s22], s20  }
0xa5: {  	s4 =	ssub.s32 $0x0, s20;
	[sflag:s22] =	ssyncset.done $0x0  }
0xa6: {  	[sflag:s22] =	ssyncadd.s32 s4;
	_ =	sdelay $0x1  }
0xa7: {  	s23 =	simm.s32 $0x1B8B  }
0xa8: {  	_ =	swait.ge [sflag:s23], $0x1  }
0xa9: {  	[sflag:s23] =	ssyncset.done $0x0  }
0xaa: {  	s25 =	simm.s32 $0x1B8E;
	s24 =	sld [smem:$0x3FFE];
	[sflag:s23] =	ssyncadd.s32 $0xFFFFFFFF  }
0xab: {  	s26 =	simm.s32 $execute0_lowered;
	[smem:$0x3FD2] =	sst s25  }
0xac: {  	s5 =	sshll.u32 s26, $0x1;
	_ =	strace $0x80000046;
	[dreg:$0x1] =	wrdreg $0xFFFFFFFF  }
0xad: {  	s28 =	simm.s32 $_size_execute0_lowered;
	s3 =	sadd.s32 s3, s5;
	[dreg:$0x0] =	wrdreg $0x0  }
0xae: {  	s5 =	sshll.u32 s28, $0x1;
	[dreg:$0x2] =	wrdreg s3  }
0xaf: {  	[dreg:$0x3] =	wrdreg s5  }
0xb0: {  	[dreg:$0x4] =	wrdreg $0xC0  }
0xb1: {  	_ =	task [dreg:s7], $0x5FFFF  }
0xb2: {  	[dreg:$0x1] =	wrdreg $0xFFFFFFFF  }
0xb3: {  	[dreg:$0x0] =	wrdreg $0x60  }
0xb4: {  	[dreg:$0x2] =	wrdreg s24  }
0xb5: {  	[dreg:$0x3] =	wrdreg s16  }
0xb6: {  	[dreg:$0x4] =	wrdreg $0xBA000  }
0xb7: {  	[dreg:$0x5] =	wrdreg $0x9  }
0xb8: {  	_ =	task.clear_ibuf [dreg:s7], $0x6FFFF;
	_ =	strace $0x90000046  }
0xb9: {  	s29 =	simm.s32 $0x9;
	_ =	strace $0x80000048  }
0xba: {  	_ =	swait.ge [sflag:s29], $0x1  }
0xbb: {  	[sflag:s29] =	ssyncadd.s32 $0xFFFFFFFF  }
0xbc: {  	_ =	strace $0x90000048  }
0xbd: {  	_ =	sfence  }
0xbe: {  	s30 =	sld [smem:$0x0];
	_ =	sdelay $0x2  }
0xbf: {  	s31 =	sshll.u32 s1, $0xD;
	s1 =	sshrl.u32 s1, $0x2  }
0xc0: {  	s3 =	sand.u32 $0x4000, s31;
	s1 =	sadd.s32 s1, s30  }
0xc1: {  	s0 =	sor.u32 s3, s0;
	s1 =	sshll.u32 s1, $0x11  }
0xc2: {  	s0 =	sor.u32 s1, s0  }
0xc3: {  	s0 =	sadd.s32 $0x8F2B, s0  }
0xc4: {  	[sflag:s0] =	ssyncadd.remote.s32 $0x1  }
0xc5: {  	_ =	sfence.sel $0xFFFF  }
0xc6: {  	[dreg:$0x0] =	wrdreg $0xFFFFFFFF;
	(pc) =	sbr.abs _section_cstart, $3  }
0xc7: {  	[dreg:$0x1] =	wrdreg $0xFFFFFFFF  }
0xc8: {  	_ =	task.clear_ibuf [dreg:s7], $0x2FFFF;
	_ =	strace $0x9FFFFFFF  }
0xc9: {  	(tm) =	ssettm $0x7FFFFFFF  }
tec
execute0_lowered:
.L_overlay_start_1:
0x0: {  	(tag) =	ssettag $0x1  }
0x1: {  	s0 =	rddreg [dreg:$0x0]  }
0x2: {  	s3 =	rddreg [dreg:$0x1]  }
0x3: {  	s1 =	rddreg [dreg:$0x2];
	s2 =	simm.s32 $0x0;
	s6 =	srdreg.scid  }
0x4: {  	s17 =	stileid.u32;
	[smem:$0x7FF] =	sst s2  }
0x5: {  	s4 =	sadd.s32 $0x6800, s0;
	s5 =	sadd.s32 $0x13F000, s0;
	s10 =	smul.u32 $0x270, s17  }
0x6: {  	s9 =	sand.u32 $0x1, s6;
	s6 =	sadd.s32 $0x277800, s0;
	s12 =	smul.u32 $0x4E000, s17  }
0x7: {  	s7 =	sadd.s32 $0x1800, s0;
	_ =	strace $0x80000047;
	s8 =	ssub.s32 $0x2, s9  }
0x8: {  	p0 =	seq.s32 s9, $0x1;
	s11 =	sshrl.u32 s8, $0x1;
	s20 =	sshrl.u32 s12, $0x2  }
0x9: {  	s21 =	sadd.s32 $0xD0, s10;
	s10 =	sadd.s32 $0x1A0, s10;
	s13 =	ssub.s32 s8, s11  }
0xa: {  	s8 =	smul.u32 $0x1388, s17;
	s20 =	sadd.s32 s20, s1;
	s11 =	sadd.s32 $0x536C00, s0  }
0xb: {  	s22 =	sshll.u32 s21, $0x7;
	s23 =	sshll.u32 s10, $0x7;
	[dreg:$0x12] =	wrdreg s11  }
0xc: {  	s12 =	sshll.u32 s21, $0x4;
	s9 =	sadd.s32 s22, s1;
	[dreg:$0x4] =	wrdreg s20  }
0xd: {  	s10 =	sshll.u32 s10, $0x4;
	s24 =	sadd.s32 s23, s1;
	[dreg:$0x5] =	wrdreg s9  }
0xe: {  	s21 =	sadd.s32 s3, s12;
	s22 =	sadd.s32 s3, s10;
	[dreg:$0x6] =	wrdreg s24  }
0xf: {  	s25 =	sadd.s32 $0x28, s8;
	s14 =	sshrl.u32 s8, $0x3;
	[dreg:$0xb] =	wrdreg s21  }
0x10: {  	[dreg:$0xc] =	wrdreg s22;
	s15 =	sshrl.u32 s25, $0x3;
	s26 =	sadd.s32 s7, s14  }
0x11: {  	s23 =	sadd.s32 $0x50FA00, s0;
	[dreg:$0x7] =	wrdreg s26;
	s14 =	sadd.s32 s7, s15  }
0x12: {  	s9 =	sshll.u32 s25, $0x4;
	s26 =	sadd.s32 s23, s12;
	[dreg:$0x8] =	wrdreg s14  }
0x13: {  	s16 =	sadd.s32 $0x50, s8;
	s21 =	sadd.s32 s5, s9;
	[dreg:$0xf] =	wrdreg s26  }
0x14: {  	s15 =	sshrl.u32 s16, $0x3;
	s22 =	sadd.s32 s6, s9;
	[dreg:$0x15] =	wrdreg s21  }
0x15: {  	s18 =	sadd.s32 s7, s15;
	s14 =	smul.u32 $0x2700, s17;
	[dreg:$0x16] =	wrdreg s22  }
0x16: {  	[dreg:$0x9] =	wrdreg s18;
	s18 =	sadd.s32 s4, s9  }
0x17: {  	s19 =	sadd.s32 s3, s14;
	[dreg:$0x14] =	wrdreg s18  }
0x18: {  	s24 =	smul.u32 $0x13880, s17;
	s3 =	sadd.s32 $0x27000, s3;
	[dreg:$0xa] =	wrdreg s19  }
0x19: {  	s25 =	sadd.s32 s23, s14;
	[dreg:$0xd] =	wrdreg s3  }
0x1a: {  	s28 =	sadd.s32 s5, s24;
	s21 =	sadd.s32 s11, s14;
	[dreg:$0xe] =	wrdreg s25  }
0x1b: {  	s15 =	sshll.u32 s16, $0x4;
	s3 =	sadd.s32 s23, s10;
	[dreg:$0x1d] =	wrdreg s21  }
0x1c: {  	s29 =	sadd.s32 s6, s24;
	s25 =	sadd.s32 s5, s15;
	[dreg:$0x10] =	wrdreg s3  }
0x1d: {  	s21 =	sadd.s32 $0x138000, s1;
	s3 =	sadd.s32 $0x4E8800, s0;
	[dreg:$0x19] =	wrdreg s25  }
0x1e: {  	s19 =	sadd.s32 $0x3B0000, s0;
	s0 =	sadd.s32 $0x536A00, s0;
	[smem:$0x7FD] =	sst s21  }
0x1f: {  	s26 =	sadd.s32 s4, s24;
	s23 =	sadd.s32 s19, s9;
	[dreg:$0x13] =	wrdreg s0  }
0x20: {  	s30 =	sadd.s32 s19, s24;
	s24 =	sadd.s32 s4, s15;
	[dreg:$0x17] =	wrdreg s23  }
0x21: {  	s9 =	sadd.s32 s6, s15;
	[dreg:$0x18] =	wrdreg s24  }
0x22: {  	s15 =	sadd.s32 s19, s15;
	[dreg:$0x1a] =	wrdreg s9  }
0x23: {  	[dreg:$0x1b] =	wrdreg s15  }
0x24: {  	s31 =	simm.s32 $0x28;
	s25 =	smax.u32 s13, $0x1;
	[dreg:$0x11] =	wrdreg s3  }
0x25: {  	p1 =	sne.s32 s17, $0xF;
	s16 =	sadd.s32 s3, s14;
	[smem:$0x7FB] =	sst s25  }
0x26: {  	p2 =	seq.s32 s17, $0xF;
	s22 =	sadd.s32 s3, s12;
	[dreg:$0x1c] =	wrdreg s16  }
0x27: {  	s18 =	smul.u32 $0x271, s17;
	s23 =	sadd.s32 s11, s12;
	[dreg:$0x1e] =	wrdreg s22  }
.Ltmp0:
0x28: {  	s3 =	sadd.s32 s3, s10;
	[dreg:$0x1f] =	wrdreg s23;
	(pc) =	sbr.rel .LBB2_1-.Ltmp0, $4  }
0x29: {  	s24 =	sadd.s32 s11, s10;
	s0 =	sadd.s32 s18, s7;
	[smem:$0x7F9] =	sst s3  }
0x2a: {  	s25 =	simm.s32 $0x5000;
	s15 =	simm.s32 $0x0;
	[smem:$0x7FA] =	sst s24  }
0x2b: {  	s0 =	sadd.s32 $0x1E, s0;
	s22 =	simm.s32 $0x3;
	s3 =	simm.s32 $0x1  }
0x2c: {  	v0 =	vimm.f32 $0.0e+00;
	s23 =	simm.s32 $0x5180;
	s24 =	simm.s32 $0x3C00;
	[smem:$0x7FC] =	sst s0  }
.LBB2_22:
0x2d: {  	s0 =	sadd.s32 $0x27000, s9;
	s20 =	sshrl.u32 s21, $0x3  }
0x2e: {  	[hbm:s0], [sflag:s17] =	dma.local [spmem:s20], $0x100  }
0x2f: {  	_ =	swait.ge [sflag:s22], $0x100  }
0x30: {  	[sflag:s22] =	ssyncset.done $0x0  }
0x31: {  	[sflag:s22] =	ssyncadd.s32 $0xFFFFFF00  }
.LBB2_23:
0x32: {  	s0 =	sld [smem:$0x7FB];
	_ =	sdelay $0x1  }
0x33: {  	s15 =	sadd.s32 $0x1, s15  }
0x34: {  	p3 =	sne.s32 s15, s0  }
.Ltmp1:
0x35: {  	_ = 	snop;
	(pc) =	sbr.rel @!p3 .LBB2_24-.Ltmp1, $2  }
0x36: {  	_ =	sdelay $0x2  }
0x37: {  	s20 =	rddreg [dreg:$0x4]  }
.LBB2_1:
0x38: {  	s9 =	simm.s32 $0x70;
	s10 =	simm.s32 $0x3C0  }
.LBB2_2:
0x39: {  	p3 =	sne.s32 s10, $0x19FC0;
	[tilespmem:s9+$0x5200] =	vst v0  }
0x3a: {  	[tilespmem:s9+$0x5190] =	vst v0  }
0x3b: {  	[tilespmem:s9+$0x51A0] =	vst v0  }
.Ltmp2:
0x3c: {  	[tilespmem:s9+$0x51B0] =	vst v0;
	(pc) =	sbr.rel @p3 .LBB2_2-.Ltmp2, $4  }
0x3d: {  	[tilespmem:s9+$0x51C0] =	vst v0  }
0x3e: {  	[tilespmem:s9+$0x51D0] =	vst v0  }
0x3f: {  	[tilespmem:s9+$0x51E0] =	vst v0  }
0x40: {  	[tilespmem:s9+$0x51F0] =	vst v0;
	s9 =	sshra.s32 s10, $0x2;
	s10 =	sadd.s32 $0x200, s10  }
0x41: {  	[tilespmem:s9+$0x5200] =	vst v0  }
0x42: {  	[tilespmem:s9+$0x5190] =	vst v0  }
0x43: {  	[tilespmem:s9+$0x51A0] =	vst v0  }
0x44: {  	[tilespmem:s9+$0x51B0] =	vst v0  }
0x45: {  	[tilespmem:s9+$0x51C0] =	vst v0  }
0x46: {  	[tilespmem:s9+$0x51D0] =	vst v0  }
0x47: {  	[tilespmem:s9+$0x51E0] =	vst v0  }
0x48: {  	[tilespmem:s9+$0x51F0] =	vst v0;
	s17 =	simm.s32 $0x5200  }
0x49: {  	[spmem:s20] =	stream.linear.scatter [tilespmem:s17], [sflag:$0x3], $0x6800, $0x38;
	[tilespmem:$0x1F280] =	vst v63  }
0x4a: {  	_ =	swait.ge [sflag:s22], $0x6800  }
0x4b: {  	[sflag:s22] =	ssyncset.done $0x0  }
0x4c: {  	s0 =	rddreg [dreg:$0x5];
	[sflag:s22] =	ssyncadd.s32 $0xFFFF9800  }
0x4d: {  	[spmem:s0] =	stream.linear.scatter [tilespmem:s17], [sflag:$0x3], $0x6800, $0x38;
	[tilespmem:$0x1F280] =	vst v63  }
0x4e: {  	_ =	swait.ge [sflag:s22], $0x6800  }
0x4f: {  	[sflag:s22] =	ssyncset.done $0x0  }
.Ltmp3:
0x50: {  	s18 =	rddreg [dreg:$0x6];
	[sflag:s22] =	ssyncadd.s32 $0xFFFF9800;
	(pc) =	sbr.rel @!p0 .LBB2_4-.Ltmp3, $4  }
0x51: {  	[spmem:s18] =	stream.linear.scatter [tilespmem:s17], [sflag:$0x3], $0x6800, $0x38;
	[tilespmem:$0x1F280] =	vst v63  }
0x52: {  	_ =	swait.ge [sflag:s22], $0x6800  }
0x53: {  	[sflag:s22] =	ssyncset.done $0x0  }
0x54: {  	s16 =	sshrl.u32 @!p1 s21, $0x3;
	[sflag:s22] =	ssyncadd.s32 $0xFFFF9800  }
0x55: {  	s0 =	simm.s32 @!p1 $0x5200  }
0x56: {  	[spmem:s21] =	stream.linear.scatter @!p1 [tilespmem:s0], [sflag:$0x3], $0x800, $0x38;
	[tilespmem:$0x1F280] =	vst v63  }
0x57: {  	s0 =	simm.s32 @!p1 $0x3  }
0x58: {  	_ =	swait.ge @!p1 [sflag:s0], $0x800  }
0x59: {  	[sflag:s0] =	ssyncset.done @!p1 $0x0  }
0x5a: {  	[sflag:s0] =	ssyncadd.s32 @!p1 $0xFFFFF800  }
0x5b: {  	[bflag:$0x0] =	sbarrier.arrive $0xFFFF  }
0x5c: {  	s12 =	simm.s32 $0x0;
	s17 =	rddreg [dreg:$0x7]  }
0x5d: {  	[tilespmem:s25], [sflag:$0x1] =	stream.linear.gather [hbm4b:s17+s12], $0x28, $0x38;
	[tilespmem:$0x1F280] =	vst v63  }
0x5e: {  	_ = 	snop  }
0x5f: {  	[tilespmem:s12], [sflag:$0x1] =	stream.linear.gather [hbm4b:s29+s12], $0x1400, $0x38;
	[tilespmem:$0x1F280] =	vst v63  }
0x60: {  	s9 =	simm.s32 $0x5080;
	s18 =	rddreg [dreg:$0x8]  }
0x61: {  	[tilespmem:s9], [sflag:$0x1] =	stream.linear.gather [hbm4b:s18+s12], $0x28, $0x38;
	[tilespmem:$0x1F280] =	vst v63  }
0x62: {  	s11 =	simm.s32 $0x1400;
	s10 =	rddreg [dreg:$0x16]  }
0x63: {  	[tilespmem:s11], [sflag:$0x1] =	stream.linear.gather [hbm4b:s10+s12], $0x1400, $0x38;
	[tilespmem:$0x1F280] =	vst v63  }
.Ltmp4:
0x64: {  	s13 =	rddreg [dreg:$0x9];
	(pc) =	sbr.rel .LBB2_14-.Ltmp4, $4  }
0x65: {  	s14 =	simm.s32 $0x5100;
	s17 =	rddreg [dreg:$0x1a];
	s18 =	simm.s32 $0x2800  }
0x66: {  	[tilespmem:s14], [sflag:$0x1] =	stream.linear.gather [hbm4b:s13+s12], $0x28, $0x38;
	[tilespmem:$0x1F280] =	vst v63  }
0x67: {  	s9 =	sld [smem:$0x7FC];
	s10 =	simm.s32 $0x0;
	s13 =	simm.s32 $0x3  }
0x68: {  	[tilespmem:s18], [sflag:$0x1] =	stream.linear.gather [hbm4b:s17+s12], $0x1400, $0x38;
	[tilespmem:$0x1F280] =	vst v63  }
.LBB2_16:
0x69: {  	[spmem:s1] =	stream.indirect.scatter.add.f32 [tilespmem:s2], [sflag:$0x2], $0x80, s25, s31, $0xb8;
	[tilespmem:$0x1F280] =	vst v63  }
0x6a: {  	p4 =	sgt.u32 s10, $0x1E  }
0x6b: {  	s0 =	simm.s32 @!p4 $0x1  }
0x6c: {  	_ =	swait.ge @!p4 [sflag:s0], $0x28  }
0x6d: {  	[sflag:s0] =	ssyncset.done @!p4 $0x0  }
0x6e: {  	[sflag:s0] =	ssyncadd.s32 @!p4 $0xFFFFFFD8  }
0x6f: {  	_ =	swait.ge @!p4 [sflag:s0], $0x1400  }
0x70: {  	[sflag:s0] =	ssyncset.done @!p4 $0x0  }
0x71: {  	s11 =	simm.s32 @!p4 $0x2;
	[sflag:s0] =	ssyncadd.s32 @!p4 $0xFFFFEC00  }
0x72: {  	_ =	swait.ge @!p4 [sflag:s11], $0x1400  }
0x73: {  	s14 =	sadd.s32 @!p4 $0xFFFFFFF6, s9;
	[sflag:s11] =	ssyncset.done @!p4 $0x0  }
0x74: {  	s17 =	simm.s32 @!p4 $0x0;
	s18 =	simm.s32 @!p4 $0x5000;
	[sflag:s11] =	ssyncadd.s32 @!p4 $0xFFFFEC00  }
0x75: {  	[tilespmem:s18], [sflag:$0x1] =	stream.linear.gather @!p4 [hbm4b:s14+s17], $0x28, $0x38;
	[tilespmem:$0x1F280] =	vst v63  }
0x76: {  	s14 =	sadd.s32 @!p4 s12, s29  }
0x77: {  	s14 =	sadd.s32 @!p4 $0xA00, s14  }
0x78: {  	[tilespmem:s17], [sflag:$0x1] =	stream.linear.gather @!p4 [hbm4b:s14+s17], $0x1400, $0x38;
	[tilespmem:$0x1F280] =	vst v63  }
0x79: {  	s18 =	simm.s32 @!p4 $0x1400;
	s14 =	simm.s32 @!p4 $0x28;
	s17 =	simm.s32 @!p4 $0x5080  }
0x7a: {  	[spmem:s1] =	stream.indirect.scatter.add.f32 @!p4 [tilespmem:s18], [sflag:$0x2], $0x80, s17, s14, $0xb8;
	[tilespmem:$0x1F280] =	vst v63  }
0x7b: {  	_ =	swait.ge @!p4 [sflag:s0], $0x28  }
0x7c: {  	[sflag:s0] =	ssyncset.done @!p4 $0x0  }
0x7d: {  	[sflag:s0] =	ssyncadd.s32 @!p4 $0xFFFFFFD8  }
0x7e: {  	_ =	swait.ge @!p4 [sflag:s0], $0x1400  }
0x7f: {  	[sflag:s0] =	ssyncset.done @!p4 $0x0  }
0x80: {  	p5 =	seq.s32 @!p4 s12, $0x12C00;
	[sflag:s0] =	ssyncadd.s32 @!p4 $0xFFFFEC00  }
0x81: {  	p5 =	por p5, p4;
	_ =	swait.ge @!p4 [sflag:s11], $0x1400  }
0x82: {  	s17 =	simm.s32 @!p5 $0x5080;
	[sflag:s11] =	ssyncset.done @!p4 $0x0  }
0x83: {  	s0 =	sadd.s32 @!p5 $0xFFFFFFFB, s9;
	[sflag:s11] =	ssyncadd.s32 @!p4 $0xFFFFEC00;
	s11 =	simm.s32 @!p5 $0x0  }
0x84: {  	[tilespmem:s17], [sflag:$0x1] =	stream.linear.gather @!p5 [hbm4b:s0+s11], $0x28, $0x38;
	[tilespmem:$0x1F280] =	vst v63  }
0x85: {  	s0 =	sadd.s32 @!p5 s12, s29  }
0x86: {  	s17 =	simm.s32 @!p5 $0x1400;
	s0 =	sadd.s32 @!p5 $0xC80, s0  }
0x87: {  	[tilespmem:s17], [sflag:$0x1] =	stream.linear.gather @!p5 [hbm4b:s0+s11], $0x1400, $0x38;
	[tilespmem:$0x1F280] =	vst v63  }
0x88: {  	s0 =	simm.s32 @!p4 $0x5100;
	s11 =	simm.s32 @!p4 $0x2800  }
0x89: {  	[spmem:s1] =	stream.indirect.scatter.add.f32 @!p4 [tilespmem:s11], [sflag:$0x2], $0x80, s0, s14, $0xb8;
	[tilespmem:$0x1F280] =	vst v63  }
0x8a: {  	s0 =	simm.s32 @p3 $0x1  }
0x8b: {  	_ =	swait.ge @p3 [sflag:s0], $0x28  }
0x8c: {  	[sflag:s0] =	ssyncset.done @p3 $0x0  }
0x8d: {  	[sflag:s0] =	ssyncadd.s32 @p3 $0xFFFFFFD8  }
0x8e: {  	_ =	swait.ge @p3 [sflag:s0], $0x1400  }
0x8f: {  	[sflag:s0] =	ssyncset.done @p3 $0x0  }
0x90: {  	[sflag:s0] =	ssyncadd.s32 @p3 $0xFFFFEC00;
	s0 =	simm.s32 @p3 $0x2  }
0x91: {  	p4 =	sgt.u32 @p3 s10, $0x1D;
	_ =	swait.ge @p3 [sflag:s0], $0x1400  }
0x92: {  	p4 =	por p4, !p3;
	[sflag:s0] =	ssyncset.done @p3 $0x0  }
0x93: {  	s11 =	simm.s32 @!p4 $0x5100;
	[sflag:s0] =	ssyncadd.s32 @p3 $0xFFFFEC00;
	s0 =	simm.s32 @!p4 $0x0  }
0x94: {  	[tilespmem:s11], [sflag:$0x1] =	stream.linear.gather @!p4 [hbm4b:s9+s0], $0x28, $0x38;
	[tilespmem:$0x1F280] =	vst v63  }
0x95: {  	s11 =	sadd.s32 @!p4 s12, s29  }
0x96: {  	s14 =	simm.s32 @!p4 $0x2800;
	s12 =	sadd.s32 $0xA00, s12;
	s11 =	sadd.s32 @!p4 $0xF00, s11  }
0x97: {  	[tilespmem:s14], [sflag:$0x1] =	stream.linear.gather @!p4 [hbm4b:s11+s0], $0x1400, $0x38;
	[tilespmem:$0x1F280] =	vst v63  }
0x98: {  	s0 =	simm.s32 @p3 $0x28;
	s11 =	simm.s32 @p3 $0x5180;
	s14 =	simm.s32 @p3 $0x3C00  }
0x99: {  	[spmem:s1] =	stream.indirect.scatter.add.f32 @p3 [tilespmem:s14], [sflag:$0x2], $0x80, s11, s0, $0xb8;
	[tilespmem:$0x1F280] =	vst v63  }
0x9a: {  	p3 =	sne.s32 s12, $0x14000  }
.Ltmp5:
0x9b: {  	_ = 	snop;
	(pc) =	sbr.rel @!p3 .LBB2_17-.Ltmp5, $2  }
0x9c: {  	_ =	sdelay $0x2  }
0x9d: {  	s13 =	sadd.s32 $0x4, s13;
	s10 =	sadd.s32 $0x1, s10;
	s9 =	sadd.s32 $0x14, s9  }
.LBB2_14:
0x9e: {  	_ =	swait.ge [sflag:s3], $0x28  }
0x9f: {  	p4 =	seq.s32 s12, $0x0;
	[sflag:s3] =	ssyncset.done $0x0  }
0xa0: {  	p3 =	sgt.u32 @!p4 s13, $0x7C;
	[sflag:s3] =	ssyncadd.s32 $0xFFFFFFD8  }
0xa1: {  	p5 =	por p4, !p3;
	_ =	swait.ge [sflag:s3], $0x1400  }
.Ltmp6:
0xa2: {  	[sflag:s3] =	ssyncset.done $0x0;
	(pc) =	sbr.rel @!p5 .LBB2_16-.Ltmp6, $4  }
0xa3: {  	s0 =	simm.s32 @!p4 $0x2;
	[sflag:s3] =	ssyncadd.s32 $0xFFFFEC00  }
0xa4: {  	_ =	swait.ge @!p4 [sflag:s0], $0x1400  }
0xa5: {  	[sflag:s0] =	ssyncset.done @!p4 $0x0  }
0xa6: {  	p3 =	por @!p4 $0x0, $0x0;
	[sflag:s0] =	ssyncadd.s32 @!p4 $0xFFFFEC00  }
0xa7: {  	s0 =	smov.u32 s13  }
0xa8: {  	s0 =	simm.s32 @p4 $0x3  }
0xa9: {  	s0 =	smul.u32 $0x28, s0;
	_ =	sdelay $0x1  }
0xaa: {  	s0 =	sadd.s32 s8, s0  }
.Ltmp7:
0xab: {  	s11 =	sshrl.u32 s0, $0x3;
	(pc) =	sbr.rel .LBB2_16-.Ltmp7, $4  }
0xac: {  	s0 =	sshll.u32 s0, $0x4;
	s11 =	sadd.s32 s7, s11  }
0xad: {  	[tilespmem:s23], [sflag:$0x1] =	stream.linear.gather [hbm4b:s11+s2], $0x28, $0x38;
	[tilespmem:$0x1F280] =	vst v63  }
0xae: {  	p3 =	por $0x1, $0x1;
	s0 =	sadd.s32 s6, s0  }
0xaf: {  	[tilespmem:s24], [sflag:$0x1] =	stream.linear.gather [hbm4b:s0+s2], $0x1400, $0x38;
	[tilespmem:$0x1F280] =	vst v63  }
.LBB2_4:
0xb0: {  	s9 =	simm.s32 @!p1 $0x5200  }
0xb1: {  	[spmem:s21] =	stream.linear.scatter @!p1 [tilespmem:s9], [sflag:$0x3], $0x800, $0x38;
	[tilespmem:$0x1F280] =	vst v63  }
0xb2: {  	s9 =	simm.s32 @!p1 $0x3  }
0xb3: {  	_ =	swait.ge @!p1 [sflag:s9], $0x800  }
0xb4: {  	[sflag:s9] =	ssyncset.done @!p1 $0x0  }
0xb5: {  	[sflag:s9] =	ssyncadd.s32 @!p1 $0xFFFFF800  }
0xb6: {  	[bflag:$0x0] =	sbarrier.arrive $0xFFFF  }
0xb7: {  	s12 =	simm.s32 $0x0;
	s0 =	rddreg [dreg:$0x7]  }
0xb8: {  	[tilespmem:s25], [sflag:$0x1] =	stream.linear.gather [hbm4b:s0+s12], $0x28, $0x38;
	[tilespmem:$0x1F280] =	vst v63  }
0xb9: {  	_ = 	snop  }
0xba: {  	[tilespmem:s12], [sflag:$0x1] =	stream.linear.gather [hbm4b:s26+s12], $0x1400, $0x38;
	[tilespmem:$0x1F280] =	vst v63  }
0xbb: {  	s10 =	simm.s32 $0x5080;
	s9 =	rddreg [dreg:$0x8]  }
0xbc: {  	[tilespmem:s10], [sflag:$0x1] =	stream.linear.gather [hbm4b:s9+s12], $0x28, $0x38;
	[tilespmem:$0x1F280] =	vst v63  }
0xbd: {  	s13 =	simm.s32 $0x1400;
	s11 =	rddreg [dreg:$0x14]  }
0xbe: {  	[tilespmem:s13], [sflag:$0x1] =	stream.linear.gather [hbm4b:s11+s12], $0x1400, $0x38;
	[tilespmem:$0x1F280] =	vst v63  }
.Ltmp8:
0xbf: {  	s14 =	rddreg [dreg:$0x9];
	(pc) =	sbr.rel .LBB2_5-.Ltmp8, $4  }
0xc0: {  	s17 =	simm.s32 $0x5100;
	s21 =	simm.s32 $0x2800;
	s18 =	rddreg [dreg:$0x18]  }
0xc1: {  	[tilespmem:s17], [sflag:$0x1] =	stream.linear.gather [hbm4b:s14+s12], $0x28, $0x38;
	[tilespmem:$0x1F280] =	vst v63  }
0xc2: {  	s9 =	simm.s32 $0x0;
	s13 =	simm.s32 $0x3;
	s14 =	sld [smem:$0x7FC]  }
0xc3: {  	[tilespmem:s21], [sflag:$0x1] =	stream.linear.gather [hbm4b:s18+s12], $0x1400, $0x38;
	[tilespmem:$0x1F280] =	vst v63  }
.LBB2_7:
0xc4: {  	[spmem:s1] =	stream.indirect.scatter.add.f32 [tilespmem:s2], [sflag:$0x2], $0x80, s25, s31, $0xb8;
	[tilespmem:$0x1F280] =	vst v63  }
0xc5: {  	p4 =	sgt.u32 s9, $0x1E  }
0xc6: {  	s10 =	simm.s32 @!p4 $0x1  }
0xc7: {  	_ =	swait.ge @!p4 [sflag:s10], $0x28  }
0xc8: {  	[sflag:s10] =	ssyncset.done @!p4 $0x0  }
0xc9: {  	[sflag:s10] =	ssyncadd.s32 @!p4 $0xFFFFFFD8  }
0xca: {  	_ =	swait.ge @!p4 [sflag:s10], $0x1400  }
0xcb: {  	[sflag:s10] =	ssyncset.done @!p4 $0x0  }
0xcc: {  	s17 =	simm.s32 @!p4 $0x2;
	[sflag:s10] =	ssyncadd.s32 @!p4 $0xFFFFEC00  }
0xcd: {  	_ =	swait.ge @!p4 [sflag:s17], $0x1400  }
0xce: {  	s18 =	sadd.s32 @!p4 $0xFFFFFFF6, s14;
	[sflag:s17] =	ssyncset.done @!p4 $0x0  }
0xcf: {  	s11 =	simm.s32 @!p4 $0x0;
	s21 =	simm.s32 @!p4 $0x5000;
	[sflag:s17] =	ssyncadd.s32 @!p4 $0xFFFFEC00  }
0xd0: {  	[tilespmem:s21], [sflag:$0x1] =	stream.linear.gather @!p4 [hbm4b:s18+s11], $0x28, $0x38;
	[tilespmem:$0x1F280] =	vst v63  }
0xd1: {  	s18 =	sadd.s32 @!p4 s12, s26  }
0xd2: {  	s18 =	sadd.s32 @!p4 $0xA00, s18  }
0xd3: {  	[tilespmem:s11], [sflag:$0x1] =	stream.linear.gather @!p4 [hbm4b:s18+s11], $0x1400, $0x38;
	[tilespmem:$0x1F280] =	vst v63  }
0xd4: {  	s21 =	simm.s32 @!p4 $0x1400;
	s11 =	simm.s32 @!p4 $0x28;
	s18 =	simm.s32 @!p4 $0x5080  }
0xd5: {  	[spmem:s1] =	stream.indirect.scatter.add.f32 @!p4 [tilespmem:s21], [sflag:$0x2], $0x80, s18, s11, $0xb8;
	[tilespmem:$0x1F280] =	vst v63  }
0xd6: {  	_ =	swait.ge @!p4 [sflag:s10], $0x28  }
0xd7: {  	[sflag:s10] =	ssyncset.done @!p4 $0x0  }
0xd8: {  	[sflag:s10] =	ssyncadd.s32 @!p4 $0xFFFFFFD8  }
0xd9: {  	_ =	swait.ge @!p4 [sflag:s10], $0x1400  }
0xda: {  	[sflag:s10] =	ssyncset.done @!p4 $0x0  }
0xdb: {  	p5 =	seq.s32 @!p4 s12, $0x12C00;
	[sflag:s10] =	ssyncadd.s32 @!p4 $0xFFFFEC00  }
0xdc: {  	p5 =	por p5, p4;
	_ =	swait.ge @!p4 [sflag:s17], $0x1400  }
0xdd: {  	s18 =	simm.s32 @!p5 $0x5080;
	[sflag:s17] =	ssyncset.done @!p4 $0x0  }
0xde: {  	s10 =	sadd.s32 @!p5 $0xFFFFFFFB, s14;
	[sflag:s17] =	ssyncadd.s32 @!p4 $0xFFFFEC00;
	s17 =	simm.s32 @!p5 $0x0  }
0xdf: {  	[tilespmem:s18], [sflag:$0x1] =	stream.linear.gather @!p5 [hbm4b:s10+s17], $0x28, $0x38;
	[tilespmem:$0x1F280] =	vst v63  }
0xe0: {  	s10 =	sadd.s32 @!p5 s12, s26  }
0xe1: {  	s18 =	simm.s32 @!p5 $0x1400;
	s10 =	sadd.s32 @!p5 $0xC80, s10  }
0xe2: {  	[tilespmem:s18], [sflag:$0x1] =	stream.linear.gather @!p5 [hbm4b:s10+s17], $0x1400, $0x38;
	[tilespmem:$0x1F280] =	vst v63  }
0xe3: {  	s10 =	simm.s32 @!p4 $0x5100;
	s17 =	simm.s32 @!p4 $0x2800  }
0xe4: {  	[spmem:s1] =	stream.indirect.scatter.add.f32 @!p4 [tilespmem:s17], [sflag:$0x2], $0x80, s10, s11, $0xb8;
	[tilespmem:$0x1F280] =	vst v63  }
0xe5: {  	s10 =	simm.s32 @p3 $0x1  }
0xe6: {  	_ =	swait.ge @p3 [sflag:s10], $0x28  }
0xe7: {  	[sflag:s10] =	ssyncset.done @p3 $0x0  }
0xe8: {  	[sflag:s10] =	ssyncadd.s32 @p3 $0xFFFFFFD8  }
0xe9: {  	_ =	swait.ge @p3 [sflag:s10], $0x1400  }
0xea: {  	[sflag:s10] =	ssyncset.done @p3 $0x0  }
0xeb: {  	[sflag:s10] =	ssyncadd.s32 @p3 $0xFFFFEC00;
	s10 =	simm.s32 @p3 $0x2  }
0xec: {  	p4 =	sgt.u32 @p3 s9, $0x1D;
	_ =	swait.ge @p3 [sflag:s10], $0x1400  }
0xed: {  	p4 =	por p4, !p3;
	[sflag:s10] =	ssyncset.done @p3 $0x0  }
0xee: {  	s11 =	simm.s32 @!p4 $0x5100;
	[sflag:s10] =	ssyncadd.s32 @p3 $0xFFFFEC00;
	s10 =	simm.s32 @!p4 $0x0  }
0xef: {  	[tilespmem:s11], [sflag:$0x1] =	stream.linear.gather @!p4 [hbm4b:s14+s10], $0x28, $0x38;
	[tilespmem:$0x1F280] =	vst v63  }
0xf0: {  	s11 =	sadd.s32 @!p4 s12, s26  }
0xf1: {  	s17 =	simm.s32 @!p4 $0x2800;
	s12 =	sadd.s32 $0xA00, s12;
	s11 =	sadd.s32 @!p4 $0xF00, s11  }
0xf2: {  	[tilespmem:s17], [sflag:$0x1] =	stream.linear.gather @!p4 [hbm4b:s11+s10], $0x1400, $0x38;
	[tilespmem:$0x1F280] =	vst v63  }
0xf3: {  	s10 =	simm.s32 @p3 $0x28;
	s11 =	simm.s32 @p3 $0x5180;
	s17 =	simm.s32 @p3 $0x3C00  }
0xf4: {  	[spmem:s1] =	stream.indirect.scatter.add.f32 @p3 [tilespmem:s17], [sflag:$0x2], $0x80, s11, s10, $0xb8;
	[tilespmem:$0x1F280] =	vst v63  }
0xf5: {  	p3 =	sne.s32 s12, $0x14000  }
.Ltmp9:
0xf6: {  	_ = 	snop;
	(pc) =	sbr.rel @!p3 .LBB2_8-.Ltmp9, $2  }
0xf7: {  	_ =	sdelay $0x2  }
0xf8: {  	s13 =	sadd.s32 $0x4, s13;
	s9 =	sadd.s32 $0x1, s9;
	s14 =	sadd.s32 $0x14, s14  }
.LBB2_5:
0xf9: {  	_ =	swait.ge [sflag:s3], $0x28  }
0xfa: {  	p4 =	seq.s32 s12, $0x0;
	[sflag:s3] =	ssyncset.done $0x0  }
0xfb: {  	p3 =	sgt.u32 @!p4 s13, $0x7C;
	[sflag:s3] =	ssyncadd.s32 $0xFFFFFFD8  }
0xfc: {  	p5 =	por p4, !p3;
	_ =	swait.ge [sflag:s3], $0x1400  }
.Ltmp10:
0xfd: {  	[sflag:s3] =	ssyncset.done $0x0;
	(pc) =	sbr.rel @!p5 .LBB2_7-.Ltmp10, $4  }
0xfe: {  	s10 =	simm.s32 @!p4 $0x2;
	[sflag:s3] =	ssyncadd.s32 $0xFFFFEC00  }
0xff: {  	_ =	swait.ge @!p4 [sflag:s10], $0x1400  }
0x100: {  	[sflag:s10] =	ssyncset.done @!p4 $0x0  }
0x101: {  	p3 =	por @!p4 $0x0, $0x0;
	[sflag:s10] =	ssyncadd.s32 @!p4 $0xFFFFEC00  }
0x102: {  	s10 =	smov.u32 s13  }
0x103: {  	s10 =	simm.s32 @p4 $0x3  }
0x104: {  	s10 =	smul.u32 $0x28, s10;
	_ =	sdelay $0x1  }
0x105: {  	s10 =	sadd.s32 s8, s10  }
.Ltmp11:
0x106: {  	s17 =	sshrl.u32 s10, $0x3;
	(pc) =	sbr.rel .LBB2_7-.Ltmp11, $4  }
0x107: {  	s10 =	sshll.u32 s10, $0x4;
	s17 =	sadd.s32 s7, s17  }
0x108: {  	[tilespmem:s23], [sflag:$0x1] =	stream.linear.gather [hbm4b:s17+s2], $0x28, $0x38;
	[tilespmem:$0x1F280] =	vst v63  }
0x109: {  	p3 =	por $0x1, $0x1;
	s10 =	sadd.s32 s4, s10  }
0x10a: {  	[tilespmem:s24], [sflag:$0x1] =	stream.linear.gather [hbm4b:s10+s2], $0x1400, $0x38;
	[tilespmem:$0x1F280] =	vst v63  }
.LBB2_17:
0x10b: {  	s0 =	simm.s32 $0x2  }
0x10c: {  	_ =	swait.ge [sflag:s0], $0x1400  }
0x10d: {  	[sflag:s0] =	ssyncset.done $0x0  }
0x10e: {  	[sflag:s0] =	ssyncadd.s32 $0xFFFFEC00  }
0x10f: {  	s13 =	stileid.u32;
	[bflag:$0x0] =	sbarrier.arrive $0xFFFF  }
0x110: {  	s9 =	sshrl.u32 s20, $0x3;
	s0 =	sshll.u32 s13, $0x6;
	s14 =	rddreg [dreg:$0xe]  }
0x111: {  	s17 =	sor.u32 $0x1C03, s0;
	[smem:$0x7F7] =	sst s9  }
0x112: {  	[hbm:s14], [sflag:s17] =	dma.local [spmem:s9], $0xD00  }
0x113: {  	_ =	swait.ge [sflag:s22], $0xD00  }
0x114: {  	[sflag:s22] =	ssyncset.done $0x0;
	s18 =	rddreg [dreg:$0x5]  }
0x115: {  	s11 =	rddreg [dreg:$0xf];
	[sflag:s22] =	ssyncadd.s32 $0xFFFFF300;
	s13 =	sshrl.u32 s18, $0x3  }
0x116: {  	[hbm:s11], [sflag:s17] =	dma.local [spmem:s13], $0xD00  }
0x117: {  	_ =	swait.ge [sflag:s22], $0xD00  }
0x118: {  	[sflag:s22] =	ssyncset.done $0x0;
	s10 =	rddreg [dreg:$0x6]  }
0x119: {  	s12 =	rddreg [dreg:$0x10];
	[sflag:s22] =	ssyncadd.s32 $0xFFFFF300;
	s14 =	sshrl.u32 s10, $0x3  }
0x11a: {  	[hbm:s12], [sflag:s17] =	dma.local [spmem:s14], $0xD00  }
0x11b: {  	_ =	swait.ge [sflag:s22], $0xD00  }
0x11c: {  	[sflag:s22] =	ssyncset.done $0x0  }
0x11d: {  	s0 =	rddreg [dreg:$0x13];
	[sflag:s22] =	ssyncadd.s32 $0xFFFFF300  }
0x11e: {  	[hbm:s0], [sflag:s17] =	dma.local @!p1 [spmem:s16], $0x100  }
0x11f: {  	s0 =	simm.s32 @!p1 $0x3  }
0x120: {  	_ =	swait.ge @!p1 [sflag:s0], $0x100  }
0x121: {  	[sflag:s0] =	ssyncset.done @!p1 $0x0  }
0x122: {  	s11 =	simm.s32 $0x5200;
	[sflag:s0] =	ssyncadd.s32 @!p1 $0xFFFFFF00  }
0x123: {  	[spmem:s20] =	stream.linear.scatter [tilespmem:s11], [sflag:$0x3], $0x6800, $0x38;
	[tilespmem:$0x1F280] =	vst v63  }
0x124: {  	_ =	swait.ge [sflag:s22], $0x6800  }
0x125: {  	[sflag:s22] =	ssyncset.done $0x0  }
0x126: {  	[sflag:s22] =	ssyncadd.s32 $0xFFFF9800  }
0x127: {  	[spmem:s18] =	stream.linear.scatter [tilespmem:s11], [sflag:$0x3], $0x6800, $0x38;
	[tilespmem:$0x1F280] =	vst v63  }
0x128: {  	_ =	swait.ge [sflag:s22], $0x6800  }
0x129: {  	[sflag:s22] =	ssyncset.done $0x0  }
0x12a: {  	[sflag:s22] =	ssyncadd.s32 $0xFFFF9800  }
0x12b: {  	[spmem:s10] =	stream.linear.scatter [tilespmem:s11], [sflag:$0x3], $0x6800, $0x38;
	[tilespmem:$0x1F280] =	vst v63  }
0x12c: {  	_ =	swait.ge [sflag:s22], $0x6800  }
0x12d: {  	[sflag:s22] =	ssyncset.done $0x0  }
0x12e: {  	s9 =	simm.s32 @!p1 $0x5200;
	[sflag:s22] =	ssyncadd.s32 $0xFFFF9800  }
0x12f: {  	[spmem:s21] =	stream.linear.scatter @!p1 [tilespmem:s9], [sflag:$0x3], $0x800, $0x38;
	[tilespmem:$0x1F280] =	vst v63  }
0x130: {  	_ =	swait.ge @!p1 [sflag:s0], $0x800  }
0x131: {  	[sflag:s0] =	ssyncset.done @!p1 $0x0  }
0x132: {  	[sflag:s0] =	ssyncadd.s32 @!p1 $0xFFFFF800  }
0x133: {  	[bflag:$0x0] =	sbarrier.arrive $0xFFFF  }
0x134: {  	s16 =	simm.s32 $0x0;
	s18 =	rddreg [dreg:$0x7]  }
0x135: {  	[tilespmem:s25], [sflag:$0x1] =	stream.linear.gather [hbm4b:s18+s16], $0x28, $0x38;
	[tilespmem:$0x1F280] =	vst v63  }
0x136: {  	s20 =	rddreg [dreg:$0x8]  }
0x137: {  	[tilespmem:s16], [sflag:$0x1] =	stream.linear.gather [hbm4b:s30+s16], $0x1400, $0x38;
	[tilespmem:$0x1F280] =	vst v63  }
0x138: {  	s21 =	simm.s32 $0x5080;
	s10 =	rddreg [dreg:$0x17]  }
0x139: {  	[tilespmem:s21], [sflag:$0x1] =	stream.linear.gather [hbm4b:s20+s16], $0x28, $0x38;
	[tilespmem:$0x1F280] =	vst v63  }
0x13a: {  	s11 =	simm.s32 $0x1400;
	s12 =	rddreg [dreg:$0x9]  }
0x13b: {  	[tilespmem:s11], [sflag:$0x1] =	stream.linear.gather [hbm4b:s10+s16], $0x1400, $0x38;
	[tilespmem:$0x1F280] =	vst v63  }
.Ltmp12:
0x13c: {  	s9 =	sld [smem:$0x7FC];
	(pc) =	sbr.rel .LBB2_18-.Ltmp12, $4  }
0x13d: {  	s18 =	simm.s32 $0x5100;
	s20 =	rddreg [dreg:$0x1b]  }
0x13e: {  	[tilespmem:s18], [sflag:$0x1] =	stream.linear.gather [hbm4b:s12+s16], $0x28, $0x38;
	[tilespmem:$0x1F280] =	vst v63  }
0x13f: {  	s21 =	simm.s32 $0x2800;
	s10 =	simm.s32 $0x0;
	s18 =	simm.s32 $0x3  }
0x140: {  	[tilespmem:s21], [sflag:$0x1] =	stream.linear.gather [hbm4b:s20+s16], $0x1400, $0x38;
	[tilespmem:$0x1F280] =	vst v63  }
.LBB2_20:
0x141: {  	[spmem:s1] =	stream.indirect.scatter.add.f32 [tilespmem:s2], [sflag:$0x2], $0x80, s25, s31, $0xb8;
	[tilespmem:$0x1F280] =	vst v63  }
0x142: {  	p4 =	sgt.u32 s10, $0x1E  }
0x143: {  	s0 =	simm.s32 @!p4 $0x1  }
0x144: {  	_ =	swait.ge @!p4 [sflag:s0], $0x28  }
0x145: {  	[sflag:s0] =	ssyncset.done @!p4 $0x0  }
0x146: {  	[sflag:s0] =	ssyncadd.s32 @!p4 $0xFFFFFFD8  }
0x147: {  	_ =	swait.ge @!p4 [sflag:s0], $0x1400  }
0x148: {  	[sflag:s0] =	ssyncset.done @!p4 $0x0  }
0x149: {  	s11 =	simm.s32 @!p4 $0x2;
	[sflag:s0] =	ssyncadd.s32 @!p4 $0xFFFFEC00  }
0x14a: {  	_ =	swait.ge @!p4 [sflag:s11], $0x1400  }
0x14b: {  	s20 =	sadd.s32 @!p4 $0xFFFFFFF6, s9;
	[sflag:s11] =	ssyncset.done @!p4 $0x0  }
0x14c: {  	s21 =	simm.s32 @!p4 $0x0;
	s12 =	simm.s32 @!p4 $0x5000;
	[sflag:s11] =	ssyncadd.s32 @!p4 $0xFFFFEC00  }
0x14d: {  	[tilespmem:s12], [sflag:$0x1] =	stream.linear.gather @!p4 [hbm4b:s20+s21], $0x28, $0x38;
	[tilespmem:$0x1F280] =	vst v63  }
0x14e: {  	s12 =	sadd.s32 @!p4 s16, s30  }
0x14f: {  	s12 =	sadd.s32 @!p4 $0xA00, s12  }
0x150: {  	[tilespmem:s21], [sflag:$0x1] =	stream.linear.gather @!p4 [hbm4b:s12+s21], $0x1400, $0x38;
	[tilespmem:$0x1F280] =	vst v63  }
0x151: {  	s20 =	simm.s32 @!p4 $0x5080;
	s12 =	simm.s32 @!p4 $0x28;
	s21 =	simm.s32 @!p4 $0x1400  }
0x152: {  	[spmem:s1] =	stream.indirect.scatter.add.f32 @!p4 [tilespmem:s21], [sflag:$0x2], $0x80, s20, s12, $0xb8;
	[tilespmem:$0x1F280] =	vst v63  }
0x153: {  	_ =	swait.ge @!p4 [sflag:s0], $0x28  }
0x154: {  	[sflag:s0] =	ssyncset.done @!p4 $0x0  }
0x155: {  	[sflag:s0] =	ssyncadd.s32 @!p4 $0xFFFFFFD8  }
0x156: {  	_ =	swait.ge @!p4 [sflag:s0], $0x1400  }
0x157: {  	[sflag:s0] =	ssyncset.done @!p4 $0x0  }
0x158: {  	p5 =	seq.s32 @!p4 s16, $0x12C00;
	[sflag:s0] =	ssyncadd.s32 @!p4 $0xFFFFEC00  }
0x159: {  	p5 =	por p5, p4;
	_ =	swait.ge @!p4 [sflag:s11], $0x1400  }
0x15a: {  	s20 =	simm.s32 @!p5 $0x5080;
	[sflag:s11] =	ssyncset.done @!p4 $0x0  }
0x15b: {  	s0 =	sadd.s32 @!p5 $0xFFFFFFFB, s9;
	[sflag:s11] =	ssyncadd.s32 @!p4 $0xFFFFEC00;
	s11 =	simm.s32 @!p5 $0x0  }
0x15c: {  	[tilespmem:s20], [sflag:$0x1] =	stream.linear.gather @!p5 [hbm4b:s0+s11], $0x28, $0x38;
	[tilespmem:$0x1F280] =	vst v63  }
0x15d: {  	s0 =	sadd.s32 @!p5 s16, s30  }
0x15e: {  	s20 =	simm.s32 @!p5 $0x1400;
	s0 =	sadd.s32 @!p5 $0xC80, s0  }
0x15f: {  	[tilespmem:s20], [sflag:$0x1] =	stream.linear.gather @!p5 [hbm4b:s0+s11], $0x1400, $0x38;
	[tilespmem:$0x1F280] =	vst v63  }
0x160: {  	s0 =	simm.s32 @!p4 $0x5100;
	s11 =	simm.s32 @!p4 $0x2800  }
0x161: {  	[spmem:s1] =	stream.indirect.scatter.add.f32 @!p4 [tilespmem:s11], [sflag:$0x2], $0x80, s0, s12, $0xb8;
	[tilespmem:$0x1F280] =	vst v63  }
0x162: {  	s0 =	simm.s32 @p3 $0x1  }
0x163: {  	_ =	swait.ge @p3 [sflag:s0], $0x28  }
0x164: {  	[sflag:s0] =	ssyncset.done @p3 $0x0  }
0x165: {  	[sflag:s0] =	ssyncadd.s32 @p3 $0xFFFFFFD8  }
0x166: {  	_ =	swait.ge @p3 [sflag:s0], $0x1400  }
0x167: {  	[sflag:s0] =	ssyncset.done @p3 $0x0  }
0x168: {  	[sflag:s0] =	ssyncadd.s32 @p3 $0xFFFFEC00;
	s0 =	simm.s32 @p3 $0x2  }
0x169: {  	p4 =	sgt.u32 @p3 s10, $0x1D;
	_ =	swait.ge @p3 [sflag:s0], $0x1400  }
0x16a: {  	p4 =	por p4, !p3;
	[sflag:s0] =	ssyncset.done @p3 $0x0  }
0x16b: {  	s11 =	simm.s32 @!p4 $0x5100;
	[sflag:s0] =	ssyncadd.s32 @p3 $0xFFFFEC00;
	s0 =	simm.s32 @!p4 $0x0  }
0x16c: {  	[tilespmem:s11], [sflag:$0x1] =	stream.linear.gather @!p4 [hbm4b:s9+s0], $0x28, $0x38;
	[tilespmem:$0x1F280] =	vst v63  }
0x16d: {  	s11 =	sadd.s32 @!p4 s16, s30  }
0x16e: {  	s12 =	simm.s32 @!p4 $0x2800;
	s16 =	sadd.s32 $0xA00, s16;
	s11 =	sadd.s32 @!p4 $0xF00, s11  }
0x16f: {  	[tilespmem:s12], [sflag:$0x1] =	stream.linear.gather @!p4 [hbm4b:s11+s0], $0x1400, $0x38;
	[tilespmem:$0x1F280] =	vst v63  }
0x170: {  	s0 =	simm.s32 @p3 $0x28;
	s11 =	simm.s32 @p3 $0x5180;
	s12 =	simm.s32 @p3 $0x3C00  }
0x171: {  	[spmem:s1] =	stream.indirect.scatter.add.f32 @p3 [tilespmem:s12], [sflag:$0x2], $0x80, s11, s0, $0xb8;
	[tilespmem:$0x1F280] =	vst v63  }
0x172: {  	p3 =	sne.s32 s16, $0x14000  }
.Ltmp13:
0x173: {  	_ = 	snop;
	(pc) =	sbr.rel @!p3 .LBB2_21-.Ltmp13, $2  }
0x174: {  	_ =	sdelay $0x2  }
0x175: {  	s18 =	sadd.s32 $0x4, s18;
	s10 =	sadd.s32 $0x1, s10;
	s9 =	sadd.s32 $0x14, s9  }
.LBB2_18:
0x176: {  	_ =	swait.ge [sflag:s3], $0x28  }
0x177: {  	p4 =	seq.s32 s16, $0x0;
	[sflag:s3] =	ssyncset.done $0x0  }
0x178: {  	p3 =	sgt.u32 @!p4 s18, $0x7C;
	[sflag:s3] =	ssyncadd.s32 $0xFFFFFFD8  }
0x179: {  	p5 =	por p4, !p3;
	_ =	swait.ge [sflag:s3], $0x1400  }
.Ltmp14:
0x17a: {  	[sflag:s3] =	ssyncset.done $0x0;
	(pc) =	sbr.rel @!p5 .LBB2_20-.Ltmp14, $4  }
0x17b: {  	s0 =	simm.s32 @!p4 $0x2;
	[sflag:s3] =	ssyncadd.s32 $0xFFFFEC00  }
0x17c: {  	_ =	swait.ge @!p4 [sflag:s0], $0x1400  }
0x17d: {  	[sflag:s0] =	ssyncset.done @!p4 $0x0  }
0x17e: {  	p3 =	por @!p4 $0x0, $0x0;
	[sflag:s0] =	ssyncadd.s32 @!p4 $0xFFFFEC00  }
0x17f: {  	s0 =	smov.u32 s18  }
0x180: {  	s0 =	simm.s32 @p4 $0x3  }
0x181: {  	s0 =	smul.u32 $0x28, s0;
	_ =	sdelay $0x1  }
0x182: {  	s0 =	sadd.s32 s8, s0  }
.Ltmp15:
0x183: {  	s11 =	sshrl.u32 s0, $0x3;
	(pc) =	sbr.rel .LBB2_20-.Ltmp15, $4  }
0x184: {  	s0 =	sshll.u32 s0, $0x4;
	s11 =	sadd.s32 s7, s11  }
0x185: {  	[tilespmem:s23], [sflag:$0x1] =	stream.linear.gather [hbm4b:s11+s2], $0x28, $0x38;
	[tilespmem:$0x1F280] =	vst v63  }
0x186: {  	p3 =	por $0x1, $0x1;
	s0 =	sadd.s32 s19, s0  }
0x187: {  	[tilespmem:s24], [sflag:$0x1] =	stream.linear.gather [hbm4b:s0+s2], $0x1400, $0x38;
	[tilespmem:$0x1F280] =	vst v63  }
.LBB2_8:
0x188: {  	s0 =	simm.s32 $0x2  }
0x189: {  	_ =	swait.ge [sflag:s0], $0x1400  }
0x18a: {  	[sflag:s0] =	ssyncset.done $0x0  }
0x18b: {  	[sflag:s0] =	ssyncadd.s32 $0xFFFFEC00  }
0x18c: {  	s13 =	stileid.u32;
	[bflag:$0x0] =	sbarrier.arrive $0xFFFF  }
0x18d: {  	s14 =	sshrl.u32 s20, $0x3;
	s9 =	sshll.u32 s13, $0x6;
	s18 =	rddreg [dreg:$0xa]  }
0x18e: {  	s17 =	sor.u32 $0x1C03, s9;
	[smem:$0x7F8] =	sst s14  }
0x18f: {  	[hbm:s18], [sflag:s17] =	dma.local [spmem:s14], $0xD00  }
0x190: {  	_ =	swait.ge [sflag:s22], $0xD00  }
0x191: {  	[sflag:s22] =	ssyncset.done $0x0;
	s21 =	rddreg [dreg:$0x5]  }
0x192: {  	s11 =	rddreg [dreg:$0xb];
	[sflag:s22] =	ssyncadd.s32 $0xFFFFF300;
	s13 =	sshrl.u32 s21, $0x3  }
0x193: {  	[hbm:s11], [sflag:s17] =	dma.local [spmem:s13], $0xD00  }
0x194: {  	_ =	swait.ge [sflag:s22], $0xD00  }
0x195: {  	[sflag:s22] =	ssyncset.done $0x0;
	s10 =	rddreg [dreg:$0x6]  }
0x196: {  	s12 =	rddreg [dreg:$0xc];
	[sflag:s22] =	ssyncadd.s32 $0xFFFFF300;
	s14 =	sshrl.u32 s10, $0x3  }
0x197: {  	[hbm:s12], [sflag:s17] =	dma.local [spmem:s14], $0xD00  }
0x198: {  	_ =	swait.ge [sflag:s22], $0xD00  }
0x199: {  	[sflag:s22] =	ssyncset.done $0x0  }
0x19a: {  	s9 =	rddreg [dreg:$0xd];
	[sflag:s22] =	ssyncadd.s32 $0xFFFFF300  }
0x19b: {  	[hbm:s9], [sflag:s17] =	dma.local @!p1 [spmem:s16], $0x100  }
0x19c: {  	s9 =	simm.s32 @!p1 $0x3  }
0x19d: {  	_ =	swait.ge @!p1 [sflag:s9], $0x100  }
0x19e: {  	[sflag:s9] =	ssyncset.done @!p1 $0x0  }
0x19f: {  	s11 =	simm.s32 $0x5200;
	[sflag:s9] =	ssyncadd.s32 @!p1 $0xFFFFFF00  }
0x1a0: {  	[spmem:s20] =	stream.linear.scatter [tilespmem:s11], [sflag:$0x3], $0x6800, $0x38;
	[tilespmem:$0x1F280] =	vst v63  }
0x1a1: {  	_ =	swait.ge [sflag:s22], $0x6800  }
0x1a2: {  	[sflag:s22] =	ssyncset.done $0x0  }
0x1a3: {  	[sflag:s22] =	ssyncadd.s32 $0xFFFF9800  }
0x1a4: {  	[spmem:s21] =	stream.linear.scatter [tilespmem:s11], [sflag:$0x3], $0x6800, $0x38;
	[tilespmem:$0x1F280] =	vst v63  }
0x1a5: {  	_ =	swait.ge [sflag:s22], $0x6800  }
0x1a6: {  	[sflag:s22] =	ssyncset.done $0x0  }
0x1a7: {  	[sflag:s22] =	ssyncadd.s32 $0xFFFF9800  }
0x1a8: {  	[spmem:s10] =	stream.linear.scatter [tilespmem:s11], [sflag:$0x3], $0x6800, $0x38;
	[tilespmem:$0x1F280] =	vst v63  }
0x1a9: {  	_ =	swait.ge [sflag:s22], $0x6800  }
0x1aa: {  	s0 =	sld [smem:$0x7FD]  }
0x1ab: {  	[sflag:s22] =	ssyncset.done $0x0  }
0x1ac: {  	s10 =	simm.s32 @!p1 $0x5200;
	[sflag:s22] =	ssyncadd.s32 $0xFFFF9800  }
0x1ad: {  	[spmem:s0] =	stream.linear.scatter @!p1 [tilespmem:s10], [sflag:$0x3], $0x800, $0x38;
	[tilespmem:$0x1F280] =	vst v63  }
0x1ae: {  	_ =	swait.ge @!p1 [sflag:s9], $0x800  }
0x1af: {  	[sflag:s9] =	ssyncset.done @!p1 $0x0  }
0x1b0: {  	[sflag:s9] =	ssyncadd.s32 @!p1 $0xFFFFF800  }
0x1b1: {  	[bflag:$0x0] =	sbarrier.arrive $0xFFFF  }
0x1b2: {  	s16 =	simm.s32 $0x0;
	s18 =	rddreg [dreg:$0x7]  }
0x1b3: {  	[tilespmem:s25], [sflag:$0x1] =	stream.linear.gather [hbm4b:s18+s16], $0x28, $0x38;
	[tilespmem:$0x1F280] =	vst v63  }
0x1b4: {  	s20 =	rddreg [dreg:$0x8]  }
0x1b5: {  	[tilespmem:s16], [sflag:$0x1] =	stream.linear.gather [hbm4b:s28+s16], $0x1400, $0x38;
	[tilespmem:$0x1F280] =	vst v63  }
0x1b6: {  	s21 =	simm.s32 $0x5080;
	s10 =	rddreg [dreg:$0x15]  }
0x1b7: {  	[tilespmem:s21], [sflag:$0x1] =	stream.linear.gather [hbm4b:s20+s16], $0x28, $0x38;
	[tilespmem:$0x1F280] =	vst v63  }
0x1b8: {  	s11 =	simm.s32 $0x1400;
	s12 =	rddreg [dreg:$0x9]  }
0x1b9: {  	[tilespmem:s11], [sflag:$0x1] =	stream.linear.gather [hbm4b:s10+s16], $0x1400, $0x38;
	[tilespmem:$0x1F280] =	vst v63  }
.Ltmp16:
0x1ba: {  	s9 =	sld [smem:$0x7FC];
	(pc) =	sbr.rel .LBB2_9-.Ltmp16, $4  }
0x1bb: {  	s18 =	simm.s32 $0x5100;
	s20 =	rddreg [dreg:$0x19]  }
0x1bc: {  	[tilespmem:s18], [sflag:$0x1] =	stream.linear.gather [hbm4b:s12+s16], $0x28, $0x38;
	[tilespmem:$0x1F280] =	vst v63  }
0x1bd: {  	s21 =	simm.s32 $0x2800;
	s10 =	simm.s32 $0x0;
	s18 =	simm.s32 $0x3  }
0x1be: {  	[tilespmem:s21], [sflag:$0x1] =	stream.linear.gather [hbm4b:s20+s16], $0x1400, $0x38;
	[tilespmem:$0x1F280] =	vst v63  }
.LBB2_11:
0x1bf: {  	[spmem:s1] =	stream.indirect.scatter.add.f32 [tilespmem:s2], [sflag:$0x2], $0x80, s25, s31, $0xb8;
	[tilespmem:$0x1F280] =	vst v63  }
0x1c0: {  	p4 =	sgt.u32 s10, $0x1E  }
0x1c1: {  	s11 =	simm.s32 @!p4 $0x1  }
0x1c2: {  	_ =	swait.ge @!p4 [sflag:s11], $0x28  }
0x1c3: {  	[sflag:s11] =	ssyncset.done @!p4 $0x0  }
0x1c4: {  	[sflag:s11] =	ssyncadd.s32 @!p4 $0xFFFFFFD8  }
0x1c5: {  	_ =	swait.ge @!p4 [sflag:s11], $0x1400  }
0x1c6: {  	[sflag:s11] =	ssyncset.done @!p4 $0x0  }
0x1c7: {  	s21 =	simm.s32 @!p4 $0x2;
	[sflag:s11] =	ssyncadd.s32 @!p4 $0xFFFFEC00  }
0x1c8: {  	_ =	swait.ge @!p4 [sflag:s21], $0x1400  }
0x1c9: {  	s0 =	sadd.s32 @!p4 $0xFFFFFFF6, s9;
	[sflag:s21] =	ssyncset.done @!p4 $0x0  }
0x1ca: {  	s20 =	simm.s32 @!p4 $0x0;
	s12 =	simm.s32 @!p4 $0x5000;
	[sflag:s21] =	ssyncadd.s32 @!p4 $0xFFFFEC00  }
0x1cb: {  	[tilespmem:s12], [sflag:$0x1] =	stream.linear.gather @!p4 [hbm4b:s0+s20], $0x28, $0x38;
	[tilespmem:$0x1F280] =	vst v63  }
0x1cc: {  	s0 =	sadd.s32 @!p4 s16, s28  }
0x1cd: {  	s0 =	sadd.s32 @!p4 $0xA00, s0  }
0x1ce: {  	[tilespmem:s20], [sflag:$0x1] =	stream.linear.gather @!p4 [hbm4b:s0+s20], $0x1400, $0x38;
	[tilespmem:$0x1F280] =	vst v63  }
0x1cf: {  	s12 =	simm.s32 @!p4 $0x5080;
	s0 =	simm.s32 @!p4 $0x28;
	s20 =	simm.s32 @!p4 $0x1400  }
0x1d0: {  	[spmem:s1] =	stream.indirect.scatter.add.f32 @!p4 [tilespmem:s20], [sflag:$0x2], $0x80, s12, s0, $0xb8;
	[tilespmem:$0x1F280] =	vst v63  }
0x1d1: {  	_ =	swait.ge @!p4 [sflag:s11], $0x28  }
0x1d2: {  	[sflag:s11] =	ssyncset.done @!p4 $0x0  }
0x1d3: {  	[sflag:s11] =	ssyncadd.s32 @!p4 $0xFFFFFFD8  }
0x1d4: {  	_ =	swait.ge @!p4 [sflag:s11], $0x1400  }
0x1d5: {  	[sflag:s11] =	ssyncset.done @!p4 $0x0  }
0x1d6: {  	p5 =	seq.s32 @!p4 s16, $0x12C00;
	[sflag:s11] =	ssyncadd.s32 @!p4 $0xFFFFEC00  }
0x1d7: {  	p5 =	por p5, p4;
	_ =	swait.ge @!p4 [sflag:s21], $0x1400  }
0x1d8: {  	s12 =	simm.s32 @!p5 $0x0;
	[sflag:s21] =	ssyncset.done @!p4 $0x0  }
0x1d9: {  	s20 =	simm.s32 @!p5 $0x5080;
	s11 =	sadd.s32 @!p5 $0xFFFFFFFB, s9;
	[sflag:s21] =	ssyncadd.s32 @!p4 $0xFFFFEC00  }
0x1da: {  	[tilespmem:s20], [sflag:$0x1] =	stream.linear.gather @!p5 [hbm4b:s11+s12], $0x28, $0x38;
	[tilespmem:$0x1F280] =	vst v63  }
0x1db: {  	s11 =	sadd.s32 @!p5 s16, s28  }
0x1dc: {  	s20 =	simm.s32 @!p5 $0x1400;
	s11 =	sadd.s32 @!p5 $0xC80, s11  }
0x1dd: {  	[tilespmem:s20], [sflag:$0x1] =	stream.linear.gather @!p5 [hbm4b:s11+s12], $0x1400, $0x38;
	[tilespmem:$0x1F280] =	vst v63  }
0x1de: {  	s11 =	simm.s32 @!p4 $0x5100;
	s12 =	simm.s32 @!p4 $0x2800  }
0x1df: {  	[spmem:s1] =	stream.indirect.scatter.add.f32 @!p4 [tilespmem:s12], [sflag:$0x2], $0x80, s11, s0, $0xb8;
	[tilespmem:$0x1F280] =	vst v63  }
0x1e0: {  	s0 =	simm.s32 @p3 $0x1  }
0x1e1: {  	_ =	swait.ge @p3 [sflag:s0], $0x28  }
0x1e2: {  	[sflag:s0] =	ssyncset.done @p3 $0x0  }
0x1e3: {  	[sflag:s0] =	ssyncadd.s32 @p3 $0xFFFFFFD8  }
0x1e4: {  	_ =	swait.ge @p3 [sflag:s0], $0x1400  }
0x1e5: {  	[sflag:s0] =	ssyncset.done @p3 $0x0  }
0x1e6: {  	[sflag:s0] =	ssyncadd.s32 @p3 $0xFFFFEC00;
	s0 =	simm.s32 @p3 $0x2  }
0x1e7: {  	p4 =	sgt.u32 @p3 s10, $0x1D;
	_ =	swait.ge @p3 [sflag:s0], $0x1400  }
0x1e8: {  	p4 =	por p4, !p3;
	[sflag:s0] =	ssyncset.done @p3 $0x0  }
0x1e9: {  	s11 =	simm.s32 @!p4 $0x5100;
	[sflag:s0] =	ssyncadd.s32 @p3 $0xFFFFEC00;
	s0 =	simm.s32 @!p4 $0x0  }
0x1ea: {  	[tilespmem:s11], [sflag:$0x1] =	stream.linear.gather @!p4 [hbm4b:s9+s0], $0x28, $0x38;
	[tilespmem:$0x1F280] =	vst v63  }
0x1eb: {  	s11 =	sadd.s32 @!p4 s16, s28  }
0x1ec: {  	s12 =	simm.s32 @!p4 $0x2800;
	s16 =	sadd.s32 $0xA00, s16;
	s11 =	sadd.s32 @!p4 $0xF00, s11  }
0x1ed: {  	[tilespmem:s12], [sflag:$0x1] =	stream.linear.gather @!p4 [hbm4b:s11+s0], $0x1400, $0x38;
	[tilespmem:$0x1F280] =	vst v63  }
0x1ee: {  	s0 =	simm.s32 @p3 $0x28;
	s11 =	simm.s32 @p3 $0x5180;
	s12 =	simm.s32 @p3 $0x3C00  }
0x1ef: {  	[spmem:s1] =	stream.indirect.scatter.add.f32 @p3 [tilespmem:s12], [sflag:$0x2], $0x80, s11, s0, $0xb8;
	[tilespmem:$0x1F280] =	vst v63  }
0x1f0: {  	p3 =	sne.s32 s16, $0x14000  }
.Ltmp17:
0x1f1: {  	_ = 	snop;
	(pc) =	sbr.rel @!p3 .LBB2_12-.Ltmp17, $2  }
0x1f2: {  	_ =	sdelay $0x2  }
0x1f3: {  	s18 =	sadd.s32 $0x4, s18;
	s10 =	sadd.s32 $0x1, s10;
	s9 =	sadd.s32 $0x14, s9  }
.LBB2_9:
0x1f4: {  	_ =	swait.ge [sflag:s3], $0x28  }
0x1f5: {  	p4 =	seq.s32 s16, $0x0;
	[sflag:s3] =	ssyncset.done $0x0  }
0x1f6: {  	p3 =	sgt.u32 @!p4 s18, $0x7C;
	[sflag:s3] =	ssyncadd.s32 $0xFFFFFFD8  }
0x1f7: {  	p5 =	por p4, !p3;
	_ =	swait.ge [sflag:s3], $0x1400  }
.Ltmp18:
0x1f8: {  	[sflag:s3] =	ssyncset.done $0x0;
	(pc) =	sbr.rel @!p5 .LBB2_11-.Ltmp18, $4  }
0x1f9: {  	s11 =	simm.s32 @!p4 $0x2;
	[sflag:s3] =	ssyncadd.s32 $0xFFFFEC00  }
0x1fa: {  	_ =	swait.ge @!p4 [sflag:s11], $0x1400  }
0x1fb: {  	[sflag:s11] =	ssyncset.done @!p4 $0x0  }
0x1fc: {  	p3 =	por @!p4 $0x0, $0x0;
	[sflag:s11] =	ssyncadd.s32 @!p4 $0xFFFFEC00  }
0x1fd: {  	s11 =	smov.u32 s18  }
0x1fe: {  	s11 =	simm.s32 @p4 $0x3  }
0x1ff: {  	s11 =	smul.u32 $0x28, s11;
	_ =	sdelay $0x1  }
0x200: {  	s11 =	sadd.s32 s8, s11  }
.Ltmp19:
0x201: {  	s21 =	sshrl.u32 s11, $0x3;
	(pc) =	sbr.rel .LBB2_11-.Ltmp19, $4  }
0x202: {  	s11 =	sshll.u32 s11, $0x4;
	s21 =	sadd.s32 s7, s21  }
0x203: {  	[tilespmem:s23], [sflag:$0x1] =	stream.linear.gather [hbm4b:s21+s2], $0x28, $0x38;
	[tilespmem:$0x1F280] =	vst v63  }
0x204: {  	p3 =	por $0x1, $0x1;
	s11 =	sadd.s32 s5, s11  }
0x205: {  	[tilespmem:s24], [sflag:$0x1] =	stream.linear.gather [hbm4b:s11+s2], $0x1400, $0x38;
	[tilespmem:$0x1F280] =	vst v63  }
.LBB2_21:
0x206: {  	s0 =	simm.s32 $0x2  }
0x207: {  	_ =	swait.ge [sflag:s0], $0x1400  }
0x208: {  	[sflag:s0] =	ssyncset.done $0x0  }
0x209: {  	[sflag:s0] =	ssyncadd.s32 $0xFFFFEC00  }
0x20a: {  	[bflag:$0x0] =	sbarrier.arrive $0xFFFF  }
0x20b: {  	s9 =	sld [smem:$0x7F7];
	_ =	sdelay $0x1  }
0x20c: {  	s18 =	rddreg [dreg:$0x1d]  }
0x20d: {  	[hbm:s18], [sflag:s17] =	dma.local [spmem:s9], $0xD00  }
0x20e: {  	_ =	swait.ge [sflag:s22], $0xD00  }
0x20f: {  	[sflag:s22] =	ssyncset.done $0x0  }
0x210: {  	s20 =	rddreg [dreg:$0x1f];
	[sflag:s22] =	ssyncadd.s32 $0xFFFFF300  }
0x211: {  	[hbm:s20], [sflag:s17] =	dma.local [spmem:s13], $0xD00  }
0x212: {  	_ =	swait.ge [sflag:s22], $0xD00  }
0x213: {  	s21 =	sld [smem:$0x7FA]  }
0x214: {  	[sflag:s22] =	ssyncset.done $0x0  }
0x215: {  	[sflag:s22] =	ssyncadd.s32 $0xFFFFF300  }
0x216: {  	[hbm:s21], [sflag:s17] =	dma.local [spmem:s14], $0xD00  }
.Ltmp20:
0x217: {  	_ = 	snop;
	(pc) =	sbr.rel @p1 .LBB2_23-.Ltmp20, $4  }
.Ltmp21:
0x218: {  	_ = 	snop;
	(pc) =	sbr.rel @!p1 .LBB2_22-.Ltmp21, $4  }
0x219: {  	_ =	swait.ge [sflag:s22], $0xD00  }
0x21a: {  	[sflag:s22] =	ssyncset.done $0x0;
	s21 =	sld [smem:$0x7FD]  }
0x21b: {  	s9 =	rddreg [dreg:$0x12];
	[sflag:s22] =	ssyncadd.s32 $0xFFFFF300  }
0x21c: {  	_ = 	snop  }
.LBB2_12:
0x21d: {  	s0 =	simm.s32 $0x2  }
0x21e: {  	_ =	swait.ge [sflag:s0], $0x1400  }
0x21f: {  	[sflag:s0] =	ssyncset.done $0x0  }
0x220: {  	[sflag:s0] =	ssyncadd.s32 $0xFFFFEC00  }
0x221: {  	[bflag:$0x0] =	sbarrier.arrive $0xFFFF  }
0x222: {  	s9 =	sld [smem:$0x7F8];
	_ =	sdelay $0x1  }
0x223: {  	s18 =	rddreg [dreg:$0x1c]  }
0x224: {  	[hbm:s18], [sflag:s17] =	dma.local [spmem:s9], $0xD00  }
0x225: {  	_ =	swait.ge [sflag:s22], $0xD00  }
0x226: {  	[sflag:s22] =	ssyncset.done $0x0  }
0x227: {  	s20 =	rddreg [dreg:$0x1e];
	[sflag:s22] =	ssyncadd.s32 $0xFFFFF300  }
0x228: {  	[hbm:s20], [sflag:s17] =	dma.local [spmem:s13], $0xD00  }
0x229: {  	_ =	swait.ge [sflag:s22], $0xD00  }
0x22a: {  	s21 =	sld [smem:$0x7F9]  }
0x22b: {  	[sflag:s22] =	ssyncset.done $0x0  }
0x22c: {  	[sflag:s22] =	ssyncadd.s32 $0xFFFFF300  }
0x22d: {  	[hbm:s21], [sflag:s17] =	dma.local [spmem:s14], $0xD00  }
.Ltmp22:
0x22e: {  	_ = 	snop;
	(pc) =	sbr.rel @p2 .LBB2_22-.Ltmp22, $4  }
.Ltmp23:
0x22f: {  	_ = 	snop;
	(pc) =	sbr.rel @!p2 .LBB2_23-.Ltmp23, $4  }
0x230: {  	_ =	swait.ge [sflag:s22], $0xD00  }
0x231: {  	[sflag:s22] =	ssyncset.done $0x0;
	s21 =	sld [smem:$0x7FD]  }
0x232: {  	s9 =	rddreg [dreg:$0x11];
	[sflag:s22] =	ssyncadd.s32 $0xFFFFF300  }
0x233: {  	_ = 	snop  }
.LBB2_24:
0x234: {  	_ =	sfence.sel $0x180000  }
0x235: {  	[bflag:$0x0] =	sbarrier.arrive $0xFFFF  }
0x236: {  	_ =	strace $0x90000047  }
0x237: {  	s0 =	stileid.u32;
	[bflag:$0x2] =	sbarrier.arrive $0xFFFF  }
0x238: {  	p0 =	sne.s32 s0, $0x0;
	s0 =	rddreg [dreg:$0x3]  }
0x239: {  	s0 =	sadd.s32 @!p0 $0x100000, s0  }
0x23a: {  	[sflag:s0] =	ssyncadd.tile.s32 @!p0 $0x1;
	_ =	shalt  }
.Lfunc_end2:
_tile_overlayer_lowered:
.L_overlay_start_2:
0x23b: {  	(tag) =	ssettag $0x2  }
0x23c: {  	s0 =	rddreg [dreg:$0x0];
	s2 =	stileid.u32  }
0x23d: {  	s1 =	rddreg [dreg:$0x1];
	p0 =	sne.s32 s2, $0x0  }
0x23e: {  	s3 =	rddreg [dreg:$0x2];
	[bflag:$0x3] =	sbarrier.arrive $0xFFFF;
	s2 =	simm.s32 @!p0 $0x1C03  }
0x23f: {  	[timem:s3], [sflag:s2] =	dma.local @!p0 [hbm:s0], s1  }
0x240: {  	s0 =	simm.s32 @!p0 $0x3  }
0x241: {  	_ =	swait.ge @!p0 [sflag:s0], s1  }
0x242: {  	s1 =	ssub.s32 @!p0 $0x0, s1;
	[sflag:s0] =	ssyncset.done @!p0 $0x0  }
0x243: {  	[sflag:s0] =	ssyncadd.s32 @!p0 s1  }
0x244: {  	[bflag:$0x3] =	sbarrier.arrive $0xFFFF  }
0x245: {  	_ =	shalt  }

// kernel: kernel.9.cloned.1.call-start
scs
__scs_entry_jumppad:
0x0: {  	(pc) =	sbr.rel $0x88, $3  }
0x1: {  	(tag) =	ssettag $0x0;
	lr =	simm.s32 $0x1  }
0x2: {  	[smem:$0x3F97] =	sst lr;
	_ =	strace $0xD0000000  }
0x3: {  	_ = 	snop  }
0x4: {  	_ = 	snop  }
0x5: {  	_ = 	snop  }
0x6: {  	_ = 	snop  }
0x7: {  	_ = 	snop  }
__scs_overlays_trampoline_lowered:
0x8: {  	[smem:$0x3FA6] =	sst s0  }
0x9: {  	[smem:$0x3FA7] =	sst s1  }
0xa: {  	[smem:$0x3FA8] =	sst s2  }
0xb: {  	[smem:$0x3FA9] =	sst s3  }
0xc: {  	[smem:$0x3FAA] =	sst s4  }
0xd: {  	[smem:$0x3FAB] =	sst s5  }
0xe: {  	[smem:$0x3FAC] =	sst s6  }
0xf: {  	[smem:$0x3FAD] =	sst s7  }
0x10: {  	[smem:$0x3FAE] =	sst s8  }
0x11: {  	[smem:$0x3FAF] =	sst s9;
	s0 =	simm.s32 @!p0 $0x0  }
0x12: {  	s1 =	sld [smem:$0x3F95];
	s0 =	simm.s32 @p0 $0x1  }
0x13: {  	[smem:$0x3FB0] =	sst s0;
	s0 =	simm.s32 @!p1 $0x0  }
0x14: {  	s2 =	sld [smem:$0x3F94];
	s0 =	simm.s32 @p1 $0x1  }
0x15: {  	[smem:$0x3FB1] =	sst s0;
	s0 =	simm.s32 @!p2 $0x0  }
0x16: {  	s3 =	sld [smem:$0x3FDB];
	s0 =	simm.s32 @p2 $0x1  }
0x17: {  	s4 =	simm.s32 $0x1BF5;
	[smem:$0x3FB3] =	sst s0  }
0x18: {  	s0 =	sld [smem:$0x3F96];
	_ =	swait.ge [sflag:s4], $0x0  }
0x19: {  	s7 =	sld [smem:$0x3F97]  }
0x1a: {  	s8 =	sadd.s32 $0xFFFFE003, lr  }
0x1b: {  	s9 =	sadd.s32 $0xFFFFFEF7, lr;
	s5 =	simm.s32 $0xFFFFFFFF;
	p2 =	slt.u32 s8, $0xFFFFF086  }
0x1c: {  	p1 =	slt.u32 s9, $0xF7A;
	s5 =	simm.s32 @!p2 $0x0  }
0x1d: {  	s5 =	simm.s32 @p1 $0x1;
	p0 =	seq.s32 s7, s2  }
0x1e: {  	s7 =	smul.u32 @!p0 $0xF7A, s2;
	p2 =	seq.s32 @!p0 s5, $0x0  }
0x1f: {  	s9 =	smul.u32 $0xF7A, s1;
	s8 =	simm.s32 @!p0 $0x1BF5;
	p2 =	por !p2, p0  }
0x20: {  	[sflag:s8] =	ssyncset.s32 @!p0 $0xFFFFF086;
	s6 =	sadd.s32 @!p0 s3, s7;
	s7 =	simm.s32 @!p0 $0x108  }
0x21: {  	s3 =	sadd.s32 s3, s9;
	s6 =	sadd.s32 @!p0 $0x88, s6;
	s7 =	simm.s32 @p2 $0x1082  }
0x22: {  	[simem:s7], [sflag:s8] =	dma.local @!p0 [hbm:s6], $0xF7A  }
0x23: {  	s9 =	sor.u32 $0xD0000000, s2;
	s6 =	simm.s32 $0x108;
	_ =	swait.ge @!p0 [sflag:s8], $0x0  }
0x24: {  	s3 =	sadd.s32 $0x88, s3;
	s6 =	simm.s32 @!p1 $0x1082;
	[sflag:s4] =	ssyncset.s32 $0xFFFFF086  }
0x25: {  	[simem:s6], [sflag:s4] =	dma.local [hbm:s3], $0xF7A  }
0x26: {  	[smem:$0x3F97] =	sst s1;
	(tag) =	ssettag s2;
	_ =	strace s9  }
0x27: {  	s1 =	sld [smem:$0x3FA7]  }
0x28: {  	s2 =	sld [smem:$0x3FA8]  }
0x29: {  	s4 =	sld [smem:$0x3FAA]  }
0x2a: {  	p0 =	seq.s32 s5, $0x0;
	s5 =	sld [smem:$0x3FAB]  }
0x2b: {  	s6 =	sld [smem:$0x3FAC]  }
0x2c: {  	s7 =	sld [smem:$0x3FAD]  }
0x2d: {  	s3 =	simm.s32 $0x108;
	s8 =	sld [smem:$0x3FAE]  }
0x2e: {  	s3 =	simm.s32 @!p0 $0x1082;
	s9 =	sld [smem:$0x3FAF]  }
0x2f: {  	lr =	sadd.s32 s0, s3;
	s0 =	sld [smem:$0x3FA6]  }
0x30: {  	s3 =	sld [smem:$0x3FA9]  }
0x31: {  	[smem:$0x3FB2] =	sst s10  }
0x32: {  	s10 =	sld [smem:$0x3FB0];
	_ =	sdelay $0x3  }
0x33: {  	p0 =	seq.s32 s10, $0x1;
	s10 =	sld [smem:$0x3FB2];
	_ =	sdelay $0x3  }
0x34: {  	[smem:$0x3FB2] =	sst s10  }
0x35: {  	s10 =	sld [smem:$0x3FB1];
	_ =	sdelay $0x3  }
0x36: {  	p1 =	seq.s32 s10, $0x1;
	s10 =	sld [smem:$0x3FB2];
	_ =	sdelay $0x3  }
0x37: {  	[smem:$0x3FB2] =	sst s10  }
0x38: {  	s10 =	sld [smem:$0x3FB3]  }
0x39: {  	_ = 	snop;
	(pc) =	sbr.ind lr, $3  }
0x3a: {  	_ = 	snop  }
0x3b: {  	_ = 	snop  }
0x3c: {  	p2 =	seq.s32 s10, $0x1;
	s10 =	sld [smem:$0x3FB2]  }
0x3d: {  	_ =	shalt  }
0x3e: {  	_ =	shalt  }
0x3f: {  	_ =	shalt  }
0x40: {  	_ =	shalt  }
0x41: {  	_ =	shalt  }
0x42: {  	_ =	shalt  }
0x43: {  	_ =	shalt  }
0x44: {  	_ =	shalt  }
0x45: {  	_ =	shalt  }
0x46: {  	_ =	shalt  }
0x47: {  	_ =	shalt  }
0x48: {  	_ =	shalt  }
0x49: {  	_ =	shalt  }
0x4a: {  	_ =	shalt  }
0x4b: {  	_ =	shalt  }
0x4c: {  	_ =	shalt  }
0x4d: {  	_ =	shalt  }
0x4e: {  	_ =	shalt  }
0x4f: {  	_ =	shalt  }
0x50: {  	_ =	shalt  }
0x51: {  	_ =	shalt  }
0x52: {  	_ =	shalt  }
0x53: {  	_ =	shalt  }
0x54: {  	_ =	shalt  }
0x55: {  	_ =	shalt  }
0x56: {  	_ =	shalt  }
0x57: {  	_ =	shalt  }
0x58: {  	_ =	shalt  }
0x59: {  	_ =	shalt  }
0x5a: {  	_ =	shalt  }
0x5b: {  	_ =	shalt  }
0x5c: {  	_ =	shalt  }
0x5d: {  	_ =	shalt  }
0x5e: {  	_ =	shalt  }
0x5f: {  	_ =	shalt  }
0x60: {  	_ =	shalt  }
0x61: {  	_ =	shalt  }
0x62: {  	_ =	shalt  }
0x63: {  	_ =	shalt  }
0x64: {  	_ =	shalt  }
0x65: {  	_ =	shalt  }
0x66: {  	_ =	shalt  }
0x67: {  	_ =	shalt  }
0x68: {  	_ =	shalt  }
0x69: {  	_ =	shalt  }
0x6a: {  	_ =	shalt  }
0x6b: {  	_ =	shalt  }
0x6c: {  	_ =	shalt  }
0x6d: {  	_ =	shalt  }
0x6e: {  	_ =	shalt  }
0x6f: {  	_ =	shalt  }
0x70: {  	_ =	shalt  }
0x71: {  	_ =	shalt  }
0x72: {  	_ =	shalt  }
0x73: {  	_ =	shalt  }
0x74: {  	_ =	shalt  }
0x75: {  	_ =	shalt  }
0x76: {  	_ =	shalt  }
0x77: {  	_ =	shalt  }
0x78: {  	_ =	shalt  }
0x79: {  	_ =	shalt  }
0x7a: {  	_ =	shalt  }
0x7b: {  	_ =	shalt  }
0x7c: {  	_ =	shalt  }
0x7d: {  	_ =	shalt  }
0x7e: {  	_ =	shalt  }
0x7f: {  	_ =	shalt  }
0x80: {  	_ =	shalt  }
0x81: {  	_ =	shalt  }
0x82: {  	_ =	shalt  }
0x83: {  	_ =	shalt  }
0x84: {  	_ =	shalt  }
0x85: {  	_ =	shalt  }
0x86: {  	_ =	shalt  }
0x87: {  	_ =	shalt  }
.Lfunc_end0:
.L_simem_size_0:
called_computation.1_lowered:
.L_overlay_start_0:
0x88: {  	s2 =	sld [smem:$0x3FD9]  }
0x89: {  	s3 =	sld [smem:$0x3FFE];
	_ =	sdelay $0x1  }
0x8a: {  	s1 =	srdreg.scid  }
0x8b: {  	s0 =	sand.u32 $0x1, s1  }
0x8c: {  	s14 =	sshll.u32 s0, $0xA;
	s2 =	sadd.s32 s3, s2  }
0x8d: {  	s2 =	sadd.s32 s2, s14  }
0x8e: {  	[smem:$0x3FBE] =	sst s2  }
0x8f: {  	_ = 	snop  }
0x90: {  	s2 =	sld [smem:$0x3FD0];
	_ =	sdelay $0x2  }
0x91: {  	s15 =	simm.s32 $0xA;
	s4 =	simm.s32 $0x10  }
0x92: {  	[smem:s4], [sflag:s15] =	dma.local [hbm:s2], $0x1  }
0x93: {  	_ =	swait.eq [sflag:s15], $0x1  }
0x94: {  	[sflag:s15] =	ssyncset.done $0x0  }
0x95: {  	s16 =	sld [smem:$0x10];
	[sflag:s15] =	ssyncadd.s32 $0xFFFFFFFF  }
0x96: {  	s17 =	sld [smem:$0x11];
	(tm) =	ssettm $0x1  }
0x97: {  	s18 =	sld [smem:$0x3FFB];
	_ =	sdelay $0x3  }
0x98: {  	_ =	strace s18  }
0x99: {  	s4 =	sld [smem:$0x3FFC];
	_ =	sdelay $0x3  }
0x9a: {  	_ =	strace s4  }
0x9b: {  	s4 =	sld [smem:$0x3FFD];
	_ =	sdelay $0x3  }
0x9c: {  	_ =	strace s4  }
0x9d: {  	_ =	strace $0x8FFFFFFF  }
0x9e: {  	s19 =	sld [smem:$0x3FDB];
	_ =	sdelay $0x1  }
0x9f: {  	s5 =	simm.s32 $_scs_section_size  }
0xa0: {  	s6 =	simm.s32 $_size__tile_overlayer_lowered;
	s7 =	simm.s32 $_tile_overlayer_lowered  }
0xa1: {  	s22 =	simm.s32 $0x1BFF;
	s21 =	sshll.u32 s7, $0x1;
	s4 =	sadd.s32 s5, s19  }
0xa2: {  	s8 =	simm.s32 $0x0;
	s20 =	sshll.u32 s6, $0x1;
	s6 =	sadd.s32 s21, s4  }
0xa3: {  	[timem:s8], [sflag:s22] =	dma.local [hbm:s6], s20  }
0xa4: {  	_ =	swait.ge [sflag:s22], s20  }
0xa5: {  	s5 =	ssub.s32 $0x0, s20;
	[sflag:s22] =	ssyncset.done $0x0  }
0xa6: {  	[sflag:s22] =	ssyncadd.s32 s5;
	_ =	sdelay $0x1  }
0xa7: {  	s23 =	simm.s32 $0x1B8B  }
0xa8: {  	_ =	swait.ge [sflag:s23], $0x1  }
0xa9: {  	[sflag:s23] =	ssyncset.done $0x0  }
0xaa: {  	s25 =	simm.s32 $0x1B8E;
	s24 =	sld [smem:$0x3FFE];
	[sflag:s23] =	ssyncadd.s32 $0xFFFFFFFF  }
0xab: {  	s26 =	simm.s32 $execute0_lowered;
	[smem:$0x3FD2] =	sst s25  }
0xac: {  	s6 =	sshll.u32 s26, $0x1;
	_ =	strace $0x80000049;
	[dreg:$0x1] =	wrdreg $0xFFFFFFFF  }
0xad: {  	s28 =	simm.s32 $_size_execute0_lowered;
	s4 =	sadd.s32 s4, s6;
	[dreg:$0x0] =	wrdreg $0x0  }
0xae: {  	s6 =	sshll.u32 s28, $0x1;
	[dreg:$0x2] =	wrdreg s4  }
0xaf: {  	[dreg:$0x3] =	wrdreg s6  }
0xb0: {  	[dreg:$0x4] =	wrdreg $0xC0  }
0xb1: {  	_ =	task [dreg:s8], $0x5FFFF  }
0xb2: {  	[dreg:$0x1] =	wrdreg $0xFFFFFFFF  }
0xb3: {  	[dreg:$0x0] =	wrdreg $0x60  }
0xb4: {  	[dreg:$0x2] =	wrdreg s24  }
0xb5: {  	[dreg:$0x3] =	wrdreg s16  }
0xb6: {  	[dreg:$0x4] =	wrdreg s17  }
0xb7: {  	[dreg:$0x5] =	wrdreg $0x52000  }
0xb8: {  	[dreg:$0x6] =	wrdreg $0x9  }
0xb9: {  	_ =	task.clear_ibuf [dreg:s8], $0x7FFFF;
	_ =	strace $0x90000049  }
0xba: {  	s29 =	simm.s32 $0x9;
	_ =	strace $0x8000004B  }
0xbb: {  	_ =	swait.ge [sflag:s29], $0x1  }
0xbc: {  	[sflag:s29] =	ssyncadd.s32 $0xFFFFFFFF  }
0xbd: {  	_ =	strace $0x9000004B  }
0xbe: {  	_ =	sfence  }
0xbf: {  	s30 =	sld [smem:$0x0];
	_ =	sdelay $0x2  }
0xc0: {  	s31 =	sshll.u32 s1, $0xD;
	s1 =	sshrl.u32 s1, $0x2  }
0xc1: {  	s3 =	sand.u32 $0x4000, s31;
	s1 =	sadd.s32 s1, s30  }
0xc2: {  	s0 =	sor.u32 s3, s0;
	s1 =	sshll.u32 s1, $0x11  }
0xc3: {  	s0 =	sor.u32 s1, s0  }
0xc4: {  	s0 =	sadd.s32 $0x8F2B, s0  }
0xc5: {  	[sflag:s0] =	ssyncadd.remote.s32 $0x1  }
0xc6: {  	_ =	sfence.sel $0xFFFF  }
0xc7: {  	[dreg:$0x0] =	wrdreg $0xFFFFFFFF;
	(pc) =	sbr.abs _section_cstart, $3  }
0xc8: {  	[dreg:$0x1] =	wrdreg $0xFFFFFFFF  }
0xc9: {  	_ =	task.clear_ibuf [dreg:s8], $0x2FFFF;
	_ =	strace $0x9FFFFFFF  }
0xca: {  	(tm) =	ssettm $0x7FFFFFFF  }
0xcb: {  	_ =	shalt  }
tec
execute0_lowered:
.L_overlay_start_1:
0x0: {  	(tag) =	ssettag $0x1  }
0x1: {  	s3 =	rddreg [dreg:$0x0]  }
0x2: {  	s1 =	rddreg [dreg:$0x1]  }
0x3: {  	s15 =	rddreg [dreg:$0x2];
	s16 =	stileid.u32  }
0x4: {  	s2 =	rddreg [dreg:$0x3];
	s5 =	smul.u32 $0x1388, s16  }
0x5: {  	s4 =	simm.s32 $0x0;
	s0 =	srdreg.scid;
	s8 =	smul.u32 $0x4E000, s16  }
0x6: {  	[smem:$0x7FF] =	sst s4;
	s9 =	sand.u32 $0x1, s0;
	s10 =	smul.u32 $0x270, s16  }
0x7: {  	s6 =	sadd.s32 $0x1800, s3;
	s12 =	sadd.s32 $0x6800, s3;
	s17 =	smul.u32 $0x9C400, s16  }
0x8: {  	_ =	strace $0x8000004A;
	s0 =	ssub.s32 $0x2, s9;
	p0 =	seq.s32 s9, $0x1  }
0x9: {  	s7 =	sshrl.u32 s0, $0x1;
	s11 =	sshrl.u32 s8, $0x2;
	s8 =	smul.u32 $0x2700, s16  }
0xa: {  	s21 =	sadd.s32 $0xD0, s10;
	s13 =	sadd.s32 $0x1A0, s10;
	s20 =	sadd.s32 s11, s2  }
0xb: {  	s23 =	sshll.u32 s21, $0x7;
	[dreg:$0x5] =	wrdreg s20;
	s22 =	sadd.s32 s1, s8  }
0xc: {  	s10 =	sshll.u32 s21, $0x4;
	s24 =	sadd.s32 s23, s2;
	[dreg:$0x6] =	wrdreg s22  }
0xd: {  	s25 =	sshll.u32 s13, $0x7;
	s26 =	sadd.s32 s1, s10;
	[dreg:$0x7] =	wrdreg s24  }
0xe: {  	s11 =	sshll.u32 s13, $0x4;
	s9 =	sadd.s32 s25, s2;
	[dreg:$0x8] =	wrdreg s26  }
0xf: {  	s18 =	sadd.s32 $0x138A8, s5;
	s13 =	sadd.s32 s1, s11;
	[dreg:$0x9] =	wrdreg s9  }
0x10: {  	s19 =	sshrl.u32 s17, $0x3;
	s1 =	sadd.s32 $0x27000, s1;
	[dreg:$0xa] =	wrdreg s13  }
0x11: {  	s0 =	ssub.s32 s0, s7;
	s23 =	sadd.s32 s12, s10;
	[dreg:$0xb] =	wrdreg s1  }
0x12: {  	s7 =	sadd.s32 $0x13880, s5;
	s0 =	smax.u32 s0, $0x1;
	[dreg:$0x10] =	wrdreg s23  }
0x13: {  	s14 =	sshrl.u32 s7, $0x3;
	s22 =	sadd.s32 s12, s8;
	[smem:$0x7F4] =	sst s0  }
0x14: {  	s25 =	sadd.s32 $0x4E8800, s3;
	s24 =	sadd.s32 s12, s11;
	[dreg:$0xf] =	wrdreg s22  }
0x15: {  	s20 =	sshrl.u32 s5, $0x3;
	s17 =	sadd.s32 s25, s8;
	[dreg:$0x11] =	wrdreg s24  }
0x16: {  	s1 =	sshrl.u32 s18, $0x3;
	s18 =	sadd.s32 s25, s10;
	[dreg:$0x12] =	wrdreg s17  }
0x17: {  	s30 =	sadd.s32 s6, s14;
	s14 =	sadd.s32 $0x280, s19;
	[dreg:$0x13] =	wrdreg s18  }
0x18: {  	s26 =	sadd.s32 $0x50FA00, s3;
	s1 =	sadd.s32 s6, s1;
	[dreg:$0xc] =	wrdreg s30  }
0x19: {  	s13 =	sadd.s32 $0x500, s19;
	s19 =	sadd.s32 s26, s8;
	[dreg:$0xd] =	wrdreg s1  }
0x1a: {  	s21 =	sadd.s32 s6, s20;
	s20 =	sadd.s32 s26, s10;
	[dreg:$0x15] =	wrdreg s19  }
0x1b: {  	s17 =	sadd.s32 $0x2DA00, s3;
	[dreg:$0x16] =	wrdreg s20  }
0x1c: {  	s1 =	sadd.s32 $0x271A, s21;
	[dreg:$0x1b] =	wrdreg s17  }
0x1d: {  	s22 =	sadd.s32 $0x54C00, s3;
	s21 =	sadd.s32 s26, s11;
	[dreg:$0xe] =	wrdreg s1  }
0x1e: {  	s23 =	sadd.s32 s22, s8;
	[dreg:$0x17] =	wrdreg s21  }
0x1f: {  	s24 =	sadd.s32 s22, s10;
	[dreg:$0x18] =	wrdreg s23  }
0x20: {  	s19 =	sadd.s32 $0x2D800, s3;
	[dreg:$0x19] =	wrdreg s24  }
0x21: {  	s1 =	sadd.s32 s25, s11;
	[dreg:$0x1c] =	wrdreg s19  }
0x22: {  	s21 =	sadd.s32 $0x50F800, s3;
	[dreg:$0x14] =	wrdreg s1  }
0x23: {  	s28 =	sadd.s32 $0x55DE00, s3;
	s23 =	sadd.s32 $0x7BC00, s3;
	[smem:$0x7E2] =	sst s21  }
0x24: {  	s24 =	sadd.s32 s28, s14;
	[smem:$0x7E4] =	sst s23  }
0x25: {  	s19 =	sadd.s32 s28, s13;
	[smem:$0x7E6] =	sst s24  }
0x26: {  	s25 =	sadd.s32 $0x536C00, s3;
	s1 =	sadd.s32 s22, s11;
	[smem:$0x7EA] =	sst s19  }
0x27: {  	s26 =	sadd.s32 s25, s8;
	[dreg:$0x1a] =	wrdreg s1  }
0x28: {  	s20 =	sadd.s32 s25, s10;
	[dreg:$0x1d] =	wrdreg s26  }
0x29: {  	s12 =	sadd.s32 s25, s11;
	[dreg:$0x1e] =	wrdreg s20  }
0x2a: {  	s29 =	sadd.s32 $0x696600, s3;
	s22 =	sadd.s32 $0x536A00, s3;
	[dreg:$0x1f] =	wrdreg s12  }
0x2b: {  	s9 =	sadd.s32 $0x907600, s3;
	s25 =	sadd.s32 s29, s14;
	[smem:$0x7E3] =	sst s22  }
0x2c: {  	s24 =	sadd.s32 s9, s13;
	[smem:$0x7E7] =	sst s25  }
0x2d: {  	s19 =	sadd.s32 s15, s11;
	s1 =	sadd.s32 $0x7CEE00, s3;
	[smem:$0x7ED] =	sst s24  }
0x2e: {  	s3 =	sadd.s32 $0x55DC00, s3;
	[smem:$0x7F3] =	sst s19  }
0x2f: {  	s18 =	smul.u32 $0x13880, s16;
	s22 =	sadd.s32 s29, s13;
	[smem:$0x7E5] =	sst s3  }
0x30: {  	s25 =	sadd.s32 s17, s8;
	[smem:$0x7EB] =	sst s22  }
0x31: {  	s12 =	sadd.s32 s28, s18;
	[smem:$0x7EE] =	sst s25  }
0x32: {  	s20 =	sadd.s32 s29, s18;
	[smem:$0x7F6] =	sst s12  }
0x33: {  	s26 =	sadd.s32 s1, s14;
	[smem:$0x7F8] =	sst s20  }
0x34: {  	s14 =	sadd.s32 s9, s14;
	[smem:$0x7E8] =	sst s26  }
0x35: {  	s23 =	sadd.s32 s1, s13;
	[smem:$0x7E9] =	sst s14  }
0x36: {  	s22 =	sadd.s32 $0x138000, s2;
	[smem:$0x7EC] =	sst s23  }
0x37: {  	s31 =	simm.s32 $0x1;
	s24 =	sadd.s32 $0xF00, s20;
	[smem:$0x7F5] =	sst s22  }
0x38: {  	p1 =	sne.s32 s16, $0xF;
	s21 =	sadd.s32 s1, s18;
	[smem:$0x7F9] =	sst s24  }
0x39: {  	p2 =	seq.s32 s16, $0xF;
	s18 =	sadd.s32 s9, s18;
	[smem:$0x7FA] =	sst s21  }
0x3a: {  	s0 =	simm.s32 $0x3;
	s26 =	sadd.s32 s15, s8;
	[smem:$0x7FC] =	sst s18  }
0x3b: {  	s13 =	smul.u32 $0x271, s16;
	s8 =	sadd.s32 s17, s10;
	[smem:$0x7EF] =	sst s26  }
0x3c: {  	s3 =	simm.s32 $0x0;
	s14 =	sadd.s32 s15, s10;
	[smem:$0x7F0] =	sst s8  }
.Ltmp0:
0x3d: {  	s17 =	sadd.s32 s17, s11;
	[smem:$0x7F1] =	sst s14;
	(pc) =	sbr.rel .LBB2_1-.Ltmp0, $4  }
0x3e: {  	s23 =	sadd.s32 $0xF00, s12;
	s25 =	sadd.s32 $0xF00, s21;
	[smem:$0x7F2] =	sst s17  }
0x3f: {  	s24 =	simm.s32 $0x5180;
	s19 =	sadd.s32 s13, s6;
	[smem:$0x7F7] =	sst s23  }
0x40: {  	[smem:$0x7FB] =	sst s25;
	s26 =	sadd.s32 $0xF00, s18;
	s13 =	simm.s32 $0x5000  }
0x41: {  	s25 =	simm.s32 $0x3C00;
	[smem:$0x7FD] =	sst s26;
	s26 =	simm.s32 $0x28  }
.LBB2_20:
0x42: {  	s10 =	sld [smem:$0x7F5];
	_ =	sdelay $0x2  }
0x43: {  	s8 =	sadd.s32 $0x27000, s8;
	s10 =	sshrl.u32 s10, $0x3  }
0x44: {  	[hbm:s8], [sflag:s11] =	dma.local [spmem:s10], $0x100  }
0x45: {  	_ =	swait.ge [sflag:s0], $0x100  }
0x46: {  	[sflag:s0] =	ssyncset.done $0x0  }
0x47: {  	[sflag:s0] =	ssyncadd.s32 $0xFFFFFF00  }
.LBB2_21:
0x48: {  	s8 =	sld [smem:$0x7F4];
	_ =	sdelay $0x1  }
0x49: {  	s3 =	sadd.s32 $0x1, s3  }
0x4a: {  	p3 =	sne.s32 s3, s8  }
.Ltmp1:
0x4b: {  	_ = 	snop;
	(pc) =	sbr.rel @!p3 .LBB2_22-.Ltmp1, $1  }
0x4c: {  	_ =	sdelay $0x3  }
.LBB2_1:
.Ltmp2:
0x4d: {  	(pc) =	sbr.rel @!p0 .LBB2_2-.Ltmp2, $4  }
0x4e: {  	s10 =	sld [smem:$0x7F5]  }
0x4f: {  	s8 =	stileid.u32  }
0x50: {  	s23 =	rddreg [dreg:$0x5];
	s12 =	sshll.u32 s8, $0x6  }
0x51: {  	s8 =	sshrl.u32 s23, $0x3;
	s11 =	sor.u32 $0x1C03, s12;
	s10 =	sshrl.u32 @!p1 s10, $0x3  }
0x52: {  	s11 =	sor.u32 $0x1C03, s12;
	s20 =	rddreg [dreg:$0x15]  }
0x53: {  	[spmem:s8], [sflag:s11] =	dma.local [hbm:s20], $0xD00  }
0x54: {  	_ =	swait.ge [sflag:s0], $0xD00  }
0x55: {  	[sflag:s0] =	ssyncset.done $0x0;
	s21 =	rddreg [dreg:$0x7]  }
0x56: {  	s14 =	rddreg [dreg:$0x16];
	[sflag:s0] =	ssyncadd.s32 $0xFFFFF300;
	s12 =	sshrl.u32 s21, $0x3  }
0x57: {  	[spmem:s12], [sflag:s11] =	dma.local [hbm:s14], $0xD00  }
0x58: {  	_ =	swait.ge [sflag:s0], $0xD00  }
0x59: {  	[sflag:s0] =	ssyncset.done $0x0;
	s22 =	rddreg [dreg:$0x9]  }
0x5a: {  	s23 =	rddreg [dreg:$0x17];
	[sflag:s0] =	ssyncadd.s32 $0xFFFFF300;
	s18 =	sshrl.u32 s22, $0x3  }
0x5b: {  	[spmem:s18], [sflag:s11] =	dma.local [hbm:s23], $0xD00  }
0x5c: {  	_ =	swait.ge [sflag:s0], $0xD00  }
0x5d: {  	s14 =	sld [smem:$0x7E3]  }
0x5e: {  	[sflag:s0] =	ssyncset.done $0x0  }
0x5f: {  	[sflag:s0] =	ssyncadd.s32 $0xFFFFF300  }
0x60: {  	[spmem:s10], [sflag:s11] =	dma.local @!p1 [hbm:s14], $0x100  }
0x61: {  	s14 =	simm.s32 @!p1 $0x3  }
0x62: {  	_ =	swait.ge @!p1 [sflag:s14], $0x100  }
0x63: {  	[sflag:s14] =	ssyncset.done @!p1 $0x0  }
0x64: {  	[sflag:s14] =	ssyncadd.s32 @!p1 $0xFFFFFF00  }
0x65: {  	[bflag:$0x0] =	sbarrier.arrive $0xFFFF  }
0x66: {  	s14 =	simm.s32 $0x0;
	s15 =	sld [smem:$0x7FA]  }
0x67: {  	[tilespmem:s13], [sflag:$0x1] =	stream.linear.gather [hbm4b:s30+s14], $0x28, $0x38;
	[tilespmem:$0x18A80] =	vst v63  }
0x68: {  	s30 =	rddreg [dreg:$0xd]  }
0x69: {  	[tilespmem:s14], [sflag:$0x1] =	stream.linear.gather [hbm4b:s15+s14], $0x1400, $0x38;
	[tilespmem:$0x18A80] =	vst v63  }
0x6a: {  	s16 =	simm.s32 $0x5080;
	s17 =	sld [smem:$0x7E8]  }
0x6b: {  	[tilespmem:s16], [sflag:$0x1] =	stream.linear.gather [hbm4b:s30+s14], $0x28, $0x38;
	[tilespmem:$0x18A80] =	vst v63  }
0x6c: {  	s20 =	simm.s32 $0x1400;
	s21 =	rddreg [dreg:$0xe]  }
0x6d: {  	[tilespmem:s20], [sflag:$0x1] =	stream.linear.gather [hbm4b:s17+s14], $0x1400, $0x38;
	[tilespmem:$0x18A80] =	vst v63  }
.Ltmp3:
0x6e: {  	s22 =	simm.s32 $0x5100;
	s23 =	sld [smem:$0x7EC];
	(pc) =	sbr.rel .LBB2_12-.Ltmp3, $4  }
0x6f: {  	[tilespmem:s22], [sflag:$0x1] =	stream.linear.gather [hbm4b:s21+s14], $0x28, $0x38;
	[tilespmem:$0x18A80] =	vst v63  }
0x70: {  	s30 =	simm.s32 $0x2800  }
0x71: {  	[tilespmem:s30], [sflag:$0x1] =	stream.linear.gather [hbm4b:s23+s14], $0x1400, $0x38;
	[tilespmem:$0x18A80] =	vst v63  }
0x72: {  	s21 =	simm.s32 $0x3;
	s22 =	sld [smem:$0x7FB];
	s23 =	simm.s32 $0x0  }
.LBB2_14:
0x73: {  	[spmem:s2] =	stream.indirect.scatter.add.f32 [tilespmem:s4], [sflag:$0x2], $0x80, s13, s26, $0xb8;
	[tilespmem:$0x18A80] =	vst v63  }
0x74: {  	p4 =	sgt.u32 s23, $0x1E  }
0x75: {  	s15 =	simm.s32 @!p4 $0x1  }
0x76: {  	_ =	swait.ge @!p4 [sflag:s15], $0x28  }
0x77: {  	[sflag:s15] =	ssyncset.done @!p4 $0x0  }
0x78: {  	[sflag:s15] =	ssyncadd.s32 @!p4 $0xFFFFFFD8  }
0x79: {  	_ =	swait.ge @!p4 [sflag:s15], $0x1400  }
0x7a: {  	[sflag:s15] =	ssyncset.done @!p4 $0x0  }
0x7b: {  	s16 =	simm.s32 @!p4 $0x2;
	[sflag:s15] =	ssyncadd.s32 @!p4 $0xFFFFEC00  }
0x7c: {  	_ =	swait.ge @!p4 [sflag:s16], $0x1400  }
0x7d: {  	s17 =	sadd.s32 @!p4 s14, s19;
	s20 =	simm.s32 @!p4 $0x0;
	[sflag:s16] =	ssyncset.done @!p4 $0x0  }
0x7e: {  	s30 =	simm.s32 @!p4 $0x5000;
	s17 =	sadd.s32 @!p4 $0x2724, s17;
	[sflag:s16] =	ssyncadd.s32 @!p4 $0xFFFFEC00  }
0x7f: {  	[tilespmem:s30], [sflag:$0x1] =	stream.linear.gather @!p4 [hbm4b:s17+s20], $0x28, $0x38;
	[tilespmem:$0x18A80] =	vst v63  }
0x80: {  	s17 =	sadd.s32 @!p4 $0xFFFFFB00, s22  }
0x81: {  	[tilespmem:s20], [sflag:$0x1] =	stream.linear.gather @!p4 [hbm4b:s17+s20], $0x1400, $0x38;
	[tilespmem:$0x18A80] =	vst v63  }
0x82: {  	s30 =	simm.s32 @!p4 $0x1400;
	s17 =	simm.s32 @!p4 $0x28;
	s20 =	simm.s32 @!p4 $0x5080  }
0x83: {  	[spmem:s2] =	stream.indirect.scatter.add.f32 @!p4 [tilespmem:s30], [sflag:$0x2], $0x80, s20, s17, $0xb8;
	[tilespmem:$0x18A80] =	vst v63  }
0x84: {  	_ =	swait.ge @!p4 [sflag:s15], $0x28  }
0x85: {  	[sflag:s15] =	ssyncset.done @!p4 $0x0  }
0x86: {  	[sflag:s15] =	ssyncadd.s32 @!p4 $0xFFFFFFD8  }
0x87: {  	_ =	swait.ge @!p4 [sflag:s15], $0x1400  }
0x88: {  	[sflag:s15] =	ssyncset.done @!p4 $0x0  }
0x89: {  	p5 =	seq.s32 @!p4 s14, $0x258;
	[sflag:s15] =	ssyncadd.s32 @!p4 $0xFFFFEC00  }
0x8a: {  	p5 =	por p5, p4;
	_ =	swait.ge @!p4 [sflag:s16], $0x1400  }
0x8b: {  	s20 =	simm.s32 @!p5 $0x5080;
	s15 =	sadd.s32 @!p5 s14, s19;
	[sflag:s16] =	ssyncset.done @!p4 $0x0  }
0x8c: {  	s15 =	sadd.s32 @!p5 $0x2729, s15;
	[sflag:s16] =	ssyncadd.s32 @!p4 $0xFFFFEC00;
	s16 =	simm.s32 @!p5 $0x0  }
0x8d: {  	[tilespmem:s20], [sflag:$0x1] =	stream.linear.gather @!p5 [hbm4b:s15+s16], $0x28, $0x38;
	[tilespmem:$0x18A80] =	vst v63  }
0x8e: {  	s15 =	sadd.s32 @!p5 $0xFFFFFD80, s22;
	s20 =	simm.s32 @!p5 $0x1400  }
0x8f: {  	[tilespmem:s20], [sflag:$0x1] =	stream.linear.gather @!p5 [hbm4b:s15+s16], $0x1400, $0x38;
	[tilespmem:$0x18A80] =	vst v63  }
0x90: {  	s15 =	simm.s32 @!p4 $0x5100;
	s16 =	simm.s32 @!p4 $0x2800  }
0x91: {  	[spmem:s2] =	stream.indirect.scatter.add.f32 @!p4 [tilespmem:s16], [sflag:$0x2], $0x80, s15, s17, $0xb8;
	[tilespmem:$0x18A80] =	vst v63  }
0x92: {  	s15 =	simm.s32 @p3 $0x1  }
0x93: {  	_ =	swait.ge @p3 [sflag:s15], $0x28  }
0x94: {  	[sflag:s15] =	ssyncset.done @p3 $0x0  }
0x95: {  	[sflag:s15] =	ssyncadd.s32 @p3 $0xFFFFFFD8  }
0x96: {  	_ =	swait.ge @p3 [sflag:s15], $0x1400  }
0x97: {  	[sflag:s15] =	ssyncset.done @p3 $0x0  }
0x98: {  	[sflag:s15] =	ssyncadd.s32 @p3 $0xFFFFEC00;
	s15 =	simm.s32 @p3 $0x2  }
0x99: {  	p4 =	sgt.u32 @p3 s23, $0x1D;
	_ =	swait.ge @p3 [sflag:s15], $0x1400  }
0x9a: {  	p4 =	por p4, !p3;
	[sflag:s15] =	ssyncset.done @p3 $0x0  }
0x9b: {  	[sflag:s15] =	ssyncadd.s32 @p3 $0xFFFFEC00;
	s15 =	sadd.s32 @!p4 s14, s19  }
0x9c: {  	s16 =	simm.s32 @!p4 $0x0;
	s17 =	simm.s32 @!p4 $0x5100;
	s15 =	sadd.s32 @!p4 $0x272E, s15  }
0x9d: {  	[tilespmem:s17], [sflag:$0x1] =	stream.linear.gather @!p4 [hbm4b:s15+s16], $0x28, $0x38;
	[tilespmem:$0x18A80] =	vst v63  }
0x9e: {  	s14 =	sadd.s32 $0x14, s14;
	s15 =	simm.s32 @!p4 $0x2800  }
0x9f: {  	[tilespmem:s15], [sflag:$0x1] =	stream.linear.gather @!p4 [hbm4b:s22+s16], $0x1400, $0x38;
	[tilespmem:$0x18A80] =	vst v63  }
0xa0: {  	s17 =	simm.s32 @p3 $0x3C00;
	s15 =	simm.s32 @p3 $0x28;
	s16 =	simm.s32 @p3 $0x5180  }
0xa1: {  	[spmem:s2] =	stream.indirect.scatter.add.f32 @p3 [tilespmem:s17], [sflag:$0x2], $0x80, s16, s15, $0xb8;
	[tilespmem:$0x18A80] =	vst v63  }
0xa2: {  	p3 =	sne.s32 s14, $0x280  }
.Ltmp4:
0xa3: {  	_ = 	snop;
	(pc) =	sbr.rel @!p3 .LBB2_15-.Ltmp4, $2  }
0xa4: {  	_ =	sdelay $0x2  }
0xa5: {  	s21 =	sadd.s32 $0x4, s21;
	s23 =	sadd.s32 $0x1, s23;
	s22 =	sadd.s32 $0xA00, s22  }
.LBB2_12:
0xa6: {  	_ =	swait.ge [sflag:s31], $0x28  }
0xa7: {  	p4 =	seq.s32 s14, $0x0;
	[sflag:s31] =	ssyncset.done $0x0  }
0xa8: {  	p3 =	sgt.u32 @!p4 s21, $0x7C;
	[sflag:s31] =	ssyncadd.s32 $0xFFFFFFD8  }
0xa9: {  	p5 =	por p4, !p3;
	_ =	swait.ge [sflag:s31], $0x1400  }
.Ltmp5:
0xaa: {  	[sflag:s31] =	ssyncset.done $0x0;
	(pc) =	sbr.rel @!p5 .LBB2_14-.Ltmp5, $4  }
0xab: {  	s15 =	simm.s32 @!p4 $0x2;
	[sflag:s31] =	ssyncadd.s32 $0xFFFFEC00  }
0xac: {  	_ =	swait.ge @!p4 [sflag:s15], $0x1400  }
0xad: {  	[sflag:s15] =	ssyncset.done @!p4 $0x0  }
0xae: {  	p3 =	por @!p4 $0x0, $0x0;
	[sflag:s15] =	ssyncadd.s32 @!p4 $0xFFFFEC00  }
0xaf: {  	s15 =	smov.u32 s21  }
0xb0: {  	s15 =	simm.s32 @p4 $0x3  }
0xb1: {  	s15 =	smul.u32 $0x28, s15;
	_ =	sdelay $0x1  }
0xb2: {  	s16 =	sadd.s32 s7, s15  }
.Ltmp6:
0xb3: {  	s15 =	sadd.s32 s5, s15;
	s16 =	sshrl.u32 s16, $0x3;
	(pc) =	sbr.rel .LBB2_14-.Ltmp6, $4  }
0xb4: {  	s15 =	sshll.u32 s15, $0x4;
	s16 =	sadd.s32 s6, s16  }
0xb5: {  	[tilespmem:s24], [sflag:$0x1] =	stream.linear.gather [hbm4b:s16+s4], $0x28, $0x38;
	[tilespmem:$0x18A80] =	vst v63  }
0xb6: {  	p3 =	por $0x1, $0x1;
	s15 =	sadd.s32 s1, s15  }
0xb7: {  	[tilespmem:s25], [sflag:$0x1] =	stream.linear.gather [hbm4b:s15+s4], $0x1400, $0x38;
	[tilespmem:$0x18A80] =	vst v63  }
.LBB2_2:
0xb8: {  	s12 =	rddreg [dreg:$0x6]  }
0xb9: {  	[spmem:s8], [sflag:s11] =	dma.local [hbm:s12], $0xD00  }
0xba: {  	_ =	swait.ge [sflag:s0], $0xD00  }
0xbb: {  	[sflag:s0] =	ssyncset.done $0x0;
	s21 =	rddreg [dreg:$0x7]  }
0xbc: {  	s14 =	rddreg [dreg:$0x8];
	[sflag:s0] =	ssyncadd.s32 $0xFFFFF300;
	s12 =	sshrl.u32 s21, $0x3  }
0xbd: {  	[spmem:s12], [sflag:s11] =	dma.local [hbm:s14], $0xD00  }
0xbe: {  	_ =	swait.ge [sflag:s0], $0xD00  }
0xbf: {  	[sflag:s0] =	ssyncset.done $0x0;
	s22 =	rddreg [dreg:$0x9]  }
0xc0: {  	s23 =	rddreg [dreg:$0xa];
	[sflag:s0] =	ssyncadd.s32 $0xFFFFF300;
	s18 =	sshrl.u32 s22, $0x3  }
0xc1: {  	[spmem:s18], [sflag:s11] =	dma.local [hbm:s23], $0xD00  }
0xc2: {  	_ =	swait.ge [sflag:s0], $0xD00  }
0xc3: {  	[sflag:s0] =	ssyncset.done $0x0  }
0xc4: {  	s14 =	rddreg [dreg:$0xb];
	[sflag:s0] =	ssyncadd.s32 $0xFFFFF300  }
0xc5: {  	[spmem:s10], [sflag:s11] =	dma.local @!p1 [hbm:s14], $0x100  }
0xc6: {  	s14 =	simm.s32 @!p1 $0x3  }
0xc7: {  	_ =	swait.ge @!p1 [sflag:s14], $0x100  }
0xc8: {  	[sflag:s14] =	ssyncset.done @!p1 $0x0  }
0xc9: {  	[sflag:s14] =	ssyncadd.s32 @!p1 $0xFFFFFF00  }
0xca: {  	[bflag:$0x0] =	sbarrier.arrive $0xFFFF  }
0xcb: {  	s14 =	simm.s32 $0x0;
	s15 =	sld [smem:$0x7F6]  }
0xcc: {  	[tilespmem:s13], [sflag:$0x1] =	stream.linear.gather [hbm4b:s30+s14], $0x28, $0x38;
	[tilespmem:$0x18A80] =	vst v63  }
0xcd: {  	s30 =	rddreg [dreg:$0xd]  }
0xce: {  	[tilespmem:s14], [sflag:$0x1] =	stream.linear.gather [hbm4b:s15+s14], $0x1400, $0x38;
	[tilespmem:$0x18A80] =	vst v63  }
0xcf: {  	s16 =	simm.s32 $0x5080;
	s17 =	sld [smem:$0x7E6]  }
0xd0: {  	[tilespmem:s16], [sflag:$0x1] =	stream.linear.gather [hbm4b:s30+s14], $0x28, $0x38;
	[tilespmem:$0x18A80] =	vst v63  }
0xd1: {  	s20 =	simm.s32 $0x1400;
	s21 =	rddreg [dreg:$0xe]  }
0xd2: {  	[tilespmem:s20], [sflag:$0x1] =	stream.linear.gather [hbm4b:s17+s14], $0x1400, $0x38;
	[tilespmem:$0x18A80] =	vst v63  }
.Ltmp7:
0xd3: {  	s22 =	simm.s32 $0x5100;
	s23 =	sld [smem:$0x7EA];
	(pc) =	sbr.rel .LBB2_3-.Ltmp7, $4  }
0xd4: {  	[tilespmem:s22], [sflag:$0x1] =	stream.linear.gather [hbm4b:s21+s14], $0x28, $0x38;
	[tilespmem:$0x18A80] =	vst v63  }
0xd5: {  	s30 =	simm.s32 $0x2800  }
0xd6: {  	[tilespmem:s30], [sflag:$0x1] =	stream.linear.gather [hbm4b:s23+s14], $0x1400, $0x38;
	[tilespmem:$0x18A80] =	vst v63  }
0xd7: {  	s21 =	simm.s32 $0x3;
	s22 =	sld [smem:$0x7F7];
	s23 =	simm.s32 $0x0  }
.LBB2_5:
0xd8: {  	[spmem:s2] =	stream.indirect.scatter.add.f32 [tilespmem:s4], [sflag:$0x2], $0x80, s13, s26, $0xb8;
	[tilespmem:$0x18A80] =	vst v63  }
0xd9: {  	p4 =	sgt.u32 s23, $0x1E  }
0xda: {  	s15 =	simm.s32 @!p4 $0x1  }
0xdb: {  	_ =	swait.ge @!p4 [sflag:s15], $0x28  }
0xdc: {  	[sflag:s15] =	ssyncset.done @!p4 $0x0  }
0xdd: {  	[sflag:s15] =	ssyncadd.s32 @!p4 $0xFFFFFFD8  }
0xde: {  	_ =	swait.ge @!p4 [sflag:s15], $0x1400  }
0xdf: {  	[sflag:s15] =	ssyncset.done @!p4 $0x0  }
0xe0: {  	s20 =	simm.s32 @!p4 $0x2;
	[sflag:s15] =	ssyncadd.s32 @!p4 $0xFFFFEC00  }
0xe1: {  	_ =	swait.ge @!p4 [sflag:s20], $0x1400  }
0xe2: {  	s16 =	sadd.s32 @!p4 s14, s19;
	s17 =	simm.s32 @!p4 $0x0;
	[sflag:s20] =	ssyncset.done @!p4 $0x0  }
0xe3: {  	s30 =	simm.s32 @!p4 $0x5000;
	s16 =	sadd.s32 @!p4 $0x2724, s16;
	[sflag:s20] =	ssyncadd.s32 @!p4 $0xFFFFEC00  }
0xe4: {  	[tilespmem:s30], [sflag:$0x1] =	stream.linear.gather @!p4 [hbm4b:s16+s17], $0x28, $0x38;
	[tilespmem:$0x18A80] =	vst v63  }
0xe5: {  	s16 =	sadd.s32 @!p4 $0xFFFFFB00, s22  }
0xe6: {  	[tilespmem:s17], [sflag:$0x1] =	stream.linear.gather @!p4 [hbm4b:s16+s17], $0x1400, $0x38;
	[tilespmem:$0x18A80] =	vst v63  }
0xe7: {  	s30 =	simm.s32 @!p4 $0x1400;
	s16 =	simm.s32 @!p4 $0x28;
	s17 =	simm.s32 @!p4 $0x5080  }
0xe8: {  	[spmem:s2] =	stream.indirect.scatter.add.f32 @!p4 [tilespmem:s30], [sflag:$0x2], $0x80, s17, s16, $0xb8;
	[tilespmem:$0x18A80] =	vst v63  }
0xe9: {  	_ =	swait.ge @!p4 [sflag:s15], $0x28  }
0xea: {  	[sflag:s15] =	ssyncset.done @!p4 $0x0  }
0xeb: {  	[sflag:s15] =	ssyncadd.s32 @!p4 $0xFFFFFFD8  }
0xec: {  	_ =	swait.ge @!p4 [sflag:s15], $0x1400  }
0xed: {  	[sflag:s15] =	ssyncset.done @!p4 $0x0  }
0xee: {  	p5 =	seq.s32 @!p4 s14, $0x258;
	[sflag:s15] =	ssyncadd.s32 @!p4 $0xFFFFEC00  }
0xef: {  	p5 =	por p5, p4;
	_ =	swait.ge @!p4 [sflag:s20], $0x1400  }
0xf0: {  	s17 =	simm.s32 @!p5 $0x0;
	s15 =	sadd.s32 @!p5 s14, s19;
	[sflag:s20] =	ssyncset.done @!p4 $0x0  }
0xf1: {  	s15 =	sadd.s32 @!p5 $0x2729, s15;
	[sflag:s20] =	ssyncadd.s32 @!p4 $0xFFFFEC00;
	s20 =	simm.s32 @!p5 $0x5080  }
0xf2: {  	[tilespmem:s20], [sflag:$0x1] =	stream.linear.gather @!p5 [hbm4b:s15+s17], $0x28, $0x38;
	[tilespmem:$0x18A80] =	vst v63  }
0xf3: {  	s15 =	sadd.s32 @!p5 $0xFFFFFD80, s22;
	s20 =	simm.s32 @!p5 $0x1400  }
0xf4: {  	[tilespmem:s20], [sflag:$0x1] =	stream.linear.gather @!p5 [hbm4b:s15+s17], $0x1400, $0x38;
	[tilespmem:$0x18A80] =	vst v63  }
0xf5: {  	s15 =	simm.s32 @!p4 $0x5100;
	s17 =	simm.s32 @!p4 $0x2800  }
0xf6: {  	[spmem:s2] =	stream.indirect.scatter.add.f32 @!p4 [tilespmem:s17], [sflag:$0x2], $0x80, s15, s16, $0xb8;
	[tilespmem:$0x18A80] =	vst v63  }
0xf7: {  	s15 =	simm.s32 @p3 $0x1  }
0xf8: {  	_ =	swait.ge @p3 [sflag:s15], $0x28  }
0xf9: {  	[sflag:s15] =	ssyncset.done @p3 $0x0  }
0xfa: {  	[sflag:s15] =	ssyncadd.s32 @p3 $0xFFFFFFD8  }
0xfb: {  	_ =	swait.ge @p3 [sflag:s15], $0x1400  }
0xfc: {  	[sflag:s15] =	ssyncset.done @p3 $0x0  }
0xfd: {  	[sflag:s15] =	ssyncadd.s32 @p3 $0xFFFFEC00;
	s15 =	simm.s32 @p3 $0x2  }
0xfe: {  	p4 =	sgt.u32 @p3 s23, $0x1D;
	_ =	swait.ge @p3 [sflag:s15], $0x1400  }
0xff: {  	p4 =	por p4, !p3;
	[sflag:s15] =	ssyncset.done @p3 $0x0  }
0x100: {  	[sflag:s15] =	ssyncadd.s32 @p3 $0xFFFFEC00;
	s15 =	sadd.s32 @!p4 s14, s19  }
0x101: {  	s16 =	simm.s32 @!p4 $0x0;
	s17 =	simm.s32 @!p4 $0x5100;
	s15 =	sadd.s32 @!p4 $0x272E, s15  }
0x102: {  	[tilespmem:s17], [sflag:$0x1] =	stream.linear.gather @!p4 [hbm4b:s15+s16], $0x28, $0x38;
	[tilespmem:$0x18A80] =	vst v63  }
0x103: {  	s14 =	sadd.s32 $0x14, s14;
	s15 =	simm.s32 @!p4 $0x2800  }
0x104: {  	[tilespmem:s15], [sflag:$0x1] =	stream.linear.gather @!p4 [hbm4b:s22+s16], $0x1400, $0x38;
	[tilespmem:$0x18A80] =	vst v63  }
0x105: {  	s17 =	simm.s32 @p3 $0x3C00;
	s15 =	simm.s32 @p3 $0x28;
	s16 =	simm.s32 @p3 $0x5180  }
0x106: {  	[spmem:s2] =	stream.indirect.scatter.add.f32 @p3 [tilespmem:s17], [sflag:$0x2], $0x80, s16, s15, $0xb8;
	[tilespmem:$0x18A80] =	vst v63  }
0x107: {  	p3 =	sne.s32 s14, $0x280  }
.Ltmp8:
0x108: {  	_ = 	snop;
	(pc) =	sbr.rel @!p3 .LBB2_6-.Ltmp8, $2  }
0x109: {  	_ =	sdelay $0x2  }
0x10a: {  	s21 =	sadd.s32 $0x4, s21;
	s23 =	sadd.s32 $0x1, s23;
	s22 =	sadd.s32 $0xA00, s22  }
.LBB2_3:
0x10b: {  	_ =	swait.ge [sflag:s31], $0x28  }
0x10c: {  	p4 =	seq.s32 s14, $0x0;
	[sflag:s31] =	ssyncset.done $0x0  }
0x10d: {  	p3 =	sgt.u32 @!p4 s21, $0x7C;
	[sflag:s31] =	ssyncadd.s32 $0xFFFFFFD8  }
0x10e: {  	p5 =	por p4, !p3;
	_ =	swait.ge [sflag:s31], $0x1400  }
.Ltmp9:
0x10f: {  	[sflag:s31] =	ssyncset.done $0x0;
	(pc) =	sbr.rel @!p5 .LBB2_5-.Ltmp9, $4  }
0x110: {  	s20 =	simm.s32 @!p4 $0x2;
	[sflag:s31] =	ssyncadd.s32 $0xFFFFEC00  }
0x111: {  	_ =	swait.ge @!p4 [sflag:s20], $0x1400  }
0x112: {  	[sflag:s20] =	ssyncset.done @!p4 $0x0  }
0x113: {  	p3 =	por @!p4 $0x0, $0x0;
	[sflag:s20] =	ssyncadd.s32 @!p4 $0xFFFFEC00  }
0x114: {  	s20 =	smov.u32 s21  }
0x115: {  	s20 =	simm.s32 @p4 $0x3  }
0x116: {  	s20 =	smul.u32 $0x28, s20;
	_ =	sdelay $0x1  }
0x117: {  	s15 =	sadd.s32 s7, s20  }
.Ltmp10:
0x118: {  	s20 =	sadd.s32 s5, s20;
	s15 =	sshrl.u32 s15, $0x3;
	(pc) =	sbr.rel .LBB2_5-.Ltmp10, $4  }
0x119: {  	s30 =	sshll.u32 s20, $0x4;
	s15 =	sadd.s32 s6, s15  }
0x11a: {  	[tilespmem:s24], [sflag:$0x1] =	stream.linear.gather [hbm4b:s15+s4], $0x28, $0x38;
	[tilespmem:$0x18A80] =	vst v63  }
0x11b: {  	p3 =	por $0x1, $0x1;
	s15 =	sadd.s32 s28, s30  }
0x11c: {  	[tilespmem:s25], [sflag:$0x1] =	stream.linear.gather [hbm4b:s15+s4], $0x1400, $0x38;
	[tilespmem:$0x18A80] =	vst v63  }
.LBB2_15:
0x11d: {  	s14 =	simm.s32 $0x2  }
0x11e: {  	_ =	swait.ge [sflag:s14], $0x1400  }
0x11f: {  	[sflag:s14] =	ssyncset.done $0x0  }
0x120: {  	[sflag:s14] =	ssyncadd.s32 $0xFFFFEC00  }
0x121: {  	[bflag:$0x0] =	sbarrier.arrive $0xFFFF  }
0x122: {  	s23 =	rddreg [dreg:$0x18]  }
0x123: {  	[hbm:s23], [sflag:s11] =	dma.local [spmem:s8], $0xD00  }
0x124: {  	_ =	swait.ge [sflag:s0], $0xD00  }
0x125: {  	[sflag:s0] =	ssyncset.done $0x0  }
0x126: {  	s15 =	rddreg [dreg:$0x19];
	[sflag:s0] =	ssyncadd.s32 $0xFFFFF300  }
0x127: {  	[hbm:s15], [sflag:s11] =	dma.local [spmem:s12], $0xD00  }
0x128: {  	_ =	swait.ge [sflag:s0], $0xD00  }
0x129: {  	[sflag:s0] =	ssyncset.done $0x0  }
0x12a: {  	s16 =	rddreg [dreg:$0x1a];
	[sflag:s0] =	ssyncadd.s32 $0xFFFFF300  }
0x12b: {  	[hbm:s16], [sflag:s11] =	dma.local [spmem:s18], $0xD00  }
0x12c: {  	_ =	swait.ge [sflag:s0], $0xD00  }
0x12d: {  	s14 =	sld [smem:$0x7E4]  }
0x12e: {  	[sflag:s0] =	ssyncset.done $0x0  }
0x12f: {  	[sflag:s0] =	ssyncadd.s32 $0xFFFFF300  }
0x130: {  	[hbm:s14], [sflag:s11] =	dma.local @!p1 [spmem:s10], $0x100  }
0x131: {  	s14 =	simm.s32 @!p1 $0x3  }
0x132: {  	_ =	swait.ge @!p1 [sflag:s14], $0x100  }
0x133: {  	[sflag:s14] =	ssyncset.done @!p1 $0x0  }
0x134: {  	s15 =	rddreg [dreg:$0x1d];
	[sflag:s14] =	ssyncadd.s32 @!p1 $0xFFFFFF00  }
0x135: {  	[spmem:s8], [sflag:s11] =	dma.local [hbm:s15], $0xD00  }
0x136: {  	_ =	swait.ge [sflag:s0], $0xD00  }
0x137: {  	[sflag:s0] =	ssyncset.done $0x0  }
0x138: {  	s17 =	rddreg [dreg:$0x1e];
	[sflag:s0] =	ssyncadd.s32 $0xFFFFF300  }
0x139: {  	[spmem:s12], [sflag:s11] =	dma.local [hbm:s17], $0xD00  }
0x13a: {  	_ =	swait.ge [sflag:s0], $0xD00  }
0x13b: {  	[sflag:s0] =	ssyncset.done $0x0  }
0x13c: {  	s20 =	rddreg [dreg:$0x1f];
	[sflag:s0] =	ssyncadd.s32 $0xFFFFF300  }
0x13d: {  	[spmem:s18], [sflag:s11] =	dma.local [hbm:s20], $0xD00  }
0x13e: {  	_ =	swait.ge [sflag:s0], $0xD00  }
0x13f: {  	s15 =	sld [smem:$0x7E5]  }
0x140: {  	[sflag:s0] =	ssyncset.done $0x0  }
0x141: {  	[sflag:s0] =	ssyncadd.s32 $0xFFFFF300  }
0x142: {  	[spmem:s10], [sflag:s11] =	dma.local @!p1 [hbm:s15], $0x100  }
0x143: {  	_ =	swait.ge @!p1 [sflag:s14], $0x100  }
0x144: {  	[sflag:s14] =	ssyncset.done @!p1 $0x0  }
0x145: {  	[sflag:s14] =	ssyncadd.s32 @!p1 $0xFFFFFF00  }
0x146: {  	[bflag:$0x0] =	sbarrier.arrive $0xFFFF  }
0x147: {  	s30 =	rddreg [dreg:$0xc]  }
0x148: {  	s10 =	simm.s32 $0x0;
	s21 =	sld [smem:$0x7FC]  }
0x149: {  	[tilespmem:s13], [sflag:$0x1] =	stream.linear.gather [hbm4b:s30+s10], $0x28, $0x38;
	[tilespmem:$0x18A80] =	vst v63  }
0x14a: {  	s22 =	rddreg [dreg:$0xd]  }
0x14b: {  	[tilespmem:s10], [sflag:$0x1] =	stream.linear.gather [hbm4b:s21+s10], $0x1400, $0x38;
	[tilespmem:$0x18A80] =	vst v63  }
0x14c: {  	s23 =	simm.s32 $0x5080;
	s16 =	sld [smem:$0x7E9]  }
0x14d: {  	[tilespmem:s23], [sflag:$0x1] =	stream.linear.gather [hbm4b:s22+s10], $0x28, $0x38;
	[tilespmem:$0x18A80] =	vst v63  }
0x14e: {  	s17 =	simm.s32 $0x1400;
	s20 =	rddreg [dreg:$0xe]  }
0x14f: {  	[tilespmem:s17], [sflag:$0x1] =	stream.linear.gather [hbm4b:s16+s10], $0x1400, $0x38;
	[tilespmem:$0x18A80] =	vst v63  }
.Ltmp11:
0x150: {  	s21 =	simm.s32 $0x5100;
	s22 =	sld [smem:$0x7ED];
	(pc) =	sbr.rel .LBB2_16-.Ltmp11, $4  }
0x151: {  	[tilespmem:s21], [sflag:$0x1] =	stream.linear.gather [hbm4b:s20+s10], $0x28, $0x38;
	[tilespmem:$0x18A80] =	vst v63  }
0x152: {  	s23 =	simm.s32 $0x2800  }
0x153: {  	[tilespmem:s23], [sflag:$0x1] =	stream.linear.gather [hbm4b:s22+s10], $0x1400, $0x38;
	[tilespmem:$0x18A80] =	vst v63  }
0x154: {  	s14 =	simm.s32 $0x3;
	s21 =	sld [smem:$0x7FD];
	s22 =	simm.s32 $0x0  }
.LBB2_18:
0x155: {  	[spmem:s2] =	stream.indirect.scatter.add.f32 [tilespmem:s4], [sflag:$0x2], $0x80, s13, s26, $0xb8;
	[tilespmem:$0x18A80] =	vst v63  }
0x156: {  	p4 =	sgt.u32 s22, $0x1E  }
0x157: {  	s15 =	simm.s32 @!p4 $0x1  }
0x158: {  	_ =	swait.ge @!p4 [sflag:s15], $0x28  }
0x159: {  	[sflag:s15] =	ssyncset.done @!p4 $0x0  }
0x15a: {  	[sflag:s15] =	ssyncadd.s32 @!p4 $0xFFFFFFD8  }
0x15b: {  	_ =	swait.ge @!p4 [sflag:s15], $0x1400  }
0x15c: {  	[sflag:s15] =	ssyncset.done @!p4 $0x0  }
0x15d: {  	s16 =	simm.s32 @!p4 $0x2;
	[sflag:s15] =	ssyncadd.s32 @!p4 $0xFFFFEC00  }
0x15e: {  	_ =	swait.ge @!p4 [sflag:s16], $0x1400  }
0x15f: {  	s17 =	sadd.s32 @!p4 s10, s19;
	s20 =	simm.s32 @!p4 $0x0;
	[sflag:s16] =	ssyncset.done @!p4 $0x0  }
0x160: {  	s23 =	simm.s32 @!p4 $0x5000;
	s17 =	sadd.s32 @!p4 $0x2724, s17;
	[sflag:s16] =	ssyncadd.s32 @!p4 $0xFFFFEC00  }
0x161: {  	[tilespmem:s23], [sflag:$0x1] =	stream.linear.gather @!p4 [hbm4b:s17+s20], $0x28, $0x38;
	[tilespmem:$0x18A80] =	vst v63  }
0x162: {  	s17 =	sadd.s32 @!p4 $0xFFFFFB00, s21  }
0x163: {  	[tilespmem:s20], [sflag:$0x1] =	stream.linear.gather @!p4 [hbm4b:s17+s20], $0x1400, $0x38;
	[tilespmem:$0x18A80] =	vst v63  }
0x164: {  	s23 =	simm.s32 @!p4 $0x1400;
	s17 =	simm.s32 @!p4 $0x28;
	s20 =	simm.s32 @!p4 $0x5080  }
0x165: {  	[spmem:s2] =	stream.indirect.scatter.add.f32 @!p4 [tilespmem:s23], [sflag:$0x2], $0x80, s20, s17, $0xb8;
	[tilespmem:$0x18A80] =	vst v63  }
0x166: {  	_ =	swait.ge @!p4 [sflag:s15], $0x28  }
0x167: {  	[sflag:s15] =	ssyncset.done @!p4 $0x0  }
0x168: {  	[sflag:s15] =	ssyncadd.s32 @!p4 $0xFFFFFFD8  }
0x169: {  	_ =	swait.ge @!p4 [sflag:s15], $0x1400  }
0x16a: {  	[sflag:s15] =	ssyncset.done @!p4 $0x0  }
0x16b: {  	p5 =	seq.s32 @!p4 s10, $0x258;
	[sflag:s15] =	ssyncadd.s32 @!p4 $0xFFFFEC00  }
0x16c: {  	p5 =	por p5, p4;
	_ =	swait.ge @!p4 [sflag:s16], $0x1400  }
0x16d: {  	s20 =	simm.s32 @!p5 $0x5080;
	s15 =	sadd.s32 @!p5 s10, s19;
	[sflag:s16] =	ssyncset.done @!p4 $0x0  }
0x16e: {  	s15 =	sadd.s32 @!p5 $0x2729, s15;
	[sflag:s16] =	ssyncadd.s32 @!p4 $0xFFFFEC00;
	s16 =	simm.s32 @!p5 $0x0  }
0x16f: {  	[tilespmem:s20], [sflag:$0x1] =	stream.linear.gather @!p5 [hbm4b:s15+s16], $0x28, $0x38;
	[tilespmem:$0x18A80] =	vst v63  }
0x170: {  	s15 =	sadd.s32 @!p5 $0xFFFFFD80, s21;
	s20 =	simm.s32 @!p5 $0x1400  }
0x171: {  	[tilespmem:s20], [sflag:$0x1] =	stream.linear.gather @!p5 [hbm4b:s15+s16], $0x1400, $0x38;
	[tilespmem:$0x18A80] =	vst v63  }
0x172: {  	s15 =	simm.s32 @!p4 $0x5100;
	s16 =	simm.s32 @!p4 $0x2800  }
0x173: {  	[spmem:s2] =	stream.indirect.scatter.add.f32 @!p4 [tilespmem:s16], [sflag:$0x2], $0x80, s15, s17, $0xb8;
	[tilespmem:$0x18A80] =	vst v63  }
0x174: {  	s15 =	simm.s32 @p3 $0x1  }
0x175: {  	_ =	swait.ge @p3 [sflag:s15], $0x28  }
0x176: {  	[sflag:s15] =	ssyncset.done @p3 $0x0  }
0x177: {  	[sflag:s15] =	ssyncadd.s32 @p3 $0xFFFFFFD8  }
0x178: {  	_ =	swait.ge @p3 [sflag:s15], $0x1400  }
0x179: {  	[sflag:s15] =	ssyncset.done @p3 $0x0  }
0x17a: {  	[sflag:s15] =	ssyncadd.s32 @p3 $0xFFFFEC00;
	s15 =	simm.s32 @p3 $0x2  }
0x17b: {  	p4 =	sgt.u32 @p3 s22, $0x1D;
	_ =	swait.ge @p3 [sflag:s15], $0x1400  }
0x17c: {  	p4 =	por p4, !p3;
	[sflag:s15] =	ssyncset.done @p3 $0x0  }
0x17d: {  	[sflag:s15] =	ssyncadd.s32 @p3 $0xFFFFEC00;
	s15 =	sadd.s32 @!p4 s10, s19  }
0x17e: {  	s16 =	simm.s32 @!p4 $0x0;
	s17 =	simm.s32 @!p4 $0x5100;
	s15 =	sadd.s32 @!p4 $0x272E, s15  }
0x17f: {  	[tilespmem:s17], [sflag:$0x1] =	stream.linear.gather @!p4 [hbm4b:s15+s16], $0x28, $0x38;
	[tilespmem:$0x18A80] =	vst v63  }
0x180: {  	s10 =	sadd.s32 $0x14, s10;
	s15 =	simm.s32 @!p4 $0x2800  }
0x181: {  	[tilespmem:s15], [sflag:$0x1] =	stream.linear.gather @!p4 [hbm4b:s21+s16], $0x1400, $0x38;
	[tilespmem:$0x18A80] =	vst v63  }
0x182: {  	s17 =	simm.s32 @p3 $0x3C00;
	s15 =	simm.s32 @p3 $0x28;
	s16 =	simm.s32 @p3 $0x5180  }
0x183: {  	[spmem:s2] =	stream.indirect.scatter.add.f32 @p3 [tilespmem:s17], [sflag:$0x2], $0x80, s16, s15, $0xb8;
	[tilespmem:$0x18A80] =	vst v63  }
0x184: {  	p3 =	sne.s32 s10, $0x280  }
.Ltmp12:
0x185: {  	_ = 	snop;
	(pc) =	sbr.rel @!p3 .LBB2_19-.Ltmp12, $2  }
0x186: {  	_ =	sdelay $0x2  }
0x187: {  	s14 =	sadd.s32 $0x4, s14;
	s22 =	sadd.s32 $0x1, s22;
	s21 =	sadd.s32 $0xA00, s21  }
.LBB2_16:
0x188: {  	_ =	swait.ge [sflag:s31], $0x28  }
0x189: {  	p4 =	seq.s32 s10, $0x0;
	[sflag:s31] =	ssyncset.done $0x0  }
0x18a: {  	p3 =	sgt.u32 @!p4 s14, $0x7C;
	[sflag:s31] =	ssyncadd.s32 $0xFFFFFFD8  }
0x18b: {  	p5 =	por p4, !p3;
	_ =	swait.ge [sflag:s31], $0x1400  }
.Ltmp13:
0x18c: {  	[sflag:s31] =	ssyncset.done $0x0;
	(pc) =	sbr.rel @!p5 .LBB2_18-.Ltmp13, $4  }
0x18d: {  	s15 =	simm.s32 @!p4 $0x2;
	[sflag:s31] =	ssyncadd.s32 $0xFFFFEC00  }
0x18e: {  	_ =	swait.ge @!p4 [sflag:s15], $0x1400  }
0x18f: {  	[sflag:s15] =	ssyncset.done @!p4 $0x0  }
0x190: {  	p3 =	por @!p4 $0x0, $0x0;
	[sflag:s15] =	ssyncadd.s32 @!p4 $0xFFFFEC00  }
0x191: {  	s15 =	smov.u32 s14  }
0x192: {  	s15 =	simm.s32 @p4 $0x3  }
0x193: {  	s15 =	smul.u32 $0x28, s15;
	_ =	sdelay $0x1  }
0x194: {  	s16 =	sadd.s32 s7, s15  }
.Ltmp14:
0x195: {  	s15 =	sadd.s32 s5, s15;
	s16 =	sshrl.u32 s16, $0x3;
	(pc) =	sbr.rel .LBB2_18-.Ltmp14, $4  }
0x196: {  	s15 =	sshll.u32 s15, $0x4;
	s16 =	sadd.s32 s6, s16  }
0x197: {  	[tilespmem:s24], [sflag:$0x1] =	stream.linear.gather [hbm4b:s16+s4], $0x28, $0x38;
	[tilespmem:$0x18A80] =	vst v63  }
0x198: {  	p3 =	por $0x1, $0x1;
	s15 =	sadd.s32 s9, s15  }
0x199: {  	[tilespmem:s25], [sflag:$0x1] =	stream.linear.gather [hbm4b:s15+s4], $0x1400, $0x38;
	[tilespmem:$0x18A80] =	vst v63  }
.LBB2_6:
0x19a: {  	s14 =	simm.s32 $0x2  }
0x19b: {  	_ =	swait.ge [sflag:s14], $0x1400  }
0x19c: {  	[sflag:s14] =	ssyncset.done $0x0  }
0x19d: {  	[sflag:s14] =	ssyncadd.s32 $0xFFFFEC00  }
0x19e: {  	[bflag:$0x0] =	sbarrier.arrive $0xFFFF  }
0x19f: {  	s23 =	rddreg [dreg:$0xf]  }
0x1a0: {  	[hbm:s23], [sflag:s11] =	dma.local [spmem:s8], $0xD00  }
0x1a1: {  	_ =	swait.ge [sflag:s0], $0xD00  }
0x1a2: {  	[sflag:s0] =	ssyncset.done $0x0  }
0x1a3: {  	s15 =	rddreg [dreg:$0x10];
	[sflag:s0] =	ssyncadd.s32 $0xFFFFF300  }
0x1a4: {  	[hbm:s15], [sflag:s11] =	dma.local [spmem:s12], $0xD00  }
0x1a5: {  	_ =	swait.ge [sflag:s0], $0xD00  }
0x1a6: {  	[sflag:s0] =	ssyncset.done $0x0  }
0x1a7: {  	s16 =	rddreg [dreg:$0x11];
	[sflag:s0] =	ssyncadd.s32 $0xFFFFF300  }
0x1a8: {  	[hbm:s16], [sflag:s11] =	dma.local [spmem:s18], $0xD00  }
0x1a9: {  	_ =	swait.ge [sflag:s0], $0xD00  }
0x1aa: {  	[sflag:s0] =	ssyncset.done $0x0  }
0x1ab: {  	s14 =	rddreg [dreg:$0x1c];
	[sflag:s0] =	ssyncadd.s32 $0xFFFFF300  }
0x1ac: {  	[hbm:s14], [sflag:s11] =	dma.local @!p1 [spmem:s10], $0x100  }
0x1ad: {  	s14 =	simm.s32 @!p1 $0x3  }
0x1ae: {  	_ =	swait.ge @!p1 [sflag:s14], $0x100  }
0x1af: {  	[sflag:s14] =	ssyncset.done @!p1 $0x0  }
0x1b0: {  	s15 =	rddreg [dreg:$0x12];
	[sflag:s14] =	ssyncadd.s32 @!p1 $0xFFFFFF00  }
0x1b1: {  	[spmem:s8], [sflag:s11] =	dma.local [hbm:s15], $0xD00  }
0x1b2: {  	_ =	swait.ge [sflag:s0], $0xD00  }
0x1b3: {  	[sflag:s0] =	ssyncset.done $0x0  }
0x1b4: {  	s17 =	rddreg [dreg:$0x13];
	[sflag:s0] =	ssyncadd.s32 $0xFFFFF300  }
0x1b5: {  	[spmem:s12], [sflag:s11] =	dma.local [hbm:s17], $0xD00  }
0x1b6: {  	_ =	swait.ge [sflag:s0], $0xD00  }
0x1b7: {  	[sflag:s0] =	ssyncset.done $0x0  }
0x1b8: {  	s20 =	rddreg [dreg:$0x14];
	[sflag:s0] =	ssyncadd.s32 $0xFFFFF300  }
0x1b9: {  	[spmem:s18], [sflag:s11] =	dma.local [hbm:s20], $0xD00  }
0x1ba: {  	_ =	swait.ge [sflag:s0], $0xD00  }
0x1bb: {  	s15 =	sld [smem:$0x7E2]  }
0x1bc: {  	[sflag:s0] =	ssyncset.done $0x0  }
0x1bd: {  	[sflag:s0] =	ssyncadd.s32 $0xFFFFF300  }
0x1be: {  	[spmem:s10], [sflag:s11] =	dma.local @!p1 [hbm:s15], $0x100  }
0x1bf: {  	_ =	swait.ge @!p1 [sflag:s14], $0x100  }
0x1c0: {  	[sflag:s14] =	ssyncset.done @!p1 $0x0  }
0x1c1: {  	[sflag:s14] =	ssyncadd.s32 @!p1 $0xFFFFFF00  }
0x1c2: {  	[bflag:$0x0] =	sbarrier.arrive $0xFFFF  }
0x1c3: {  	s30 =	rddreg [dreg:$0xc]  }
0x1c4: {  	s10 =	simm.s32 $0x0;
	s21 =	sld [smem:$0x7F8]  }
0x1c5: {  	[tilespmem:s13], [sflag:$0x1] =	stream.linear.gather [hbm4b:s30+s10], $0x28, $0x38;
	[tilespmem:$0x18A80] =	vst v63  }
0x1c6: {  	s22 =	rddreg [dreg:$0xd]  }
0x1c7: {  	[tilespmem:s10], [sflag:$0x1] =	stream.linear.gather [hbm4b:s21+s10], $0x1400, $0x38;
	[tilespmem:$0x18A80] =	vst v63  }
0x1c8: {  	s23 =	simm.s32 $0x5080;
	s16 =	sld [smem:$0x7E7]  }
0x1c9: {  	[tilespmem:s23], [sflag:$0x1] =	stream.linear.gather [hbm4b:s22+s10], $0x28, $0x38;
	[tilespmem:$0x18A80] =	vst v63  }
0x1ca: {  	s17 =	simm.s32 $0x1400;
	s20 =	rddreg [dreg:$0xe]  }
0x1cb: {  	[tilespmem:s17], [sflag:$0x1] =	stream.linear.gather [hbm4b:s16+s10], $0x1400, $0x38;
	[tilespmem:$0x18A80] =	vst v63  }
.Ltmp15:
0x1cc: {  	s21 =	simm.s32 $0x5100;
	s22 =	sld [smem:$0x7EB];
	(pc) =	sbr.rel .LBB2_7-.Ltmp15, $4  }
0x1cd: {  	[tilespmem:s21], [sflag:$0x1] =	stream.linear.gather [hbm4b:s20+s10], $0x28, $0x38;
	[tilespmem:$0x18A80] =	vst v63  }
0x1ce: {  	s23 =	simm.s32 $0x2800  }
0x1cf: {  	[tilespmem:s23], [sflag:$0x1] =	stream.linear.gather [hbm4b:s22+s10], $0x1400, $0x38;
	[tilespmem:$0x18A80] =	vst v63  }
0x1d0: {  	s14 =	simm.s32 $0x3;
	s21 =	sld [smem:$0x7F9];
	s22 =	simm.s32 $0x0  }
.LBB2_9:
0x1d1: {  	[spmem:s2] =	stream.indirect.scatter.add.f32 [tilespmem:s4], [sflag:$0x2], $0x80, s13, s26, $0xb8;
	[tilespmem:$0x18A80] =	vst v63  }
0x1d2: {  	p4 =	sgt.u32 s22, $0x1E  }
0x1d3: {  	s15 =	simm.s32 @!p4 $0x1  }
0x1d4: {  	_ =	swait.ge @!p4 [sflag:s15], $0x28  }
0x1d5: {  	[sflag:s15] =	ssyncset.done @!p4 $0x0  }
0x1d6: {  	[sflag:s15] =	ssyncadd.s32 @!p4 $0xFFFFFFD8  }
0x1d7: {  	_ =	swait.ge @!p4 [sflag:s15], $0x1400  }
0x1d8: {  	[sflag:s15] =	ssyncset.done @!p4 $0x0  }
0x1d9: {  	s16 =	simm.s32 @!p4 $0x2;
	[sflag:s15] =	ssyncadd.s32 @!p4 $0xFFFFEC00  }
0x1da: {  	_ =	swait.ge @!p4 [sflag:s16], $0x1400  }
0x1db: {  	s17 =	sadd.s32 @!p4 s10, s19;
	s20 =	simm.s32 @!p4 $0x0;
	[sflag:s16] =	ssyncset.done @!p4 $0x0  }
0x1dc: {  	s23 =	simm.s32 @!p4 $0x5000;
	s17 =	sadd.s32 @!p4 $0x2724, s17;
	[sflag:s16] =	ssyncadd.s32 @!p4 $0xFFFFEC00  }
0x1dd: {  	[tilespmem:s23], [sflag:$0x1] =	stream.linear.gather @!p4 [hbm4b:s17+s20], $0x28, $0x38;
	[tilespmem:$0x18A80] =	vst v63  }
0x1de: {  	s17 =	sadd.s32 @!p4 $0xFFFFFB00, s21  }
0x1df: {  	[tilespmem:s20], [sflag:$0x1] =	stream.linear.gather @!p4 [hbm4b:s17+s20], $0x1400, $0x38;
	[tilespmem:$0x18A80] =	vst v63  }
0x1e0: {  	s23 =	simm.s32 @!p4 $0x1400;
	s17 =	simm.s32 @!p4 $0x28;
	s20 =	simm.s32 @!p4 $0x5080  }
0x1e1: {  	[spmem:s2] =	stream.indirect.scatter.add.f32 @!p4 [tilespmem:s23], [sflag:$0x2], $0x80, s20, s17, $0xb8;
	[tilespmem:$0x18A80] =	vst v63  }
0x1e2: {  	_ =	swait.ge @!p4 [sflag:s15], $0x28  }
0x1e3: {  	[sflag:s15] =	ssyncset.done @!p4 $0x0  }
0x1e4: {  	[sflag:s15] =	ssyncadd.s32 @!p4 $0xFFFFFFD8  }
0x1e5: {  	_ =	swait.ge @!p4 [sflag:s15], $0x1400  }
0x1e6: {  	[sflag:s15] =	ssyncset.done @!p4 $0x0  }
0x1e7: {  	p5 =	seq.s32 @!p4 s10, $0x258;
	[sflag:s15] =	ssyncadd.s32 @!p4 $0xFFFFEC00  }
0x1e8: {  	p5 =	por p5, p4;
	_ =	swait.ge @!p4 [sflag:s16], $0x1400  }
0x1e9: {  	s20 =	simm.s32 @!p5 $0x5080;
	s15 =	sadd.s32 @!p5 s10, s19;
	[sflag:s16] =	ssyncset.done @!p4 $0x0  }
0x1ea: {  	s15 =	sadd.s32 @!p5 $0x2729, s15;
	[sflag:s16] =	ssyncadd.s32 @!p4 $0xFFFFEC00;
	s16 =	simm.s32 @!p5 $0x0  }
0x1eb: {  	[tilespmem:s20], [sflag:$0x1] =	stream.linear.gather @!p5 [hbm4b:s15+s16], $0x28, $0x38;
	[tilespmem:$0x18A80] =	vst v63  }
0x1ec: {  	s15 =	sadd.s32 @!p5 $0xFFFFFD80, s21;
	s20 =	simm.s32 @!p5 $0x1400  }
0x1ed: {  	[tilespmem:s20], [sflag:$0x1] =	stream.linear.gather @!p5 [hbm4b:s15+s16], $0x1400, $0x38;
	[tilespmem:$0x18A80] =	vst v63  }
0x1ee: {  	s15 =	simm.s32 @!p4 $0x5100;
	s16 =	simm.s32 @!p4 $0x2800  }
0x1ef: {  	[spmem:s2] =	stream.indirect.scatter.add.f32 @!p4 [tilespmem:s16], [sflag:$0x2], $0x80, s15, s17, $0xb8;
	[tilespmem:$0x18A80] =	vst v63  }
0x1f0: {  	s15 =	simm.s32 @p3 $0x1  }
0x1f1: {  	_ =	swait.ge @p3 [sflag:s15], $0x28  }
0x1f2: {  	[sflag:s15] =	ssyncset.done @p3 $0x0  }
0x1f3: {  	[sflag:s15] =	ssyncadd.s32 @p3 $0xFFFFFFD8  }
0x1f4: {  	_ =	swait.ge @p3 [sflag:s15], $0x1400  }
0x1f5: {  	[sflag:s15] =	ssyncset.done @p3 $0x0  }
0x1f6: {  	[sflag:s15] =	ssyncadd.s32 @p3 $0xFFFFEC00;
	s15 =	simm.s32 @p3 $0x2  }
0x1f7: {  	p4 =	sgt.u32 @p3 s22, $0x1D;
	_ =	swait.ge @p3 [sflag:s15], $0x1400  }
0x1f8: {  	p4 =	por p4, !p3;
	[sflag:s15] =	ssyncset.done @p3 $0x0  }
0x1f9: {  	[sflag:s15] =	ssyncadd.s32 @p3 $0xFFFFEC00;
	s15 =	sadd.s32 @!p4 s10, s19  }
0x1fa: {  	s16 =	simm.s32 @!p4 $0x0;
	s17 =	simm.s32 @!p4 $0x5100;
	s15 =	sadd.s32 @!p4 $0x272E, s15  }
0x1fb: {  	[tilespmem:s17], [sflag:$0x1] =	stream.linear.gather @!p4 [hbm4b:s15+s16], $0x28, $0x38;
	[tilespmem:$0x18A80] =	vst v63  }
0x1fc: {  	s10 =	sadd.s32 $0x14, s10;
	s15 =	simm.s32 @!p4 $0x2800  }
0x1fd: {  	[tilespmem:s15], [sflag:$0x1] =	stream.linear.gather @!p4 [hbm4b:s21+s16], $0x1400, $0x38;
	[tilespmem:$0x18A80] =	vst v63  }
0x1fe: {  	s17 =	simm.s32 @p3 $0x3C00;
	s15 =	simm.s32 @p3 $0x28;
	s16 =	simm.s32 @p3 $0x5180  }
0x1ff: {  	[spmem:s2] =	stream.indirect.scatter.add.f32 @p3 [tilespmem:s17], [sflag:$0x2], $0x80, s16, s15, $0xb8;
	[tilespmem:$0x18A80] =	vst v63  }
0x200: {  	p3 =	sne.s32 s10, $0x280  }
.Ltmp16:
0x201: {  	_ = 	snop;
	(pc) =	sbr.rel @!p3 .LBB2_10-.Ltmp16, $2  }
0x202: {  	_ =	sdelay $0x2  }
0x203: {  	s14 =	sadd.s32 $0x4, s14;
	s22 =	sadd.s32 $0x1, s22;
	s21 =	sadd.s32 $0xA00, s21  }
.LBB2_7:
0x204: {  	_ =	swait.ge [sflag:s31], $0x28  }
0x205: {  	p4 =	seq.s32 s10, $0x0;
	[sflag:s31] =	ssyncset.done $0x0  }
0x206: {  	p3 =	sgt.u32 @!p4 s14, $0x7C;
	[sflag:s31] =	ssyncadd.s32 $0xFFFFFFD8  }
0x207: {  	p5 =	por p4, !p3;
	_ =	swait.ge [sflag:s31], $0x1400  }
.Ltmp17:
0x208: {  	[sflag:s31] =	ssyncset.done $0x0;
	(pc) =	sbr.rel @!p5 .LBB2_9-.Ltmp17, $4  }
0x209: {  	s15 =	simm.s32 @!p4 $0x2;
	[sflag:s31] =	ssyncadd.s32 $0xFFFFEC00  }
0x20a: {  	_ =	swait.ge @!p4 [sflag:s15], $0x1400  }
0x20b: {  	[sflag:s15] =	ssyncset.done @!p4 $0x0  }
0x20c: {  	p3 =	por @!p4 $0x0, $0x0;
	[sflag:s15] =	ssyncadd.s32 @!p4 $0xFFFFEC00  }
0x20d: {  	s15 =	smov.u32 s14  }
0x20e: {  	s15 =	simm.s32 @p4 $0x3  }
0x20f: {  	s15 =	smul.u32 $0x28, s15;
	_ =	sdelay $0x1  }
0x210: {  	s16 =	sadd.s32 s7, s15  }
.Ltmp18:
0x211: {  	s15 =	sadd.s32 s5, s15;
	s16 =	sshrl.u32 s16, $0x3;
	(pc) =	sbr.rel .LBB2_9-.Ltmp18, $4  }
0x212: {  	s15 =	sshll.u32 s15, $0x4;
	s16 =	sadd.s32 s6, s16  }
0x213: {  	[tilespmem:s24], [sflag:$0x1] =	stream.linear.gather [hbm4b:s16+s4], $0x28, $0x38;
	[tilespmem:$0x18A80] =	vst v63  }
0x214: {  	p3 =	por $0x1, $0x1;
	s15 =	sadd.s32 s29, s15  }
0x215: {  	[tilespmem:s25], [sflag:$0x1] =	stream.linear.gather [hbm4b:s15+s4], $0x1400, $0x38;
	[tilespmem:$0x18A80] =	vst v63  }
.LBB2_19:
0x216: {  	s10 =	simm.s32 $0x2  }
0x217: {  	_ =	swait.ge [sflag:s10], $0x1400  }
0x218: {  	[sflag:s10] =	ssyncset.done $0x0  }
0x219: {  	[sflag:s10] =	ssyncadd.s32 $0xFFFFEC00  }
0x21a: {  	[bflag:$0x0] =	sbarrier.arrive $0xFFFF  }
0x21b: {  	s21 =	sld [smem:$0x7EF];
	_ =	sdelay $0x2  }
0x21c: {  	[hbm:s21], [sflag:s11] =	dma.local [spmem:s8], $0xD00  }
0x21d: {  	_ =	swait.ge [sflag:s0], $0xD00  }
0x21e: {  	s22 =	sld [smem:$0x7F1]  }
0x21f: {  	[sflag:s0] =	ssyncset.done $0x0  }
0x220: {  	[sflag:s0] =	ssyncadd.s32 $0xFFFFF300  }
0x221: {  	[hbm:s22], [sflag:s11] =	dma.local [spmem:s12], $0xD00  }
0x222: {  	_ =	swait.ge [sflag:s0], $0xD00  }
0x223: {  	s23 =	sld [smem:$0x7F3]  }
0x224: {  	[sflag:s0] =	ssyncset.done $0x0  }
0x225: {  	[sflag:s0] =	ssyncadd.s32 $0xFFFFF300  }
0x226: {  	[hbm:s23], [sflag:s11] =	dma.local [spmem:s18], $0xD00  }
.Ltmp19:
0x227: {  	_ = 	snop;
	(pc) =	sbr.rel @p1 .LBB2_21-.Ltmp19, $4  }
.Ltmp20:
0x228: {  	_ =	swait.ge [sflag:s0], $0xD00;
	(pc) =	sbr.rel @!p1 .LBB2_20-.Ltmp20, $4  }
0x229: {  	[sflag:s0] =	ssyncset.done $0x0  }
0x22a: {  	[sflag:s0] =	ssyncadd.s32 $0xFFFFF300  }
0x22b: {  	s8 =	rddreg [dreg:$0x2]  }
0x22c: {  	_ = 	snop  }
.LBB2_10:
0x22d: {  	s10 =	simm.s32 $0x2  }
0x22e: {  	_ =	swait.ge [sflag:s10], $0x1400  }
0x22f: {  	[sflag:s10] =	ssyncset.done $0x0  }
0x230: {  	[sflag:s10] =	ssyncadd.s32 $0xFFFFEC00  }
0x231: {  	[bflag:$0x0] =	sbarrier.arrive $0xFFFF  }
0x232: {  	s21 =	sld [smem:$0x7EE];
	_ =	sdelay $0x2  }
0x233: {  	[hbm:s21], [sflag:s11] =	dma.local [spmem:s8], $0xD00  }
0x234: {  	_ =	swait.ge [sflag:s0], $0xD00  }
0x235: {  	s22 =	sld [smem:$0x7F0]  }
0x236: {  	[sflag:s0] =	ssyncset.done $0x0  }
0x237: {  	[sflag:s0] =	ssyncadd.s32 $0xFFFFF300  }
0x238: {  	[hbm:s22], [sflag:s11] =	dma.local [spmem:s12], $0xD00  }
0x239: {  	_ =	swait.ge [sflag:s0], $0xD00  }
0x23a: {  	s23 =	sld [smem:$0x7F2]  }
0x23b: {  	[sflag:s0] =	ssyncset.done $0x0  }
0x23c: {  	[sflag:s0] =	ssyncadd.s32 $0xFFFFF300  }
0x23d: {  	[hbm:s23], [sflag:s11] =	dma.local [spmem:s18], $0xD00  }
.Ltmp21:
0x23e: {  	_ = 	snop;
	(pc) =	sbr.rel @p2 .LBB2_20-.Ltmp21, $4  }
.Ltmp22:
0x23f: {  	_ = 	snop;
	(pc) =	sbr.rel @!p2 .LBB2_21-.Ltmp22, $4  }
0x240: {  	_ =	swait.ge [sflag:s0], $0xD00  }
0x241: {  	[sflag:s0] =	ssyncset.done $0x0  }
0x242: {  	s8 =	rddreg [dreg:$0x1b];
	[sflag:s0] =	ssyncadd.s32 $0xFFFFF300  }
0x243: {  	_ = 	snop  }
.LBB2_22:
0x244: {  	_ =	sfence.sel $0x180000  }
0x245: {  	[bflag:$0x0] =	sbarrier.arrive $0xFFFF  }
0x246: {  	_ =	strace $0x9000004A  }
0x247: {  	s0 =	stileid.u32;
	[bflag:$0x2] =	sbarrier.arrive $0xFFFF  }
0x248: {  	p0 =	sne.s32 s0, $0x0;
	s0 =	rddreg [dreg:$0x4]  }
0x249: {  	s0 =	sadd.s32 @!p0 $0x100000, s0  }
0x24a: {  	[sflag:s0] =	ssyncadd.tile.s32 @!p0 $0x1;
	_ =	shalt  }
.Lfunc_end2:
_tile_overlayer_lowered:
.L_overlay_start_2:
0x24b: {  	(tag) =	ssettag $0x2  }
0x24c: {  	s0 =	rddreg [dreg:$0x0];
	s2 =	stileid.u32  }
0x24d: {  	s1 =	rddreg [dreg:$0x1];
	p0 =	sne.s32 s2, $0x0  }
0x24e: {  	s3 =	rddreg [dreg:$0x2];
	[bflag:$0x3] =	sbarrier.arrive $0xFFFF;
	s2 =	simm.s32 @!p0 $0x1C03  }
0x24f: {  	[timem:s3], [sflag:s2] =	dma.local @!p0 [hbm:s0], s1  }
0x250: {  	s0 =	simm.s32 @!p0 $0x3  }
0x251: {  	_ =	swait.ge @!p0 [sflag:s0], s1  }
0x252: {  	s1 =	ssub.s32 @!p0 $0x0, s1;
	[sflag:s0] =	ssyncset.done @!p0 $0x0  }
0x253: {  	[sflag:s0] =	ssyncadd.s32 @!p0 s1  }
0x254: {  	[bflag:$0x3] =	sbarrier.arrive $0xFFFF  }
0x255: {  	_ =	shalt  }

</sc_bundles>
